<compile_context>
chip_gen: v7x
topology: tpu7x:2x2x1
jax: 0.10.2.dev20260603
libtpu: 0.0.44.dev20260713+nightly
codegen_flags: <defaults>
</compile_context>

<pallas_src>
import jax
import jax.numpy as jnp
from jax import lax
from jax.experimental import pallas as pl
from jax.experimental.pallas import tpu as pltpu
from jax.experimental.pallas import tpu_sc as plsc

L = 16

B, N, C = 16, 4096, 64
CLUSTER = 1024
NC, NS = 2, 16
B_PER_SC = B // NC
SEGS_SC = B_PER_SC * CLUSTER
TOK_SC = B_PER_SC * N
TOK_TILE = TOK_SC // NS
SUB = 64
NSUB = TOK_TILE // SUB
W = 128
SEGS_TILE = SEGS_SC // NS


def _sc_kernel(x_hbm, idx_hbm, tw_hbm, out_hbm, acc_sh,
               xb0, xb1, xw0, xw1, idxfull, twfull, idxs0, idxs1,
               xsem0, xsem1, ssem0, ssem1):
    c = lax.axis_index("c")
    s = lax.axis_index("s")
    b_local = s // (NS // B_PER_SC)
    boff = b_local * CLUSTER
    tok0 = c * TOK_SC + s * TOK_TILE
    zero16 = jnp.zeros((L,), jnp.float32)

    xb = (xb0, xb1)
    xw = (xw0, xw1)
    idxs = (idxs0, idxs1)
    xsem = (xsem0, xsem1)
    ssem = (ssem0, ssem1)

    def start_load(j, p):
        base = pl.multiple_of(tok0 + j * SUB, SUB)
        pltpu.async_copy(x_hbm.at[pl.ds(base, SUB)], xb[p], xsem[p])

    def wait_load(j, p):
        base = pl.multiple_of(tok0 + j * SUB, SUB)
        pltpu.make_async_copy(x_hbm.at[pl.ds(base, SUB)], xb[p], xsem[p]).wait()

    def wait_scatter(p):
        pltpu.make_async_copy(xw[p], acc_sh.at[idxs[p]], ssem[p]).wait()

    tbase = pl.multiple_of(tok0, SUB)
    meta0 = pltpu.make_async_copy(idx_hbm.at[pl.ds(tbase, TOK_TILE)], idxfull, ssem1)
    meta1 = pltpu.make_async_copy(tw_hbm.at[pl.ds(tbase, TOK_TILE)], twfull, ssem1)
    meta0.start()
    meta1.start()
    start_load(0, 0)
    start_load(1, 1)

    @plsc.parallel_loop(0, SUB * (W // L), unroll=4)
    def zrow(i):
        r = i // (W // L)
        f = i % (W // L)
        xw0[r, pl.ds(f * L, L)] = zero16

    zcopies = [
        pltpu.make_async_copy(
            xw0, acc_sh.at[pl.ds(s * SEGS_TILE + k * SUB, SUB)], ssem0)
        for k in range(SEGS_TILE // SUB)
    ]
    for zc in zcopies:
        zc.start()
    for zc in zcopies:
        zc.wait()
    meta0.wait()
    meta1.wait()

    plsc.subcore_barrier()

    def step(g, _):
        for p in range(2):
            j = 2 * g + p

            @pl.when(g > 0)
            def _():
                wait_scatter(p)
            wait_load(j, p)

            @plsc.parallel_loop(0, SUB // L, unroll=4)
            def body(g16):
                tv = twfull[pl.ds(j * SUB + g16 * L, L)]
                idxs[p][pl.ds(g16 * L, L)] = idxfull[pl.ds(j * SUB + g16 * L, L)] + boff
                for tk in range(L):
                    t = g16 * L + tk
                    wv = jnp.full((L,), tv[tk], jnp.float32)
                    for f in range(C // L):
                        xw[p][t, pl.ds(f * L, L)] = xb[p][t, pl.ds(f * L, L)] * wv
                    xw[p][t, pl.ds(C, L)] = wv

            @pl.when(g < (NSUB // 2) - 1)
            def _():
                start_load(j + 2, p)
            pltpu.async_copy(xw[p], acc_sh.at[idxs[p]], ssem[p], add=True)
        return 0
    lax.fori_loop(0, NSUB // 2, step, 0)
    wait_scatter(0)
    wait_scatter(1)

    plsc.subcore_barrier()

    NH = SEGS_TILE // SUB

    def ep_read(h, p):
        seg0 = s * SEGS_TILE + h * SUB
        return pltpu.make_async_copy(acc_sh.at[pl.ds(seg0, SUB)], xw[p], xsem[p])

    def ep_write(h, p):
        seg0 = pl.multiple_of(c * SEGS_SC + s * SEGS_TILE + h * SUB, SUB)
        return pltpu.make_async_copy(xb[p], out_hbm.at[pl.ds(seg0, SUB)], ssem[p])

    ep_read(0, 0).start()
    ep_read(1, 1).start()
    for h in range(NH):
        p = h & 1
        ep_read(h, p).wait()
        if h >= 2:
            ep_write(h - 2, p).wait()

        @plsc.parallel_loop(0, SUB, unroll=2)
        def nbody(t):
            wrow = xw[p][t, pl.ds(C, L)]
            wv = jnp.full((L,), wrow[0], jnp.float32)
            rv = 1.0 / (wv + 1e-6)
            for f in range(C // L):
                xb[p][t, pl.ds(f * L, L)] = xw[p][t, pl.ds(f * L, L)] * rv

        if h < NH - 2:
            ep_read(h + 2, p).start()
        ep_write(h, p).start()
    ep_write(NH - 2, 0).wait()
    ep_write(NH - 1, 1).wait()


@jax.jit
def _ctm_merge(x2, idx1, tw1):
    mesh = plsc.VectorSubcoreMesh(core_axis_name="c", subcore_axis_name="s")
    run = pl.kernel(
        _sc_kernel,
        out_type=jax.ShapeDtypeStruct((B * CLUSTER, C), jnp.float32),
        mesh=mesh,
        compiler_params=pltpu.CompilerParams(use_tc_tiling_on_sc=True),
        scratch_types=[
            pltpu.VMEM_SHARED((SEGS_SC, W), jnp.float32),
            pltpu.VMEM((SUB, C), jnp.float32),
            pltpu.VMEM((SUB, C), jnp.float32),
            pltpu.VMEM((SUB, W), jnp.float32),
            pltpu.VMEM((SUB, W), jnp.float32),
            pltpu.VMEM((TOK_TILE,), jnp.int32),
            pltpu.VMEM((TOK_TILE,), jnp.float32),
            pltpu.VMEM((SUB,), jnp.int32),
            pltpu.VMEM((SUB,), jnp.int32),
            pltpu.SemaphoreType.DMA,
            pltpu.SemaphoreType.DMA,
            pltpu.SemaphoreType.DMA,
            pltpu.SemaphoreType.DMA,
        ],
    )
    return run(x2, idx1, tw1)


def kernel(x, idx_cluster, token_weight, cluster_num):
    b, n, c = x.shape
    x2 = x.reshape(b * n, c)
    idx1 = idx_cluster.reshape(b * n)
    tw1 = token_weight.reshape(b * n)
    out = _ctm_merge(x2, idx1, tw1)
    return out.reshape(b, CLUSTER, c)

# --- scband reference (transcript-rebuilt; emitter-appended) ---
"""Pipeline reference for scband-ctm-30356828848695 (READ-ONLY COPY).

The authoritative reference and input builder live on the scoring server;
editing this copy changes nothing except your own understanding.
"""

import jax, jax.numpy as jnp
import numpy as np

B, N, C = 16, 4096, 64
CLUSTER_NUM = 1024

def setup_inputs(seed: int = 0) -> dict:
    key = jax.random.key(seed)
    k1, k2, k3 = jax.random.split(key, 3)
    x = jax.random.normal(k1, (B, N, C), dtype=jnp.float32)
    idx_cluster = jax.random.randint(k2, (B, N), 0, CLUSTER_NUM, dtype=jnp.int32)
    token_weight = jax.random.uniform(k3, (B, N, 1), dtype=jnp.float32)
    return {"x": x, "idx_cluster": idx_cluster, "token_weight": token_weight, "cluster_num": CLUSTER_NUM}

def reference(x, idx_cluster, token_weight, cluster_num):
    # Faithful JAX translation of TCFormer CTM merge_tokens (the segment-reduce core):
    # weighted scatter-add of token features into cluster buckets with weight
    # normalization, matching torch index_add_ semantics.
    b, n, c = x.shape
    idx_batch = jnp.arange(b, dtype=idx_cluster.dtype)[:, None]
    idx = (idx_cluster + idx_batch * cluster_num).reshape(b * n)
    num_segments = b * CLUSTER_NUM
    tw = token_weight.reshape(b * n, 1)
    # all_weight[s] = sum of token weights assigned to segment s (+eps)
    all_weight = jax.ops.segment_sum(tw, idx, num_segments=num_segments) + 1e-6
    # normalize each token's weight by its segment total
    norm_weight = tw / all_weight[idx]
    # weighted feature scatter-add per cluster
    source = x.reshape(b * n, c) * norm_weight
    x_merged = jax.ops.segment_sum(source, idx, num_segments=num_segments)
    x_merged = x_merged.reshape(b, CLUSTER_NUM, c)
    return x_merged

if __name__ == "__main__":
    import jax
    _d = setup_inputs()
    print(jax.jit(kernel)(*tuple(_d.values())))

</pallas_src>

<mosaic_0001>
#map = affine_map<(d0, d1) -> (0, 0)>
#map1 = affine_map<(d0, d1) -> (0)>
module attributes {stable_mosaic.version = 14 : i64} {
  func.func @_sc_kernel(%arg0: i32, %arg1: i32, %arg2: memref<65536x64xf32, #tpu.memory_space<hbm>>, %arg3: memref<65536xi32, #tpu.memory_space<hbm>>, %arg4: memref<65536xf32, #tpu.memory_space<hbm>>, %arg5: memref<16384x64xf32, #tpu.memory_space<hbm>>, %arg6: memref<8192x128xf32, #tpu.memory_space<vmem_shared>>, %arg7: memref<64x64xf32, #tpu.memory_space<vmem>>, %arg8: memref<64x64xf32, #tpu.memory_space<vmem>>, %arg9: memref<64x128xf32, #tpu.memory_space<vmem>>, %arg10: memref<64x128xf32, #tpu.memory_space<vmem>>, %arg11: memref<2048xi32, #tpu.memory_space<vmem>>, %arg12: memref<2048xf32, #tpu.memory_space<vmem>>, %arg13: memref<64xi32, #tpu.memory_space<vmem>>, %arg14: memref<64xi32, #tpu.memory_space<vmem>>, %arg15: memref<!tpu.dma_semaphore, #tpu.memory_space<semaphore_mem>>, %arg16: memref<!tpu.dma_semaphore, #tpu.memory_space<semaphore_mem>>, %arg17: memref<!tpu.dma_semaphore, #tpu.memory_space<semaphore_mem>>, %arg18: memref<!tpu.dma_semaphore, #tpu.memory_space<semaphore_mem>>) attributes {dimension_semantics = [#tpu.dimension_semantics<core_parallel>, #tpu.dimension_semantics<subcore_parallel>], iteration_bounds = array<i64: 2, 16>, scalar_prefetch = 0 : i64, scratch_operands = 13 : i64, tpu.core_type = #tpu.core_type<sc_vector_subcore>, window_params = [{transform_indices = #map}, {transform_indices = #map1}, {transform_indices = #map1}, {transform_indices = #map}]} {
    %jit3A = arith.constant 2 : i32
    %div3A = arith.divsi %arg1, %jit3A : i32
    %sign3A = arith.constant 0 : i32
    %sign3A_0 = arith.cmpi sgt, %arg1, %sign3A : i32
    %sign3A_1 = arith.extui %sign3A_0 : i1 to i32
    %sign3A_2 = arith.constant 0 : i32
    %sign3A_3 = arith.cmpi slt, %arg1, %sign3A_2 : i32
    %sign3A_4 = arith.extui %sign3A_3 : i1 to i32
    %sign3A_5 = arith.subi %sign3A_1, %sign3A_4 : i32
    %sign3A_6 = arith.constant 0 : i32
    %sign3A_7 = arith.cmpi sgt, %jit3A, %sign3A_6 : i32
    %sign3A_8 = arith.extui %sign3A_7 : i1 to i32
    %sign3A_9 = arith.constant 0 : i32
    %sign3A_10 = arith.cmpi slt, %jit3A, %sign3A_9 : i32
    %sign3A_11 = arith.extui %sign3A_10 : i1 to i32
    %sign3A_12 = arith.subi %sign3A_8, %sign3A_11 : i32
    %ne3A = arith.cmpi ne, %sign3A_5, %sign3A_12 : i32
    %rem3A = arith.remsi %arg1, %jit3A : i32
    %ne3A_13 = arith.constant 0 : i32
    %ne3A_14 = arith.cmpi ne, %rem3A, %ne3A_13 : i32
    %and3A = arith.andi %ne3A, %ne3A_14 : i1
    %sub3A = arith.constant 1 : i32
    %sub3A_15 = arith.subi %div3A, %sub3A : i32
    %select_n3A = arith.select %and3A, %sub3A_15, %div3A : i32
    %mul3A = arith.constant 1024 : i32
    %mul3A_16 = arith.muli %select_n3A, %mul3A : i32
    %mul3A_17 = arith.constant 32768 : i32
    %mul3A_18 = arith.muli %arg0, %mul3A_17 : i32
    %mul3A_19 = arith.constant 2048 : i32
    %mul3A_20 = arith.muli %arg1, %mul3A_19 : i32
    %add3A = arith.addi %mul3A_18, %mul3A_20 : i32
    %broadcast_in_dim3A = arith.constant 0.000000e+00 : f32
    %broadcast_in_dim3A_21 = vector.broadcast %broadcast_in_dim3A : f32 to vector<16xf32>
    %multiple_of3A = tpu.assume_multiple %add3A, 64 : i32
    %dma_start3A = tpu.memref_slice %arg3[%multiple_of3A] : memref<65536xi32, #tpu.memory_space<hbm>> -> memref<2048xi32, #tpu.memory_space<hbm>>
    %dma_start3A_22 = tpu.memref_slice %arg3[%multiple_of3A] : memref<65536xi32, #tpu.memory_space<hbm>> -> memref<2048xi32, #tpu.memory_space<hbm>>
    tpu.enqueue_dma source(%dma_start3A_22 : memref<2048xi32, #tpu.memory_space<hbm>>) target(%arg11 : memref<2048xi32, #tpu.memory_space<vmem>>) target_semaphore(%arg18 : memref<!tpu.dma_semaphore, #tpu.memory_space<semaphore_mem>>)
    %dma_start3A_23 = tpu.memref_slice %arg4[%multiple_of3A] : memref<65536xf32, #tpu.memory_space<hbm>> -> memref<2048xf32, #tpu.memory_space<hbm>>
    %dma_start3A_24 = tpu.memref_slice %arg4[%multiple_of3A] : memref<65536xf32, #tpu.memory_space<hbm>> -> memref<2048xf32, #tpu.memory_space<hbm>>
    tpu.enqueue_dma source(%dma_start3A_24 : memref<2048xf32, #tpu.memory_space<hbm>>) target(%arg12 : memref<2048xf32, #tpu.memory_space<vmem>>) target_semaphore(%arg18 : memref<!tpu.dma_semaphore, #tpu.memory_space<semaphore_mem>>)
    %add3A_25 = arith.constant 0 : i32
    %add3A_26 = arith.addi %add3A, %add3A_25 : i32
    %multiple_of3A_27 = tpu.assume_multiple %add3A_26, 64 : i32
    %dma_start3A_28 = arith.constant 0 : i32
    %dma_start3A_29 = tpu.memref_slice %arg2[%multiple_of3A_27, %dma_start3A_28] : memref<65536x64xf32, #tpu.memory_space<hbm>> -> memref<64x64xf32, #tpu.memory_space<hbm>>
    %dma_start3A_30 = arith.constant 0 : i32
    %dma_start3A_31 = tpu.memref_slice %arg2[%multiple_of3A_27, %dma_start3A_30] : memref<65536x64xf32, #tpu.memory_space<hbm>> -> memref<64x64xf32, #tpu.memory_space<hbm>>
    tpu.enqueue_dma source(%dma_start3A_31 : memref<64x64xf32, #tpu.memory_space<hbm>>) target(%arg7 : memref<64x64xf32, #tpu.memory_space<vmem>>) target_semaphore(%arg15 : memref<!tpu.dma_semaphore, #tpu.memory_space<semaphore_mem>>)
    %add3A_32 = arith.constant 64 : i32
    %add3A_33 = arith.addi %add3A, %add3A_32 : i32
    %multiple_of3A_34 = tpu.assume_multiple %add3A_33, 64 : i32
    %dma_start3A_35 = arith.constant 0 : i32
    %dma_start3A_36 = tpu.memref_slice %arg2[%multiple_of3A_34, %dma_start3A_35] : memref<65536x64xf32, #tpu.memory_space<hbm>> -> memref<64x64xf32, #tpu.memory_space<hbm>>
    %dma_start3A_37 = arith.constant 0 : i32
    %dma_start3A_38 = tpu.memref_slice %arg2[%multiple_of3A_34, %dma_start3A_37] : memref<65536x64xf32, #tpu.memory_space<hbm>> -> memref<64x64xf32, #tpu.memory_space<hbm>>
    tpu.enqueue_dma source(%dma_start3A_38 : memref<64x64xf32, #tpu.memory_space<hbm>>) target(%arg8 : memref<64x64xf32, #tpu.memory_space<vmem>>) target_semaphore(%arg16 : memref<!tpu.dma_semaphore, #tpu.memory_space<semaphore_mem>>)
    %parallel_loop3A = arith.constant 0 : i32
    %parallel_loop3A_39 = arith.constant 512 : i32
    %parallel_loop3A_40 = arith.constant 1 : i32
    scf.for %parallel_loop3A_497 = %parallel_loop3A to %parallel_loop3A_39 step %parallel_loop3A_40  : i32 {
      %parallel_loop3A_498 = arith.constant 8 : i32
      %parallel_loop3A_499 = arith.divsi %parallel_loop3A_497, %parallel_loop3A_498 : i32
      %parallel_loop3A_500 = arith.constant 0 : i32
      %parallel_loop3A_501 = arith.cmpi sgt, %parallel_loop3A_497, %parallel_loop3A_500 : i32
      %parallel_loop3A_502 = arith.extui %parallel_loop3A_501 : i1 to i32
      %parallel_loop3A_503 = arith.constant 0 : i32
      %parallel_loop3A_504 = arith.cmpi slt, %parallel_loop3A_497, %parallel_loop3A_503 : i32
      %parallel_loop3A_505 = arith.extui %parallel_loop3A_504 : i1 to i32
      %parallel_loop3A_506 = arith.subi %parallel_loop3A_502, %parallel_loop3A_505 : i32
      %parallel_loop3A_507 = arith.constant 0 : i32
      %parallel_loop3A_508 = arith.cmpi sgt, %parallel_loop3A_498, %parallel_loop3A_507 : i32
      %parallel_loop3A_509 = arith.extui %parallel_loop3A_508 : i1 to i32
      %parallel_loop3A_510 = arith.constant 0 : i32
      %parallel_loop3A_511 = arith.cmpi slt, %parallel_loop3A_498, %parallel_loop3A_510 : i32
      %parallel_loop3A_512 = arith.extui %parallel_loop3A_511 : i1 to i32
      %parallel_loop3A_513 = arith.subi %parallel_loop3A_509, %parallel_loop3A_512 : i32
      %parallel_loop3A_514 = arith.cmpi ne, %parallel_loop3A_506, %parallel_loop3A_513 : i32
      %parallel_loop3A_515 = arith.remsi %parallel_loop3A_497, %parallel_loop3A_498 : i32
      %parallel_loop3A_516 = arith.constant 0 : i32
      %parallel_loop3A_517 = arith.cmpi ne, %parallel_loop3A_515, %parallel_loop3A_516 : i32
      %parallel_loop3A_518 = arith.andi %parallel_loop3A_514, %parallel_loop3A_517 : i1
      %parallel_loop3A_519 = arith.constant 1 : i32
      %parallel_loop3A_520 = arith.subi %parallel_loop3A_499, %parallel_loop3A_519 : i32
      %parallel_loop3A_521 = arith.select %parallel_loop3A_518, %parallel_loop3A_520, %parallel_loop3A_499 : i32
      %parallel_loop3A_522 = arith.constant 8 : i32
      %parallel_loop3A_523 = arith.constant 0 : i32
      %parallel_loop3A_524 = arith.cmpi eq, %parallel_loop3A_522, %parallel_loop3A_523 : i32
      %parallel_loop3A_525 = arith.constant 1 : i32
      %parallel_loop3A_526 = arith.select %parallel_loop3A_524, %parallel_loop3A_525, %parallel_loop3A_522 : i32
      %parallel_loop3A_527 = arith.remsi %parallel_loop3A_497, %parallel_loop3A_526 : i32
      %parallel_loop3A_528 = arith.constant 0 : i32
      %parallel_loop3A_529 = arith.cmpi ne, %parallel_loop3A_527, %parallel_loop3A_528 : i32
      %parallel_loop3A_530 = arith.constant 0 : i32
      %parallel_loop3A_531 = arith.cmpi slt, %parallel_loop3A_527, %parallel_loop3A_530 : i32
      %parallel_loop3A_532 = arith.constant 0 : i32
      %parallel_loop3A_533 = arith.cmpi slt, %parallel_loop3A_526, %parallel_loop3A_532 : i32
      %parallel_loop3A_534 = arith.xori %parallel_loop3A_531, %parallel_loop3A_533 : i1
      %parallel_loop3A_535 = arith.andi %parallel_loop3A_534, %parallel_loop3A_529 : i1
      %parallel_loop3A_536 = arith.addi %parallel_loop3A_527, %parallel_loop3A_526 : i32
      %parallel_loop3A_537 = arith.select %parallel_loop3A_535, %parallel_loop3A_536, %parallel_loop3A_527 : i32
      %parallel_loop3A_538 = arith.constant 16 : i32
      %parallel_loop3A_539 = arith.muli %parallel_loop3A_537, %parallel_loop3A_538 : i32
      %parallel_loop3A_540 = arith.index_cast %parallel_loop3A_521 : i32 to index
      %parallel_loop3A_541 = arith.index_cast %parallel_loop3A_539 : i32 to index
      %parallel_loop3A_542 = tpu.vector_load %arg9[%parallel_loop3A_540, %parallel_loop3A_541] {strides = array<i32>} : memref<64x128xf32, #tpu.memory_space<vmem>>, vector<1x16xf32>,
      %parallel_loop3A_543 = vector.shape_cast %parallel_loop3A_542 : vector<1x16xf32> to vector<16xf32>
      %parallel_loop3A_544 = vector.shape_cast %broadcast_in_dim3A_21 : vector<16xf32> to vector<1x16xf32>
      tpu.vector_store %arg9[%parallel_loop3A_540, %parallel_loop3A_541], %parallel_loop3A_544 {strides = array<i32>} : memref<64x128xf32, #tpu.memory_space<vmem>>, vector<1x16xf32>,
    } {sc.loop_unroll_factor = 4 : i64, sc.parallel_access}
    %mul3A_41 = arith.constant 512 : i32
    %mul3A_42 = arith.muli %arg1, %mul3A_41 : i32
    %add3A_43 = arith.constant 0 : i32
    %add3A_44 = arith.addi %mul3A_42, %add3A_43 : i32
    %mul3A_45 = arith.constant 512 : i32
    %mul3A_46 = arith.muli %arg1, %mul3A_45 : i32
    %add3A_47 = arith.constant 64 : i32
    %add3A_48 = arith.addi %mul3A_46, %add3A_47 : i32
    %mul3A_49 = arith.constant 512 : i32
    %mul3A_50 = arith.muli %arg1, %mul3A_49 : i32
    %add3A_51 = arith.constant 128 : i32
    %add3A_52 = arith.addi %mul3A_50, %add3A_51 : i32
    %mul3A_53 = arith.constant 512 : i32
    %mul3A_54 = arith.muli %arg1, %mul3A_53 : i32
    %add3A_55 = arith.constant 192 : i32
    %add3A_56 = arith.addi %mul3A_54, %add3A_55 : i32
    %mul3A_57 = arith.constant 512 : i32
    %mul3A_58 = arith.muli %arg1, %mul3A_57 : i32
    %add3A_59 = arith.constant 256 : i32
    %add3A_60 = arith.addi %mul3A_58, %add3A_59 : i32
    %mul3A_61 = arith.constant 512 : i32
    %mul3A_62 = arith.muli %arg1, %mul3A_61 : i32
    %add3A_63 = arith.constant 320 : i32
    %add3A_64 = arith.addi %mul3A_62, %add3A_63 : i32
    %mul3A_65 = arith.constant 512 : i32
    %mul3A_66 = arith.muli %arg1, %mul3A_65 : i32
    %add3A_67 = arith.constant 384 : i32
    %add3A_68 = arith.addi %mul3A_66, %add3A_67 : i32
    %mul3A_69 = arith.constant 512 : i32
    %mul3A_70 = arith.muli %arg1, %mul3A_69 : i32
    %add3A_71 = arith.constant 448 : i32
    %add3A_72 = arith.addi %mul3A_70, %add3A_71 : i32
    %dma_start3A_73 = arith.constant 0 : i32
    %dma_start3A_74 = tpu.memref_slice %arg6[%add3A_44, %dma_start3A_73] : memref<8192x128xf32, #tpu.memory_space<vmem_shared>> -> memref<64x128xf32, #tpu.memory_space<vmem_shared>>
    %dma_start3A_75 = arith.constant 0 : i32
    %dma_start3A_76 = tpu.memref_slice %arg6[%add3A_44, %dma_start3A_75] : memref<8192x128xf32, #tpu.memory_space<vmem_shared>> -> memref<64x128xf32, #tpu.memory_space<vmem_shared>>
    tpu.enqueue_dma source(%arg9 : memref<64x128xf32, #tpu.memory_space<vmem>>) target(%dma_start3A_76 : memref<64x128xf32, #tpu.memory_space<vmem_shared>>) target_semaphore(%arg17 : memref<!tpu.dma_semaphore, #tpu.memory_space<semaphore_mem>>)
    %dma_start3A_77 = arith.constant 0 : i32
    %dma_start3A_78 = tpu.memref_slice %arg6[%add3A_48, %dma_start3A_77] : memref<8192x128xf32, #tpu.memory_space<vmem_shared>> -> memref<64x128xf32, #tpu.memory_space<vmem_shared>>
    %dma_start3A_79 = arith.constant 0 : i32
    %dma_start3A_80 = tpu.memref_slice %arg6[%add3A_48, %dma_start3A_79] : memref<8192x128xf32, #tpu.memory_space<vmem_shared>> -> memref<64x128xf32, #tpu.memory_space<vmem_shared>>
    tpu.enqueue_dma source(%arg9 : memref<64x128xf32, #tpu.memory_space<vmem>>) target(%dma_start3A_80 : memref<64x128xf32, #tpu.memory_space<vmem_shared>>) target_semaphore(%arg17 : memref<!tpu.dma_semaphore, #tpu.memory_space<semaphore_mem>>)
    %dma_start3A_81 = arith.constant 0 : i32
    %dma_start3A_82 = tpu.memref_slice %arg6[%add3A_52, %dma_start3A_81] : memref<8192x128xf32, #tpu.memory_space<vmem_shared>> -> memref<64x128xf32, #tpu.memory_space<vmem_shared>>
    %dma_start3A_83 = arith.constant 0 : i32
    %dma_start3A_84 = tpu.memref_slice %arg6[%add3A_52, %dma_start3A_83] : memref<8192x128xf32, #tpu.memory_space<vmem_shared>> -> memref<64x128xf32, #tpu.memory_space<vmem_shared>>
    tpu.enqueue_dma source(%arg9 : memref<64x128xf32, #tpu.memory_space<vmem>>) target(%dma_start3A_84 : memref<64x128xf32, #tpu.memory_space<vmem_shared>>) target_semaphore(%arg17 : memref<!tpu.dma_semaphore, #tpu.memory_space<semaphore_mem>>)
    %dma_start3A_85 = arith.constant 0 : i32
    %dma_start3A_86 = tpu.memref_slice %arg6[%add3A_56, %dma_start3A_85] : memref<8192x128xf32, #tpu.memory_space<vmem_shared>> -> memref<64x128xf32, #tpu.memory_space<vmem_shared>>
    %dma_start3A_87 = arith.constant 0 : i32
    %dma_start3A_88 = tpu.memref_slice %arg6[%add3A_56, %dma_start3A_87] : memref<8192x128xf32, #tpu.memory_space<vmem_shared>> -> memref<64x128xf32, #tpu.memory_space<vmem_shared>>
    tpu.enqueue_dma source(%arg9 : memref<64x128xf32, #tpu.memory_space<vmem>>) target(%dma_start3A_88 : memref<64x128xf32, #tpu.memory_space<vmem_shared>>) target_semaphore(%arg17 : memref<!tpu.dma_semaphore, #tpu.memory_space<semaphore_mem>>)
    %dma_start3A_89 = arith.constant 0 : i32
    %dma_start3A_90 = tpu.memref_slice %arg6[%add3A_60, %dma_start3A_89] : memref<8192x128xf32, #tpu.memory_space<vmem_shared>> -> memref<64x128xf32, #tpu.memory_space<vmem_shared>>
    %dma_start3A_91 = arith.constant 0 : i32
    %dma_start3A_92 = tpu.memref_slice %arg6[%add3A_60, %dma_start3A_91] : memref<8192x128xf32, #tpu.memory_space<vmem_shared>> -> memref<64x128xf32, #tpu.memory_space<vmem_shared>>
    tpu.enqueue_dma source(%arg9 : memref<64x128xf32, #tpu.memory_space<vmem>>) target(%dma_start3A_92 : memref<64x128xf32, #tpu.memory_space<vmem_shared>>) target_semaphore(%arg17 : memref<!tpu.dma_semaphore, #tpu.memory_space<semaphore_mem>>)
    %dma_start3A_93 = arith.constant 0 : i32
    %dma_start3A_94 = tpu.memref_slice %arg6[%add3A_64, %dma_start3A_93] : memref<8192x128xf32, #tpu.memory_space<vmem_shared>> -> memref<64x128xf32, #tpu.memory_space<vmem_shared>>
    %dma_start3A_95 = arith.constant 0 : i32
    %dma_start3A_96 = tpu.memref_slice %arg6[%add3A_64, %dma_start3A_95] : memref<8192x128xf32, #tpu.memory_space<vmem_shared>> -> memref<64x128xf32, #tpu.memory_space<vmem_shared>>
    tpu.enqueue_dma source(%arg9 : memref<64x128xf32, #tpu.memory_space<vmem>>) target(%dma_start3A_96 : memref<64x128xf32, #tpu.memory_space<vmem_shared>>) target_semaphore(%arg17 : memref<!tpu.dma_semaphore, #tpu.memory_space<semaphore_mem>>)
    %dma_start3A_97 = arith.constant 0 : i32
    %dma_start3A_98 = tpu.memref_slice %arg6[%add3A_68, %dma_start3A_97] : memref<8192x128xf32, #tpu.memory_space<vmem_shared>> -> memref<64x128xf32, #tpu.memory_space<vmem_shared>>
    %dma_start3A_99 = arith.constant 0 : i32
    %dma_start3A_100 = tpu.memref_slice %arg6[%add3A_68, %dma_start3A_99] : memref<8192x128xf32, #tpu.memory_space<vmem_shared>> -> memref<64x128xf32, #tpu.memory_space<vmem_shared>>
    tpu.enqueue_dma source(%arg9 : memref<64x128xf32, #tpu.memory_space<vmem>>) target(%dma_start3A_100 : memref<64x128xf32, #tpu.memory_space<vmem_shared>>) target_semaphore(%arg17 : memref<!tpu.dma_semaphore, #tpu.memory_space<semaphore_mem>>)
    %dma_start3A_101 = arith.constant 0 : i32
    %dma_start3A_102 = tpu.memref_slice %arg6[%add3A_72, %dma_start3A_101] : memref<8192x128xf32, #tpu.memory_space<vmem_shared>> -> memref<64x128xf32, #tpu.memory_space<vmem_shared>>
    %dma_start3A_103 = arith.constant 0 : i32
    %dma_start3A_104 = tpu.memref_slice %arg6[%add3A_72, %dma_start3A_103] : memref<8192x128xf32, #tpu.memory_space<vmem_shared>> -> memref<64x128xf32, #tpu.memory_space<vmem_shared>>
    tpu.enqueue_dma source(%arg9 : memref<64x128xf32, #tpu.memory_space<vmem>>) target(%dma_start3A_104 : memref<64x128xf32, #tpu.memory_space<vmem_shared>>) target_semaphore(%arg17 : memref<!tpu.dma_semaphore, #tpu.memory_space<semaphore_mem>>)
    %dma_wait3A = arith.constant 0 : i32
    %dma_wait3A_105 = tpu.memref_slice %arg6[%add3A_44, %dma_wait3A] : memref<8192x128xf32, #tpu.memory_space<vmem_shared>> -> memref<64x128xf32, #tpu.memory_space<vmem_shared>>
    %dma_wait3A_106 = arith.constant 0 : i32
    %dma_wait3A_107 = tpu.memref_slice %arg6[%add3A_44, %dma_wait3A_106] : memref<8192x128xf32, #tpu.memory_space<vmem_shared>> -> memref<64x128xf32, #tpu.memory_space<vmem_shared>>
    tpu.wait_dma2 semaphore(%arg17 : memref<!tpu.dma_semaphore, #tpu.memory_space<semaphore_mem>>) src(%arg9 : memref<64x128xf32, #tpu.memory_space<vmem>>) dst(%dma_wait3A_107 : memref<64x128xf32, #tpu.memory_space<vmem_shared>>)
    %dma_wait3A_108 = arith.constant 0 : i32
    %dma_wait3A_109 = tpu.memref_slice %arg6[%add3A_48, %dma_wait3A_108] : memref<8192x128xf32, #tpu.memory_space<vmem_shared>> -> memref<64x128xf32, #tpu.memory_space<vmem_shared>>
    %dma_wait3A_110 = arith.constant 0 : i32
    %dma_wait3A_111 = tpu.memref_slice %arg6[%add3A_48, %dma_wait3A_110] : memref<8192x128xf32, #tpu.memory_space<vmem_shared>> -> memref<64x128xf32, #tpu.memory_space<vmem_shared>>
    tpu.wait_dma2 semaphore(%arg17 : memref<!tpu.dma_semaphore, #tpu.memory_space<semaphore_mem>>) src(%arg9 : memref<64x128xf32, #tpu.memory_space<vmem>>) dst(%dma_wait3A_111 : memref<64x128xf32, #tpu.memory_space<vmem_shared>>)
    %dma_wait3A_112 = arith.constant 0 : i32
    %dma_wait3A_113 = tpu.memref_slice %arg6[%add3A_52, %dma_wait3A_112] : memref<8192x128xf32, #tpu.memory_space<vmem_shared>> -> memref<64x128xf32, #tpu.memory_space<vmem_shared>>
    %dma_wait3A_114 = arith.constant 0 : i32
    %dma_wait3A_115 = tpu.memref_slice %arg6[%add3A_52, %dma_wait3A_114] : memref<8192x128xf32, #tpu.memory_space<vmem_shared>> -> memref<64x128xf32, #tpu.memory_space<vmem_shared>>
    tpu.wait_dma2 semaphore(%arg17 : memref<!tpu.dma_semaphore, #tpu.memory_space<semaphore_mem>>) src(%arg9 : memref<64x128xf32, #tpu.memory_space<vmem>>) dst(%dma_wait3A_115 : memref<64x128xf32, #tpu.memory_space<vmem_shared>>)
    %dma_wait3A_116 = arith.constant 0 : i32
    %dma_wait3A_117 = tpu.memref_slice %arg6[%add3A_56, %dma_wait3A_116] : memref<8192x128xf32, #tpu.memory_space<vmem_shared>> -> memref<64x128xf32, #tpu.memory_space<vmem_shared>>
    %dma_wait3A_118 = arith.constant 0 : i32
    %dma_wait3A_119 = tpu.memref_slice %arg6[%add3A_56, %dma_wait3A_118] : memref<8192x128xf32, #tpu.memory_space<vmem_shared>> -> memref<64x128xf32, #tpu.memory_space<vmem_shared>>
    tpu.wait_dma2 semaphore(%arg17 : memref<!tpu.dma_semaphore, #tpu.memory_space<semaphore_mem>>) src(%arg9 : memref<64x128xf32, #tpu.memory_space<vmem>>) dst(%dma_wait3A_119 : memref<64x128xf32, #tpu.memory_space<vmem_shared>>)
    %dma_wait3A_120 = arith.constant 0 : i32
    %dma_wait3A_121 = tpu.memref_slice %arg6[%add3A_60, %dma_wait3A_120] : memref<8192x128xf32, #tpu.memory_space<vmem_shared>> -> memref<64x128xf32, #tpu.memory_space<vmem_shared>>
    %dma_wait3A_122 = arith.constant 0 : i32
    %dma_wait3A_123 = tpu.memref_slice %arg6[%add3A_60, %dma_wait3A_122] : memref<8192x128xf32, #tpu.memory_space<vmem_shared>> -> memref<64x128xf32, #tpu.memory_space<vmem_shared>>
    tpu.wait_dma2 semaphore(%arg17 : memref<!tpu.dma_semaphore, #tpu.memory_space<semaphore_mem>>) src(%arg9 : memref<64x128xf32, #tpu.memory_space<vmem>>) dst(%dma_wait3A_123 : memref<64x128xf32, #tpu.memory_space<vmem_shared>>)
    %dma_wait3A_124 = arith.constant 0 : i32
    %dma_wait3A_125 = tpu.memref_slice %arg6[%add3A_64, %dma_wait3A_124] : memref<8192x128xf32, #tpu.memory_space<vmem_shared>> -> memref<64x128xf32, #tpu.memory_space<vmem_shared>>
    %dma_wait3A_126 = arith.constant 0 : i32
    %dma_wait3A_127 = tpu.memref_slice %arg6[%add3A_64, %dma_wait3A_126] : memref<8192x128xf32, #tpu.memory_space<vmem_shared>> -> memref<64x128xf32, #tpu.memory_space<vmem_shared>>
    tpu.wait_dma2 semaphore(%arg17 : memref<!tpu.dma_semaphore, #tpu.memory_space<semaphore_mem>>) src(%arg9 : memref<64x128xf32, #tpu.memory_space<vmem>>) dst(%dma_wait3A_127 : memref<64x128xf32, #tpu.memory_space<vmem_shared>>)
    %dma_wait3A_128 = arith.constant 0 : i32
    %dma_wait3A_129 = tpu.memref_slice %arg6[%add3A_68, %dma_wait3A_128] : memref<8192x128xf32, #tpu.memory_space<vmem_shared>> -> memref<64x128xf32, #tpu.memory_space<vmem_shared>>
    %dma_wait3A_130 = arith.constant 0 : i32
    %dma_wait3A_131 = tpu.memref_slice %arg6[%add3A_68, %dma_wait3A_130] : memref<8192x128xf32, #tpu.memory_space<vmem_shared>> -> memref<64x128xf32, #tpu.memory_space<vmem_shared>>
    tpu.wait_dma2 semaphore(%arg17 : memref<!tpu.dma_semaphore, #tpu.memory_space<semaphore_mem>>) src(%arg9 : memref<64x128xf32, #tpu.memory_space<vmem>>) dst(%dma_wait3A_131 : memref<64x128xf32, #tpu.memory_space<vmem_shared>>)
    %dma_wait3A_132 = arith.constant 0 : i32
    %dma_wait3A_133 = tpu.memref_slice %arg6[%add3A_72, %dma_wait3A_132] : memref<8192x128xf32, #tpu.memory_space<vmem_shared>> -> memref<64x128xf32, #tpu.memory_space<vmem_shared>>
    %dma_wait3A_134 = arith.constant 0 : i32
    %dma_wait3A_135 = tpu.memref_slice %arg6[%add3A_72, %dma_wait3A_134] : memref<8192x128xf32, #tpu.memory_space<vmem_shared>> -> memref<64x128xf32, #tpu.memory_space<vmem_shared>>
    tpu.wait_dma2 semaphore(%arg17 : memref<!tpu.dma_semaphore, #tpu.memory_space<semaphore_mem>>) src(%arg9 : memref<64x128xf32, #tpu.memory_space<vmem>>) dst(%dma_wait3A_135 : memref<64x128xf32, #tpu.memory_space<vmem_shared>>)
    %dma_wait3A_136 = tpu.memref_slice %arg3[%multiple_of3A] : memref<65536xi32, #tpu.memory_space<hbm>> -> memref<2048xi32, #tpu.memory_space<hbm>>
    %dma_wait3A_137 = tpu.memref_slice %arg3[%multiple_of3A] : memref<65536xi32, #tpu.memory_space<hbm>> -> memref<2048xi32, #tpu.memory_space<hbm>>
    tpu.wait_dma2 semaphore(%arg18 : memref<!tpu.dma_semaphore, #tpu.memory_space<semaphore_mem>>) src(%dma_wait3A_137 : memref<2048xi32, #tpu.memory_space<hbm>>) dst(%arg11 : memref<2048xi32, #tpu.memory_space<vmem>>)
    %dma_wait3A_138 = tpu.memref_slice %arg4[%multiple_of3A] : memref<65536xf32, #tpu.memory_space<hbm>> -> memref<2048xf32, #tpu.memory_space<hbm>>
    %dma_wait3A_139 = tpu.memref_slice %arg4[%multiple_of3A] : memref<65536xf32, #tpu.memory_space<hbm>> -> memref<2048xf32, #tpu.memory_space<hbm>>
    tpu.wait_dma2 semaphore(%arg18 : memref<!tpu.dma_semaphore, #tpu.memory_space<semaphore_mem>>) src(%dma_wait3A_139 : memref<2048xf32, #tpu.memory_space<hbm>>) dst(%arg12 : memref<2048xf32, #tpu.memory_space<vmem>>)
    %barrier3A = arith.constant 0 : index
    tpu.barrier barrier_id(%barrier3A)
    %scan3A = arith.constant 0 : i32
    %scan3A_140 = arith.constant 0 : i32
    %scan3A_141 = arith.constant 16 : i32
    %scan3A_142 = arith.addi %scan3A_140, %scan3A_141 : i32
    %scan3A_143 = arith.constant 1 : i32
    %scan3A_144 = scf.for %scan3A_497 = %scan3A_140 to %scan3A_142 step %scan3A_143 iter_args(%scan3A_498 = %scan3A) -> (i32)  : i32 {
      %mul3A_499 = arith.constant 2 : i32
      %mul3A_500 = arith.muli %mul3A_499, %scan3A_497 : i32
      %add3A_501 = arith.constant 0 : i32
      %add3A_502 = arith.addi %mul3A_500, %add3A_501 : i32
      %gt3A = arith.constant 0 : i32
      %gt3A_503 = arith.cmpi sgt, %scan3A_497, %gt3A : i32
      %convert_element_type3A = arith.extui %gt3A_503 : i1 to i32
      %cond3A = arith.constant 0 : i32
      %cond3A_504 = arith.cmpi ne, %convert_element_type3A, %cond3A : i32
      scf.if %cond3A_504 {
        %dma_wait3A_552 = arith.constant 0 : i32
        %dma_wait3A_553 = arith.constant 0 : i32
        %dma_wait3A_554 = tpu.memref_slice %arg6[%dma_wait3A_552, %dma_wait3A_553] : memref<8192x128xf32, #tpu.memory_space<vmem_shared>> -> memref<8192x128xf32, #tpu.memory_space<vmem_shared>>
        tpu.wait_indirect_dma semaphore(%arg17 : memref<!tpu.dma_semaphore, #tpu.memory_space<semaphore_mem>>) src(%arg9 : memref<64x128xf32, #tpu.memory_space<vmem>>) dst(%dma_wait3A_554 : memref<8192x128xf32, #tpu.memory_space<vmem_shared>>)
      } else {
      }
      %mul3A_505 = arith.constant 64 : i32
      %mul3A_506 = arith.muli %add3A_502, %mul3A_505 : i32
      %add3A_507 = arith.addi %add3A, %mul3A_506 : i32
      %multiple_of3A_508 = tpu.assume_multiple %add3A_507, 64 : i32
      %dma_wait3A_509 = arith.constant 0 : i32
      %dma_wait3A_510 = tpu.memref_slice %arg2[%multiple_of3A_508, %dma_wait3A_509] : memref<65536x64xf32, #tpu.memory_space<hbm>> -> memref<64x64xf32, #tpu.memory_space<hbm>>
      %dma_wait3A_511 = arith.constant 0 : i32
      %dma_wait3A_512 = tpu.memref_slice %arg2[%multiple_of3A_508, %dma_wait3A_511] : memref<65536x64xf32, #tpu.memory_space<hbm>> -> memref<64x64xf32, #tpu.memory_space<hbm>>
      tpu.wait_dma2 semaphore(%arg15 : memref<!tpu.dma_semaphore, #tpu.memory_space<semaphore_mem>>) src(%dma_wait3A_512 : memref<64x64xf32, #tpu.memory_space<hbm>>) dst(%arg7 : memref<64x64xf32, #tpu.memory_space<vmem>>)
      %parallel_loop3A_513 = arith.constant 0 : i32
      %parallel_loop3A_514 = arith.constant 4 : i32
      %parallel_loop3A_515 = arith.constant 1 : i32
      scf.for %parallel_loop3A_552 = %parallel_loop3A_513 to %parallel_loop3A_514 step %parallel_loop3A_515  : i32 {
        %parallel_loop3A_553 = arith.constant 64 : i32
        %parallel_loop3A_554 = arith.muli %add3A_502, %parallel_loop3A_553 : i32
        %parallel_loop3A_555 = arith.constant 16 : i32
        %parallel_loop3A_556 = arith.muli %parallel_loop3A_552, %parallel_loop3A_555 : i32
        %parallel_loop3A_557 = arith.addi %parallel_loop3A_554, %parallel_loop3A_556 : i32
        %parallel_loop3A_558 = arith.index_cast %parallel_loop3A_557 : i32 to index
        %parallel_loop3A_559 = tpu.vector_load %arg12[%parallel_loop3A_558] {strides = array<i32>} : memref<2048xf32, #tpu.memory_space<vmem>>, vector<16xf32>,
        %parallel_loop3A_560 = vector.shape_cast %parallel_loop3A_559 : vector<16xf32> to vector<16xf32>
        %parallel_loop3A_561 = arith.constant 64 : i32
        %parallel_loop3A_562 = arith.muli %add3A_502, %parallel_loop3A_561 : i32
        %parallel_loop3A_563 = arith.constant 16 : i32
        %parallel_loop3A_564 = arith.muli %parallel_loop3A_552, %parallel_loop3A_563 : i32
        %parallel_loop3A_565 = arith.addi %parallel_loop3A_562, %parallel_loop3A_564 : i32
        %parallel_loop3A_566 = arith.index_cast %parallel_loop3A_565 : i32 to index
        %parallel_loop3A_567 = tpu.vector_load %arg11[%parallel_loop3A_566] {strides = array<i32>} : memref<2048xi32, #tpu.memory_space<vmem>>, vector<16xi32>,
        %parallel_loop3A_568 = vector.shape_cast %parallel_loop3A_567 : vector<16xi32> to vector<16xi32>
        %parallel_loop3A_569 = vector.broadcast %mul3A_16 : i32 to vector<16xi32>
        %parallel_loop3A_570 = arith.addi %parallel_loop3A_568, %parallel_loop3A_569 : vector<16xi32>
        %parallel_loop3A_571 = arith.constant 16 : i32
        %parallel_loop3A_572 = arith.muli %parallel_loop3A_552, %parallel_loop3A_571 : i32
        %parallel_loop3A_573 = arith.index_cast %parallel_loop3A_572 : i32 to index
        %parallel_loop3A_574 = tpu.vector_load %arg13[%parallel_loop3A_573] {strides = array<i32>} : memref<64xi32, #tpu.memory_space<vmem>>, vector<16xi32>,
        %parallel_loop3A_575 = vector.shape_cast %parallel_loop3A_574 : vector<16xi32> to vector<16xi32>
        %parallel_loop3A_576 = vector.shape_cast %parallel_loop3A_570 : vector<16xi32> to vector<16xi32>
        tpu.vector_store %arg13[%parallel_loop3A_573], %parallel_loop3A_576 {strides = array<i32>} : memref<64xi32, #tpu.memory_space<vmem>>, vector<16xi32>,
        %parallel_loop3A_577 = arith.constant 16 : i32
        %parallel_loop3A_578 = arith.muli %parallel_loop3A_552, %parallel_loop3A_577 : i32
        %parallel_loop3A_579 = arith.constant 0 : i32
        %parallel_loop3A_580 = arith.addi %parallel_loop3A_578, %parallel_loop3A_579 : i32
        %parallel_loop3A_581 = vector.extract_strided_slice %parallel_loop3A_560 {offsets = [0], sizes = [1], strides = [1]} : vector<16xf32> to vector<1xf32>
        %parallel_loop3A_582 = vector.extract %parallel_loop3A_581[0] : f32 from vector<1xf32>
        %parallel_loop3A_583 = vector.broadcast %parallel_loop3A_582 : f32 to vector<16xf32>
        %parallel_loop3A_584 = arith.index_cast %parallel_loop3A_580 : i32 to index
        %parallel_loop3A_585 = arith.constant 0 : index
        %parallel_loop3A_586 = tpu.vector_load %arg7[%parallel_loop3A_584, %parallel_loop3A_585] {strides = array<i32>} : memref<64x64xf32, #tpu.memory_space<vmem>>, vector<1x16xf32>,
        %parallel_loop3A_587 = vector.shape_cast %parallel_loop3A_586 : vector<1x16xf32> to vector<16xf32>
        %parallel_loop3A_588 = arith.mulf %parallel_loop3A_587, %parallel_loop3A_583 : vector<16xf32>
        %parallel_loop3A_589 = arith.index_cast %parallel_loop3A_580 : i32 to index
        %parallel_loop3A_590 = arith.constant 0 : index
        %parallel_loop3A_591 = tpu.vector_load %arg9[%parallel_loop3A_589, %parallel_loop3A_590] {strides = array<i32>} : memref<64x128xf32, #tpu.memory_space<vmem>>, vector<1x16xf32>,
        %parallel_loop3A_592 = vector.shape_cast %parallel_loop3A_591 : vector<1x16xf32> to vector<16xf32>
        %parallel_loop3A_593 = vector.shape_cast %parallel_loop3A_588 : vector<16xf32> to vector<1x16xf32>
        tpu.vector_store %arg9[%parallel_loop3A_589, %parallel_loop3A_590], %parallel_loop3A_593 {strides = array<i32>} : memref<64x128xf32, #tpu.memory_space<vmem>>, vector<1x16xf32>,
        %parallel_loop3A_594 = arith.index_cast %parallel_loop3A_580 : i32 to index
        %parallel_loop3A_595 = arith.constant 16 : index
        %parallel_loop3A_596 = tpu.vector_load %arg7[%parallel_loop3A_594, %parallel_loop3A_595] {strides = array<i32>} : memref<64x64xf32, #tpu.memory_space<vmem>>, vector<1x16xf32>,
        %parallel_loop3A_597 = vector.shape_cast %parallel_loop3A_596 : vector<1x16xf32> to vector<16xf32>
        %parallel_loop3A_598 = arith.mulf %parallel_loop3A_597, %parallel_loop3A_583 : vector<16xf32>
        %parallel_loop3A_599 = arith.index_cast %parallel_loop3A_580 : i32 to index
        %parallel_loop3A_600 = arith.constant 16 : index
        %parallel_loop3A_601 = tpu.vector_load %arg9[%parallel_loop3A_599, %parallel_loop3A_600] {strides = array<i32>} : memref<64x128xf32, #tpu.memory_space<vmem>>, vector<1x16xf32>,
        %parallel_loop3A_602 = vector.shape_cast %parallel_loop3A_601 : vector<1x16xf32> to vector<16xf32>
        %parallel_loop3A_603 = vector.shape_cast %parallel_loop3A_598 : vector<16xf32> to vector<1x16xf32>
        tpu.vector_store %arg9[%parallel_loop3A_599, %parallel_loop3A_600], %parallel_loop3A_603 {strides = array<i32>} : memref<64x128xf32, #tpu.memory_space<vmem>>, vector<1x16xf32>,
        %parallel_loop3A_604 = arith.index_cast %parallel_loop3A_580 : i32 to index
        %parallel_loop3A_605 = arith.constant 32 : index
        %parallel_loop3A_606 = tpu.vector_load %arg7[%parallel_loop3A_604, %parallel_loop3A_605] {strides = array<i32>} : memref<64x64xf32, #tpu.memory_space<vmem>>, vector<1x16xf32>,
        %parallel_loop3A_607 = vector.shape_cast %parallel_loop3A_606 : vector<1x16xf32> to vector<16xf32>
        %parallel_loop3A_608 = arith.mulf %parallel_loop3A_607, %parallel_loop3A_583 : vector<16xf32>
        %parallel_loop3A_609 = arith.index_cast %parallel_loop3A_580 : i32 to index
        %parallel_loop3A_610 = arith.constant 32 : index
        %parallel_loop3A_611 = tpu.vector_load %arg9[%parallel_loop3A_609, %parallel_loop3A_610] {strides = array<i32>} : memref<64x128xf32, #tpu.memory_space<vmem>>, vector<1x16xf32>,
        %parallel_loop3A_612 = vector.shape_cast %parallel_loop3A_611 : vector<1x16xf32> to vector<16xf32>
        %parallel_loop3A_613 = vector.shape_cast %parallel_loop3A_608 : vector<16xf32> to vector<1x16xf32>
        tpu.vector_store %arg9[%parallel_loop3A_609, %parallel_loop3A_610], %parallel_loop3A_613 {strides = array<i32>} : memref<64x128xf32, #tpu.memory_space<vmem>>, vector<1x16xf32>,
        %parallel_loop3A_614 = arith.index_cast %parallel_loop3A_580 : i32 to index
        %parallel_loop3A_615 = arith.constant 48 : index
        %parallel_loop3A_616 = tpu.vector_load %arg7[%parallel_loop3A_614, %parallel_loop3A_615] {strides = array<i32>} : memref<64x64xf32, #tpu.memory_space<vmem>>, vector<1x16xf32>,
        %parallel_loop3A_617 = vector.shape_cast %parallel_loop3A_616 : vector<1x16xf32> to vector<16xf32>
        %parallel_loop3A_618 = arith.mulf %parallel_loop3A_617, %parallel_loop3A_583 : vector<16xf32>
        %parallel_loop3A_619 = arith.index_cast %parallel_loop3A_580 : i32 to index
        %parallel_loop3A_620 = arith.constant 48 : index
        %parallel_loop3A_621 = tpu.vector_load %arg9[%parallel_loop3A_619, %parallel_loop3A_620] {strides = array<i32>} : memref<64x128xf32, #tpu.memory_space<vmem>>, vector<1x16xf32>,
        %parallel_loop3A_622 = vector.shape_cast %parallel_loop3A_621 : vector<1x16xf32> to vector<16xf32>
        %parallel_loop3A_623 = vector.shape_cast %parallel_loop3A_618 : vector<16xf32> to vector<1x16xf32>
        tpu.vector_store %arg9[%parallel_loop3A_619, %parallel_loop3A_620], %parallel_loop3A_623 {strides = array<i32>} : memref<64x128xf32, #tpu.memory_space<vmem>>, vector<1x16xf32>,
        %parallel_loop3A_624 = arith.index_cast %parallel_loop3A_580 : i32 to index
        %parallel_loop3A_625 = arith.constant 64 : index
        %parallel_loop3A_626 = tpu.vector_load %arg9[%parallel_loop3A_624, %parallel_loop3A_625] {strides = array<i32>} : memref<64x128xf32, #tpu.memory_space<vmem>>, vector<1x16xf32>,
        %parallel_loop3A_627 = vector.shape_cast %parallel_loop3A_626 : vector<1x16xf32> to vector<16xf32>
        %parallel_loop3A_628 = vector.shape_cast %parallel_loop3A_583 : vector<16xf32> to vector<1x16xf32>
        tpu.vector_store %arg9[%parallel_loop3A_624, %parallel_loop3A_625], %parallel_loop3A_628 {strides = array<i32>} : memref<64x128xf32, #tpu.memory_space<vmem>>, vector<1x16xf32>,
        %parallel_loop3A_629 = arith.constant 16 : i32
        %parallel_loop3A_630 = arith.muli %parallel_loop3A_552, %parallel_loop3A_629 : i32
        %parallel_loop3A_631 = arith.constant 1 : i32
        %parallel_loop3A_632 = arith.addi %parallel_loop3A_630, %parallel_loop3A_631 : i32
        %parallel_loop3A_633 = vector.extract_strided_slice %parallel_loop3A_560 {offsets = [1], sizes = [1], strides = [1]} : vector<16xf32> to vector<1xf32>
        %parallel_loop3A_634 = vector.extract %parallel_loop3A_633[0] : f32 from vector<1xf32>
        %parallel_loop3A_635 = vector.broadcast %parallel_loop3A_634 : f32 to vector<16xf32>
        %parallel_loop3A_636 = arith.index_cast %parallel_loop3A_632 : i32 to index
        %parallel_loop3A_637 = arith.constant 0 : index
        %parallel_loop3A_638 = tpu.vector_load %arg7[%parallel_loop3A_636, %parallel_loop3A_637] {strides = array<i32>} : memref<64x64xf32, #tpu.memory_space<vmem>>, vector<1x16xf32>,
        %parallel_loop3A_639 = vector.shape_cast %parallel_loop3A_638 : vector<1x16xf32> to vector<16xf32>
        %parallel_loop3A_640 = arith.mulf %parallel_loop3A_639, %parallel_loop3A_635 : vector<16xf32>
        %parallel_loop3A_641 = arith.index_cast %parallel_loop3A_632 : i32 to index
        %parallel_loop3A_642 = arith.constant 0 : index
        %parallel_loop3A_643 = tpu.vector_load %arg9[%parallel_loop3A_641, %parallel_loop3A_642] {strides = array<i32>} : memref<64x128xf32, #tpu.memory_space<vmem>>, vector<1x16xf32>,
        %parallel_loop3A_644 = vector.shape_cast %parallel_loop3A_643 : vector<1x16xf32> to vector<16xf32>
        %parallel_loop3A_645 = vector.shape_cast %parallel_loop3A_640 : vector<16xf32> to vector<1x16xf32>
        tpu.vector_store %arg9[%parallel_loop3A_641, %parallel_loop3A_642], %parallel_loop3A_645 {strides = array<i32>} : memref<64x128xf32, #tpu.memory_space<vmem>>, vector<1x16xf32>,
        %parallel_loop3A_646 = arith.index_cast %parallel_loop3A_632 : i32 to index
        %parallel_loop3A_647 = arith.constant 16 : index
        %parallel_loop3A_648 = tpu.vector_load %arg7[%parallel_loop3A_646, %parallel_loop3A_647] {strides = array<i32>} : memref<64x64xf32, #tpu.memory_space<vmem>>, vector<1x16xf32>,
        %parallel_loop3A_649 = vector.shape_cast %parallel_loop3A_648 : vector<1x16xf32> to vector<16xf32>
        %parallel_loop3A_650 = arith.mulf %parallel_loop3A_649, %parallel_loop3A_635 : vector<16xf32>
        %parallel_loop3A_651 = arith.index_cast %parallel_loop3A_632 : i32 to index
        %parallel_loop3A_652 = arith.constant 16 : index
        %parallel_loop3A_653 = tpu.vector_load %arg9[%parallel_loop3A_651, %parallel_loop3A_652] {strides = array<i32>} : memref<64x128xf32, #tpu.memory_space<vmem>>, vector<1x16xf32>,
        %parallel_loop3A_654 = vector.shape_cast %parallel_loop3A_653 : vector<1x16xf32> to vector<16xf32>
        %parallel_loop3A_655 = vector.shape_cast %parallel_loop3A_650 : vector<16xf32> to vector<1x16xf32>
        tpu.vector_store %arg9[%parallel_loop3A_651, %parallel_loop3A_652], %parallel_loop3A_655 {strides = array<i32>} : memref<64x128xf32, #tpu.memory_space<vmem>>, vector<1x16xf32>,
        %parallel_loop3A_656 = arith.index_cast %parallel_loop3A_632 : i32 to index
        %parallel_loop3A_657 = arith.constant 32 : index
        %parallel_loop3A_658 = tpu.vector_load %arg7[%parallel_loop3A_656, %parallel_loop3A_657] {strides = array<i32>} : memref<64x64xf32, #tpu.memory_space<vmem>>, vector<1x16xf32>,
        %parallel_loop3A_659 = vector.shape_cast %parallel_loop3A_658 : vector<1x16xf32> to vector<16xf32>
        %parallel_loop3A_660 = arith.mulf %parallel_loop3A_659, %parallel_loop3A_635 : vector<16xf32>
        %parallel_loop3A_661 = arith.index_cast %parallel_loop3A_632 : i32 to index
        %parallel_loop3A_662 = arith.constant 32 : index
        %parallel_loop3A_663 = tpu.vector_load %arg9[%parallel_loop3A_661, %parallel_loop3A_662] {strides = array<i32>} : memref<64x128xf32, #tpu.memory_space<vmem>>, vector<1x16xf32>,
        %parallel_loop3A_664 = vector.shape_cast %parallel_loop3A_663 : vector<1x16xf32> to vector<16xf32>
        %parallel_loop3A_665 = vector.shape_cast %parallel_loop3A_660 : vector<16xf32> to vector<1x16xf32>
        tpu.vector_store %arg9[%parallel_loop3A_661, %parallel_loop3A_662], %parallel_loop3A_665 {strides = array<i32>} : memref<64x128xf32, #tpu.memory_space<vmem>>, vector<1x16xf32>,
        %parallel_loop3A_666 = arith.index_cast %parallel_loop3A_632 : i32 to index
        %parallel_loop3A_667 = arith.constant 48 : index
        %parallel_loop3A_668 = tpu.vector_load %arg7[%parallel_loop3A_666, %parallel_loop3A_667] {strides = array<i32>} : memref<64x64xf32, #tpu.memory_space<vmem>>, vector<1x16xf32>,
        %parallel_loop3A_669 = vector.shape_cast %parallel_loop3A_668 : vector<1x16xf32> to vector<16xf32>
        %parallel_loop3A_670 = arith.mulf %parallel_loop3A_669, %parallel_loop3A_635 : vector<16xf32>
        %parallel_loop3A_671 = arith.index_cast %parallel_loop3A_632 : i32 to index
        %parallel_loop3A_672 = arith.constant 48 : index
        %parallel_loop3A_673 = tpu.vector_load %arg9[%parallel_loop3A_671, %parallel_loop3A_672] {strides = array<i32>} : memref<64x128xf32, #tpu.memory_space<vmem>>, vector<1x16xf32>,
        %parallel_loop3A_674 = vector.shape_cast %parallel_loop3A_673 : vector<1x16xf32> to vector<16xf32>
        %parallel_loop3A_675 = vector.shape_cast %parallel_loop3A_670 : vector<16xf32> to vector<1x16xf32>
        tpu.vector_store %arg9[%parallel_loop3A_671, %parallel_loop3A_672], %parallel_loop3A_675 {strides = array<i32>} : memref<64x128xf32, #tpu.memory_space<vmem>>, vector<1x16xf32>,
        %parallel_loop3A_676 = arith.index_cast %parallel_loop3A_632 : i32 to index
        %parallel_loop3A_677 = arith.constant 64 : index
        %parallel_loop3A_678 = tpu.vector_load %arg9[%parallel_loop3A_676, %parallel_loop3A_677] {strides = array<i32>} : memref<64x128xf32, #tpu.memory_space<vmem>>, vector<1x16xf32>,
        %parallel_loop3A_679 = vector.shape_cast %parallel_loop3A_678 : vector<1x16xf32> to vector<16xf32>
        %parallel_loop3A_680 = vector.shape_cast %parallel_loop3A_635 : vector<16xf32> to vector<1x16xf32>
        tpu.vector_store %arg9[%parallel_loop3A_676, %parallel_loop3A_677], %parallel_loop3A_680 {strides = array<i32>} : memref<64x128xf32, #tpu.memory_space<vmem>>, vector<1x16xf32>,
        %parallel_loop3A_681 = arith.constant 16 : i32
        %parallel_loop3A_682 = arith.muli %parallel_loop3A_552, %parallel_loop3A_681 : i32
        %parallel_loop3A_683 = arith.constant 2 : i32
        %parallel_loop3A_684 = arith.addi %parallel_loop3A_682, %parallel_loop3A_683 : i32
        %parallel_loop3A_685 = vector.extract_strided_slice %parallel_loop3A_560 {offsets = [2], sizes = [1], strides = [1]} : vector<16xf32> to vector<1xf32>
        %parallel_loop3A_686 = vector.extract %parallel_loop3A_685[0] : f32 from vector<1xf32>
        %parallel_loop3A_687 = vector.broadcast %parallel_loop3A_686 : f32 to vector<16xf32>
        %parallel_loop3A_688 = arith.index_cast %parallel_loop3A_684 : i32 to index
        %parallel_loop3A_689 = arith.constant 0 : index
        %parallel_loop3A_690 = tpu.vector_load %arg7[%parallel_loop3A_688, %parallel_loop3A_689] {strides = array<i32>} : memref<64x64xf32, #tpu.memory_space<vmem>>, vector<1x16xf32>,
        %parallel_loop3A_691 = vector.shape_cast %parallel_loop3A_690 : vector<1x16xf32> to vector<16xf32>
        %parallel_loop3A_692 = arith.mulf %parallel_loop3A_691, %parallel_loop3A_687 : vector<16xf32>
        %parallel_loop3A_693 = arith.index_cast %parallel_loop3A_684 : i32 to index
        %parallel_loop3A_694 = arith.constant 0 : index
        %parallel_loop3A_695 = tpu.vector_load %arg9[%parallel_loop3A_693, %parallel_loop3A_694] {strides = array<i32>} : memref<64x128xf32, #tpu.memory_space<vmem>>, vector<1x16xf32>,
        %parallel_loop3A_696 = vector.shape_cast %parallel_loop3A_695 : vector<1x16xf32> to vector<16xf32>
        %parallel_loop3A_697 = vector.shape_cast %parallel_loop3A_692 : vector<16xf32> to vector<1x16xf32>
        tpu.vector_store %arg9[%parallel_loop3A_693, %parallel_loop3A_694], %parallel_loop3A_697 {strides = array<i32>} : memref<64x128xf32, #tpu.memory_space<vmem>>, vector<1x16xf32>,
        %parallel_loop3A_698 = arith.index_cast %parallel_loop3A_684 : i32 to index
        %parallel_loop3A_699 = arith.constant 16 : index
        %parallel_loop3A_700 = tpu.vector_load %arg7[%parallel_loop3A_698, %parallel_loop3A_699] {strides = array<i32>} : memref<64x64xf32, #tpu.memory_space<vmem>>, vector<1x16xf32>,
        %parallel_loop3A_701 = vector.shape_cast %parallel_loop3A_700 : vector<1x16xf32> to vector<16xf32>
        %parallel_loop3A_702 = arith.mulf %parallel_loop3A_701, %parallel_loop3A_687 : vector<16xf32>
        %parallel_loop3A_703 = arith.index_cast %parallel_loop3A_684 : i32 to index
        %parallel_loop3A_704 = arith.constant 16 : index
        %parallel_loop3A_705 = tpu.vector_load %arg9[%parallel_loop3A_703, %parallel_loop3A_704] {strides = array<i32>} : memref<64x128xf32, #tpu.memory_space<vmem>>, vector<1x16xf32>,
        %parallel_loop3A_706 = vector.shape_cast %parallel_loop3A_705 : vector<1x16xf32> to vector<16xf32>
        %parallel_loop3A_707 = vector.shape_cast %parallel_loop3A_702 : vector<16xf32> to vector<1x16xf32>
        tpu.vector_store %arg9[%parallel_loop3A_703, %parallel_loop3A_704], %parallel_loop3A_707 {strides = array<i32>} : memref<64x128xf32, #tpu.memory_space<vmem>>, vector<1x16xf32>,
        %parallel_loop3A_708 = arith.index_cast %parallel_loop3A_684 : i32 to index
        %parallel_loop3A_709 = arith.constant 32 : index
        %parallel_loop3A_710 = tpu.vector_load %arg7[%parallel_loop3A_708, %parallel_loop3A_709] {strides = array<i32>} : memref<64x64xf32, #tpu.memory_space<vmem>>, vector<1x16xf32>,
        %parallel_loop3A_711 = vector.shape_cast %parallel_loop3A_710 : vector<1x16xf32> to vector<16xf32>
        %parallel_loop3A_712 = arith.mulf %parallel_loop3A_711, %parallel_loop3A_687 : vector<16xf32>
        %parallel_loop3A_713 = arith.index_cast %parallel_loop3A_684 : i32 to index
        %parallel_loop3A_714 = arith.constant 32 : index
        %parallel_loop3A_715 = tpu.vector_load %arg9[%parallel_loop3A_713, %parallel_loop3A_714] {strides = array<i32>} : memref<64x128xf32, #tpu.memory_space<vmem>>, vector<1x16xf32>,
        %parallel_loop3A_716 = vector.shape_cast %parallel_loop3A_715 : vector<1x16xf32> to vector<16xf32>
        %parallel_loop3A_717 = vector.shape_cast %parallel_loop3A_712 : vector<16xf32> to vector<1x16xf32>
        tpu.vector_store %arg9[%parallel_loop3A_713, %parallel_loop3A_714], %parallel_loop3A_717 {strides = array<i32>} : memref<64x128xf32, #tpu.memory_space<vmem>>, vector<1x16xf32>,
        %parallel_loop3A_718 = arith.index_cast %parallel_loop3A_684 : i32 to index
        %parallel_loop3A_719 = arith.constant 48 : index
        %parallel_loop3A_720 = tpu.vector_load %arg7[%parallel_loop3A_718, %parallel_loop3A_719] {strides = array<i32>} : memref<64x64xf32, #tpu.memory_space<vmem>>, vector<1x16xf32>,
        %parallel_loop3A_721 = vector.shape_cast %parallel_loop3A_720 : vector<1x16xf32> to vector<16xf32>
        %parallel_loop3A_722 = arith.mulf %parallel_loop3A_721, %parallel_loop3A_687 : vector<16xf32>
        %parallel_loop3A_723 = arith.index_cast %parallel_loop3A_684 : i32 to index
        %parallel_loop3A_724 = arith.constant 48 : index
        %parallel_loop3A_725 = tpu.vector_load %arg9[%parallel_loop3A_723, %parallel_loop3A_724] {strides = array<i32>} : memref<64x128xf32, #tpu.memory_space<vmem>>, vector<1x16xf32>,
        %parallel_loop3A_726 = vector.shape_cast %parallel_loop3A_725 : vector<1x16xf32> to vector<16xf32>
        %parallel_loop3A_727 = vector.shape_cast %parallel_loop3A_722 : vector<16xf32> to vector<1x16xf32>
        tpu.vector_store %arg9[%parallel_loop3A_723, %parallel_loop3A_724], %parallel_loop3A_727 {strides = array<i32>} : memref<64x128xf32, #tpu.memory_space<vmem>>, vector<1x16xf32>,
        %parallel_loop3A_728 = arith.index_cast %parallel_loop3A_684 : i32 to index
        %parallel_loop3A_729 = arith.constant 64 : index
        %parallel_loop3A_730 = tpu.vector_load %arg9[%parallel_loop3A_728, %parallel_loop3A_729] {strides = array<i32>} : memref<64x128xf32, #tpu.memory_space<vmem>>, vector<1x16xf32>,
        %parallel_loop3A_731 = vector.shape_cast %parallel_loop3A_730 : vector<1x16xf32> to vector<16xf32>
        %parallel_loop3A_732 = vector.shape_cast %parallel_loop3A_687 : vector<16xf32> to vector<1x16xf32>
        tpu.vector_store %arg9[%parallel_loop3A_728, %parallel_loop3A_729], %parallel_loop3A_732 {strides = array<i32>} : memref<64x128xf32, #tpu.memory_space<vmem>>, vector<1x16xf32>,
        %parallel_loop3A_733 = arith.constant 16 : i32
        %parallel_loop3A_734 = arith.muli %parallel_loop3A_552, %parallel_loop3A_733 : i32
        %parallel_loop3A_735 = arith.constant 3 : i32
        %parallel_loop3A_736 = arith.addi %parallel_loop3A_734, %parallel_loop3A_735 : i32
        %parallel_loop3A_737 = vector.extract_strided_slice %parallel_loop3A_560 {offsets = [3], sizes = [1], strides = [1]} : vector<16xf32> to vector<1xf32>
        %parallel_loop3A_738 = vector.extract %parallel_loop3A_737[0] : f32 from vector<1xf32>
        %parallel_loop3A_739 = vector.broadcast %parallel_loop3A_738 : f32 to vector<16xf32>
        %parallel_loop3A_740 = arith.index_cast %parallel_loop3A_736 : i32 to index
        %parallel_loop3A_741 = arith.constant 0 : index
        %parallel_loop3A_742 = tpu.vector_load %arg7[%parallel_loop3A_740, %parallel_loop3A_741] {strides = array<i32>} : memref<64x64xf32, #tpu.memory_space<vmem>>, vector<1x16xf32>,
        %parallel_loop3A_743 = vector.shape_cast %parallel_loop3A_742 : vector<1x16xf32> to vector<16xf32>
        %parallel_loop3A_744 = arith.mulf %parallel_loop3A_743, %parallel_loop3A_739 : vector<16xf32>
        %parallel_loop3A_745 = arith.index_cast %parallel_loop3A_736 : i32 to index
        %parallel_loop3A_746 = arith.constant 0 : index
        %parallel_loop3A_747 = tpu.vector_load %arg9[%parallel_loop3A_745, %parallel_loop3A_746] {strides = array<i32>} : memref<64x128xf32, #tpu.memory_space<vmem>>, vector<1x16xf32>,
        %parallel_loop3A_748 = vector.shape_cast %parallel_loop3A_747 : vector<1x16xf32> to vector<16xf32>
        %parallel_loop3A_749 = vector.shape_cast %parallel_loop3A_744 : vector<16xf32> to vector<1x16xf32>
        tpu.vector_store %arg9[%parallel_loop3A_745, %parallel_loop3A_746], %parallel_loop3A_749 {strides = array<i32>} : memref<64x128xf32, #tpu.memory_space<vmem>>, vector<1x16xf32>,
        %parallel_loop3A_750 = arith.index_cast %parallel_loop3A_736 : i32 to index
        %parallel_loop3A_751 = arith.constant 16 : index
        %parallel_loop3A_752 = tpu.vector_load %arg7[%parallel_loop3A_750, %parallel_loop3A_751] {strides = array<i32>} : memref<64x64xf32, #tpu.memory_space<vmem>>, vector<1x16xf32>,
        %parallel_loop3A_753 = vector.shape_cast %parallel_loop3A_752 : vector<1x16xf32> to vector<16xf32>
        %parallel_loop3A_754 = arith.mulf %parallel_loop3A_753, %parallel_loop3A_739 : vector<16xf32>
        %parallel_loop3A_755 = arith.index_cast %parallel_loop3A_736 : i32 to index
        %parallel_loop3A_756 = arith.constant 16 : index
        %parallel_loop3A_757 = tpu.vector_load %arg9[%parallel_loop3A_755, %parallel_loop3A_756] {strides = array<i32>} : memref<64x128xf32, #tpu.memory_space<vmem>>, vector<1x16xf32>,
        %parallel_loop3A_758 = vector.shape_cast %parallel_loop3A_757 : vector<1x16xf32> to vector<16xf32>
        %parallel_loop3A_759 = vector.shape_cast %parallel_loop3A_754 : vector<16xf32> to vector<1x16xf32>
        tpu.vector_store %arg9[%parallel_loop3A_755, %parallel_loop3A_756], %parallel_loop3A_759 {strides = array<i32>} : memref<64x128xf32, #tpu.memory_space<vmem>>, vector<1x16xf32>,
        %parallel_loop3A_760 = arith.index_cast %parallel_loop3A_736 : i32 to index
        %parallel_loop3A_761 = arith.constant 32 : index
        %parallel_loop3A_762 = tpu.vector_load %arg7[%parallel_loop3A_760, %parallel_loop3A_761] {strides = array<i32>} : memref<64x64xf32, #tpu.memory_space<vmem>>, vector<1x16xf32>,
        %parallel_loop3A_763 = vector.shape_cast %parallel_loop3A_762 : vector<1x16xf32> to vector<16xf32>
        %parallel_loop3A_764 = arith.mulf %parallel_loop3A_763, %parallel_loop3A_739 : vector<16xf32>
        %parallel_loop3A_765 = arith.index_cast %parallel_loop3A_736 : i32 to index
        %parallel_loop3A_766 = arith.constant 32 : index
        %parallel_loop3A_767 = tpu.vector_load %arg9[%parallel_loop3A_765, %parallel_loop3A_766] {strides = array<i32>} : memref<64x128xf32, #tpu.memory_space<vmem>>, vector<1x16xf32>,
        %parallel_loop3A_768 = vector.shape_cast %parallel_loop3A_767 : vector<1x16xf32> to vector<16xf32>
        %parallel_loop3A_769 = vector.shape_cast %parallel_loop3A_764 : vector<16xf32> to vector<1x16xf32>
        tpu.vector_store %arg9[%parallel_loop3A_765, %parallel_loop3A_766], %parallel_loop3A_769 {strides = array<i32>} : memref<64x128xf32, #tpu.memory_space<vmem>>, vector<1x16xf32>,
        %parallel_loop3A_770 = arith.index_cast %parallel_loop3A_736 : i32 to index
        %parallel_loop3A_771 = arith.constant 48 : index
        %parallel_loop3A_772 = tpu.vector_load %arg7[%parallel_loop3A_770, %parallel_loop3A_771] {strides = array<i32>} : memref<64x64xf32, #tpu.memory_space<vmem>>, vector<1x16xf32>,
        %parallel_loop3A_773 = vector.shape_cast %parallel_loop3A_772 : vector<1x16xf32> to vector<16xf32>
        %parallel_loop3A_774 = arith.mulf %parallel_loop3A_773, %parallel_loop3A_739 : vector<16xf32>
        %parallel_loop3A_775 = arith.index_cast %parallel_loop3A_736 : i32 to index
        %parallel_loop3A_776 = arith.constant 48 : index
        %parallel_loop3A_777 = tpu.vector_load %arg9[%parallel_loop3A_775, %parallel_loop3A_776] {strides = array<i32>} : memref<64x128xf32, #tpu.memory_space<vmem>>, vector<1x16xf32>,
        %parallel_loop3A_778 = vector.shape_cast %parallel_loop3A_777 : vector<1x16xf32> to vector<16xf32>
        %parallel_loop3A_779 = vector.shape_cast %parallel_loop3A_774 : vector<16xf32> to vector<1x16xf32>
        tpu.vector_store %arg9[%parallel_loop3A_775, %parallel_loop3A_776], %parallel_loop3A_779 {strides = array<i32>} : memref<64x128xf32, #tpu.memory_space<vmem>>, vector<1x16xf32>,
        %parallel_loop3A_780 = arith.index_cast %parallel_loop3A_736 : i32 to index
        %parallel_loop3A_781 = arith.constant 64 : index
        %parallel_loop3A_782 = tpu.vector_load %arg9[%parallel_loop3A_780, %parallel_loop3A_781] {strides = array<i32>} : memref<64x128xf32, #tpu.memory_space<vmem>>, vector<1x16xf32>,
        %parallel_loop3A_783 = vector.shape_cast %parallel_loop3A_782 : vector<1x16xf32> to vector<16xf32>
        %parallel_loop3A_784 = vector.shape_cast %parallel_loop3A_739 : vector<16xf32> to vector<1x16xf32>
        tpu.vector_store %arg9[%parallel_loop3A_780, %parallel_loop3A_781], %parallel_loop3A_784 {strides = array<i32>} : memref<64x128xf32, #tpu.memory_space<vmem>>, vector<1x16xf32>,
        %parallel_loop3A_785 = arith.constant 16 : i32
        %parallel_loop3A_786 = arith.muli %parallel_loop3A_552, %parallel_loop3A_785 : i32
        %parallel_loop3A_787 = arith.constant 4 : i32
        %parallel_loop3A_788 = arith.addi %parallel_loop3A_786, %parallel_loop3A_787 : i32
        %parallel_loop3A_789 = vector.extract_strided_slice %parallel_loop3A_560 {offsets = [4], sizes = [1], strides = [1]} : vector<16xf32> to vector<1xf32>
        %parallel_loop3A_790 = vector.extract %parallel_loop3A_789[0] : f32 from vector<1xf32>
        %parallel_loop3A_791 = vector.broadcast %parallel_loop3A_790 : f32 to vector<16xf32>
        %parallel_loop3A_792 = arith.index_cast %parallel_loop3A_788 : i32 to index
        %parallel_loop3A_793 = arith.constant 0 : index
        %parallel_loop3A_794 = tpu.vector_load %arg7[%parallel_loop3A_792, %parallel_loop3A_793] {strides = array<i32>} : memref<64x64xf32, #tpu.memory_space<vmem>>, vector<1x16xf32>,
        %parallel_loop3A_795 = vector.shape_cast %parallel_loop3A_794 : vector<1x16xf32> to vector<16xf32>
        %parallel_loop3A_796 = arith.mulf %parallel_loop3A_795, %parallel_loop3A_791 : vector<16xf32>
        %parallel_loop3A_797 = arith.index_cast %parallel_loop3A_788 : i32 to index
        %parallel_loop3A_798 = arith.constant 0 : index
        %parallel_loop3A_799 = tpu.vector_load %arg9[%parallel_loop3A_797, %parallel_loop3A_798] {strides = array<i32>} : memref<64x128xf32, #tpu.memory_space<vmem>>, vector<1x16xf32>,
        %parallel_loop3A_800 = vector.shape_cast %parallel_loop3A_799 : vector<1x16xf32> to vector<16xf32>
        %parallel_loop3A_801 = vector.shape_cast %parallel_loop3A_796 : vector<16xf32> to vector<1x16xf32>
        tpu.vector_store %arg9[%parallel_loop3A_797, %parallel_loop3A_798], %parallel_loop3A_801 {strides = array<i32>} : memref<64x128xf32, #tpu.memory_space<vmem>>, vector<1x16xf32>,
        %parallel_loop3A_802 = arith.index_cast %parallel_loop3A_788 : i32 to index
        %parallel_loop3A_803 = arith.constant 16 : index
        %parallel_loop3A_804 = tpu.vector_load %arg7[%parallel_loop3A_802, %parallel_loop3A_803] {strides = array<i32>} : memref<64x64xf32, #tpu.memory_space<vmem>>, vector<1x16xf32>,
        %parallel_loop3A_805 = vector.shape_cast %parallel_loop3A_804 : vector<1x16xf32> to vector<16xf32>
        %parallel_loop3A_806 = arith.mulf %parallel_loop3A_805, %parallel_loop3A_791 : vector<16xf32>
        %parallel_loop3A_807 = arith.index_cast %parallel_loop3A_788 : i32 to index
        %parallel_loop3A_808 = arith.constant 16 : index
        %parallel_loop3A_809 = tpu.vector_load %arg9[%parallel_loop3A_807, %parallel_loop3A_808] {strides = array<i32>} : memref<64x128xf32, #tpu.memory_space<vmem>>, vector<1x16xf32>,
        %parallel_loop3A_810 = vector.shape_cast %parallel_loop3A_809 : vector<1x16xf32> to vector<16xf32>
        %parallel_loop3A_811 = vector.shape_cast %parallel_loop3A_806 : vector<16xf32> to vector<1x16xf32>
        tpu.vector_store %arg9[%parallel_loop3A_807, %parallel_loop3A_808], %parallel_loop3A_811 {strides = array<i32>} : memref<64x128xf32, #tpu.memory_space<vmem>>, vector<1x16xf32>,
        %parallel_loop3A_812 = arith.index_cast %parallel_loop3A_788 : i32 to index
        %parallel_loop3A_813 = arith.constant 32 : index
        %parallel_loop3A_814 = tpu.vector_load %arg7[%parallel_loop3A_812, %parallel_loop3A_813] {strides = array<i32>} : memref<64x64xf32, #tpu.memory_space<vmem>>, vector<1x16xf32>,
        %parallel_loop3A_815 = vector.shape_cast %parallel_loop3A_814 : vector<1x16xf32> to vector<16xf32>
        %parallel_loop3A_816 = arith.mulf %parallel_loop3A_815, %parallel_loop3A_791 : vector<16xf32>
        %parallel_loop3A_817 = arith.index_cast %parallel_loop3A_788 : i32 to index
        %parallel_loop3A_818 = arith.constant 32 : index
        %parallel_loop3A_819 = tpu.vector_load %arg9[%parallel_loop3A_817, %parallel_loop3A_818] {strides = array<i32>} : memref<64x128xf32, #tpu.memory_space<vmem>>, vector<1x16xf32>,
        %parallel_loop3A_820 = vector.shape_cast %parallel_loop3A_819 : vector<1x16xf32> to vector<16xf32>
        %parallel_loop3A_821 = vector.shape_cast %parallel_loop3A_816 : vector<16xf32> to vector<1x16xf32>
        tpu.vector_store %arg9[%parallel_loop3A_817, %parallel_loop3A_818], %parallel_loop3A_821 {strides = array<i32>} : memref<64x128xf32, #tpu.memory_space<vmem>>, vector<1x16xf32>,
        %parallel_loop3A_822 = arith.index_cast %parallel_loop3A_788 : i32 to index
        %parallel_loop3A_823 = arith.constant 48 : index
        %parallel_loop3A_824 = tpu.vector_load %arg7[%parallel_loop3A_822, %parallel_loop3A_823] {strides = array<i32>} : memref<64x64xf32, #tpu.memory_space<vmem>>, vector<1x16xf32>,
        %parallel_loop3A_825 = vector.shape_cast %parallel_loop3A_824 : vector<1x16xf32> to vector<16xf32>
        %parallel_loop3A_826 = arith.mulf %parallel_loop3A_825, %parallel_loop3A_791 : vector<16xf32>
        %parallel_loop3A_827 = arith.index_cast %parallel_loop3A_788 : i32 to index
        %parallel_loop3A_828 = arith.constant 48 : index
        %parallel_loop3A_829 = tpu.vector_load %arg9[%parallel_loop3A_827, %parallel_loop3A_828] {strides = array<i32>} : memref<64x128xf32, #tpu.memory_space<vmem>>, vector<1x16xf32>,
        %parallel_loop3A_830 = vector.shape_cast %parallel_loop3A_829 : vector<1x16xf32> to vector<16xf32>
        %parallel_loop3A_831 = vector.shape_cast %parallel_loop3A_826 : vector<16xf32> to vector<1x16xf32>
        tpu.vector_store %arg9[%parallel_loop3A_827, %parallel_loop3A_828], %parallel_loop3A_831 {strides = array<i32>} : memref<64x128xf32, #tpu.memory_space<vmem>>, vector<1x16xf32>,
        %parallel_loop3A_832 = arith.index_cast %parallel_loop3A_788 : i32 to index
        %parallel_loop3A_833 = arith.constant 64 : index
        %parallel_loop3A_834 = tpu.vector_load %arg9[%parallel_loop3A_832, %parallel_loop3A_833] {strides = array<i32>} : memref<64x128xf32, #tpu.memory_space<vmem>>, vector<1x16xf32>,
        %parallel_loop3A_835 = vector.shape_cast %parallel_loop3A_834 : vector<1x16xf32> to vector<16xf32>
        %parallel_loop3A_836 = vector.shape_cast %parallel_loop3A_791 : vector<16xf32> to vector<1x16xf32>
        tpu.vector_store %arg9[%parallel_loop3A_832, %parallel_loop3A_833], %parallel_loop3A_836 {strides = array<i32>} : memref<64x128xf32, #tpu.memory_space<vmem>>, vector<1x16xf32>,
        %parallel_loop3A_837 = arith.constant 16 : i32
        %parallel_loop3A_838 = arith.muli %parallel_loop3A_552, %parallel_loop3A_837 : i32
        %parallel_loop3A_839 = arith.constant 5 : i32
        %parallel_loop3A_840 = arith.addi %parallel_loop3A_838, %parallel_loop3A_839 : i32
        %parallel_loop3A_841 = vector.extract_strided_slice %parallel_loop3A_560 {offsets = [5], sizes = [1], strides = [1]} : vector<16xf32> to vector<1xf32>
        %parallel_loop3A_842 = vector.extract %parallel_loop3A_841[0] : f32 from vector<1xf32>
        %parallel_loop3A_843 = vector.broadcast %parallel_loop3A_842 : f32 to vector<16xf32>
        %parallel_loop3A_844 = arith.index_cast %parallel_loop3A_840 : i32 to index
        %parallel_loop3A_845 = arith.constant 0 : index
        %parallel_loop3A_846 = tpu.vector_load %arg7[%parallel_loop3A_844, %parallel_loop3A_845] {strides = array<i32>} : memref<64x64xf32, #tpu.memory_space<vmem>>, vector<1x16xf32>,
        %parallel_loop3A_847 = vector.shape_cast %parallel_loop3A_846 : vector<1x16xf32> to vector<16xf32>
        %parallel_loop3A_848 = arith.mulf %parallel_loop3A_847, %parallel_loop3A_843 : vector<16xf32>
        %parallel_loop3A_849 = arith.index_cast %parallel_loop3A_840 : i32 to index
        %parallel_loop3A_850 = arith.constant 0 : index
        %parallel_loop3A_851 = tpu.vector_load %arg9[%parallel_loop3A_849, %parallel_loop3A_850] {strides = array<i32>} : memref<64x128xf32, #tpu.memory_space<vmem>>, vector<1x16xf32>,
        %parallel_loop3A_852 = vector.shape_cast %parallel_loop3A_851 : vector<1x16xf32> to vector<16xf32>
        %parallel_loop3A_853 = vector.shape_cast %parallel_loop3A_848 : vector<16xf32> to vector<1x16xf32>
        tpu.vector_store %arg9[%parallel_loop3A_849, %parallel_loop3A_850], %parallel_loop3A_853 {strides = array<i32>} : memref<64x128xf32, #tpu.memory_space<vmem>>, vector<1x16xf32>,
        %parallel_loop3A_854 = arith.index_cast %parallel_loop3A_840 : i32 to index
        %parallel_loop3A_855 = arith.constant 16 : index
        %parallel_loop3A_856 = tpu.vector_load %arg7[%parallel_loop3A_854, %parallel_loop3A_855] {strides = array<i32>} : memref<64x64xf32, #tpu.memory_space<vmem>>, vector<1x16xf32>,
        %parallel_loop3A_857 = vector.shape_cast %parallel_loop3A_856 : vector<1x16xf32> to vector<16xf32>
        %parallel_loop3A_858 = arith.mulf %parallel_loop3A_857, %parallel_loop3A_843 : vector<16xf32>
        %parallel_loop3A_859 = arith.index_cast %parallel_loop3A_840 : i32 to index
        %parallel_loop3A_860 = arith.constant 16 : index
        %parallel_loop3A_861 = tpu.vector_load %arg9[%parallel_loop3A_859, %parallel_loop3A_860] {strides = array<i32>} : memref<64x128xf32, #tpu.memory_space<vmem>>, vector<1x16xf32>,
        %parallel_loop3A_862 = vector.shape_cast %parallel_loop3A_861 : vector<1x16xf32> to vector<16xf32>
        %parallel_loop3A_863 = vector.shape_cast %parallel_loop3A_858 : vector<16xf32> to vector<1x16xf32>
        tpu.vector_store %arg9[%parallel_loop3A_859, %parallel_loop3A_860], %parallel_loop3A_863 {strides = array<i32>} : memref<64x128xf32, #tpu.memory_space<vmem>>, vector<1x16xf32>,
        %parallel_loop3A_864 = arith.index_cast %parallel_loop3A_840 : i32 to index
        %parallel_loop3A_865 = arith.constant 32 : index
        %parallel_loop3A_866 = tpu.vector_load %arg7[%parallel_loop3A_864, %parallel_loop3A_865] {strides = array<i32>} : memref<64x64xf32, #tpu.memory_space<vmem>>, vector<1x16xf32>,
        %parallel_loop3A_867 = vector.shape_cast %parallel_loop3A_866 : vector<1x16xf32> to vector<16xf32>
        %parallel_loop3A_868 = arith.mulf %parallel_loop3A_867, %parallel_loop3A_843 : vector<16xf32>
        %parallel_loop3A_869 = arith.index_cast %parallel_loop3A_840 : i32 to index
        %parallel_loop3A_870 = arith.constant 32 : index
        %parallel_loop3A_871 = tpu.vector_load %arg9[%parallel_loop3A_869, %parallel_loop3A_870] {strides = array<i32>} : memref<64x128xf32, #tpu.memory_space<vmem>>, vector<1x16xf32>,
        %parallel_loop3A_872 = vector.shape_cast %parallel_loop3A_871 : vector<1x16xf32> to vector<16xf32>
        %parallel_loop3A_873 = vector.shape_cast %parallel_loop3A_868 : vector<16xf32> to vector<1x16xf32>
        tpu.vector_store %arg9[%parallel_loop3A_869, %parallel_loop3A_870], %parallel_loop3A_873 {strides = array<i32>} : memref<64x128xf32, #tpu.memory_space<vmem>>, vector<1x16xf32>,
        %parallel_loop3A_874 = arith.index_cast %parallel_loop3A_840 : i32 to index
        %parallel_loop3A_875 = arith.constant 48 : index
        %parallel_loop3A_876 = tpu.vector_load %arg7[%parallel_loop3A_874, %parallel_loop3A_875] {strides = array<i32>} : memref<64x64xf32, #tpu.memory_space<vmem>>, vector<1x16xf32>,
        %parallel_loop3A_877 = vector.shape_cast %parallel_loop3A_876 : vector<1x16xf32> to vector<16xf32>
        %parallel_loop3A_878 = arith.mulf %parallel_loop3A_877, %parallel_loop3A_843 : vector<16xf32>
        %parallel_loop3A_879 = arith.index_cast %parallel_loop3A_840 : i32 to index
        %parallel_loop3A_880 = arith.constant 48 : index
        %parallel_loop3A_881 = tpu.vector_load %arg9[%parallel_loop3A_879, %parallel_loop3A_880] {strides = array<i32>} : memref<64x128xf32, #tpu.memory_space<vmem>>, vector<1x16xf32>,
        %parallel_loop3A_882 = vector.shape_cast %parallel_loop3A_881 : vector<1x16xf32> to vector<16xf32>
        %parallel_loop3A_883 = vector.shape_cast %parallel_loop3A_878 : vector<16xf32> to vector<1x16xf32>
        tpu.vector_store %arg9[%parallel_loop3A_879, %parallel_loop3A_880], %parallel_loop3A_883 {strides = array<i32>} : memref<64x128xf32, #tpu.memory_space<vmem>>, vector<1x16xf32>,
        %parallel_loop3A_884 = arith.index_cast %parallel_loop3A_840 : i32 to index
        %parallel_loop3A_885 = arith.constant 64 : index
        %parallel_loop3A_886 = tpu.vector_load %arg9[%parallel_loop3A_884, %parallel_loop3A_885] {strides = array<i32>} : memref<64x128xf32, #tpu.memory_space<vmem>>, vector<1x16xf32>,
        %parallel_loop3A_887 = vector.shape_cast %parallel_loop3A_886 : vector<1x16xf32> to vector<16xf32>
        %parallel_loop3A_888 = vector.shape_cast %parallel_loop3A_843 : vector<16xf32> to vector<1x16xf32>
        tpu.vector_store %arg9[%parallel_loop3A_884, %parallel_loop3A_885], %parallel_loop3A_888 {strides = array<i32>} : memref<64x128xf32, #tpu.memory_space<vmem>>, vector<1x16xf32>,
        %parallel_loop3A_889 = arith.constant 16 : i32
        %parallel_loop3A_890 = arith.muli %parallel_loop3A_552, %parallel_loop3A_889 : i32
        %parallel_loop3A_891 = arith.constant 6 : i32
        %parallel_loop3A_892 = arith.addi %parallel_loop3A_890, %parallel_loop3A_891 : i32
        %parallel_loop3A_893 = vector.extract_strided_slice %parallel_loop3A_560 {offsets = [6], sizes = [1], strides = [1]} : vector<16xf32> to vector<1xf32>
        %parallel_loop3A_894 = vector.extract %parallel_loop3A_893[0] : f32 from vector<1xf32>
        %parallel_loop3A_895 = vector.broadcast %parallel_loop3A_894 : f32 to vector<16xf32>
        %parallel_loop3A_896 = arith.index_cast %parallel_loop3A_892 : i32 to index
        %parallel_loop3A_897 = arith.constant 0 : index
        %parallel_loop3A_898 = tpu.vector_load %arg7[%parallel_loop3A_896, %parallel_loop3A_897] {strides = array<i32>} : memref<64x64xf32, #tpu.memory_space<vmem>>, vector<1x16xf32>,
        %parallel_loop3A_899 = vector.shape_cast %parallel_loop3A_898 : vector<1x16xf32> to vector<16xf32>
        %parallel_loop3A_900 = arith.mulf %parallel_loop3A_899, %parallel_loop3A_895 : vector<16xf32>
        %parallel_loop3A_901 = arith.index_cast %parallel_loop3A_892 : i32 to index
        %parallel_loop3A_902 = arith.constant 0 : index
        %parallel_loop3A_903 = tpu.vector_load %arg9[%parallel_loop3A_901, %parallel_loop3A_902] {strides = array<i32>} : memref<64x128xf32, #tpu.memory_space<vmem>>, vector<1x16xf32>,
        %parallel_loop3A_904 = vector.shape_cast %parallel_loop3A_903 : vector<1x16xf32> to vector<16xf32>
        %parallel_loop3A_905 = vector.shape_cast %parallel_loop3A_900 : vector<16xf32> to vector<1x16xf32>
        tpu.vector_store %arg9[%parallel_loop3A_901, %parallel_loop3A_902], %parallel_loop3A_905 {strides = array<i32>} : memref<64x128xf32, #tpu.memory_space<vmem>>, vector<1x16xf32>,
        %parallel_loop3A_906 = arith.index_cast %parallel_loop3A_892 : i32 to index
        %parallel_loop3A_907 = arith.constant 16 : index
        %parallel_loop3A_908 = tpu.vector_load %arg7[%parallel_loop3A_906, %parallel_loop3A_907] {strides = array<i32>} : memref<64x64xf32, #tpu.memory_space<vmem>>, vector<1x16xf32>,
        %parallel_loop3A_909 = vector.shape_cast %parallel_loop3A_908 : vector<1x16xf32> to vector<16xf32>
        %parallel_loop3A_910 = arith.mulf %parallel_loop3A_909, %parallel_loop3A_895 : vector<16xf32>
        %parallel_loop3A_911 = arith.index_cast %parallel_loop3A_892 : i32 to index
        %parallel_loop3A_912 = arith.constant 16 : index
        %parallel_loop3A_913 = tpu.vector_load %arg9[%parallel_loop3A_911, %parallel_loop3A_912] {strides = array<i32>} : memref<64x128xf32, #tpu.memory_space<vmem>>, vector<1x16xf32>,
        %parallel_loop3A_914 = vector.shape_cast %parallel_loop3A_913 : vector<1x16xf32> to vector<16xf32>
        %parallel_loop3A_915 = vector.shape_cast %parallel_loop3A_910 : vector<16xf32> to vector<1x16xf32>
        tpu.vector_store %arg9[%parallel_loop3A_911, %parallel_loop3A_912], %parallel_loop3A_915 {strides = array<i32>} : memref<64x128xf32, #tpu.memory_space<vmem>>, vector<1x16xf32>,
        %parallel_loop3A_916 = arith.index_cast %parallel_loop3A_892 : i32 to index
        %parallel_loop3A_917 = arith.constant 32 : index
        %parallel_loop3A_918 = tpu.vector_load %arg7[%parallel_loop3A_916, %parallel_loop3A_917] {strides = array<i32>} : memref<64x64xf32, #tpu.memory_space<vmem>>, vector<1x16xf32>,
        %parallel_loop3A_919 = vector.shape_cast %parallel_loop3A_918 : vector<1x16xf32> to vector<16xf32>
        %parallel_loop3A_920 = arith.mulf %parallel_loop3A_919, %parallel_loop3A_895 : vector<16xf32>
        %parallel_loop3A_921 = arith.index_cast %parallel_loop3A_892 : i32 to index
        %parallel_loop3A_922 = arith.constant 32 : index
        %parallel_loop3A_923 = tpu.vector_load %arg9[%parallel_loop3A_921, %parallel_loop3A_922] {strides = array<i32>} : memref<64x128xf32, #tpu.memory_space<vmem>>, vector<1x16xf32>,
        %parallel_loop3A_924 = vector.shape_cast %parallel_loop3A_923 : vector<1x16xf32> to vector<16xf32>
        %parallel_loop3A_925 = vector.shape_cast %parallel_loop3A_920 : vector<16xf32> to vector<1x16xf32>
        tpu.vector_store %arg9[%parallel_loop3A_921, %parallel_loop3A_922], %parallel_loop3A_925 {strides = array<i32>} : memref<64x128xf32, #tpu.memory_space<vmem>>, vector<1x16xf32>,
        %parallel_loop3A_926 = arith.index_cast %parallel_loop3A_892 : i32 to index
        %parallel_loop3A_927 = arith.constant 48 : index
        %parallel_loop3A_928 = tpu.vector_load %arg7[%parallel_loop3A_926, %parallel_loop3A_927] {strides = array<i32>} : memref<64x64xf32, #tpu.memory_space<vmem>>, vector<1x16xf32>,
        %parallel_loop3A_929 = vector.shape_cast %parallel_loop3A_928 : vector<1x16xf32> to vector<16xf32>
        %parallel_loop3A_930 = arith.mulf %parallel_loop3A_929, %parallel_loop3A_895 : vector<16xf32>
        %parallel_loop3A_931 = arith.index_cast %parallel_loop3A_892 : i32 to index
        %parallel_loop3A_932 = arith.constant 48 : index
        %parallel_loop3A_933 = tpu.vector_load %arg9[%parallel_loop3A_931, %parallel_loop3A_932] {strides = array<i32>} : memref<64x128xf32, #tpu.memory_space<vmem>>, vector<1x16xf32>,
        %parallel_loop3A_934 = vector.shape_cast %parallel_loop3A_933 : vector<1x16xf32> to vector<16xf32>
        %parallel_loop3A_935 = vector.shape_cast %parallel_loop3A_930 : vector<16xf32> to vector<1x16xf32>
        tpu.vector_store %arg9[%parallel_loop3A_931, %parallel_loop3A_932], %parallel_loop3A_935 {strides = array<i32>} : memref<64x128xf32, #tpu.memory_space<vmem>>, vector<1x16xf32>,
        %parallel_loop3A_936 = arith.index_cast %parallel_loop3A_892 : i32 to index
        %parallel_loop3A_937 = arith.constant 64 : index
        %parallel_loop3A_938 = tpu.vector_load %arg9[%parallel_loop3A_936, %parallel_loop3A_937] {strides = array<i32>} : memref<64x128xf32, #tpu.memory_space<vmem>>, vector<1x16xf32>,
        %parallel_loop3A_939 = vector.shape_cast %parallel_loop3A_938 : vector<1x16xf32> to vector<16xf32>
        %parallel_loop3A_940 = vector.shape_cast %parallel_loop3A_895 : vector<16xf32> to vector<1x16xf32>
        tpu.vector_store %arg9[%parallel_loop3A_936, %parallel_loop3A_937], %parallel_loop3A_940 {strides = array<i32>} : memref<64x128xf32, #tpu.memory_space<vmem>>, vector<1x16xf32>,
        %parallel_loop3A_941 = arith.constant 16 : i32
        %parallel_loop3A_942 = arith.muli %parallel_loop3A_552, %parallel_loop3A_941 : i32
        %parallel_loop3A_943 = arith.constant 7 : i32
        %parallel_loop3A_944 = arith.addi %parallel_loop3A_942, %parallel_loop3A_943 : i32
        %parallel_loop3A_945 = vector.extract_strided_slice %parallel_loop3A_560 {offsets = [7], sizes = [1], strides = [1]} : vector<16xf32> to vector<1xf32>
        %parallel_loop3A_946 = vector.extract %parallel_loop3A_945[0] : f32 from vector<1xf32>
        %parallel_loop3A_947 = vector.broadcast %parallel_loop3A_946 : f32 to vector<16xf32>
        %parallel_loop3A_948 = arith.index_cast %parallel_loop3A_944 : i32 to index
        %parallel_loop3A_949 = arith.constant 0 : index
        %parallel_loop3A_950 = tpu.vector_load %arg7[%parallel_loop3A_948, %parallel_loop3A_949] {strides = array<i32>} : memref<64x64xf32, #tpu.memory_space<vmem>>, vector<1x16xf32>,
        %parallel_loop3A_951 = vector.shape_cast %parallel_loop3A_950 : vector<1x16xf32> to vector<16xf32>
        %parallel_loop3A_952 = arith.mulf %parallel_loop3A_951, %parallel_loop3A_947 : vector<16xf32>
        %parallel_loop3A_953 = arith.index_cast %parallel_loop3A_944 : i32 to index
        %parallel_loop3A_954 = arith.constant 0 : index
        %parallel_loop3A_955 = tpu.vector_load %arg9[%parallel_loop3A_953, %parallel_loop3A_954] {strides = array<i32>} : memref<64x128xf32, #tpu.memory_space<vmem>>, vector<1x16xf32>,
        %parallel_loop3A_956 = vector.shape_cast %parallel_loop3A_955 : vector<1x16xf32> to vector<16xf32>
        %parallel_loop3A_957 = vector.shape_cast %parallel_loop3A_952 : vector<16xf32> to vector<1x16xf32>
        tpu.vector_store %arg9[%parallel_loop3A_953, %parallel_loop3A_954], %parallel_loop3A_957 {strides = array<i32>} : memref<64x128xf32, #tpu.memory_space<vmem>>, vector<1x16xf32>,
        %parallel_loop3A_958 = arith.index_cast %parallel_loop3A_944 : i32 to index
        %parallel_loop3A_959 = arith.constant 16 : index
        %parallel_loop3A_960 = tpu.vector_load %arg7[%parallel_loop3A_958, %parallel_loop3A_959] {strides = array<i32>} : memref<64x64xf32, #tpu.memory_space<vmem>>, vector<1x16xf32>,
        %parallel_loop3A_961 = vector.shape_cast %parallel_loop3A_960 : vector<1x16xf32> to vector<16xf32>
        %parallel_loop3A_962 = arith.mulf %parallel_loop3A_961, %parallel_loop3A_947 : vector<16xf32>
        %parallel_loop3A_963 = arith.index_cast %parallel_loop3A_944 : i32 to index
        %parallel_loop3A_964 = arith.constant 16 : index
        %parallel_loop3A_965 = tpu.vector_load %arg9[%parallel_loop3A_963, %parallel_loop3A_964] {strides = array<i32>} : memref<64x128xf32, #tpu.memory_space<vmem>>, vector<1x16xf32>,
        %parallel_loop3A_966 = vector.shape_cast %parallel_loop3A_965 : vector<1x16xf32> to vector<16xf32>
        %parallel_loop3A_967 = vector.shape_cast %parallel_loop3A_962 : vector<16xf32> to vector<1x16xf32>
        tpu.vector_store %arg9[%parallel_loop3A_963, %parallel_loop3A_964], %parallel_loop3A_967 {strides = array<i32>} : memref<64x128xf32, #tpu.memory_space<vmem>>, vector<1x16xf32>,
        %parallel_loop3A_968 = arith.index_cast %parallel_loop3A_944 : i32 to index
        %parallel_loop3A_969 = arith.constant 32 : index
        %parallel_loop3A_970 = tpu.vector_load %arg7[%parallel_loop3A_968, %parallel_loop3A_969] {strides = array<i32>} : memref<64x64xf32, #tpu.memory_space<vmem>>, vector<1x16xf32>,
        %parallel_loop3A_971 = vector.shape_cast %parallel_loop3A_970 : vector<1x16xf32> to vector<16xf32>
        %parallel_loop3A_972 = arith.mulf %parallel_loop3A_971, %parallel_loop3A_947 : vector<16xf32>
        %parallel_loop3A_973 = arith.index_cast %parallel_loop3A_944 : i32 to index
        %parallel_loop3A_974 = arith.constant 32 : index
        %parallel_loop3A_975 = tpu.vector_load %arg9[%parallel_loop3A_973, %parallel_loop3A_974] {strides = array<i32>} : memref<64x128xf32, #tpu.memory_space<vmem>>, vector<1x16xf32>,
        %parallel_loop3A_976 = vector.shape_cast %parallel_loop3A_975 : vector<1x16xf32> to vector<16xf32>
        %parallel_loop3A_977 = vector.shape_cast %parallel_loop3A_972 : vector<16xf32> to vector<1x16xf32>
        tpu.vector_store %arg9[%parallel_loop3A_973, %parallel_loop3A_974], %parallel_loop3A_977 {strides = array<i32>} : memref<64x128xf32, #tpu.memory_space<vmem>>, vector<1x16xf32>,
        %parallel_loop3A_978 = arith.index_cast %parallel_loop3A_944 : i32 to index
        %parallel_loop3A_979 = arith.constant 48 : index
        %parallel_loop3A_980 = tpu.vector_load %arg7[%parallel_loop3A_978, %parallel_loop3A_979] {strides = array<i32>} : memref<64x64xf32, #tpu.memory_space<vmem>>, vector<1x16xf32>,
        %parallel_loop3A_981 = vector.shape_cast %parallel_loop3A_980 : vector<1x16xf32> to vector<16xf32>
        %parallel_loop3A_982 = arith.mulf %parallel_loop3A_981, %parallel_loop3A_947 : vector<16xf32>
        %parallel_loop3A_983 = arith.index_cast %parallel_loop3A_944 : i32 to index
        %parallel_loop3A_984 = arith.constant 48 : index
        %parallel_loop3A_985 = tpu.vector_load %arg9[%parallel_loop3A_983, %parallel_loop3A_984] {strides = array<i32>} : memref<64x128xf32, #tpu.memory_space<vmem>>, vector<1x16xf32>,
        %parallel_loop3A_986 = vector.shape_cast %parallel_loop3A_985 : vector<1x16xf32> to vector<16xf32>
        %parallel_loop3A_987 = vector.shape_cast %parallel_loop3A_982 : vector<16xf32> to vector<1x16xf32>
        tpu.vector_store %arg9[%parallel_loop3A_983, %parallel_loop3A_984], %parallel_loop3A_987 {strides = array<i32>} : memref<64x128xf32, #tpu.memory_space<vmem>>, vector<1x16xf32>,
        %parallel_loop3A_988 = arith.index_cast %parallel_loop3A_944 : i32 to index
        %parallel_loop3A_989 = arith.constant 64 : index
        %parallel_loop3A_990 = tpu.vector_load %arg9[%parallel_loop3A_988, %parallel_loop3A_989] {strides = array<i32>} : memref<64x128xf32, #tpu.memory_space<vmem>>, vector<1x16xf32>,
        %parallel_loop3A_991 = vector.shape_cast %parallel_loop3A_990 : vector<1x16xf32> to vector<16xf32>
        %parallel_loop3A_992 = vector.shape_cast %parallel_loop3A_947 : vector<16xf32> to vector<1x16xf32>
        tpu.vector_store %arg9[%parallel_loop3A_988, %parallel_loop3A_989], %parallel_loop3A_992 {strides = array<i32>} : memref<64x128xf32, #tpu.memory_space<vmem>>, vector<1x16xf32>,
        %parallel_loop3A_993 = arith.constant 16 : i32
        %parallel_loop3A_994 = arith.muli %parallel_loop3A_552, %parallel_loop3A_993 : i32
        %parallel_loop3A_995 = arith.constant 8 : i32
        %parallel_loop3A_996 = arith.addi %parallel_loop3A_994, %parallel_loop3A_995 : i32
        %parallel_loop3A_997 = vector.extract_strided_slice %parallel_loop3A_560 {offsets = [8], sizes = [1], strides = [1]} : vector<16xf32> to vector<1xf32>
        %parallel_loop3A_998 = vector.extract %parallel_loop3A_997[0] : f32 from vector<1xf32>
        %parallel_loop3A_999 = vector.broadcast %parallel_loop3A_998 : f32 to vector<16xf32>
        %parallel_loop3A_1000 = arith.index_cast %parallel_loop3A_996 : i32 to index
        %parallel_loop3A_1001 = arith.constant 0 : index
        %parallel_loop3A_1002 = tpu.vector_load %arg7[%parallel_loop3A_1000, %parallel_loop3A_1001] {strides = array<i32>} : memref<64x64xf32, #tpu.memory_space<vmem>>, vector<1x16xf32>,
        %parallel_loop3A_1003 = vector.shape_cast %parallel_loop3A_1002 : vector<1x16xf32> to vector<16xf32>
        %parallel_loop3A_1004 = arith.mulf %parallel_loop3A_1003, %parallel_loop3A_999 : vector<16xf32>
        %parallel_loop3A_1005 = arith.index_cast %parallel_loop3A_996 : i32 to index
        %parallel_loop3A_1006 = arith.constant 0 : index
        %parallel_loop3A_1007 = tpu.vector_load %arg9[%parallel_loop3A_1005, %parallel_loop3A_1006] {strides = array<i32>} : memref<64x128xf32, #tpu.memory_space<vmem>>, vector<1x16xf32>,
        %parallel_loop3A_1008 = vector.shape_cast %parallel_loop3A_1007 : vector<1x16xf32> to vector<16xf32>
        %parallel_loop3A_1009 = vector.shape_cast %parallel_loop3A_1004 : vector<16xf32> to vector<1x16xf32>
        tpu.vector_store %arg9[%parallel_loop3A_1005, %parallel_loop3A_1006], %parallel_loop3A_1009 {strides = array<i32>} : memref<64x128xf32, #tpu.memory_space<vmem>>, vector<1x16xf32>,
        %parallel_loop3A_1010 = arith.index_cast %parallel_loop3A_996 : i32 to index
        %parallel_loop3A_1011 = arith.constant 16 : index
        %parallel_loop3A_1012 = tpu.vector_load %arg7[%parallel_loop3A_1010, %parallel_loop3A_1011] {strides = array<i32>} : memref<64x64xf32, #tpu.memory_space<vmem>>, vector<1x16xf32>,
        %parallel_loop3A_1013 = vector.shape_cast %parallel_loop3A_1012 : vector<1x16xf32> to vector<16xf32>
        %parallel_loop3A_1014 = arith.mulf %parallel_loop3A_1013, %parallel_loop3A_999 : vector<16xf32>
        %parallel_loop3A_1015 = arith.index_cast %parallel_loop3A_996 : i32 to index
        %parallel_loop3A_1016 = arith.constant 16 : index
        %parallel_loop3A_1017 = tpu.vector_load %arg9[%parallel_loop3A_1015, %parallel_loop3A_1016] {strides = array<i32>} : memref<64x128xf32, #tpu.memory_space<vmem>>, vector<1x16xf32>,
        %parallel_loop3A_1018 = vector.shape_cast %parallel_loop3A_1017 : vector<1x16xf32> to vector<16xf32>
        %parallel_loop3A_1019 = vector.shape_cast %parallel_loop3A_1014 : vector<16xf32> to vector<1x16xf32>
        tpu.vector_store %arg9[%parallel_loop3A_1015, %parallel_loop3A_1016], %parallel_loop3A_1019 {strides = array<i32>} : memref<64x128xf32, #tpu.memory_space<vmem>>, vector<1x16xf32>,
        %parallel_loop3A_1020 = arith.index_cast %parallel_loop3A_996 : i32 to index
        %parallel_loop3A_1021 = arith.constant 32 : index
        %parallel_loop3A_1022 = tpu.vector_load %arg7[%parallel_loop3A_1020, %parallel_loop3A_1021] {strides = array<i32>} : memref<64x64xf32, #tpu.memory_space<vmem>>, vector<1x16xf32>,
        %parallel_loop3A_1023 = vector.shape_cast %parallel_loop3A_1022 : vector<1x16xf32> to vector<16xf32>
        %parallel_loop3A_1024 = arith.mulf %parallel_loop3A_1023, %parallel_loop3A_999 : vector<16xf32>
        %parallel_loop3A_1025 = arith.index_cast %parallel_loop3A_996 : i32 to index
        %parallel_loop3A_1026 = arith.constant 32 : index
        %parallel_loop3A_1027 = tpu.vector_load %arg9[%parallel_loop3A_1025, %parallel_loop3A_1026] {strides = array<i32>} : memref<64x128xf32, #tpu.memory_space<vmem>>, vector<1x16xf32>,
        %parallel_loop3A_1028 = vector.shape_cast %parallel_loop3A_1027 : vector<1x16xf32> to vector<16xf32>
        %parallel_loop3A_1029 = vector.shape_cast %parallel_loop3A_1024 : vector<16xf32> to vector<1x16xf32>
        tpu.vector_store %arg9[%parallel_loop3A_1025, %parallel_loop3A_1026], %parallel_loop3A_1029 {strides = array<i32>} : memref<64x128xf32, #tpu.memory_space<vmem>>, vector<1x16xf32>,
        %parallel_loop3A_1030 = arith.index_cast %parallel_loop3A_996 : i32 to index
        %parallel_loop3A_1031 = arith.constant 48 : index
        %parallel_loop3A_1032 = tpu.vector_load %arg7[%parallel_loop3A_1030, %parallel_loop3A_1031] {strides = array<i32>} : memref<64x64xf32, #tpu.memory_space<vmem>>, vector<1x16xf32>,
        %parallel_loop3A_1033 = vector.shape_cast %parallel_loop3A_1032 : vector<1x16xf32> to vector<16xf32>
        %parallel_loop3A_1034 = arith.mulf %parallel_loop3A_1033, %parallel_loop3A_999 : vector<16xf32>
        %parallel_loop3A_1035 = arith.index_cast %parallel_loop3A_996 : i32 to index
        %parallel_loop3A_1036 = arith.constant 48 : index
        %parallel_loop3A_1037 = tpu.vector_load %arg9[%parallel_loop3A_1035, %parallel_loop3A_1036] {strides = array<i32>} : memref<64x128xf32, #tpu.memory_space<vmem>>, vector<1x16xf32>,
        %parallel_loop3A_1038 = vector.shape_cast %parallel_loop3A_1037 : vector<1x16xf32> to vector<16xf32>
        %parallel_loop3A_1039 = vector.shape_cast %parallel_loop3A_1034 : vector<16xf32> to vector<1x16xf32>
        tpu.vector_store %arg9[%parallel_loop3A_1035, %parallel_loop3A_1036], %parallel_loop3A_1039 {strides = array<i32>} : memref<64x128xf32, #tpu.memory_space<vmem>>, vector<1x16xf32>,
        %parallel_loop3A_1040 = arith.index_cast %parallel_loop3A_996 : i32 to index
        %parallel_loop3A_1041 = arith.constant 64 : index
        %parallel_loop3A_1042 = tpu.vector_load %arg9[%parallel_loop3A_1040, %parallel_loop3A_1041] {strides = array<i32>} : memref<64x128xf32, #tpu.memory_space<vmem>>, vector<1x16xf32>,
        %parallel_loop3A_1043 = vector.shape_cast %parallel_loop3A_1042 : vector<1x16xf32> to vector<16xf32>
        %parallel_loop3A_1044 = vector.shape_cast %parallel_loop3A_999 : vector<16xf32> to vector<1x16xf32>
        tpu.vector_store %arg9[%parallel_loop3A_1040, %parallel_loop3A_1041], %parallel_loop3A_1044 {strides = array<i32>} : memref<64x128xf32, #tpu.memory_space<vmem>>, vector<1x16xf32>,
        %parallel_loop3A_1045 = arith.constant 16 : i32
        %parallel_loop3A_1046 = arith.muli %parallel_loop3A_552, %parallel_loop3A_1045 : i32
        %parallel_loop3A_1047 = arith.constant 9 : i32
        %parallel_loop3A_1048 = arith.addi %parallel_loop3A_1046, %parallel_loop3A_1047 : i32
        %parallel_loop3A_1049 = vector.extract_strided_slice %parallel_loop3A_560 {offsets = [9], sizes = [1], strides = [1]} : vector<16xf32> to vector<1xf32>
        %parallel_loop3A_1050 = vector.extract %parallel_loop3A_1049[0] : f32 from vector<1xf32>
        %parallel_loop3A_1051 = vector.broadcast %parallel_loop3A_1050 : f32 to vector<16xf32>
        %parallel_loop3A_1052 = arith.index_cast %parallel_loop3A_1048 : i32 to index
        %parallel_loop3A_1053 = arith.constant 0 : index
        %parallel_loop3A_1054 = tpu.vector_load %arg7[%parallel_loop3A_1052, %parallel_loop3A_1053] {strides = array<i32>} : memref<64x64xf32, #tpu.memory_space<vmem>>, vector<1x16xf32>,
        %parallel_loop3A_1055 = vector.shape_cast %parallel_loop3A_1054 : vector<1x16xf32> to vector<16xf32>
        %parallel_loop3A_1056 = arith.mulf %parallel_loop3A_1055, %parallel_loop3A_1051 : vector<16xf32>
        %parallel_loop3A_1057 = arith.index_cast %parallel_loop3A_1048 : i32 to index
        %parallel_loop3A_1058 = arith.constant 0 : index
        %parallel_loop3A_1059 = tpu.vector_load %arg9[%parallel_loop3A_1057, %parallel_loop3A_1058] {strides = array<i32>} : memref<64x128xf32, #tpu.memory_space<vmem>>, vector<1x16xf32>,
        %parallel_loop3A_1060 = vector.shape_cast %parallel_loop3A_1059 : vector<1x16xf32> to vector<16xf32>
        %parallel_loop3A_1061 = vector.shape_cast %parallel_loop3A_1056 : vector<16xf32> to vector<1x16xf32>
        tpu.vector_store %arg9[%parallel_loop3A_1057, %parallel_loop3A_1058], %parallel_loop3A_1061 {strides = array<i32>} : memref<64x128xf32, #tpu.memory_space<vmem>>, vector<1x16xf32>,
        %parallel_loop3A_1062 = arith.index_cast %parallel_loop3A_1048 : i32 to index
        %parallel_loop3A_1063 = arith.constant 16 : index
        %parallel_loop3A_1064 = tpu.vector_load %arg7[%parallel_loop3A_1062, %parallel_loop3A_1063] {strides = array<i32>} : memref<64x64xf32, #tpu.memory_space<vmem>>, vector<1x16xf32>,
        %parallel_loop3A_1065 = vector.shape_cast %parallel_loop3A_1064 : vector<1x16xf32> to vector<16xf32>
        %parallel_loop3A_1066 = arith.mulf %parallel_loop3A_1065, %parallel_loop3A_1051 : vector<16xf32>
        %parallel_loop3A_1067 = arith.index_cast %parallel_loop3A_1048 : i32 to index
        %parallel_loop3A_1068 = arith.constant 16 : index
        %parallel_loop3A_1069 = tpu.vector_load %arg9[%parallel_loop3A_1067, %parallel_loop3A_1068] {strides = array<i32>} : memref<64x128xf32, #tpu.memory_space<vmem>>, vector<1x16xf32>,
        %parallel_loop3A_1070 = vector.shape_cast %parallel_loop3A_1069 : vector<1x16xf32> to vector<16xf32>
        %parallel_loop3A_1071 = vector.shape_cast %parallel_loop3A_1066 : vector<16xf32> to vector<1x16xf32>
        tpu.vector_store %arg9[%parallel_loop3A_1067, %parallel_loop3A_1068], %parallel_loop3A_1071 {strides = array<i32>} : memref<64x128xf32, #tpu.memory_space<vmem>>, vector<1x16xf32>,
        %parallel_loop3A_1072 = arith.index_cast %parallel_loop3A_1048 : i32 to index
        %parallel_loop3A_1073 = arith.constant 32 : index
        %parallel_loop3A_1074 = tpu.vector_load %arg7[%parallel_loop3A_1072, %parallel_loop3A_1073] {strides = array<i32>} : memref<64x64xf32, #tpu.memory_space<vmem>>, vector<1x16xf32>,
        %parallel_loop3A_1075 = vector.shape_cast %parallel_loop3A_1074 : vector<1x16xf32> to vector<16xf32>
        %parallel_loop3A_1076 = arith.mulf %parallel_loop3A_1075, %parallel_loop3A_1051 : vector<16xf32>
        %parallel_loop3A_1077 = arith.index_cast %parallel_loop3A_1048 : i32 to index
        %parallel_loop3A_1078 = arith.constant 32 : index
        %parallel_loop3A_1079 = tpu.vector_load %arg9[%parallel_loop3A_1077, %parallel_loop3A_1078] {strides = array<i32>} : memref<64x128xf32, #tpu.memory_space<vmem>>, vector<1x16xf32>,
        %parallel_loop3A_1080 = vector.shape_cast %parallel_loop3A_1079 : vector<1x16xf32> to vector<16xf32>
        %parallel_loop3A_1081 = vector.shape_cast %parallel_loop3A_1076 : vector<16xf32> to vector<1x16xf32>
        tpu.vector_store %arg9[%parallel_loop3A_1077, %parallel_loop3A_1078], %parallel_loop3A_1081 {strides = array<i32>} : memref<64x128xf32, #tpu.memory_space<vmem>>, vector<1x16xf32>,
        %parallel_loop3A_1082 = arith.index_cast %parallel_loop3A_1048 : i32 to index
        %parallel_loop3A_1083 = arith.constant 48 : index
        %parallel_loop3A_1084 = tpu.vector_load %arg7[%parallel_loop3A_1082, %parallel_loop3A_1083] {strides = array<i32>} : memref<64x64xf32, #tpu.memory_space<vmem>>, vector<1x16xf32>,
        %parallel_loop3A_1085 = vector.shape_cast %parallel_loop3A_1084 : vector<1x16xf32> to vector<16xf32>
        %parallel_loop3A_1086 = arith.mulf %parallel_loop3A_1085, %parallel_loop3A_1051 : vector<16xf32>
        %parallel_loop3A_1087 = arith.index_cast %parallel_loop3A_1048 : i32 to index
        %parallel_loop3A_1088 = arith.constant 48 : index
        %parallel_loop3A_1089 = tpu.vector_load %arg9[%parallel_loop3A_1087, %parallel_loop3A_1088] {strides = array<i32>} : memref<64x128xf32, #tpu.memory_space<vmem>>, vector<1x16xf32>,
        %parallel_loop3A_1090 = vector.shape_cast %parallel_loop3A_1089 : vector<1x16xf32> to vector<16xf32>
        %parallel_loop3A_1091 = vector.shape_cast %parallel_loop3A_1086 : vector<16xf32> to vector<1x16xf32>
        tpu.vector_store %arg9[%parallel_loop3A_1087, %parallel_loop3A_1088], %parallel_loop3A_1091 {strides = array<i32>} : memref<64x128xf32, #tpu.memory_space<vmem>>, vector<1x16xf32>,
        %parallel_loop3A_1092 = arith.index_cast %parallel_loop3A_1048 : i32 to index
        %parallel_loop3A_1093 = arith.constant 64 : index
        %parallel_loop3A_1094 = tpu.vector_load %arg9[%parallel_loop3A_1092, %parallel_loop3A_1093] {strides = array<i32>} : memref<64x128xf32, #tpu.memory_space<vmem>>, vector<1x16xf32>,
        %parallel_loop3A_1095 = vector.shape_cast %parallel_loop3A_1094 : vector<1x16xf32> to vector<16xf32>
        %parallel_loop3A_1096 = vector.shape_cast %parallel_loop3A_1051 : vector<16xf32> to vector<1x16xf32>
        tpu.vector_store %arg9[%parallel_loop3A_1092, %parallel_loop3A_1093], %parallel_loop3A_1096 {strides = array<i32>} : memref<64x128xf32, #tpu.memory_space<vmem>>, vector<1x16xf32>,
        %parallel_loop3A_1097 = arith.constant 16 : i32
        %parallel_loop3A_1098 = arith.muli %parallel_loop3A_552, %parallel_loop3A_1097 : i32
        %parallel_loop3A_1099 = arith.constant 10 : i32
        %parallel_loop3A_1100 = arith.addi %parallel_loop3A_1098, %parallel_loop3A_1099 : i32
        %parallel_loop3A_1101 = vector.extract_strided_slice %parallel_loop3A_560 {offsets = [10], sizes = [1], strides = [1]} : vector<16xf32> to vector<1xf32>
        %parallel_loop3A_1102 = vector.extract %parallel_loop3A_1101[0] : f32 from vector<1xf32>
        %parallel_loop3A_1103 = vector.broadcast %parallel_loop3A_1102 : f32 to vector<16xf32>
        %parallel_loop3A_1104 = arith.index_cast %parallel_loop3A_1100 : i32 to index
        %parallel_loop3A_1105 = arith.constant 0 : index
        %parallel_loop3A_1106 = tpu.vector_load %arg7[%parallel_loop3A_1104, %parallel_loop3A_1105] {strides = array<i32>} : memref<64x64xf32, #tpu.memory_space<vmem>>, vector<1x16xf32>,
        %parallel_loop3A_1107 = vector.shape_cast %parallel_loop3A_1106 : vector<1x16xf32> to vector<16xf32>
        %parallel_loop3A_1108 = arith.mulf %parallel_loop3A_1107, %parallel_loop3A_1103 : vector<16xf32>
        %parallel_loop3A_1109 = arith.index_cast %parallel_loop3A_1100 : i32 to index
        %parallel_loop3A_1110 = arith.constant 0 : index
        %parallel_loop3A_1111 = tpu.vector_load %arg9[%parallel_loop3A_1109, %parallel_loop3A_1110] {strides = array<i32>} : memref<64x128xf32, #tpu.memory_space<vmem>>, vector<1x16xf32>,
        %parallel_loop3A_1112 = vector.shape_cast %parallel_loop3A_1111 : vector<1x16xf32> to vector<16xf32>
        %parallel_loop3A_1113 = vector.shape_cast %parallel_loop3A_1108 : vector<16xf32> to vector<1x16xf32>
        tpu.vector_store %arg9[%parallel_loop3A_1109, %parallel_loop3A_1110], %parallel_loop3A_1113 {strides = array<i32>} : memref<64x128xf32, #tpu.memory_space<vmem>>, vector<1x16xf32>,
        %parallel_loop3A_1114 = arith.index_cast %parallel_loop3A_1100 : i32 to index
        %parallel_loop3A_1115 = arith.constant 16 : index
        %parallel_loop3A_1116 = tpu.vector_load %arg7[%parallel_loop3A_1114, %parallel_loop3A_1115] {strides = array<i32>} : memref<64x64xf32, #tpu.memory_space<vmem>>, vector<1x16xf32>,
        %parallel_loop3A_1117 = vector.shape_cast %parallel_loop3A_1116 : vector<1x16xf32> to vector<16xf32>
        %parallel_loop3A_1118 = arith.mulf %parallel_loop3A_1117, %parallel_loop3A_1103 : vector<16xf32>
        %parallel_loop3A_1119 = arith.index_cast %parallel_loop3A_1100 : i32 to index
        %parallel_loop3A_1120 = arith.constant 16 : index
        %parallel_loop3A_1121 = tpu.vector_load %arg9[%parallel_loop3A_1119, %parallel_loop3A_1120] {strides = array<i32>} : memref<64x128xf32, #tpu.memory_space<vmem>>, vector<1x16xf32>,
        %parallel_loop3A_1122 = vector.shape_cast %parallel_loop3A_1121 : vector<1x16xf32> to vector<16xf32>
        %parallel_loop3A_1123 = vector.shape_cast %parallel_loop3A_1118 : vector<16xf32> to vector<1x16xf32>
        tpu.vector_store %arg9[%parallel_loop3A_1119, %parallel_loop3A_1120], %parallel_loop3A_1123 {strides = array<i32>} : memref<64x128xf32, #tpu.memory_space<vmem>>, vector<1x16xf32>,
        %parallel_loop3A_1124 = arith.index_cast %parallel_loop3A_1100 : i32 to index
        %parallel_loop3A_1125 = arith.constant 32 : index
        %parallel_loop3A_1126 = tpu.vector_load %arg7[%parallel_loop3A_1124, %parallel_loop3A_1125] {strides = array<i32>} : memref<64x64xf32, #tpu.memory_space<vmem>>, vector<1x16xf32>,
        %parallel_loop3A_1127 = vector.shape_cast %parallel_loop3A_1126 : vector<1x16xf32> to vector<16xf32>
        %parallel_loop3A_1128 = arith.mulf %parallel_loop3A_1127, %parallel_loop3A_1103 : vector<16xf32>
        %parallel_loop3A_1129 = arith.index_cast %parallel_loop3A_1100 : i32 to index
        %parallel_loop3A_1130 = arith.constant 32 : index
        %parallel_loop3A_1131 = tpu.vector_load %arg9[%parallel_loop3A_1129, %parallel_loop3A_1130] {strides = array<i32>} : memref<64x128xf32, #tpu.memory_space<vmem>>, vector<1x16xf32>,
        %parallel_loop3A_1132 = vector.shape_cast %parallel_loop3A_1131 : vector<1x16xf32> to vector<16xf32>
        %parallel_loop3A_1133 = vector.shape_cast %parallel_loop3A_1128 : vector<16xf32> to vector<1x16xf32>
        tpu.vector_store %arg9[%parallel_loop3A_1129, %parallel_loop3A_1130], %parallel_loop3A_1133 {strides = array<i32>} : memref<64x128xf32, #tpu.memory_space<vmem>>, vector<1x16xf32>,
        %parallel_loop3A_1134 = arith.index_cast %parallel_loop3A_1100 : i32 to index
        %parallel_loop3A_1135 = arith.constant 48 : index
        %parallel_loop3A_1136 = tpu.vector_load %arg7[%parallel_loop3A_1134, %parallel_loop3A_1135] {strides = array<i32>} : memref<64x64xf32, #tpu.memory_space<vmem>>, vector<1x16xf32>,
        %parallel_loop3A_1137 = vector.shape_cast %parallel_loop3A_1136 : vector<1x16xf32> to vector<16xf32>
        %parallel_loop3A_1138 = arith.mulf %parallel_loop3A_1137, %parallel_loop3A_1103 : vector<16xf32>
        %parallel_loop3A_1139 = arith.index_cast %parallel_loop3A_1100 : i32 to index
        %parallel_loop3A_1140 = arith.constant 48 : index
        %parallel_loop3A_1141 = tpu.vector_load %arg9[%parallel_loop3A_1139, %parallel_loop3A_1140] {strides = array<i32>} : memref<64x128xf32, #tpu.memory_space<vmem>>, vector<1x16xf32>,
        %parallel_loop3A_1142 = vector.shape_cast %parallel_loop3A_1141 : vector<1x16xf32> to vector<16xf32>
        %parallel_loop3A_1143 = vector.shape_cast %parallel_loop3A_1138 : vector<16xf32> to vector<1x16xf32>
        tpu.vector_store %arg9[%parallel_loop3A_1139, %parallel_loop3A_1140], %parallel_loop3A_1143 {strides = array<i32>} : memref<64x128xf32, #tpu.memory_space<vmem>>, vector<1x16xf32>,
        %parallel_loop3A_1144 = arith.index_cast %parallel_loop3A_1100 : i32 to index
        %parallel_loop3A_1145 = arith.constant 64 : index
        %parallel_loop3A_1146 = tpu.vector_load %arg9[%parallel_loop3A_1144, %parallel_loop3A_1145] {strides = array<i32>} : memref<64x128xf32, #tpu.memory_space<vmem>>, vector<1x16xf32>,
        %parallel_loop3A_1147 = vector.shape_cast %parallel_loop3A_1146 : vector<1x16xf32> to vector<16xf32>
        %parallel_loop3A_1148 = vector.shape_cast %parallel_loop3A_1103 : vector<16xf32> to vector<1x16xf32>
        tpu.vector_store %arg9[%parallel_loop3A_1144, %parallel_loop3A_1145], %parallel_loop3A_1148 {strides = array<i32>} : memref<64x128xf32, #tpu.memory_space<vmem>>, vector<1x16xf32>,
        %parallel_loop3A_1149 = arith.constant 16 : i32
        %parallel_loop3A_1150 = arith.muli %parallel_loop3A_552, %parallel_loop3A_1149 : i32
        %parallel_loop3A_1151 = arith.constant 11 : i32
        %parallel_loop3A_1152 = arith.addi %parallel_loop3A_1150, %parallel_loop3A_1151 : i32
        %parallel_loop3A_1153 = vector.extract_strided_slice %parallel_loop3A_560 {offsets = [11], sizes = [1], strides = [1]} : vector<16xf32> to vector<1xf32>
        %parallel_loop3A_1154 = vector.extract %parallel_loop3A_1153[0] : f32 from vector<1xf32>
        %parallel_loop3A_1155 = vector.broadcast %parallel_loop3A_1154 : f32 to vector<16xf32>
        %parallel_loop3A_1156 = arith.index_cast %parallel_loop3A_1152 : i32 to index
        %parallel_loop3A_1157 = arith.constant 0 : index
        %parallel_loop3A_1158 = tpu.vector_load %arg7[%parallel_loop3A_1156, %parallel_loop3A_1157] {strides = array<i32>} : memref<64x64xf32, #tpu.memory_space<vmem>>, vector<1x16xf32>,
        %parallel_loop3A_1159 = vector.shape_cast %parallel_loop3A_1158 : vector<1x16xf32> to vector<16xf32>
        %parallel_loop3A_1160 = arith.mulf %parallel_loop3A_1159, %parallel_loop3A_1155 : vector<16xf32>
        %parallel_loop3A_1161 = arith.index_cast %parallel_loop3A_1152 : i32 to index
        %parallel_loop3A_1162 = arith.constant 0 : index
        %parallel_loop3A_1163 = tpu.vector_load %arg9[%parallel_loop3A_1161, %parallel_loop3A_1162] {strides = array<i32>} : memref<64x128xf32, #tpu.memory_space<vmem>>, vector<1x16xf32>,
        %parallel_loop3A_1164 = vector.shape_cast %parallel_loop3A_1163 : vector<1x16xf32> to vector<16xf32>
        %parallel_loop3A_1165 = vector.shape_cast %parallel_loop3A_1160 : vector<16xf32> to vector<1x16xf32>
        tpu.vector_store %arg9[%parallel_loop3A_1161, %parallel_loop3A_1162], %parallel_loop3A_1165 {strides = array<i32>} : memref<64x128xf32, #tpu.memory_space<vmem>>, vector<1x16xf32>,
        %parallel_loop3A_1166 = arith.index_cast %parallel_loop3A_1152 : i32 to index
        %parallel_loop3A_1167 = arith.constant 16 : index
        %parallel_loop3A_1168 = tpu.vector_load %arg7[%parallel_loop3A_1166, %parallel_loop3A_1167] {strides = array<i32>} : memref<64x64xf32, #tpu.memory_space<vmem>>, vector<1x16xf32>,
        %parallel_loop3A_1169 = vector.shape_cast %parallel_loop3A_1168 : vector<1x16xf32> to vector<16xf32>
        %parallel_loop3A_1170 = arith.mulf %parallel_loop3A_1169, %parallel_loop3A_1155 : vector<16xf32>
        %parallel_loop3A_1171 = arith.index_cast %parallel_loop3A_1152 : i32 to index
        %parallel_loop3A_1172 = arith.constant 16 : index
        %parallel_loop3A_1173 = tpu.vector_load %arg9[%parallel_loop3A_1171, %parallel_loop3A_1172] {strides = array<i32>} : memref<64x128xf32, #tpu.memory_space<vmem>>, vector<1x16xf32>,
        %parallel_loop3A_1174 = vector.shape_cast %parallel_loop3A_1173 : vector<1x16xf32> to vector<16xf32>
        %parallel_loop3A_1175 = vector.shape_cast %parallel_loop3A_1170 : vector<16xf32> to vector<1x16xf32>
        tpu.vector_store %arg9[%parallel_loop3A_1171, %parallel_loop3A_1172], %parallel_loop3A_1175 {strides = array<i32>} : memref<64x128xf32, #tpu.memory_space<vmem>>, vector<1x16xf32>,
        %parallel_loop3A_1176 = arith.index_cast %parallel_loop3A_1152 : i32 to index
        %parallel_loop3A_1177 = arith.constant 32 : index
        %parallel_loop3A_1178 = tpu.vector_load %arg7[%parallel_loop3A_1176, %parallel_loop3A_1177] {strides = array<i32>} : memref<64x64xf32, #tpu.memory_space<vmem>>, vector<1x16xf32>,
        %parallel_loop3A_1179 = vector.shape_cast %parallel_loop3A_1178 : vector<1x16xf32> to vector<16xf32>
        %parallel_loop3A_1180 = arith.mulf %parallel_loop3A_1179, %parallel_loop3A_1155 : vector<16xf32>
        %parallel_loop3A_1181 = arith.index_cast %parallel_loop3A_1152 : i32 to index
        %parallel_loop3A_1182 = arith.constant 32 : index
        %parallel_loop3A_1183 = tpu.vector_load %arg9[%parallel_loop3A_1181, %parallel_loop3A_1182] {strides = array<i32>} : memref<64x128xf32, #tpu.memory_space<vmem>>, vector<1x16xf32>,
        %parallel_loop3A_1184 = vector.shape_cast %parallel_loop3A_1183 : vector<1x16xf32> to vector<16xf32>
        %parallel_loop3A_1185 = vector.shape_cast %parallel_loop3A_1180 : vector<16xf32> to vector<1x16xf32>
        tpu.vector_store %arg9[%parallel_loop3A_1181, %parallel_loop3A_1182], %parallel_loop3A_1185 {strides = array<i32>} : memref<64x128xf32, #tpu.memory_space<vmem>>, vector<1x16xf32>,
        %parallel_loop3A_1186 = arith.index_cast %parallel_loop3A_1152 : i32 to index
        %parallel_loop3A_1187 = arith.constant 48 : index
        %parallel_loop3A_1188 = tpu.vector_load %arg7[%parallel_loop3A_1186, %parallel_loop3A_1187] {strides = array<i32>} : memref<64x64xf32, #tpu.memory_space<vmem>>, vector<1x16xf32>,
        %parallel_loop3A_1189 = vector.shape_cast %parallel_loop3A_1188 : vector<1x16xf32> to vector<16xf32>
        %parallel_loop3A_1190 = arith.mulf %parallel_loop3A_1189, %parallel_loop3A_1155 : vector<16xf32>
        %parallel_loop3A_1191 = arith.index_cast %parallel_loop3A_1152 : i32 to index
        %parallel_loop3A_1192 = arith.constant 48 : index
        %parallel_loop3A_1193 = tpu.vector_load %arg9[%parallel_loop3A_1191, %parallel_loop3A_1192] {strides = array<i32>} : memref<64x128xf32, #tpu.memory_space<vmem>>, vector<1x16xf32>,
        %parallel_loop3A_1194 = vector.shape_cast %parallel_loop3A_1193 : vector<1x16xf32> to vector<16xf32>
        %parallel_loop3A_1195 = vector.shape_cast %parallel_loop3A_1190 : vector<16xf32> to vector<1x16xf32>
        tpu.vector_store %arg9[%parallel_loop3A_1191, %parallel_loop3A_1192], %parallel_loop3A_1195 {strides = array<i32>} : memref<64x128xf32, #tpu.memory_space<vmem>>, vector<1x16xf32>,
        %parallel_loop3A_1196 = arith.index_cast %parallel_loop3A_1152 : i32 to index
        %parallel_loop3A_1197 = arith.constant 64 : index
        %parallel_loop3A_1198 = tpu.vector_load %arg9[%parallel_loop3A_1196, %parallel_loop3A_1197] {strides = array<i32>} : memref<64x128xf32, #tpu.memory_space<vmem>>, vector<1x16xf32>,
        %parallel_loop3A_1199 = vector.shape_cast %parallel_loop3A_1198 : vector<1x16xf32> to vector<16xf32>
        %parallel_loop3A_1200 = vector.shape_cast %parallel_loop3A_1155 : vector<16xf32> to vector<1x16xf32>
        tpu.vector_store %arg9[%parallel_loop3A_1196, %parallel_loop3A_1197], %parallel_loop3A_1200 {strides = array<i32>} : memref<64x128xf32, #tpu.memory_space<vmem>>, vector<1x16xf32>,
        %parallel_loop3A_1201 = arith.constant 16 : i32
        %parallel_loop3A_1202 = arith.muli %parallel_loop3A_552, %parallel_loop3A_1201 : i32
        %parallel_loop3A_1203 = arith.constant 12 : i32
        %parallel_loop3A_1204 = arith.addi %parallel_loop3A_1202, %parallel_loop3A_1203 : i32
        %parallel_loop3A_1205 = vector.extract_strided_slice %parallel_loop3A_560 {offsets = [12], sizes = [1], strides = [1]} : vector<16xf32> to vector<1xf32>
        %parallel_loop3A_1206 = vector.extract %parallel_loop3A_1205[0] : f32 from vector<1xf32>
        %parallel_loop3A_1207 = vector.broadcast %parallel_loop3A_1206 : f32 to vector<16xf32>
        %parallel_loop3A_1208 = arith.index_cast %parallel_loop3A_1204 : i32 to index
        %parallel_loop3A_1209 = arith.constant 0 : index
        %parallel_loop3A_1210 = tpu.vector_load %arg7[%parallel_loop3A_1208, %parallel_loop3A_1209] {strides = array<i32>} : memref<64x64xf32, #tpu.memory_space<vmem>>, vector<1x16xf32>,
        %parallel_loop3A_1211 = vector.shape_cast %parallel_loop3A_1210 : vector<1x16xf32> to vector<16xf32>
        %parallel_loop3A_1212 = arith.mulf %parallel_loop3A_1211, %parallel_loop3A_1207 : vector<16xf32>
        %parallel_loop3A_1213 = arith.index_cast %parallel_loop3A_1204 : i32 to index
        %parallel_loop3A_1214 = arith.constant 0 : index
        %parallel_loop3A_1215 = tpu.vector_load %arg9[%parallel_loop3A_1213, %parallel_loop3A_1214] {strides = array<i32>} : memref<64x128xf32, #tpu.memory_space<vmem>>, vector<1x16xf32>,
        %parallel_loop3A_1216 = vector.shape_cast %parallel_loop3A_1215 : vector<1x16xf32> to vector<16xf32>
        %parallel_loop3A_1217 = vector.shape_cast %parallel_loop3A_1212 : vector<16xf32> to vector<1x16xf32>
        tpu.vector_store %arg9[%parallel_loop3A_1213, %parallel_loop3A_1214], %parallel_loop3A_1217 {strides = array<i32>} : memref<64x128xf32, #tpu.memory_space<vmem>>, vector<1x16xf32>,
        %parallel_loop3A_1218 = arith.index_cast %parallel_loop3A_1204 : i32 to index
        %parallel_loop3A_1219 = arith.constant 16 : index
        %parallel_loop3A_1220 = tpu.vector_load %arg7[%parallel_loop3A_1218, %parallel_loop3A_1219] {strides = array<i32>} : memref<64x64xf32, #tpu.memory_space<vmem>>, vector<1x16xf32>,
        %parallel_loop3A_1221 = vector.shape_cast %parallel_loop3A_1220 : vector<1x16xf32> to vector<16xf32>
        %parallel_loop3A_1222 = arith.mulf %parallel_loop3A_1221, %parallel_loop3A_1207 : vector<16xf32>
        %parallel_loop3A_1223 = arith.index_cast %parallel_loop3A_1204 : i32 to index
        %parallel_loop3A_1224 = arith.constant 16 : index
        %parallel_loop3A_1225 = tpu.vector_load %arg9[%parallel_loop3A_1223, %parallel_loop3A_1224] {strides = array<i32>} : memref<64x128xf32, #tpu.memory_space<vmem>>, vector<1x16xf32>,
        %parallel_loop3A_1226 = vector.shape_cast %parallel_loop3A_1225 : vector<1x16xf32> to vector<16xf32>
        %parallel_loop3A_1227 = vector.shape_cast %parallel_loop3A_1222 : vector<16xf32> to vector<1x16xf32>
        tpu.vector_store %arg9[%parallel_loop3A_1223, %parallel_loop3A_1224], %parallel_loop3A_1227 {strides = array<i32>} : memref<64x128xf32, #tpu.memory_space<vmem>>, vector<1x16xf32>,
        %parallel_loop3A_1228 = arith.index_cast %parallel_loop3A_1204 : i32 to index
        %parallel_loop3A_1229 = arith.constant 32 : index
        %parallel_loop3A_1230 = tpu.vector_load %arg7[%parallel_loop3A_1228, %parallel_loop3A_1229] {strides = array<i32>} : memref<64x64xf32, #tpu.memory_space<vmem>>, vector<1x16xf32>,
        %parallel_loop3A_1231 = vector.shape_cast %parallel_loop3A_1230 : vector<1x16xf32> to vector<16xf32>
        %parallel_loop3A_1232 = arith.mulf %parallel_loop3A_1231, %parallel_loop3A_1207 : vector<16xf32>
        %parallel_loop3A_1233 = arith.index_cast %parallel_loop3A_1204 : i32 to index
        %parallel_loop3A_1234 = arith.constant 32 : index
        %parallel_loop3A_1235 = tpu.vector_load %arg9[%parallel_loop3A_1233, %parallel_loop3A_1234] {strides = array<i32>} : memref<64x128xf32, #tpu.memory_space<vmem>>, vector<1x16xf32>,
        %parallel_loop3A_1236 = vector.shape_cast %parallel_loop3A_1235 : vector<1x16xf32> to vector<16xf32>
        %parallel_loop3A_1237 = vector.shape_cast %parallel_loop3A_1232 : vector<16xf32> to vector<1x16xf32>
        tpu.vector_store %arg9[%parallel_loop3A_1233, %parallel_loop3A_1234], %parallel_loop3A_1237 {strides = array<i32>} : memref<64x128xf32, #tpu.memory_space<vmem>>, vector<1x16xf32>,
        %parallel_loop3A_1238 = arith.index_cast %parallel_loop3A_1204 : i32 to index
        %parallel_loop3A_1239 = arith.constant 48 : index
        %parallel_loop3A_1240 = tpu.vector_load %arg7[%parallel_loop3A_1238, %parallel_loop3A_1239] {strides = array<i32>} : memref<64x64xf32, #tpu.memory_space<vmem>>, vector<1x16xf32>,
        %parallel_loop3A_1241 = vector.shape_cast %parallel_loop3A_1240 : vector<1x16xf32> to vector<16xf32>
        %parallel_loop3A_1242 = arith.mulf %parallel_loop3A_1241, %parallel_loop3A_1207 : vector<16xf32>
        %parallel_loop3A_1243 = arith.index_cast %parallel_loop3A_1204 : i32 to index
        %parallel_loop3A_1244 = arith.constant 48 : index
        %parallel_loop3A_1245 = tpu.vector_load %arg9[%parallel_loop3A_1243, %parallel_loop3A_1244] {strides = array<i32>} : memref<64x128xf32, #tpu.memory_space<vmem>>, vector<1x16xf32>,
        %parallel_loop3A_1246 = vector.shape_cast %parallel_loop3A_1245 : vector<1x16xf32> to vector<16xf32>
        %parallel_loop3A_1247 = vector.shape_cast %parallel_loop3A_1242 : vector<16xf32> to vector<1x16xf32>
        tpu.vector_store %arg9[%parallel_loop3A_1243, %parallel_loop3A_1244], %parallel_loop3A_1247 {strides = array<i32>} : memref<64x128xf32, #tpu.memory_space<vmem>>, vector<1x16xf32>,
        %parallel_loop3A_1248 = arith.index_cast %parallel_loop3A_1204 : i32 to index
        %parallel_loop3A_1249 = arith.constant 64 : index
        %parallel_loop3A_1250 = tpu.vector_load %arg9[%parallel_loop3A_1248, %parallel_loop3A_1249] {strides = array<i32>} : memref<64x128xf32, #tpu.memory_space<vmem>>, vector<1x16xf32>,
        %parallel_loop3A_1251 = vector.shape_cast %parallel_loop3A_1250 : vector<1x16xf32> to vector<16xf32>
        %parallel_loop3A_1252 = vector.shape_cast %parallel_loop3A_1207 : vector<16xf32> to vector<1x16xf32>
        tpu.vector_store %arg9[%parallel_loop3A_1248, %parallel_loop3A_1249], %parallel_loop3A_1252 {strides = array<i32>} : memref<64x128xf32, #tpu.memory_space<vmem>>, vector<1x16xf32>,
        %parallel_loop3A_1253 = arith.constant 16 : i32
        %parallel_loop3A_1254 = arith.muli %parallel_loop3A_552, %parallel_loop3A_1253 : i32
        %parallel_loop3A_1255 = arith.constant 13 : i32
        %parallel_loop3A_1256 = arith.addi %parallel_loop3A_1254, %parallel_loop3A_1255 : i32
        %parallel_loop3A_1257 = vector.extract_strided_slice %parallel_loop3A_560 {offsets = [13], sizes = [1], strides = [1]} : vector<16xf32> to vector<1xf32>
        %parallel_loop3A_1258 = vector.extract %parallel_loop3A_1257[0] : f32 from vector<1xf32>
        %parallel_loop3A_1259 = vector.broadcast %parallel_loop3A_1258 : f32 to vector<16xf32>
        %parallel_loop3A_1260 = arith.index_cast %parallel_loop3A_1256 : i32 to index
        %parallel_loop3A_1261 = arith.constant 0 : index
        %parallel_loop3A_1262 = tpu.vector_load %arg7[%parallel_loop3A_1260, %parallel_loop3A_1261] {strides = array<i32>} : memref<64x64xf32, #tpu.memory_space<vmem>>, vector<1x16xf32>,
        %parallel_loop3A_1263 = vector.shape_cast %parallel_loop3A_1262 : vector<1x16xf32> to vector<16xf32>
        %parallel_loop3A_1264 = arith.mulf %parallel_loop3A_1263, %parallel_loop3A_1259 : vector<16xf32>
        %parallel_loop3A_1265 = arith.index_cast %parallel_loop3A_1256 : i32 to index
        %parallel_loop3A_1266 = arith.constant 0 : index
        %parallel_loop3A_1267 = tpu.vector_load %arg9[%parallel_loop3A_1265, %parallel_loop3A_1266] {strides = array<i32>} : memref<64x128xf32, #tpu.memory_space<vmem>>, vector<1x16xf32>,
        %parallel_loop3A_1268 = vector.shape_cast %parallel_loop3A_1267 : vector<1x16xf32> to vector<16xf32>
        %parallel_loop3A_1269 = vector.shape_cast %parallel_loop3A_1264 : vector<16xf32> to vector<1x16xf32>
        tpu.vector_store %arg9[%parallel_loop3A_1265, %parallel_loop3A_1266], %parallel_loop3A_1269 {strides = array<i32>} : memref<64x128xf32, #tpu.memory_space<vmem>>, vector<1x16xf32>,
        %parallel_loop3A_1270 = arith.index_cast %parallel_loop3A_1256 : i32 to index
        %parallel_loop3A_1271 = arith.constant 16 : index
        %parallel_loop3A_1272 = tpu.vector_load %arg7[%parallel_loop3A_1270, %parallel_loop3A_1271] {strides = array<i32>} : memref<64x64xf32, #tpu.memory_space<vmem>>, vector<1x16xf32>,
        %parallel_loop3A_1273 = vector.shape_cast %parallel_loop3A_1272 : vector<1x16xf32> to vector<16xf32>
        %parallel_loop3A_1274 = arith.mulf %parallel_loop3A_1273, %parallel_loop3A_1259 : vector<16xf32>
        %parallel_loop3A_1275 = arith.index_cast %parallel_loop3A_1256 : i32 to index
        %parallel_loop3A_1276 = arith.constant 16 : index
        %parallel_loop3A_1277 = tpu.vector_load %arg9[%parallel_loop3A_1275, %parallel_loop3A_1276] {strides = array<i32>} : memref<64x128xf32, #tpu.memory_space<vmem>>, vector<1x16xf32>,
        %parallel_loop3A_1278 = vector.shape_cast %parallel_loop3A_1277 : vector<1x16xf32> to vector<16xf32>
        %parallel_loop3A_1279 = vector.shape_cast %parallel_loop3A_1274 : vector<16xf32> to vector<1x16xf32>
        tpu.vector_store %arg9[%parallel_loop3A_1275, %parallel_loop3A_1276], %parallel_loop3A_1279 {strides = array<i32>} : memref<64x128xf32, #tpu.memory_space<vmem>>, vector<1x16xf32>,
        %parallel_loop3A_1280 = arith.index_cast %parallel_loop3A_1256 : i32 to index
        %parallel_loop3A_1281 = arith.constant 32 : index
        %parallel_loop3A_1282 = tpu.vector_load %arg7[%parallel_loop3A_1280, %parallel_loop3A_1281] {strides = array<i32>} : memref<64x64xf32, #tpu.memory_space<vmem>>, vector<1x16xf32>,
        %parallel_loop3A_1283 = vector.shape_cast %parallel_loop3A_1282 : vector<1x16xf32> to vector<16xf32>
        %parallel_loop3A_1284 = arith.mulf %parallel_loop3A_1283, %parallel_loop3A_1259 : vector<16xf32>
        %parallel_loop3A_1285 = arith.index_cast %parallel_loop3A_1256 : i32 to index
        %parallel_loop3A_1286 = arith.constant 32 : index
        %parallel_loop3A_1287 = tpu.vector_load %arg9[%parallel_loop3A_1285, %parallel_loop3A_1286] {strides = array<i32>} : memref<64x128xf32, #tpu.memory_space<vmem>>, vector<1x16xf32>,
        %parallel_loop3A_1288 = vector.shape_cast %parallel_loop3A_1287 : vector<1x16xf32> to vector<16xf32>
        %parallel_loop3A_1289 = vector.shape_cast %parallel_loop3A_1284 : vector<16xf32> to vector<1x16xf32>
        tpu.vector_store %arg9[%parallel_loop3A_1285, %parallel_loop3A_1286], %parallel_loop3A_1289 {strides = array<i32>} : memref<64x128xf32, #tpu.memory_space<vmem>>, vector<1x16xf32>,
        %parallel_loop3A_1290 = arith.index_cast %parallel_loop3A_1256 : i32 to index
        %parallel_loop3A_1291 = arith.constant 48 : index
        %parallel_loop3A_1292 = tpu.vector_load %arg7[%parallel_loop3A_1290, %parallel_loop3A_1291] {strides = array<i32>} : memref<64x64xf32, #tpu.memory_space<vmem>>, vector<1x16xf32>,
        %parallel_loop3A_1293 = vector.shape_cast %parallel_loop3A_1292 : vector<1x16xf32> to vector<16xf32>
        %parallel_loop3A_1294 = arith.mulf %parallel_loop3A_1293, %parallel_loop3A_1259 : vector<16xf32>
        %parallel_loop3A_1295 = arith.index_cast %parallel_loop3A_1256 : i32 to index
        %parallel_loop3A_1296 = arith.constant 48 : index
        %parallel_loop3A_1297 = tpu.vector_load %arg9[%parallel_loop3A_1295, %parallel_loop3A_1296] {strides = array<i32>} : memref<64x128xf32, #tpu.memory_space<vmem>>, vector<1x16xf32>,
        %parallel_loop3A_1298 = vector.shape_cast %parallel_loop3A_1297 : vector<1x16xf32> to vector<16xf32>
        %parallel_loop3A_1299 = vector.shape_cast %parallel_loop3A_1294 : vector<16xf32> to vector<1x16xf32>
        tpu.vector_store %arg9[%parallel_loop3A_1295, %parallel_loop3A_1296], %parallel_loop3A_1299 {strides = array<i32>} : memref<64x128xf32, #tpu.memory_space<vmem>>, vector<1x16xf32>,
        %parallel_loop3A_1300 = arith.index_cast %parallel_loop3A_1256 : i32 to index
        %parallel_loop3A_1301 = arith.constant 64 : index
        %parallel_loop3A_1302 = tpu.vector_load %arg9[%parallel_loop3A_1300, %parallel_loop3A_1301] {strides = array<i32>} : memref<64x128xf32, #tpu.memory_space<vmem>>, vector<1x16xf32>,
        %parallel_loop3A_1303 = vector.shape_cast %parallel_loop3A_1302 : vector<1x16xf32> to vector<16xf32>
        %parallel_loop3A_1304 = vector.shape_cast %parallel_loop3A_1259 : vector<16xf32> to vector<1x16xf32>
        tpu.vector_store %arg9[%parallel_loop3A_1300, %parallel_loop3A_1301], %parallel_loop3A_1304 {strides = array<i32>} : memref<64x128xf32, #tpu.memory_space<vmem>>, vector<1x16xf32>,
        %parallel_loop3A_1305 = arith.constant 16 : i32
        %parallel_loop3A_1306 = arith.muli %parallel_loop3A_552, %parallel_loop3A_1305 : i32
        %parallel_loop3A_1307 = arith.constant 14 : i32
        %parallel_loop3A_1308 = arith.addi %parallel_loop3A_1306, %parallel_loop3A_1307 : i32
        %parallel_loop3A_1309 = vector.extract_strided_slice %parallel_loop3A_560 {offsets = [14], sizes = [1], strides = [1]} : vector<16xf32> to vector<1xf32>
        %parallel_loop3A_1310 = vector.extract %parallel_loop3A_1309[0] : f32 from vector<1xf32>
        %parallel_loop3A_1311 = vector.broadcast %parallel_loop3A_1310 : f32 to vector<16xf32>
        %parallel_loop3A_1312 = arith.index_cast %parallel_loop3A_1308 : i32 to index
        %parallel_loop3A_1313 = arith.constant 0 : index
        %parallel_loop3A_1314 = tpu.vector_load %arg7[%parallel_loop3A_1312, %parallel_loop3A_1313] {strides = array<i32>} : memref<64x64xf32, #tpu.memory_space<vmem>>, vector<1x16xf32>,
        %parallel_loop3A_1315 = vector.shape_cast %parallel_loop3A_1314 : vector<1x16xf32> to vector<16xf32>
        %parallel_loop3A_1316 = arith.mulf %parallel_loop3A_1315, %parallel_loop3A_1311 : vector<16xf32>
        %parallel_loop3A_1317 = arith.index_cast %parallel_loop3A_1308 : i32 to index
        %parallel_loop3A_1318 = arith.constant 0 : index
        %parallel_loop3A_1319 = tpu.vector_load %arg9[%parallel_loop3A_1317, %parallel_loop3A_1318] {strides = array<i32>} : memref<64x128xf32, #tpu.memory_space<vmem>>, vector<1x16xf32>,
        %parallel_loop3A_1320 = vector.shape_cast %parallel_loop3A_1319 : vector<1x16xf32> to vector<16xf32>
        %parallel_loop3A_1321 = vector.shape_cast %parallel_loop3A_1316 : vector<16xf32> to vector<1x16xf32>
        tpu.vector_store %arg9[%parallel_loop3A_1317, %parallel_loop3A_1318], %parallel_loop3A_1321 {strides = array<i32>} : memref<64x128xf32, #tpu.memory_space<vmem>>, vector<1x16xf32>,
        %parallel_loop3A_1322 = arith.index_cast %parallel_loop3A_1308 : i32 to index
        %parallel_loop3A_1323 = arith.constant 16 : index
        %parallel_loop3A_1324 = tpu.vector_load %arg7[%parallel_loop3A_1322, %parallel_loop3A_1323] {strides = array<i32>} : memref<64x64xf32, #tpu.memory_space<vmem>>, vector<1x16xf32>,
        %parallel_loop3A_1325 = vector.shape_cast %parallel_loop3A_1324 : vector<1x16xf32> to vector<16xf32>
        %parallel_loop3A_1326 = arith.mulf %parallel_loop3A_1325, %parallel_loop3A_1311 : vector<16xf32>
        %parallel_loop3A_1327 = arith.index_cast %parallel_loop3A_1308 : i32 to index
        %parallel_loop3A_1328 = arith.constant 16 : index
        %parallel_loop3A_1329 = tpu.vector_load %arg9[%parallel_loop3A_1327, %parallel_loop3A_1328] {strides = array<i32>} : memref<64x128xf32, #tpu.memory_space<vmem>>, vector<1x16xf32>,
        %parallel_loop3A_1330 = vector.shape_cast %parallel_loop3A_1329 : vector<1x16xf32> to vector<16xf32>
        %parallel_loop3A_1331 = vector.shape_cast %parallel_loop3A_1326 : vector<16xf32> to vector<1x16xf32>
        tpu.vector_store %arg9[%parallel_loop3A_1327, %parallel_loop3A_1328], %parallel_loop3A_1331 {strides = array<i32>} : memref<64x128xf32, #tpu.memory_space<vmem>>, vector<1x16xf32>,
        %parallel_loop3A_1332 = arith.index_cast %parallel_loop3A_1308 : i32 to index
        %parallel_loop3A_1333 = arith.constant 32 : index
        %parallel_loop3A_1334 = tpu.vector_load %arg7[%parallel_loop3A_1332, %parallel_loop3A_1333] {strides = array<i32>} : memref<64x64xf32, #tpu.memory_space<vmem>>, vector<1x16xf32>,
        %parallel_loop3A_1335 = vector.shape_cast %parallel_loop3A_1334 : vector<1x16xf32> to vector<16xf32>
        %parallel_loop3A_1336 = arith.mulf %parallel_loop3A_1335, %parallel_loop3A_1311 : vector<16xf32>
        %parallel_loop3A_1337 = arith.index_cast %parallel_loop3A_1308 : i32 to index
        %parallel_loop3A_1338 = arith.constant 32 : index
        %parallel_loop3A_1339 = tpu.vector_load %arg9[%parallel_loop3A_1337, %parallel_loop3A_1338] {strides = array<i32>} : memref<64x128xf32, #tpu.memory_space<vmem>>, vector<1x16xf32>,
        %parallel_loop3A_1340 = vector.shape_cast %parallel_loop3A_1339 : vector<1x16xf32> to vector<16xf32>
        %parallel_loop3A_1341 = vector.shape_cast %parallel_loop3A_1336 : vector<16xf32> to vector<1x16xf32>
        tpu.vector_store %arg9[%parallel_loop3A_1337, %parallel_loop3A_1338], %parallel_loop3A_1341 {strides = array<i32>} : memref<64x128xf32, #tpu.memory_space<vmem>>, vector<1x16xf32>,
        %parallel_loop3A_1342 = arith.index_cast %parallel_loop3A_1308 : i32 to index
        %parallel_loop3A_1343 = arith.constant 48 : index
        %parallel_loop3A_1344 = tpu.vector_load %arg7[%parallel_loop3A_1342, %parallel_loop3A_1343] {strides = array<i32>} : memref<64x64xf32, #tpu.memory_space<vmem>>, vector<1x16xf32>,
        %parallel_loop3A_1345 = vector.shape_cast %parallel_loop3A_1344 : vector<1x16xf32> to vector<16xf32>
        %parallel_loop3A_1346 = arith.mulf %parallel_loop3A_1345, %parallel_loop3A_1311 : vector<16xf32>
        %parallel_loop3A_1347 = arith.index_cast %parallel_loop3A_1308 : i32 to index
        %parallel_loop3A_1348 = arith.constant 48 : index
        %parallel_loop3A_1349 = tpu.vector_load %arg9[%parallel_loop3A_1347, %parallel_loop3A_1348] {strides = array<i32>} : memref<64x128xf32, #tpu.memory_space<vmem>>, vector<1x16xf32>,
        %parallel_loop3A_1350 = vector.shape_cast %parallel_loop3A_1349 : vector<1x16xf32> to vector<16xf32>
        %parallel_loop3A_1351 = vector.shape_cast %parallel_loop3A_1346 : vector<16xf32> to vector<1x16xf32>
        tpu.vector_store %arg9[%parallel_loop3A_1347, %parallel_loop3A_1348], %parallel_loop3A_1351 {strides = array<i32>} : memref<64x128xf32, #tpu.memory_space<vmem>>, vector<1x16xf32>,
        %parallel_loop3A_1352 = arith.index_cast %parallel_loop3A_1308 : i32 to index
        %parallel_loop3A_1353 = arith.constant 64 : index
        %parallel_loop3A_1354 = tpu.vector_load %arg9[%parallel_loop3A_1352, %parallel_loop3A_1353] {strides = array<i32>} : memref<64x128xf32, #tpu.memory_space<vmem>>, vector<1x16xf32>,
        %parallel_loop3A_1355 = vector.shape_cast %parallel_loop3A_1354 : vector<1x16xf32> to vector<16xf32>
        %parallel_loop3A_1356 = vector.shape_cast %parallel_loop3A_1311 : vector<16xf32> to vector<1x16xf32>
        tpu.vector_store %arg9[%parallel_loop3A_1352, %parallel_loop3A_1353], %parallel_loop3A_1356 {strides = array<i32>} : memref<64x128xf32, #tpu.memory_space<vmem>>, vector<1x16xf32>,
        %parallel_loop3A_1357 = arith.constant 16 : i32
        %parallel_loop3A_1358 = arith.muli %parallel_loop3A_552, %parallel_loop3A_1357 : i32
        %parallel_loop3A_1359 = arith.constant 15 : i32
        %parallel_loop3A_1360 = arith.addi %parallel_loop3A_1358, %parallel_loop3A_1359 : i32
        %parallel_loop3A_1361 = vector.extract_strided_slice %parallel_loop3A_560 {offsets = [15], sizes = [1], strides = [1]} : vector<16xf32> to vector<1xf32>
        %parallel_loop3A_1362 = vector.extract %parallel_loop3A_1361[0] : f32 from vector<1xf32>
        %parallel_loop3A_1363 = vector.broadcast %parallel_loop3A_1362 : f32 to vector<16xf32>
        %parallel_loop3A_1364 = arith.index_cast %parallel_loop3A_1360 : i32 to index
        %parallel_loop3A_1365 = arith.constant 0 : index
        %parallel_loop3A_1366 = tpu.vector_load %arg7[%parallel_loop3A_1364, %parallel_loop3A_1365] {strides = array<i32>} : memref<64x64xf32, #tpu.memory_space<vmem>>, vector<1x16xf32>,
        %parallel_loop3A_1367 = vector.shape_cast %parallel_loop3A_1366 : vector<1x16xf32> to vector<16xf32>
        %parallel_loop3A_1368 = arith.mulf %parallel_loop3A_1367, %parallel_loop3A_1363 : vector<16xf32>
        %parallel_loop3A_1369 = arith.index_cast %parallel_loop3A_1360 : i32 to index
        %parallel_loop3A_1370 = arith.constant 0 : index
        %parallel_loop3A_1371 = tpu.vector_load %arg9[%parallel_loop3A_1369, %parallel_loop3A_1370] {strides = array<i32>} : memref<64x128xf32, #tpu.memory_space<vmem>>, vector<1x16xf32>,
        %parallel_loop3A_1372 = vector.shape_cast %parallel_loop3A_1371 : vector<1x16xf32> to vector<16xf32>
        %parallel_loop3A_1373 = vector.shape_cast %parallel_loop3A_1368 : vector<16xf32> to vector<1x16xf32>
        tpu.vector_store %arg9[%parallel_loop3A_1369, %parallel_loop3A_1370], %parallel_loop3A_1373 {strides = array<i32>} : memref<64x128xf32, #tpu.memory_space<vmem>>, vector<1x16xf32>,
        %parallel_loop3A_1374 = arith.index_cast %parallel_loop3A_1360 : i32 to index
        %parallel_loop3A_1375 = arith.constant 16 : index
        %parallel_loop3A_1376 = tpu.vector_load %arg7[%parallel_loop3A_1374, %parallel_loop3A_1375] {strides = array<i32>} : memref<64x64xf32, #tpu.memory_space<vmem>>, vector<1x16xf32>,
        %parallel_loop3A_1377 = vector.shape_cast %parallel_loop3A_1376 : vector<1x16xf32> to vector<16xf32>
        %parallel_loop3A_1378 = arith.mulf %parallel_loop3A_1377, %parallel_loop3A_1363 : vector<16xf32>
        %parallel_loop3A_1379 = arith.index_cast %parallel_loop3A_1360 : i32 to index
        %parallel_loop3A_1380 = arith.constant 16 : index
        %parallel_loop3A_1381 = tpu.vector_load %arg9[%parallel_loop3A_1379, %parallel_loop3A_1380] {strides = array<i32>} : memref<64x128xf32, #tpu.memory_space<vmem>>, vector<1x16xf32>,
        %parallel_loop3A_1382 = vector.shape_cast %parallel_loop3A_1381 : vector<1x16xf32> to vector<16xf32>
        %parallel_loop3A_1383 = vector.shape_cast %parallel_loop3A_1378 : vector<16xf32> to vector<1x16xf32>
        tpu.vector_store %arg9[%parallel_loop3A_1379, %parallel_loop3A_1380], %parallel_loop3A_1383 {strides = array<i32>} : memref<64x128xf32, #tpu.memory_space<vmem>>, vector<1x16xf32>,
        %parallel_loop3A_1384 = arith.index_cast %parallel_loop3A_1360 : i32 to index
        %parallel_loop3A_1385 = arith.constant 32 : index
        %parallel_loop3A_1386 = tpu.vector_load %arg7[%parallel_loop3A_1384, %parallel_loop3A_1385] {strides = array<i32>} : memref<64x64xf32, #tpu.memory_space<vmem>>, vector<1x16xf32>,
        %parallel_loop3A_1387 = vector.shape_cast %parallel_loop3A_1386 : vector<1x16xf32> to vector<16xf32>
        %parallel_loop3A_1388 = arith.mulf %parallel_loop3A_1387, %parallel_loop3A_1363 : vector<16xf32>
        %parallel_loop3A_1389 = arith.index_cast %parallel_loop3A_1360 : i32 to index
        %parallel_loop3A_1390 = arith.constant 32 : index
        %parallel_loop3A_1391 = tpu.vector_load %arg9[%parallel_loop3A_1389, %parallel_loop3A_1390] {strides = array<i32>} : memref<64x128xf32, #tpu.memory_space<vmem>>, vector<1x16xf32>,
        %parallel_loop3A_1392 = vector.shape_cast %parallel_loop3A_1391 : vector<1x16xf32> to vector<16xf32>
        %parallel_loop3A_1393 = vector.shape_cast %parallel_loop3A_1388 : vector<16xf32> to vector<1x16xf32>
        tpu.vector_store %arg9[%parallel_loop3A_1389, %parallel_loop3A_1390], %parallel_loop3A_1393 {strides = array<i32>} : memref<64x128xf32, #tpu.memory_space<vmem>>, vector<1x16xf32>,
        %parallel_loop3A_1394 = arith.index_cast %parallel_loop3A_1360 : i32 to index
        %parallel_loop3A_1395 = arith.constant 48 : index
        %parallel_loop3A_1396 = tpu.vector_load %arg7[%parallel_loop3A_1394, %parallel_loop3A_1395] {strides = array<i32>} : memref<64x64xf32, #tpu.memory_space<vmem>>, vector<1x16xf32>,
        %parallel_loop3A_1397 = vector.shape_cast %parallel_loop3A_1396 : vector<1x16xf32> to vector<16xf32>
        %parallel_loop3A_1398 = arith.mulf %parallel_loop3A_1397, %parallel_loop3A_1363 : vector<16xf32>
        %parallel_loop3A_1399 = arith.index_cast %parallel_loop3A_1360 : i32 to index
        %parallel_loop3A_1400 = arith.constant 48 : index
        %parallel_loop3A_1401 = tpu.vector_load %arg9[%parallel_loop3A_1399, %parallel_loop3A_1400] {strides = array<i32>} : memref<64x128xf32, #tpu.memory_space<vmem>>, vector<1x16xf32>,
        %parallel_loop3A_1402 = vector.shape_cast %parallel_loop3A_1401 : vector<1x16xf32> to vector<16xf32>
        %parallel_loop3A_1403 = vector.shape_cast %parallel_loop3A_1398 : vector<16xf32> to vector<1x16xf32>
        tpu.vector_store %arg9[%parallel_loop3A_1399, %parallel_loop3A_1400], %parallel_loop3A_1403 {strides = array<i32>} : memref<64x128xf32, #tpu.memory_space<vmem>>, vector<1x16xf32>,
        %parallel_loop3A_1404 = arith.index_cast %parallel_loop3A_1360 : i32 to index
        %parallel_loop3A_1405 = arith.constant 64 : index
        %parallel_loop3A_1406 = tpu.vector_load %arg9[%parallel_loop3A_1404, %parallel_loop3A_1405] {strides = array<i32>} : memref<64x128xf32, #tpu.memory_space<vmem>>, vector<1x16xf32>,
        %parallel_loop3A_1407 = vector.shape_cast %parallel_loop3A_1406 : vector<1x16xf32> to vector<16xf32>
        %parallel_loop3A_1408 = vector.shape_cast %parallel_loop3A_1363 : vector<16xf32> to vector<1x16xf32>
        tpu.vector_store %arg9[%parallel_loop3A_1404, %parallel_loop3A_1405], %parallel_loop3A_1408 {strides = array<i32>} : memref<64x128xf32, #tpu.memory_space<vmem>>, vector<1x16xf32>,
      } {sc.loop_unroll_factor = 4 : i64, sc.parallel_access}
      %lt3A = arith.constant 15 : i32
      %lt3A_516 = arith.cmpi slt, %scan3A_497, %lt3A : i32
      %convert_element_type3A_517 = arith.extui %lt3A_516 : i1 to i32
      %cond3A_518 = arith.constant 0 : i32
      %cond3A_519 = arith.cmpi ne, %convert_element_type3A_517, %cond3A_518 : i32
      scf.if %cond3A_519 {
        %add3A_552 = arith.constant 2 : i32
        %add3A_553 = arith.addi %add3A_502, %add3A_552 : i32
        %mul3A_554 = arith.constant 64 : i32
        %mul3A_555 = arith.muli %add3A_553, %mul3A_554 : i32
        %add3A_556 = arith.addi %add3A, %mul3A_555 : i32
        %multiple_of3A_557 = tpu.assume_multiple %add3A_556, 64 : i32
        %dma_start3A_558 = arith.constant 0 : i32
        %dma_start3A_559 = tpu.memref_slice %arg2[%multiple_of3A_557, %dma_start3A_558] : memref<65536x64xf32, #tpu.memory_space<hbm>> -> memref<64x64xf32, #tpu.memory_space<hbm>>
        %dma_start3A_560 = arith.constant 0 : i32
        %dma_start3A_561 = tpu.memref_slice %arg2[%multiple_of3A_557, %dma_start3A_560] : memref<65536x64xf32, #tpu.memory_space<hbm>> -> memref<64x64xf32, #tpu.memory_space<hbm>>
        tpu.enqueue_dma source(%dma_start3A_561 : memref<64x64xf32, #tpu.memory_space<hbm>>) target(%arg7 : memref<64x64xf32, #tpu.memory_space<vmem>>) target_semaphore(%arg15 : memref<!tpu.dma_semaphore, #tpu.memory_space<semaphore_mem>>)
      } else {
      }
      %dma_start3A_520 = arith.constant 0 : i32
      %dma_start3A_521 = arith.constant 0 : i32
      %dma_start3A_522 = tpu.memref_slice %arg6[%dma_start3A_520, %dma_start3A_521] : memref<8192x128xf32, #tpu.memory_space<vmem_shared>> -> memref<8192x128xf32, #tpu.memory_space<vmem_shared>>
      tpu.enqueue_indirect_dma source(%arg9 : memref<64x128xf32, #tpu.memory_space<vmem>>) target(%dma_start3A_522 : memref<8192x128xf32, #tpu.memory_space<vmem_shared>>) offsets(%arg13 : memref<64xi32, #tpu.memory_space<vmem>>) semaphore(%arg17 : memref<!tpu.dma_semaphore, #tpu.memory_space<semaphore_mem>>) {add = true}
      %mul3A_523 = arith.constant 2 : i32
      %mul3A_524 = arith.muli %mul3A_523, %scan3A_497 : i32
      %add3A_525 = arith.constant 1 : i32
      %add3A_526 = arith.addi %mul3A_524, %add3A_525 : i32
      %gt3A_527 = arith.constant 0 : i32
      %gt3A_528 = arith.cmpi sgt, %scan3A_497, %gt3A_527 : i32
      %convert_element_type3A_529 = arith.extui %gt3A_528 : i1 to i32
      %cond3A_530 = arith.constant 0 : i32
      %cond3A_531 = arith.cmpi ne, %convert_element_type3A_529, %cond3A_530 : i32
      scf.if %cond3A_531 {
        %dma_wait3A_552 = arith.constant 0 : i32
        %dma_wait3A_553 = arith.constant 0 : i32
        %dma_wait3A_554 = tpu.memref_slice %arg6[%dma_wait3A_552, %dma_wait3A_553] : memref<8192x128xf32, #tpu.memory_space<vmem_shared>> -> memref<8192x128xf32, #tpu.memory_space<vmem_shared>>
        tpu.wait_indirect_dma semaphore(%arg18 : memref<!tpu.dma_semaphore, #tpu.memory_space<semaphore_mem>>) src(%arg10 : memref<64x128xf32, #tpu.memory_space<vmem>>) dst(%dma_wait3A_554 : memref<8192x128xf32, #tpu.memory_space<vmem_shared>>)
      } else {
      }
      %mul3A_532 = arith.constant 64 : i32
      %mul3A_533 = arith.muli %add3A_526, %mul3A_532 : i32
      %add3A_534 = arith.addi %add3A, %mul3A_533 : i32
      %multiple_of3A_535 = tpu.assume_multiple %add3A_534, 64 : i32
      %dma_wait3A_536 = arith.constant 0 : i32
      %dma_wait3A_537 = tpu.memref_slice %arg2[%multiple_of3A_535, %dma_wait3A_536] : memref<65536x64xf32, #tpu.memory_space<hbm>> -> memref<64x64xf32, #tpu.memory_space<hbm>>
      %dma_wait3A_538 = arith.constant 0 : i32
      %dma_wait3A_539 = tpu.memref_slice %arg2[%multiple_of3A_535, %dma_wait3A_538] : memref<65536x64xf32, #tpu.memory_space<hbm>> -> memref<64x64xf32, #tpu.memory_space<hbm>>
      tpu.wait_dma2 semaphore(%arg16 : memref<!tpu.dma_semaphore, #tpu.memory_space<semaphore_mem>>) src(%dma_wait3A_539 : memref<64x64xf32, #tpu.memory_space<hbm>>) dst(%arg8 : memref<64x64xf32, #tpu.memory_space<vmem>>)
      %parallel_loop3A_540 = arith.constant 0 : i32
      %parallel_loop3A_541 = arith.constant 4 : i32
      %parallel_loop3A_542 = arith.constant 1 : i32
      scf.for %parallel_loop3A_552 = %parallel_loop3A_540 to %parallel_loop3A_541 step %parallel_loop3A_542  : i32 {
        %parallel_loop3A_553 = arith.constant 64 : i32
        %parallel_loop3A_554 = arith.muli %add3A_526, %parallel_loop3A_553 : i32
        %parallel_loop3A_555 = arith.constant 16 : i32
        %parallel_loop3A_556 = arith.muli %parallel_loop3A_552, %parallel_loop3A_555 : i32
        %parallel_loop3A_557 = arith.addi %parallel_loop3A_554, %parallel_loop3A_556 : i32
        %parallel_loop3A_558 = arith.index_cast %parallel_loop3A_557 : i32 to index
        %parallel_loop3A_559 = tpu.vector_load %arg12[%parallel_loop3A_558] {strides = array<i32>} : memref<2048xf32, #tpu.memory_space<vmem>>, vector<16xf32>,
        %parallel_loop3A_560 = vector.shape_cast %parallel_loop3A_559 : vector<16xf32> to vector<16xf32>
        %parallel_loop3A_561 = arith.constant 64 : i32
        %parallel_loop3A_562 = arith.muli %add3A_526, %parallel_loop3A_561 : i32
        %parallel_loop3A_563 = arith.constant 16 : i32
        %parallel_loop3A_564 = arith.muli %parallel_loop3A_552, %parallel_loop3A_563 : i32
        %parallel_loop3A_565 = arith.addi %parallel_loop3A_562, %parallel_loop3A_564 : i32
        %parallel_loop3A_566 = arith.index_cast %parallel_loop3A_565 : i32 to index
        %parallel_loop3A_567 = tpu.vector_load %arg11[%parallel_loop3A_566] {strides = array<i32>} : memref<2048xi32, #tpu.memory_space<vmem>>, vector<16xi32>,
        %parallel_loop3A_568 = vector.shape_cast %parallel_loop3A_567 : vector<16xi32> to vector<16xi32>
        %parallel_loop3A_569 = vector.broadcast %mul3A_16 : i32 to vector<16xi32>
        %parallel_loop3A_570 = arith.addi %parallel_loop3A_568, %parallel_loop3A_569 : vector<16xi32>
        %parallel_loop3A_571 = arith.constant 16 : i32
        %parallel_loop3A_572 = arith.muli %parallel_loop3A_552, %parallel_loop3A_571 : i32
        %parallel_loop3A_573 = arith.index_cast %parallel_loop3A_572 : i32 to index
        %parallel_loop3A_574 = tpu.vector_load %arg14[%parallel_loop3A_573] {strides = array<i32>} : memref<64xi32, #tpu.memory_space<vmem>>, vector<16xi32>,
        %parallel_loop3A_575 = vector.shape_cast %parallel_loop3A_574 : vector<16xi32> to vector<16xi32>
        %parallel_loop3A_576 = vector.shape_cast %parallel_loop3A_570 : vector<16xi32> to vector<16xi32>
        tpu.vector_store %arg14[%parallel_loop3A_573], %parallel_loop3A_576 {strides = array<i32>} : memref<64xi32, #tpu.memory_space<vmem>>, vector<16xi32>,
        %parallel_loop3A_577 = arith.constant 16 : i32
        %parallel_loop3A_578 = arith.muli %parallel_loop3A_552, %parallel_loop3A_577 : i32
        %parallel_loop3A_579 = arith.constant 0 : i32
        %parallel_loop3A_580 = arith.addi %parallel_loop3A_578, %parallel_loop3A_579 : i32
        %parallel_loop3A_581 = vector.extract_strided_slice %parallel_loop3A_560 {offsets = [0], sizes = [1], strides = [1]} : vector<16xf32> to vector<1xf32>
        %parallel_loop3A_582 = vector.extract %parallel_loop3A_581[0] : f32 from vector<1xf32>
        %parallel_loop3A_583 = vector.broadcast %parallel_loop3A_582 : f32 to vector<16xf32>
        %parallel_loop3A_584 = arith.index_cast %parallel_loop3A_580 : i32 to index
        %parallel_loop3A_585 = arith.constant 0 : index
        %parallel_loop3A_586 = tpu.vector_load %arg8[%parallel_loop3A_584, %parallel_loop3A_585] {strides = array<i32>} : memref<64x64xf32, #tpu.memory_space<vmem>>, vector<1x16xf32>,
        %parallel_loop3A_587 = vector.shape_cast %parallel_loop3A_586 : vector<1x16xf32> to vector<16xf32>
        %parallel_loop3A_588 = arith.mulf %parallel_loop3A_587, %parallel_loop3A_583 : vector<16xf32>
        %parallel_loop3A_589 = arith.index_cast %parallel_loop3A_580 : i32 to index
        %parallel_loop3A_590 = arith.constant 0 : index
        %parallel_loop3A_591 = tpu.vector_load %arg10[%parallel_loop3A_589, %parallel_loop3A_590] {strides = array<i32>} : memref<64x128xf32, #tpu.memory_space<vmem>>, vector<1x16xf32>,
        %parallel_loop3A_592 = vector.shape_cast %parallel_loop3A_591 : vector<1x16xf32> to vector<16xf32>
        %parallel_loop3A_593 = vector.shape_cast %parallel_loop3A_588 : vector<16xf32> to vector<1x16xf32>
        tpu.vector_store %arg10[%parallel_loop3A_589, %parallel_loop3A_590], %parallel_loop3A_593 {strides = array<i32>} : memref<64x128xf32, #tpu.memory_space<vmem>>, vector<1x16xf32>,
        %parallel_loop3A_594 = arith.index_cast %parallel_loop3A_580 : i32 to index
        %parallel_loop3A_595 = arith.constant 16 : index
        %parallel_loop3A_596 = tpu.vector_load %arg8[%parallel_loop3A_594, %parallel_loop3A_595] {strides = array<i32>} : memref<64x64xf32, #tpu.memory_space<vmem>>, vector<1x16xf32>,
        %parallel_loop3A_597 = vector.shape_cast %parallel_loop3A_596 : vector<1x16xf32> to vector<16xf32>
        %parallel_loop3A_598 = arith.mulf %parallel_loop3A_597, %parallel_loop3A_583 : vector<16xf32>
        %parallel_loop3A_599 = arith.index_cast %parallel_loop3A_580 : i32 to index
        %parallel_loop3A_600 = arith.constant 16 : index
        %parallel_loop3A_601 = tpu.vector_load %arg10[%parallel_loop3A_599, %parallel_loop3A_600] {strides = array<i32>} : memref<64x128xf32, #tpu.memory_space<vmem>>, vector<1x16xf32>,
        %parallel_loop3A_602 = vector.shape_cast %parallel_loop3A_601 : vector<1x16xf32> to vector<16xf32>
        %parallel_loop3A_603 = vector.shape_cast %parallel_loop3A_598 : vector<16xf32> to vector<1x16xf32>
        tpu.vector_store %arg10[%parallel_loop3A_599, %parallel_loop3A_600], %parallel_loop3A_603 {strides = array<i32>} : memref<64x128xf32, #tpu.memory_space<vmem>>, vector<1x16xf32>,
        %parallel_loop3A_604 = arith.index_cast %parallel_loop3A_580 : i32 to index
        %parallel_loop3A_605 = arith.constant 32 : index
        %parallel_loop3A_606 = tpu.vector_load %arg8[%parallel_loop3A_604, %parallel_loop3A_605] {strides = array<i32>} : memref<64x64xf32, #tpu.memory_space<vmem>>, vector<1x16xf32>,
        %parallel_loop3A_607 = vector.shape_cast %parallel_loop3A_606 : vector<1x16xf32> to vector<16xf32>
        %parallel_loop3A_608 = arith.mulf %parallel_loop3A_607, %parallel_loop3A_583 : vector<16xf32>
        %parallel_loop3A_609 = arith.index_cast %parallel_loop3A_580 : i32 to index
        %parallel_loop3A_610 = arith.constant 32 : index
        %parallel_loop3A_611 = tpu.vector_load %arg10[%parallel_loop3A_609, %parallel_loop3A_610] {strides = array<i32>} : memref<64x128xf32, #tpu.memory_space<vmem>>, vector<1x16xf32>,
        %parallel_loop3A_612 = vector.shape_cast %parallel_loop3A_611 : vector<1x16xf32> to vector<16xf32>
        %parallel_loop3A_613 = vector.shape_cast %parallel_loop3A_608 : vector<16xf32> to vector<1x16xf32>
        tpu.vector_store %arg10[%parallel_loop3A_609, %parallel_loop3A_610], %parallel_loop3A_613 {strides = array<i32>} : memref<64x128xf32, #tpu.memory_space<vmem>>, vector<1x16xf32>,
        %parallel_loop3A_614 = arith.index_cast %parallel_loop3A_580 : i32 to index
        %parallel_loop3A_615 = arith.constant 48 : index
        %parallel_loop3A_616 = tpu.vector_load %arg8[%parallel_loop3A_614, %parallel_loop3A_615] {strides = array<i32>} : memref<64x64xf32, #tpu.memory_space<vmem>>, vector<1x16xf32>,
        %parallel_loop3A_617 = vector.shape_cast %parallel_loop3A_616 : vector<1x16xf32> to vector<16xf32>
        %parallel_loop3A_618 = arith.mulf %parallel_loop3A_617, %parallel_loop3A_583 : vector<16xf32>
        %parallel_loop3A_619 = arith.index_cast %parallel_loop3A_580 : i32 to index
        %parallel_loop3A_620 = arith.constant 48 : index
        %parallel_loop3A_621 = tpu.vector_load %arg10[%parallel_loop3A_619, %parallel_loop3A_620] {strides = array<i32>} : memref<64x128xf32, #tpu.memory_space<vmem>>, vector<1x16xf32>,
        %parallel_loop3A_622 = vector.shape_cast %parallel_loop3A_621 : vector<1x16xf32> to vector<16xf32>
        %parallel_loop3A_623 = vector.shape_cast %parallel_loop3A_618 : vector<16xf32> to vector<1x16xf32>
        tpu.vector_store %arg10[%parallel_loop3A_619, %parallel_loop3A_620], %parallel_loop3A_623 {strides = array<i32>} : memref<64x128xf32, #tpu.memory_space<vmem>>, vector<1x16xf32>,
        %parallel_loop3A_624 = arith.index_cast %parallel_loop3A_580 : i32 to index
        %parallel_loop3A_625 = arith.constant 64 : index
        %parallel_loop3A_626 = tpu.vector_load %arg10[%parallel_loop3A_624, %parallel_loop3A_625] {strides = array<i32>} : memref<64x128xf32, #tpu.memory_space<vmem>>, vector<1x16xf32>,
        %parallel_loop3A_627 = vector.shape_cast %parallel_loop3A_626 : vector<1x16xf32> to vector<16xf32>
        %parallel_loop3A_628 = vector.shape_cast %parallel_loop3A_583 : vector<16xf32> to vector<1x16xf32>
        tpu.vector_store %arg10[%parallel_loop3A_624, %parallel_loop3A_625], %parallel_loop3A_628 {strides = array<i32>} : memref<64x128xf32, #tpu.memory_space<vmem>>, vector<1x16xf32>,
        %parallel_loop3A_629 = arith.constant 16 : i32
        %parallel_loop3A_630 = arith.muli %parallel_loop3A_552, %parallel_loop3A_629 : i32
        %parallel_loop3A_631 = arith.constant 1 : i32
        %parallel_loop3A_632 = arith.addi %parallel_loop3A_630, %parallel_loop3A_631 : i32
        %parallel_loop3A_633 = vector.extract_strided_slice %parallel_loop3A_560 {offsets = [1], sizes = [1], strides = [1]} : vector<16xf32> to vector<1xf32>
        %parallel_loop3A_634 = vector.extract %parallel_loop3A_633[0] : f32 from vector<1xf32>
        %parallel_loop3A_635 = vector.broadcast %parallel_loop3A_634 : f32 to vector<16xf32>
        %parallel_loop3A_636 = arith.index_cast %parallel_loop3A_632 : i32 to index
        %parallel_loop3A_637 = arith.constant 0 : index
        %parallel_loop3A_638 = tpu.vector_load %arg8[%parallel_loop3A_636, %parallel_loop3A_637] {strides = array<i32>} : memref<64x64xf32, #tpu.memory_space<vmem>>, vector<1x16xf32>,
        %parallel_loop3A_639 = vector.shape_cast %parallel_loop3A_638 : vector<1x16xf32> to vector<16xf32>
        %parallel_loop3A_640 = arith.mulf %parallel_loop3A_639, %parallel_loop3A_635 : vector<16xf32>
        %parallel_loop3A_641 = arith.index_cast %parallel_loop3A_632 : i32 to index
        %parallel_loop3A_642 = arith.constant 0 : index
        %parallel_loop3A_643 = tpu.vector_load %arg10[%parallel_loop3A_641, %parallel_loop3A_642] {strides = array<i32>} : memref<64x128xf32, #tpu.memory_space<vmem>>, vector<1x16xf32>,
        %parallel_loop3A_644 = vector.shape_cast %parallel_loop3A_643 : vector<1x16xf32> to vector<16xf32>
        %parallel_loop3A_645 = vector.shape_cast %parallel_loop3A_640 : vector<16xf32> to vector<1x16xf32>
        tpu.vector_store %arg10[%parallel_loop3A_641, %parallel_loop3A_642], %parallel_loop3A_645 {strides = array<i32>} : memref<64x128xf32, #tpu.memory_space<vmem>>, vector<1x16xf32>,
        %parallel_loop3A_646 = arith.index_cast %parallel_loop3A_632 : i32 to index
        %parallel_loop3A_647 = arith.constant 16 : index
        %parallel_loop3A_648 = tpu.vector_load %arg8[%parallel_loop3A_646, %parallel_loop3A_647] {strides = array<i32>} : memref<64x64xf32, #tpu.memory_space<vmem>>, vector<1x16xf32>,
        %parallel_loop3A_649 = vector.shape_cast %parallel_loop3A_648 : vector<1x16xf32> to vector<16xf32>
        %parallel_loop3A_650 = arith.mulf %parallel_loop3A_649, %parallel_loop3A_635 : vector<16xf32>
        %parallel_loop3A_651 = arith.index_cast %parallel_loop3A_632 : i32 to index
        %parallel_loop3A_652 = arith.constant 16 : index
        %parallel_loop3A_653 = tpu.vector_load %arg10[%parallel_loop3A_651, %parallel_loop3A_652] {strides = array<i32>} : memref<64x128xf32, #tpu.memory_space<vmem>>, vector<1x16xf32>,
        %parallel_loop3A_654 = vector.shape_cast %parallel_loop3A_653 : vector<1x16xf32> to vector<16xf32>
        %parallel_loop3A_655 = vector.shape_cast %parallel_loop3A_650 : vector<16xf32> to vector<1x16xf32>
        tpu.vector_store %arg10[%parallel_loop3A_651, %parallel_loop3A_652], %parallel_loop3A_655 {strides = array<i32>} : memref<64x128xf32, #tpu.memory_space<vmem>>, vector<1x16xf32>,
        %parallel_loop3A_656 = arith.index_cast %parallel_loop3A_632 : i32 to index
        %parallel_loop3A_657 = arith.constant 32 : index
        %parallel_loop3A_658 = tpu.vector_load %arg8[%parallel_loop3A_656, %parallel_loop3A_657] {strides = array<i32>} : memref<64x64xf32, #tpu.memory_space<vmem>>, vector<1x16xf32>,
        %parallel_loop3A_659 = vector.shape_cast %parallel_loop3A_658 : vector<1x16xf32> to vector<16xf32>
        %parallel_loop3A_660 = arith.mulf %parallel_loop3A_659, %parallel_loop3A_635 : vector<16xf32>
        %parallel_loop3A_661 = arith.index_cast %parallel_loop3A_632 : i32 to index
        %parallel_loop3A_662 = arith.constant 32 : index
        %parallel_loop3A_663 = tpu.vector_load %arg10[%parallel_loop3A_661, %parallel_loop3A_662] {strides = array<i32>} : memref<64x128xf32, #tpu.memory_space<vmem>>, vector<1x16xf32>,
        %parallel_loop3A_664 = vector.shape_cast %parallel_loop3A_663 : vector<1x16xf32> to vector<16xf32>
        %parallel_loop3A_665 = vector.shape_cast %parallel_loop3A_660 : vector<16xf32> to vector<1x16xf32>
        tpu.vector_store %arg10[%parallel_loop3A_661, %parallel_loop3A_662], %parallel_loop3A_665 {strides = array<i32>} : memref<64x128xf32, #tpu.memory_space<vmem>>, vector<1x16xf32>,
        %parallel_loop3A_666 = arith.index_cast %parallel_loop3A_632 : i32 to index
        %parallel_loop3A_667 = arith.constant 48 : index
        %parallel_loop3A_668 = tpu.vector_load %arg8[%parallel_loop3A_666, %parallel_loop3A_667] {strides = array<i32>} : memref<64x64xf32, #tpu.memory_space<vmem>>, vector<1x16xf32>,
        %parallel_loop3A_669 = vector.shape_cast %parallel_loop3A_668 : vector<1x16xf32> to vector<16xf32>
        %parallel_loop3A_670 = arith.mulf %parallel_loop3A_669, %parallel_loop3A_635 : vector<16xf32>
        %parallel_loop3A_671 = arith.index_cast %parallel_loop3A_632 : i32 to index
        %parallel_loop3A_672 = arith.constant 48 : index
        %parallel_loop3A_673 = tpu.vector_load %arg10[%parallel_loop3A_671, %parallel_loop3A_672] {strides = array<i32>} : memref<64x128xf32, #tpu.memory_space<vmem>>, vector<1x16xf32>,
        %parallel_loop3A_674 = vector.shape_cast %parallel_loop3A_673 : vector<1x16xf32> to vector<16xf32>
        %parallel_loop3A_675 = vector.shape_cast %parallel_loop3A_670 : vector<16xf32> to vector<1x16xf32>
        tpu.vector_store %arg10[%parallel_loop3A_671, %parallel_loop3A_672], %parallel_loop3A_675 {strides = array<i32>} : memref<64x128xf32, #tpu.memory_space<vmem>>, vector<1x16xf32>,
        %parallel_loop3A_676 = arith.index_cast %parallel_loop3A_632 : i32 to index
        %parallel_loop3A_677 = arith.constant 64 : index
        %parallel_loop3A_678 = tpu.vector_load %arg10[%parallel_loop3A_676, %parallel_loop3A_677] {strides = array<i32>} : memref<64x128xf32, #tpu.memory_space<vmem>>, vector<1x16xf32>,
        %parallel_loop3A_679 = vector.shape_cast %parallel_loop3A_678 : vector<1x16xf32> to vector<16xf32>
        %parallel_loop3A_680 = vector.shape_cast %parallel_loop3A_635 : vector<16xf32> to vector<1x16xf32>
        tpu.vector_store %arg10[%parallel_loop3A_676, %parallel_loop3A_677], %parallel_loop3A_680 {strides = array<i32>} : memref<64x128xf32, #tpu.memory_space<vmem>>, vector<1x16xf32>,
        %parallel_loop3A_681 = arith.constant 16 : i32
        %parallel_loop3A_682 = arith.muli %parallel_loop3A_552, %parallel_loop3A_681 : i32
        %parallel_loop3A_683 = arith.constant 2 : i32
        %parallel_loop3A_684 = arith.addi %parallel_loop3A_682, %parallel_loop3A_683 : i32
        %parallel_loop3A_685 = vector.extract_strided_slice %parallel_loop3A_560 {offsets = [2], sizes = [1], strides = [1]} : vector<16xf32> to vector<1xf32>
        %parallel_loop3A_686 = vector.extract %parallel_loop3A_685[0] : f32 from vector<1xf32>
        %parallel_loop3A_687 = vector.broadcast %parallel_loop3A_686 : f32 to vector<16xf32>
        %parallel_loop3A_688 = arith.index_cast %parallel_loop3A_684 : i32 to index
        %parallel_loop3A_689 = arith.constant 0 : index
        %parallel_loop3A_690 = tpu.vector_load %arg8[%parallel_loop3A_688, %parallel_loop3A_689] {strides = array<i32>} : memref<64x64xf32, #tpu.memory_space<vmem>>, vector<1x16xf32>,
        %parallel_loop3A_691 = vector.shape_cast %parallel_loop3A_690 : vector<1x16xf32> to vector<16xf32>
        %parallel_loop3A_692 = arith.mulf %parallel_loop3A_691, %parallel_loop3A_687 : vector<16xf32>
        %parallel_loop3A_693 = arith.index_cast %parallel_loop3A_684 : i32 to index
        %parallel_loop3A_694 = arith.constant 0 : index
        %parallel_loop3A_695 = tpu.vector_load %arg10[%parallel_loop3A_693, %parallel_loop3A_694] {strides = array<i32>} : memref<64x128xf32, #tpu.memory_space<vmem>>, vector<1x16xf32>,
        %parallel_loop3A_696 = vector.shape_cast %parallel_loop3A_695 : vector<1x16xf32> to vector<16xf32>
        %parallel_loop3A_697 = vector.shape_cast %parallel_loop3A_692 : vector<16xf32> to vector<1x16xf32>
        tpu.vector_store %arg10[%parallel_loop3A_693, %parallel_loop3A_694], %parallel_loop3A_697 {strides = array<i32>} : memref<64x128xf32, #tpu.memory_space<vmem>>, vector<1x16xf32>,
        %parallel_loop3A_698 = arith.index_cast %parallel_loop3A_684 : i32 to index
        %parallel_loop3A_699 = arith.constant 16 : index
        %parallel_loop3A_700 = tpu.vector_load %arg8[%parallel_loop3A_698, %parallel_loop3A_699] {strides = array<i32>} : memref<64x64xf32, #tpu.memory_space<vmem>>, vector<1x16xf32>,
        %parallel_loop3A_701 = vector.shape_cast %parallel_loop3A_700 : vector<1x16xf32> to vector<16xf32>
        %parallel_loop3A_702 = arith.mulf %parallel_loop3A_701, %parallel_loop3A_687 : vector<16xf32>
        %parallel_loop3A_703 = arith.index_cast %parallel_loop3A_684 : i32 to index
        %parallel_loop3A_704 = arith.constant 16 : index
        %parallel_loop3A_705 = tpu.vector_load %arg10[%parallel_loop3A_703, %parallel_loop3A_704] {strides = array<i32>} : memref<64x128xf32, #tpu.memory_space<vmem>>, vector<1x16xf32>,
        %parallel_loop3A_706 = vector.shape_cast %parallel_loop3A_705 : vector<1x16xf32> to vector<16xf32>
        %parallel_loop3A_707 = vector.shape_cast %parallel_loop3A_702 : vector<16xf32> to vector<1x16xf32>
        tpu.vector_store %arg10[%parallel_loop3A_703, %parallel_loop3A_704], %parallel_loop3A_707 {strides = array<i32>} : memref<64x128xf32, #tpu.memory_space<vmem>>, vector<1x16xf32>,
        %parallel_loop3A_708 = arith.index_cast %parallel_loop3A_684 : i32 to index
        %parallel_loop3A_709 = arith.constant 32 : index
        %parallel_loop3A_710 = tpu.vector_load %arg8[%parallel_loop3A_708, %parallel_loop3A_709] {strides = array<i32>} : memref<64x64xf32, #tpu.memory_space<vmem>>, vector<1x16xf32>,
        %parallel_loop3A_711 = vector.shape_cast %parallel_loop3A_710 : vector<1x16xf32> to vector<16xf32>
        %parallel_loop3A_712 = arith.mulf %parallel_loop3A_711, %parallel_loop3A_687 : vector<16xf32>
        %parallel_loop3A_713 = arith.index_cast %parallel_loop3A_684 : i32 to index
        %parallel_loop3A_714 = arith.constant 32 : index
        %parallel_loop3A_715 = tpu.vector_load %arg10[%parallel_loop3A_713, %parallel_loop3A_714] {strides = array<i32>} : memref<64x128xf32, #tpu.memory_space<vmem>>, vector<1x16xf32>,
        %parallel_loop3A_716 = vector.shape_cast %parallel_loop3A_715 : vector<1x16xf32> to vector<16xf32>
        %parallel_loop3A_717 = vector.shape_cast %parallel_loop3A_712 : vector<16xf32> to vector<1x16xf32>
        tpu.vector_store %arg10[%parallel_loop3A_713, %parallel_loop3A_714], %parallel_loop3A_717 {strides = array<i32>} : memref<64x128xf32, #tpu.memory_space<vmem>>, vector<1x16xf32>,
        %parallel_loop3A_718 = arith.index_cast %parallel_loop3A_684 : i32 to index
        %parallel_loop3A_719 = arith.constant 48 : index
        %parallel_loop3A_720 = tpu.vector_load %arg8[%parallel_loop3A_718, %parallel_loop3A_719] {strides = array<i32>} : memref<64x64xf32, #tpu.memory_space<vmem>>, vector<1x16xf32>,
        %parallel_loop3A_721 = vector.shape_cast %parallel_loop3A_720 : vector<1x16xf32> to vector<16xf32>
        %parallel_loop3A_722 = arith.mulf %parallel_loop3A_721, %parallel_loop3A_687 : vector<16xf32>
        %parallel_loop3A_723 = arith.index_cast %parallel_loop3A_684 : i32 to index
        %parallel_loop3A_724 = arith.constant 48 : index
        %parallel_loop3A_725 = tpu.vector_load %arg10[%parallel_loop3A_723, %parallel_loop3A_724] {strides = array<i32>} : memref<64x128xf32, #tpu.memory_space<vmem>>, vector<1x16xf32>,
        %parallel_loop3A_726 = vector.shape_cast %parallel_loop3A_725 : vector<1x16xf32> to vector<16xf32>
        %parallel_loop3A_727 = vector.shape_cast %parallel_loop3A_722 : vector<16xf32> to vector<1x16xf32>
        tpu.vector_store %arg10[%parallel_loop3A_723, %parallel_loop3A_724], %parallel_loop3A_727 {strides = array<i32>} : memref<64x128xf32, #tpu.memory_space<vmem>>, vector<1x16xf32>,
        %parallel_loop3A_728 = arith.index_cast %parallel_loop3A_684 : i32 to index
        %parallel_loop3A_729 = arith.constant 64 : index
        %parallel_loop3A_730 = tpu.vector_load %arg10[%parallel_loop3A_728, %parallel_loop3A_729] {strides = array<i32>} : memref<64x128xf32, #tpu.memory_space<vmem>>, vector<1x16xf32>,
        %parallel_loop3A_731 = vector.shape_cast %parallel_loop3A_730 : vector<1x16xf32> to vector<16xf32>
        %parallel_loop3A_732 = vector.shape_cast %parallel_loop3A_687 : vector<16xf32> to vector<1x16xf32>
        tpu.vector_store %arg10[%parallel_loop3A_728, %parallel_loop3A_729], %parallel_loop3A_732 {strides = array<i32>} : memref<64x128xf32, #tpu.memory_space<vmem>>, vector<1x16xf32>,
        %parallel_loop3A_733 = arith.constant 16 : i32
        %parallel_loop3A_734 = arith.muli %parallel_loop3A_552, %parallel_loop3A_733 : i32
        %parallel_loop3A_735 = arith.constant 3 : i32
        %parallel_loop3A_736 = arith.addi %parallel_loop3A_734, %parallel_loop3A_735 : i32
        %parallel_loop3A_737 = vector.extract_strided_slice %parallel_loop3A_560 {offsets = [3], sizes = [1], strides = [1]} : vector<16xf32> to vector<1xf32>
        %parallel_loop3A_738 = vector.extract %parallel_loop3A_737[0] : f32 from vector<1xf32>
        %parallel_loop3A_739 = vector.broadcast %parallel_loop3A_738 : f32 to vector<16xf32>
        %parallel_loop3A_740 = arith.index_cast %parallel_loop3A_736 : i32 to index
        %parallel_loop3A_741 = arith.constant 0 : index
        %parallel_loop3A_742 = tpu.vector_load %arg8[%parallel_loop3A_740, %parallel_loop3A_741] {strides = array<i32>} : memref<64x64xf32, #tpu.memory_space<vmem>>, vector<1x16xf32>,
        %parallel_loop3A_743 = vector.shape_cast %parallel_loop3A_742 : vector<1x16xf32> to vector<16xf32>
        %parallel_loop3A_744 = arith.mulf %parallel_loop3A_743, %parallel_loop3A_739 : vector<16xf32>
        %parallel_loop3A_745 = arith.index_cast %parallel_loop3A_736 : i32 to index
        %parallel_loop3A_746 = arith.constant 0 : index
        %parallel_loop3A_747 = tpu.vector_load %arg10[%parallel_loop3A_745, %parallel_loop3A_746] {strides = array<i32>} : memref<64x128xf32, #tpu.memory_space<vmem>>, vector<1x16xf32>,
        %parallel_loop3A_748 = vector.shape_cast %parallel_loop3A_747 : vector<1x16xf32> to vector<16xf32>
        %parallel_loop3A_749 = vector.shape_cast %parallel_loop3A_744 : vector<16xf32> to vector<1x16xf32>
        tpu.vector_store %arg10[%parallel_loop3A_745, %parallel_loop3A_746], %parallel_loop3A_749 {strides = array<i32>} : memref<64x128xf32, #tpu.memory_space<vmem>>, vector<1x16xf32>,
        %parallel_loop3A_750 = arith.index_cast %parallel_loop3A_736 : i32 to index
        %parallel_loop3A_751 = arith.constant 16 : index
        %parallel_loop3A_752 = tpu.vector_load %arg8[%parallel_loop3A_750, %parallel_loop3A_751] {strides = array<i32>} : memref<64x64xf32, #tpu.memory_space<vmem>>, vector<1x16xf32>,
        %parallel_loop3A_753 = vector.shape_cast %parallel_loop3A_752 : vector<1x16xf32> to vector<16xf32>
        %parallel_loop3A_754 = arith.mulf %parallel_loop3A_753, %parallel_loop3A_739 : vector<16xf32>
        %parallel_loop3A_755 = arith.index_cast %parallel_loop3A_736 : i32 to index
        %parallel_loop3A_756 = arith.constant 16 : index
        %parallel_loop3A_757 = tpu.vector_load %arg10[%parallel_loop3A_755, %parallel_loop3A_756] {strides = array<i32>} : memref<64x128xf32, #tpu.memory_space<vmem>>, vector<1x16xf32>,
        %parallel_loop3A_758 = vector.shape_cast %parallel_loop3A_757 : vector<1x16xf32> to vector<16xf32>
        %parallel_loop3A_759 = vector.shape_cast %parallel_loop3A_754 : vector<16xf32> to vector<1x16xf32>
        tpu.vector_store %arg10[%parallel_loop3A_755, %parallel_loop3A_756], %parallel_loop3A_759 {strides = array<i32>} : memref<64x128xf32, #tpu.memory_space<vmem>>, vector<1x16xf32>,
        %parallel_loop3A_760 = arith.index_cast %parallel_loop3A_736 : i32 to index
        %parallel_loop3A_761 = arith.constant 32 : index
        %parallel_loop3A_762 = tpu.vector_load %arg8[%parallel_loop3A_760, %parallel_loop3A_761] {strides = array<i32>} : memref<64x64xf32, #tpu.memory_space<vmem>>, vector<1x16xf32>,
        %parallel_loop3A_763 = vector.shape_cast %parallel_loop3A_762 : vector<1x16xf32> to vector<16xf32>
        %parallel_loop3A_764 = arith.mulf %parallel_loop3A_763, %parallel_loop3A_739 : vector<16xf32>
        %parallel_loop3A_765 = arith.index_cast %parallel_loop3A_736 : i32 to index
        %parallel_loop3A_766 = arith.constant 32 : index
        %parallel_loop3A_767 = tpu.vector_load %arg10[%parallel_loop3A_765, %parallel_loop3A_766] {strides = array<i32>} : memref<64x128xf32, #tpu.memory_space<vmem>>, vector<1x16xf32>,
        %parallel_loop3A_768 = vector.shape_cast %parallel_loop3A_767 : vector<1x16xf32> to vector<16xf32>
        %parallel_loop3A_769 = vector.shape_cast %parallel_loop3A_764 : vector<16xf32> to vector<1x16xf32>
        tpu.vector_store %arg10[%parallel_loop3A_765, %parallel_loop3A_766], %parallel_loop3A_769 {strides = array<i32>} : memref<64x128xf32, #tpu.memory_space<vmem>>, vector<1x16xf32>,
        %parallel_loop3A_770 = arith.index_cast %parallel_loop3A_736 : i32 to index
        %parallel_loop3A_771 = arith.constant 48 : index
        %parallel_loop3A_772 = tpu.vector_load %arg8[%parallel_loop3A_770, %parallel_loop3A_771] {strides = array<i32>} : memref<64x64xf32, #tpu.memory_space<vmem>>, vector<1x16xf32>,
        %parallel_loop3A_773 = vector.shape_cast %parallel_loop3A_772 : vector<1x16xf32> to vector<16xf32>
        %parallel_loop3A_774 = arith.mulf %parallel_loop3A_773, %parallel_loop3A_739 : vector<16xf32>
        %parallel_loop3A_775 = arith.index_cast %parallel_loop3A_736 : i32 to index
        %parallel_loop3A_776 = arith.constant 48 : index
        %parallel_loop3A_777 = tpu.vector_load %arg10[%parallel_loop3A_775, %parallel_loop3A_776] {strides = array<i32>} : memref<64x128xf32, #tpu.memory_space<vmem>>, vector<1x16xf32>,
        %parallel_loop3A_778 = vector.shape_cast %parallel_loop3A_777 : vector<1x16xf32> to vector<16xf32>
        %parallel_loop3A_779 = vector.shape_cast %parallel_loop3A_774 : vector<16xf32> to vector<1x16xf32>
        tpu.vector_store %arg10[%parallel_loop3A_775, %parallel_loop3A_776], %parallel_loop3A_779 {strides = array<i32>} : memref<64x128xf32, #tpu.memory_space<vmem>>, vector<1x16xf32>,
        %parallel_loop3A_780 = arith.index_cast %parallel_loop3A_736 : i32 to index
        %parallel_loop3A_781 = arith.constant 64 : index
        %parallel_loop3A_782 = tpu.vector_load %arg10[%parallel_loop3A_780, %parallel_loop3A_781] {strides = array<i32>} : memref<64x128xf32, #tpu.memory_space<vmem>>, vector<1x16xf32>,
        %parallel_loop3A_783 = vector.shape_cast %parallel_loop3A_782 : vector<1x16xf32> to vector<16xf32>
        %parallel_loop3A_784 = vector.shape_cast %parallel_loop3A_739 : vector<16xf32> to vector<1x16xf32>
        tpu.vector_store %arg10[%parallel_loop3A_780, %parallel_loop3A_781], %parallel_loop3A_784 {strides = array<i32>} : memref<64x128xf32, #tpu.memory_space<vmem>>, vector<1x16xf32>,
        %parallel_loop3A_785 = arith.constant 16 : i32
        %parallel_loop3A_786 = arith.muli %parallel_loop3A_552, %parallel_loop3A_785 : i32
        %parallel_loop3A_787 = arith.constant 4 : i32
        %parallel_loop3A_788 = arith.addi %parallel_loop3A_786, %parallel_loop3A_787 : i32
        %parallel_loop3A_789 = vector.extract_strided_slice %parallel_loop3A_560 {offsets = [4], sizes = [1], strides = [1]} : vector<16xf32> to vector<1xf32>
        %parallel_loop3A_790 = vector.extract %parallel_loop3A_789[0] : f32 from vector<1xf32>
        %parallel_loop3A_791 = vector.broadcast %parallel_loop3A_790 : f32 to vector<16xf32>
        %parallel_loop3A_792 = arith.index_cast %parallel_loop3A_788 : i32 to index
        %parallel_loop3A_793 = arith.constant 0 : index
        %parallel_loop3A_794 = tpu.vector_load %arg8[%parallel_loop3A_792, %parallel_loop3A_793] {strides = array<i32>} : memref<64x64xf32, #tpu.memory_space<vmem>>, vector<1x16xf32>,
        %parallel_loop3A_795 = vector.shape_cast %parallel_loop3A_794 : vector<1x16xf32> to vector<16xf32>
        %parallel_loop3A_796 = arith.mulf %parallel_loop3A_795, %parallel_loop3A_791 : vector<16xf32>
        %parallel_loop3A_797 = arith.index_cast %parallel_loop3A_788 : i32 to index
        %parallel_loop3A_798 = arith.constant 0 : index
        %parallel_loop3A_799 = tpu.vector_load %arg10[%parallel_loop3A_797, %parallel_loop3A_798] {strides = array<i32>} : memref<64x128xf32, #tpu.memory_space<vmem>>, vector<1x16xf32>,
        %parallel_loop3A_800 = vector.shape_cast %parallel_loop3A_799 : vector<1x16xf32> to vector<16xf32>
        %parallel_loop3A_801 = vector.shape_cast %parallel_loop3A_796 : vector<16xf32> to vector<1x16xf32>
        tpu.vector_store %arg10[%parallel_loop3A_797, %parallel_loop3A_798], %parallel_loop3A_801 {strides = array<i32>} : memref<64x128xf32, #tpu.memory_space<vmem>>, vector<1x16xf32>,
        %parallel_loop3A_802 = arith.index_cast %parallel_loop3A_788 : i32 to index
        %parallel_loop3A_803 = arith.constant 16 : index
        %parallel_loop3A_804 = tpu.vector_load %arg8[%parallel_loop3A_802, %parallel_loop3A_803] {strides = array<i32>} : memref<64x64xf32, #tpu.memory_space<vmem>>, vector<1x16xf32>,
        %parallel_loop3A_805 = vector.shape_cast %parallel_loop3A_804 : vector<1x16xf32> to vector<16xf32>
        %parallel_loop3A_806 = arith.mulf %parallel_loop3A_805, %parallel_loop3A_791 : vector<16xf32>
        %parallel_loop3A_807 = arith.index_cast %parallel_loop3A_788 : i32 to index
        %parallel_loop3A_808 = arith.constant 16 : index
        %parallel_loop3A_809 = tpu.vector_load %arg10[%parallel_loop3A_807, %parallel_loop3A_808] {strides = array<i32>} : memref<64x128xf32, #tpu.memory_space<vmem>>, vector<1x16xf32>,
        %parallel_loop3A_810 = vector.shape_cast %parallel_loop3A_809 : vector<1x16xf32> to vector<16xf32>
        %parallel_loop3A_811 = vector.shape_cast %parallel_loop3A_806 : vector<16xf32> to vector<1x16xf32>
        tpu.vector_store %arg10[%parallel_loop3A_807, %parallel_loop3A_808], %parallel_loop3A_811 {strides = array<i32>} : memref<64x128xf32, #tpu.memory_space<vmem>>, vector<1x16xf32>,
        %parallel_loop3A_812 = arith.index_cast %parallel_loop3A_788 : i32 to index
        %parallel_loop3A_813 = arith.constant 32 : index
        %parallel_loop3A_814 = tpu.vector_load %arg8[%parallel_loop3A_812, %parallel_loop3A_813] {strides = array<i32>} : memref<64x64xf32, #tpu.memory_space<vmem>>, vector<1x16xf32>,
        %parallel_loop3A_815 = vector.shape_cast %parallel_loop3A_814 : vector<1x16xf32> to vector<16xf32>
        %parallel_loop3A_816 = arith.mulf %parallel_loop3A_815, %parallel_loop3A_791 : vector<16xf32>
        %parallel_loop3A_817 = arith.index_cast %parallel_loop3A_788 : i32 to index
        %parallel_loop3A_818 = arith.constant 32 : index
        %parallel_loop3A_819 = tpu.vector_load %arg10[%parallel_loop3A_817, %parallel_loop3A_818] {strides = array<i32>} : memref<64x128xf32, #tpu.memory_space<vmem>>, vector<1x16xf32>,
        %parallel_loop3A_820 = vector.shape_cast %parallel_loop3A_819 : vector<1x16xf32> to vector<16xf32>
        %parallel_loop3A_821 = vector.shape_cast %parallel_loop3A_816 : vector<16xf32> to vector<1x16xf32>
        tpu.vector_store %arg10[%parallel_loop3A_817, %parallel_loop3A_818], %parallel_loop3A_821 {strides = array<i32>} : memref<64x128xf32, #tpu.memory_space<vmem>>, vector<1x16xf32>,
        %parallel_loop3A_822 = arith.index_cast %parallel_loop3A_788 : i32 to index
        %parallel_loop3A_823 = arith.constant 48 : index
        %parallel_loop3A_824 = tpu.vector_load %arg8[%parallel_loop3A_822, %parallel_loop3A_823] {strides = array<i32>} : memref<64x64xf32, #tpu.memory_space<vmem>>, vector<1x16xf32>,
        %parallel_loop3A_825 = vector.shape_cast %parallel_loop3A_824 : vector<1x16xf32> to vector<16xf32>
        %parallel_loop3A_826 = arith.mulf %parallel_loop3A_825, %parallel_loop3A_791 : vector<16xf32>
        %parallel_loop3A_827 = arith.index_cast %parallel_loop3A_788 : i32 to index
        %parallel_loop3A_828 = arith.constant 48 : index
        %parallel_loop3A_829 = tpu.vector_load %arg10[%parallel_loop3A_827, %parallel_loop3A_828] {strides = array<i32>} : memref<64x128xf32, #tpu.memory_space<vmem>>, vector<1x16xf32>,
        %parallel_loop3A_830 = vector.shape_cast %parallel_loop3A_829 : vector<1x16xf32> to vector<16xf32>
        %parallel_loop3A_831 = vector.shape_cast %parallel_loop3A_826 : vector<16xf32> to vector<1x16xf32>
        tpu.vector_store %arg10[%parallel_loop3A_827, %parallel_loop3A_828], %parallel_loop3A_831 {strides = array<i32>} : memref<64x128xf32, #tpu.memory_space<vmem>>, vector<1x16xf32>,
        %parallel_loop3A_832 = arith.index_cast %parallel_loop3A_788 : i32 to index
        %parallel_loop3A_833 = arith.constant 64 : index
        %parallel_loop3A_834 = tpu.vector_load %arg10[%parallel_loop3A_832, %parallel_loop3A_833] {strides = array<i32>} : memref<64x128xf32, #tpu.memory_space<vmem>>, vector<1x16xf32>,
        %parallel_loop3A_835 = vector.shape_cast %parallel_loop3A_834 : vector<1x16xf32> to vector<16xf32>
        %parallel_loop3A_836 = vector.shape_cast %parallel_loop3A_791 : vector<16xf32> to vector<1x16xf32>
        tpu.vector_store %arg10[%parallel_loop3A_832, %parallel_loop3A_833], %parallel_loop3A_836 {strides = array<i32>} : memref<64x128xf32, #tpu.memory_space<vmem>>, vector<1x16xf32>,
        %parallel_loop3A_837 = arith.constant 16 : i32
        %parallel_loop3A_838 = arith.muli %parallel_loop3A_552, %parallel_loop3A_837 : i32
        %parallel_loop3A_839 = arith.constant 5 : i32
        %parallel_loop3A_840 = arith.addi %parallel_loop3A_838, %parallel_loop3A_839 : i32
        %parallel_loop3A_841 = vector.extract_strided_slice %parallel_loop3A_560 {offsets = [5], sizes = [1], strides = [1]} : vector<16xf32> to vector<1xf32>
        %parallel_loop3A_842 = vector.extract %parallel_loop3A_841[0] : f32 from vector<1xf32>
        %parallel_loop3A_843 = vector.broadcast %parallel_loop3A_842 : f32 to vector<16xf32>
        %parallel_loop3A_844 = arith.index_cast %parallel_loop3A_840 : i32 to index
        %parallel_loop3A_845 = arith.constant 0 : index
        %parallel_loop3A_846 = tpu.vector_load %arg8[%parallel_loop3A_844, %parallel_loop3A_845] {strides = array<i32>} : memref<64x64xf32, #tpu.memory_space<vmem>>, vector<1x16xf32>,
        %parallel_loop3A_847 = vector.shape_cast %parallel_loop3A_846 : vector<1x16xf32> to vector<16xf32>
        %parallel_loop3A_848 = arith.mulf %parallel_loop3A_847, %parallel_loop3A_843 : vector<16xf32>
        %parallel_loop3A_849 = arith.index_cast %parallel_loop3A_840 : i32 to index
        %parallel_loop3A_850 = arith.constant 0 : index
        %parallel_loop3A_851 = tpu.vector_load %arg10[%parallel_loop3A_849, %parallel_loop3A_850] {strides = array<i32>} : memref<64x128xf32, #tpu.memory_space<vmem>>, vector<1x16xf32>,
        %parallel_loop3A_852 = vector.shape_cast %parallel_loop3A_851 : vector<1x16xf32> to vector<16xf32>
        %parallel_loop3A_853 = vector.shape_cast %parallel_loop3A_848 : vector<16xf32> to vector<1x16xf32>
        tpu.vector_store %arg10[%parallel_loop3A_849, %parallel_loop3A_850], %parallel_loop3A_853 {strides = array<i32>} : memref<64x128xf32, #tpu.memory_space<vmem>>, vector<1x16xf32>,
        %parallel_loop3A_854 = arith.index_cast %parallel_loop3A_840 : i32 to index
        %parallel_loop3A_855 = arith.constant 16 : index
        %parallel_loop3A_856 = tpu.vector_load %arg8[%parallel_loop3A_854, %parallel_loop3A_855] {strides = array<i32>} : memref<64x64xf32, #tpu.memory_space<vmem>>, vector<1x16xf32>,
        %parallel_loop3A_857 = vector.shape_cast %parallel_loop3A_856 : vector<1x16xf32> to vector<16xf32>
        %parallel_loop3A_858 = arith.mulf %parallel_loop3A_857, %parallel_loop3A_843 : vector<16xf32>
        %parallel_loop3A_859 = arith.index_cast %parallel_loop3A_840 : i32 to index
        %parallel_loop3A_860 = arith.constant 16 : index
        %parallel_loop3A_861 = tpu.vector_load %arg10[%parallel_loop3A_859, %parallel_loop3A_860] {strides = array<i32>} : memref<64x128xf32, #tpu.memory_space<vmem>>, vector<1x16xf32>,
        %parallel_loop3A_862 = vector.shape_cast %parallel_loop3A_861 : vector<1x16xf32> to vector<16xf32>
        %parallel_loop3A_863 = vector.shape_cast %parallel_loop3A_858 : vector<16xf32> to vector<1x16xf32>
        tpu.vector_store %arg10[%parallel_loop3A_859, %parallel_loop3A_860], %parallel_loop3A_863 {strides = array<i32>} : memref<64x128xf32, #tpu.memory_space<vmem>>, vector<1x16xf32>,
        %parallel_loop3A_864 = arith.index_cast %parallel_loop3A_840 : i32 to index
        %parallel_loop3A_865 = arith.constant 32 : index
        %parallel_loop3A_866 = tpu.vector_load %arg8[%parallel_loop3A_864, %parallel_loop3A_865] {strides = array<i32>} : memref<64x64xf32, #tpu.memory_space<vmem>>, vector<1x16xf32>,
        %parallel_loop3A_867 = vector.shape_cast %parallel_loop3A_866 : vector<1x16xf32> to vector<16xf32>
        %parallel_loop3A_868 = arith.mulf %parallel_loop3A_867, %parallel_loop3A_843 : vector<16xf32>
        %parallel_loop3A_869 = arith.index_cast %parallel_loop3A_840 : i32 to index
        %parallel_loop3A_870 = arith.constant 32 : index
        %parallel_loop3A_871 = tpu.vector_load %arg10[%parallel_loop3A_869, %parallel_loop3A_870] {strides = array<i32>} : memref<64x128xf32, #tpu.memory_space<vmem>>, vector<1x16xf32>,
        %parallel_loop3A_872 = vector.shape_cast %parallel_loop3A_871 : vector<1x16xf32> to vector<16xf32>
        %parallel_loop3A_873 = vector.shape_cast %parallel_loop3A_868 : vector<16xf32> to vector<1x16xf32>
        tpu.vector_store %arg10[%parallel_loop3A_869, %parallel_loop3A_870], %parallel_loop3A_873 {strides = array<i32>} : memref<64x128xf32, #tpu.memory_space<vmem>>, vector<1x16xf32>,
        %parallel_loop3A_874 = arith.index_cast %parallel_loop3A_840 : i32 to index
        %parallel_loop3A_875 = arith.constant 48 : index
        %parallel_loop3A_876 = tpu.vector_load %arg8[%parallel_loop3A_874, %parallel_loop3A_875] {strides = array<i32>} : memref<64x64xf32, #tpu.memory_space<vmem>>, vector<1x16xf32>,
        %parallel_loop3A_877 = vector.shape_cast %parallel_loop3A_876 : vector<1x16xf32> to vector<16xf32>
        %parallel_loop3A_878 = arith.mulf %parallel_loop3A_877, %parallel_loop3A_843 : vector<16xf32>
        %parallel_loop3A_879 = arith.index_cast %parallel_loop3A_840 : i32 to index
        %parallel_loop3A_880 = arith.constant 48 : index
        %parallel_loop3A_881 = tpu.vector_load %arg10[%parallel_loop3A_879, %parallel_loop3A_880] {strides = array<i32>} : memref<64x128xf32, #tpu.memory_space<vmem>>, vector<1x16xf32>,
        %parallel_loop3A_882 = vector.shape_cast %parallel_loop3A_881 : vector<1x16xf32> to vector<16xf32>
        %parallel_loop3A_883 = vector.shape_cast %parallel_loop3A_878 : vector<16xf32> to vector<1x16xf32>
        tpu.vector_store %arg10[%parallel_loop3A_879, %parallel_loop3A_880], %parallel_loop3A_883 {strides = array<i32>} : memref<64x128xf32, #tpu.memory_space<vmem>>, vector<1x16xf32>,
        %parallel_loop3A_884 = arith.index_cast %parallel_loop3A_840 : i32 to index
        %parallel_loop3A_885 = arith.constant 64 : index
        %parallel_loop3A_886 = tpu.vector_load %arg10[%parallel_loop3A_884, %parallel_loop3A_885] {strides = array<i32>} : memref<64x128xf32, #tpu.memory_space<vmem>>, vector<1x16xf32>,
        %parallel_loop3A_887 = vector.shape_cast %parallel_loop3A_886 : vector<1x16xf32> to vector<16xf32>
        %parallel_loop3A_888 = vector.shape_cast %parallel_loop3A_843 : vector<16xf32> to vector<1x16xf32>
        tpu.vector_store %arg10[%parallel_loop3A_884, %parallel_loop3A_885], %parallel_loop3A_888 {strides = array<i32>} : memref<64x128xf32, #tpu.memory_space<vmem>>, vector<1x16xf32>,
        %parallel_loop3A_889 = arith.constant 16 : i32
        %parallel_loop3A_890 = arith.muli %parallel_loop3A_552, %parallel_loop3A_889 : i32
        %parallel_loop3A_891 = arith.constant 6 : i32
        %parallel_loop3A_892 = arith.addi %parallel_loop3A_890, %parallel_loop3A_891 : i32
        %parallel_loop3A_893 = vector.extract_strided_slice %parallel_loop3A_560 {offsets = [6], sizes = [1], strides = [1]} : vector<16xf32> to vector<1xf32>
        %parallel_loop3A_894 = vector.extract %parallel_loop3A_893[0] : f32 from vector<1xf32>
        %parallel_loop3A_895 = vector.broadcast %parallel_loop3A_894 : f32 to vector<16xf32>
        %parallel_loop3A_896 = arith.index_cast %parallel_loop3A_892 : i32 to index
        %parallel_loop3A_897 = arith.constant 0 : index
        %parallel_loop3A_898 = tpu.vector_load %arg8[%parallel_loop3A_896, %parallel_loop3A_897] {strides = array<i32>} : memref<64x64xf32, #tpu.memory_space<vmem>>, vector<1x16xf32>,
        %parallel_loop3A_899 = vector.shape_cast %parallel_loop3A_898 : vector<1x16xf32> to vector<16xf32>
        %parallel_loop3A_900 = arith.mulf %parallel_loop3A_899, %parallel_loop3A_895 : vector<16xf32>
        %parallel_loop3A_901 = arith.index_cast %parallel_loop3A_892 : i32 to index
        %parallel_loop3A_902 = arith.constant 0 : index
        %parallel_loop3A_903 = tpu.vector_load %arg10[%parallel_loop3A_901, %parallel_loop3A_902] {strides = array<i32>} : memref<64x128xf32, #tpu.memory_space<vmem>>, vector<1x16xf32>,
        %parallel_loop3A_904 = vector.shape_cast %parallel_loop3A_903 : vector<1x16xf32> to vector<16xf32>
        %parallel_loop3A_905 = vector.shape_cast %parallel_loop3A_900 : vector<16xf32> to vector<1x16xf32>
        tpu.vector_store %arg10[%parallel_loop3A_901, %parallel_loop3A_902], %parallel_loop3A_905 {strides = array<i32>} : memref<64x128xf32, #tpu.memory_space<vmem>>, vector<1x16xf32>,
        %parallel_loop3A_906 = arith.index_cast %parallel_loop3A_892 : i32 to index
        %parallel_loop3A_907 = arith.constant 16 : index
        %parallel_loop3A_908 = tpu.vector_load %arg8[%parallel_loop3A_906, %parallel_loop3A_907] {strides = array<i32>} : memref<64x64xf32, #tpu.memory_space<vmem>>, vector<1x16xf32>,
        %parallel_loop3A_909 = vector.shape_cast %parallel_loop3A_908 : vector<1x16xf32> to vector<16xf32>
        %parallel_loop3A_910 = arith.mulf %parallel_loop3A_909, %parallel_loop3A_895 : vector<16xf32>
        %parallel_loop3A_911 = arith.index_cast %parallel_loop3A_892 : i32 to index
        %parallel_loop3A_912 = arith.constant 16 : index
        %parallel_loop3A_913 = tpu.vector_load %arg10[%parallel_loop3A_911, %parallel_loop3A_912] {strides = array<i32>} : memref<64x128xf32, #tpu.memory_space<vmem>>, vector<1x16xf32>,
        %parallel_loop3A_914 = vector.shape_cast %parallel_loop3A_913 : vector<1x16xf32> to vector<16xf32>
        %parallel_loop3A_915 = vector.shape_cast %parallel_loop3A_910 : vector<16xf32> to vector<1x16xf32>
        tpu.vector_store %arg10[%parallel_loop3A_911, %parallel_loop3A_912], %parallel_loop3A_915 {strides = array<i32>} : memref<64x128xf32, #tpu.memory_space<vmem>>, vector<1x16xf32>,
        %parallel_loop3A_916 = arith.index_cast %parallel_loop3A_892 : i32 to index
        %parallel_loop3A_917 = arith.constant 32 : index
        %parallel_loop3A_918 = tpu.vector_load %arg8[%parallel_loop3A_916, %parallel_loop3A_917] {strides = array<i32>} : memref<64x64xf32, #tpu.memory_space<vmem>>, vector<1x16xf32>,
        %parallel_loop3A_919 = vector.shape_cast %parallel_loop3A_918 : vector<1x16xf32> to vector<16xf32>
        %parallel_loop3A_920 = arith.mulf %parallel_loop3A_919, %parallel_loop3A_895 : vector<16xf32>
        %parallel_loop3A_921 = arith.index_cast %parallel_loop3A_892 : i32 to index
        %parallel_loop3A_922 = arith.constant 32 : index
        %parallel_loop3A_923 = tpu.vector_load %arg10[%parallel_loop3A_921, %parallel_loop3A_922] {strides = array<i32>} : memref<64x128xf32, #tpu.memory_space<vmem>>, vector<1x16xf32>,
        %parallel_loop3A_924 = vector.shape_cast %parallel_loop3A_923 : vector<1x16xf32> to vector<16xf32>
        %parallel_loop3A_925 = vector.shape_cast %parallel_loop3A_920 : vector<16xf32> to vector<1x16xf32>
        tpu.vector_store %arg10[%parallel_loop3A_921, %parallel_loop3A_922], %parallel_loop3A_925 {strides = array<i32>} : memref<64x128xf32, #tpu.memory_space<vmem>>, vector<1x16xf32>,
        %parallel_loop3A_926 = arith.index_cast %parallel_loop3A_892 : i32 to index
        %parallel_loop3A_927 = arith.constant 48 : index
        %parallel_loop3A_928 = tpu.vector_load %arg8[%parallel_loop3A_926, %parallel_loop3A_927] {strides = array<i32>} : memref<64x64xf32, #tpu.memory_space<vmem>>, vector<1x16xf32>,
        %parallel_loop3A_929 = vector.shape_cast %parallel_loop3A_928 : vector<1x16xf32> to vector<16xf32>
        %parallel_loop3A_930 = arith.mulf %parallel_loop3A_929, %parallel_loop3A_895 : vector<16xf32>
        %parallel_loop3A_931 = arith.index_cast %parallel_loop3A_892 : i32 to index
        %parallel_loop3A_932 = arith.constant 48 : index
        %parallel_loop3A_933 = tpu.vector_load %arg10[%parallel_loop3A_931, %parallel_loop3A_932] {strides = array<i32>} : memref<64x128xf32, #tpu.memory_space<vmem>>, vector<1x16xf32>,
        %parallel_loop3A_934 = vector.shape_cast %parallel_loop3A_933 : vector<1x16xf32> to vector<16xf32>
        %parallel_loop3A_935 = vector.shape_cast %parallel_loop3A_930 : vector<16xf32> to vector<1x16xf32>
        tpu.vector_store %arg10[%parallel_loop3A_931, %parallel_loop3A_932], %parallel_loop3A_935 {strides = array<i32>} : memref<64x128xf32, #tpu.memory_space<vmem>>, vector<1x16xf32>,
        %parallel_loop3A_936 = arith.index_cast %parallel_loop3A_892 : i32 to index
        %parallel_loop3A_937 = arith.constant 64 : index
        %parallel_loop3A_938 = tpu.vector_load %arg10[%parallel_loop3A_936, %parallel_loop3A_937] {strides = array<i32>} : memref<64x128xf32, #tpu.memory_space<vmem>>, vector<1x16xf32>,
        %parallel_loop3A_939 = vector.shape_cast %parallel_loop3A_938 : vector<1x16xf32> to vector<16xf32>
        %parallel_loop3A_940 = vector.shape_cast %parallel_loop3A_895 : vector<16xf32> to vector<1x16xf32>
        tpu.vector_store %arg10[%parallel_loop3A_936, %parallel_loop3A_937], %parallel_loop3A_940 {strides = array<i32>} : memref<64x128xf32, #tpu.memory_space<vmem>>, vector<1x16xf32>,
        %parallel_loop3A_941 = arith.constant 16 : i32
        %parallel_loop3A_942 = arith.muli %parallel_loop3A_552, %parallel_loop3A_941 : i32
        %parallel_loop3A_943 = arith.constant 7 : i32
        %parallel_loop3A_944 = arith.addi %parallel_loop3A_942, %parallel_loop3A_943 : i32
        %parallel_loop3A_945 = vector.extract_strided_slice %parallel_loop3A_560 {offsets = [7], sizes = [1], strides = [1]} : vector<16xf32> to vector<1xf32>
        %parallel_loop3A_946 = vector.extract %parallel_loop3A_945[0] : f32 from vector<1xf32>
        %parallel_loop3A_947 = vector.broadcast %parallel_loop3A_946 : f32 to vector<16xf32>
        %parallel_loop3A_948 = arith.index_cast %parallel_loop3A_944 : i32 to index
        %parallel_loop3A_949 = arith.constant 0 : index
        %parallel_loop3A_950 = tpu.vector_load %arg8[%parallel_loop3A_948, %parallel_loop3A_949] {strides = array<i32>} : memref<64x64xf32, #tpu.memory_space<vmem>>, vector<1x16xf32>,
        %parallel_loop3A_951 = vector.shape_cast %parallel_loop3A_950 : vector<1x16xf32> to vector<16xf32>
        %parallel_loop3A_952 = arith.mulf %parallel_loop3A_951, %parallel_loop3A_947 : vector<16xf32>
        %parallel_loop3A_953 = arith.index_cast %parallel_loop3A_944 : i32 to index
        %parallel_loop3A_954 = arith.constant 0 : index
        %parallel_loop3A_955 = tpu.vector_load %arg10[%parallel_loop3A_953, %parallel_loop3A_954] {strides = array<i32>} : memref<64x128xf32, #tpu.memory_space<vmem>>, vector<1x16xf32>,
        %parallel_loop3A_956 = vector.shape_cast %parallel_loop3A_955 : vector<1x16xf32> to vector<16xf32>
        %parallel_loop3A_957 = vector.shape_cast %parallel_loop3A_952 : vector<16xf32> to vector<1x16xf32>
        tpu.vector_store %arg10[%parallel_loop3A_953, %parallel_loop3A_954], %parallel_loop3A_957 {strides = array<i32>} : memref<64x128xf32, #tpu.memory_space<vmem>>, vector<1x16xf32>,
        %parallel_loop3A_958 = arith.index_cast %parallel_loop3A_944 : i32 to index
        %parallel_loop3A_959 = arith.constant 16 : index
        %parallel_loop3A_960 = tpu.vector_load %arg8[%parallel_loop3A_958, %parallel_loop3A_959] {strides = array<i32>} : memref<64x64xf32, #tpu.memory_space<vmem>>, vector<1x16xf32>,
        %parallel_loop3A_961 = vector.shape_cast %parallel_loop3A_960 : vector<1x16xf32> to vector<16xf32>
        %parallel_loop3A_962 = arith.mulf %parallel_loop3A_961, %parallel_loop3A_947 : vector<16xf32>
        %parallel_loop3A_963 = arith.index_cast %parallel_loop3A_944 : i32 to index
        %parallel_loop3A_964 = arith.constant 16 : index
        %parallel_loop3A_965 = tpu.vector_load %arg10[%parallel_loop3A_963, %parallel_loop3A_964] {strides = array<i32>} : memref<64x128xf32, #tpu.memory_space<vmem>>, vector<1x16xf32>,
        %parallel_loop3A_966 = vector.shape_cast %parallel_loop3A_965 : vector<1x16xf32> to vector<16xf32>
        %parallel_loop3A_967 = vector.shape_cast %parallel_loop3A_962 : vector<16xf32> to vector<1x16xf32>
        tpu.vector_store %arg10[%parallel_loop3A_963, %parallel_loop3A_964], %parallel_loop3A_967 {strides = array<i32>} : memref<64x128xf32, #tpu.memory_space<vmem>>, vector<1x16xf32>,
        %parallel_loop3A_968 = arith.index_cast %parallel_loop3A_944 : i32 to index
        %parallel_loop3A_969 = arith.constant 32 : index
        %parallel_loop3A_970 = tpu.vector_load %arg8[%parallel_loop3A_968, %parallel_loop3A_969] {strides = array<i32>} : memref<64x64xf32, #tpu.memory_space<vmem>>, vector<1x16xf32>,
        %parallel_loop3A_971 = vector.shape_cast %parallel_loop3A_970 : vector<1x16xf32> to vector<16xf32>
        %parallel_loop3A_972 = arith.mulf %parallel_loop3A_971, %parallel_loop3A_947 : vector<16xf32>
        %parallel_loop3A_973 = arith.index_cast %parallel_loop3A_944 : i32 to index
        %parallel_loop3A_974 = arith.constant 32 : index
        %parallel_loop3A_975 = tpu.vector_load %arg10[%parallel_loop3A_973, %parallel_loop3A_974] {strides = array<i32>} : memref<64x128xf32, #tpu.memory_space<vmem>>, vector<1x16xf32>,
        %parallel_loop3A_976 = vector.shape_cast %parallel_loop3A_975 : vector<1x16xf32> to vector<16xf32>
        %parallel_loop3A_977 = vector.shape_cast %parallel_loop3A_972 : vector<16xf32> to vector<1x16xf32>
        tpu.vector_store %arg10[%parallel_loop3A_973, %parallel_loop3A_974], %parallel_loop3A_977 {strides = array<i32>} : memref<64x128xf32, #tpu.memory_space<vmem>>, vector<1x16xf32>,
        %parallel_loop3A_978 = arith.index_cast %parallel_loop3A_944 : i32 to index
        %parallel_loop3A_979 = arith.constant 48 : index
        %parallel_loop3A_980 = tpu.vector_load %arg8[%parallel_loop3A_978, %parallel_loop3A_979] {strides = array<i32>} : memref<64x64xf32, #tpu.memory_space<vmem>>, vector<1x16xf32>,
        %parallel_loop3A_981 = vector.shape_cast %parallel_loop3A_980 : vector<1x16xf32> to vector<16xf32>
        %parallel_loop3A_982 = arith.mulf %parallel_loop3A_981, %parallel_loop3A_947 : vector<16xf32>
        %parallel_loop3A_983 = arith.index_cast %parallel_loop3A_944 : i32 to index
        %parallel_loop3A_984 = arith.constant 48 : index
        %parallel_loop3A_985 = tpu.vector_load %arg10[%parallel_loop3A_983, %parallel_loop3A_984] {strides = array<i32>} : memref<64x128xf32, #tpu.memory_space<vmem>>, vector<1x16xf32>,
        %parallel_loop3A_986 = vector.shape_cast %parallel_loop3A_985 : vector<1x16xf32> to vector<16xf32>
        %parallel_loop3A_987 = vector.shape_cast %parallel_loop3A_982 : vector<16xf32> to vector<1x16xf32>
        tpu.vector_store %arg10[%parallel_loop3A_983, %parallel_loop3A_984], %parallel_loop3A_987 {strides = array<i32>} : memref<64x128xf32, #tpu.memory_space<vmem>>, vector<1x16xf32>,
        %parallel_loop3A_988 = arith.index_cast %parallel_loop3A_944 : i32 to index
        %parallel_loop3A_989 = arith.constant 64 : index
        %parallel_loop3A_990 = tpu.vector_load %arg10[%parallel_loop3A_988, %parallel_loop3A_989] {strides = array<i32>} : memref<64x128xf32, #tpu.memory_space<vmem>>, vector<1x16xf32>,
        %parallel_loop3A_991 = vector.shape_cast %parallel_loop3A_990 : vector<1x16xf32> to vector<16xf32>
        %parallel_loop3A_992 = vector.shape_cast %parallel_loop3A_947 : vector<16xf32> to vector<1x16xf32>
        tpu.vector_store %arg10[%parallel_loop3A_988, %parallel_loop3A_989], %parallel_loop3A_992 {strides = array<i32>} : memref<64x128xf32, #tpu.memory_space<vmem>>, vector<1x16xf32>,
        %parallel_loop3A_993 = arith.constant 16 : i32
        %parallel_loop3A_994 = arith.muli %parallel_loop3A_552, %parallel_loop3A_993 : i32
        %parallel_loop3A_995 = arith.constant 8 : i32
        %parallel_loop3A_996 = arith.addi %parallel_loop3A_994, %parallel_loop3A_995 : i32
        %parallel_loop3A_997 = vector.extract_strided_slice %parallel_loop3A_560 {offsets = [8], sizes = [1], strides = [1]} : vector<16xf32> to vector<1xf32>
        %parallel_loop3A_998 = vector.extract %parallel_loop3A_997[0] : f32 from vector<1xf32>
        %parallel_loop3A_999 = vector.broadcast %parallel_loop3A_998 : f32 to vector<16xf32>
        %parallel_loop3A_1000 = arith.index_cast %parallel_loop3A_996 : i32 to index
        %parallel_loop3A_1001 = arith.constant 0 : index
        %parallel_loop3A_1002 = tpu.vector_load %arg8[%parallel_loop3A_1000, %parallel_loop3A_1001] {strides = array<i32>} : memref<64x64xf32, #tpu.memory_space<vmem>>, vector<1x16xf32>,
        %parallel_loop3A_1003 = vector.shape_cast %parallel_loop3A_1002 : vector<1x16xf32> to vector<16xf32>
        %parallel_loop3A_1004 = arith.mulf %parallel_loop3A_1003, %parallel_loop3A_999 : vector<16xf32>
        %parallel_loop3A_1005 = arith.index_cast %parallel_loop3A_996 : i32 to index
        %parallel_loop3A_1006 = arith.constant 0 : index
        %parallel_loop3A_1007 = tpu.vector_load %arg10[%parallel_loop3A_1005, %parallel_loop3A_1006] {strides = array<i32>} : memref<64x128xf32, #tpu.memory_space<vmem>>, vector<1x16xf32>,
        %parallel_loop3A_1008 = vector.shape_cast %parallel_loop3A_1007 : vector<1x16xf32> to vector<16xf32>
        %parallel_loop3A_1009 = vector.shape_cast %parallel_loop3A_1004 : vector<16xf32> to vector<1x16xf32>
        tpu.vector_store %arg10[%parallel_loop3A_1005, %parallel_loop3A_1006], %parallel_loop3A_1009 {strides = array<i32>} : memref<64x128xf32, #tpu.memory_space<vmem>>, vector<1x16xf32>,
        %parallel_loop3A_1010 = arith.index_cast %parallel_loop3A_996 : i32 to index
        %parallel_loop3A_1011 = arith.constant 16 : index
        %parallel_loop3A_1012 = tpu.vector_load %arg8[%parallel_loop3A_1010, %parallel_loop3A_1011] {strides = array<i32>} : memref<64x64xf32, #tpu.memory_space<vmem>>, vector<1x16xf32>,
        %parallel_loop3A_1013 = vector.shape_cast %parallel_loop3A_1012 : vector<1x16xf32> to vector<16xf32>
        %parallel_loop3A_1014 = arith.mulf %parallel_loop3A_1013, %parallel_loop3A_999 : vector<16xf32>
        %parallel_loop3A_1015 = arith.index_cast %parallel_loop3A_996 : i32 to index
        %parallel_loop3A_1016 = arith.constant 16 : index
        %parallel_loop3A_1017 = tpu.vector_load %arg10[%parallel_loop3A_1015, %parallel_loop3A_1016] {strides = array<i32>} : memref<64x128xf32, #tpu.memory_space<vmem>>, vector<1x16xf32>,
        %parallel_loop3A_1018 = vector.shape_cast %parallel_loop3A_1017 : vector<1x16xf32> to vector<16xf32>
        %parallel_loop3A_1019 = vector.shape_cast %parallel_loop3A_1014 : vector<16xf32> to vector<1x16xf32>
        tpu.vector_store %arg10[%parallel_loop3A_1015, %parallel_loop3A_1016], %parallel_loop3A_1019 {strides = array<i32>} : memref<64x128xf32, #tpu.memory_space<vmem>>, vector<1x16xf32>,
        %parallel_loop3A_1020 = arith.index_cast %parallel_loop3A_996 : i32 to index
        %parallel_loop3A_1021 = arith.constant 32 : index
        %parallel_loop3A_1022 = tpu.vector_load %arg8[%parallel_loop3A_1020, %parallel_loop3A_1021] {strides = array<i32>} : memref<64x64xf32, #tpu.memory_space<vmem>>, vector<1x16xf32>,
        %parallel_loop3A_1023 = vector.shape_cast %parallel_loop3A_1022 : vector<1x16xf32> to vector<16xf32>
        %parallel_loop3A_1024 = arith.mulf %parallel_loop3A_1023, %parallel_loop3A_999 : vector<16xf32>
        %parallel_loop3A_1025 = arith.index_cast %parallel_loop3A_996 : i32 to index
        %parallel_loop3A_1026 = arith.constant 32 : index
        %parallel_loop3A_1027 = tpu.vector_load %arg10[%parallel_loop3A_1025, %parallel_loop3A_1026] {strides = array<i32>} : memref<64x128xf32, #tpu.memory_space<vmem>>, vector<1x16xf32>,
        %parallel_loop3A_1028 = vector.shape_cast %parallel_loop3A_1027 : vector<1x16xf32> to vector<16xf32>
        %parallel_loop3A_1029 = vector.shape_cast %parallel_loop3A_1024 : vector<16xf32> to vector<1x16xf32>
        tpu.vector_store %arg10[%parallel_loop3A_1025, %parallel_loop3A_1026], %parallel_loop3A_1029 {strides = array<i32>} : memref<64x128xf32, #tpu.memory_space<vmem>>, vector<1x16xf32>,
        %parallel_loop3A_1030 = arith.index_cast %parallel_loop3A_996 : i32 to index
        %parallel_loop3A_1031 = arith.constant 48 : index
        %parallel_loop3A_1032 = tpu.vector_load %arg8[%parallel_loop3A_1030, %parallel_loop3A_1031] {strides = array<i32>} : memref<64x64xf32, #tpu.memory_space<vmem>>, vector<1x16xf32>,
        %parallel_loop3A_1033 = vector.shape_cast %parallel_loop3A_1032 : vector<1x16xf32> to vector<16xf32>
        %parallel_loop3A_1034 = arith.mulf %parallel_loop3A_1033, %parallel_loop3A_999 : vector<16xf32>
        %parallel_loop3A_1035 = arith.index_cast %parallel_loop3A_996 : i32 to index
        %parallel_loop3A_1036 = arith.constant 48 : index
        %parallel_loop3A_1037 = tpu.vector_load %arg10[%parallel_loop3A_1035, %parallel_loop3A_1036] {strides = array<i32>} : memref<64x128xf32, #tpu.memory_space<vmem>>, vector<1x16xf32>,
        %parallel_loop3A_1038 = vector.shape_cast %parallel_loop3A_1037 : vector<1x16xf32> to vector<16xf32>
        %parallel_loop3A_1039 = vector.shape_cast %parallel_loop3A_1034 : vector<16xf32> to vector<1x16xf32>
        tpu.vector_store %arg10[%parallel_loop3A_1035, %parallel_loop3A_1036], %parallel_loop3A_1039 {strides = array<i32>} : memref<64x128xf32, #tpu.memory_space<vmem>>, vector<1x16xf32>,
        %parallel_loop3A_1040 = arith.index_cast %parallel_loop3A_996 : i32 to index
        %parallel_loop3A_1041 = arith.constant 64 : index
        %parallel_loop3A_1042 = tpu.vector_load %arg10[%parallel_loop3A_1040, %parallel_loop3A_1041] {strides = array<i32>} : memref<64x128xf32, #tpu.memory_space<vmem>>, vector<1x16xf32>,
        %parallel_loop3A_1043 = vector.shape_cast %parallel_loop3A_1042 : vector<1x16xf32> to vector<16xf32>
        %parallel_loop3A_1044 = vector.shape_cast %parallel_loop3A_999 : vector<16xf32> to vector<1x16xf32>
        tpu.vector_store %arg10[%parallel_loop3A_1040, %parallel_loop3A_1041], %parallel_loop3A_1044 {strides = array<i32>} : memref<64x128xf32, #tpu.memory_space<vmem>>, vector<1x16xf32>,
        %parallel_loop3A_1045 = arith.constant 16 : i32
        %parallel_loop3A_1046 = arith.muli %parallel_loop3A_552, %parallel_loop3A_1045 : i32
        %parallel_loop3A_1047 = arith.constant 9 : i32
        %parallel_loop3A_1048 = arith.addi %parallel_loop3A_1046, %parallel_loop3A_1047 : i32
        %parallel_loop3A_1049 = vector.extract_strided_slice %parallel_loop3A_560 {offsets = [9], sizes = [1], strides = [1]} : vector<16xf32> to vector<1xf32>
        %parallel_loop3A_1050 = vector.extract %parallel_loop3A_1049[0] : f32 from vector<1xf32>
        %parallel_loop3A_1051 = vector.broadcast %parallel_loop3A_1050 : f32 to vector<16xf32>
        %parallel_loop3A_1052 = arith.index_cast %parallel_loop3A_1048 : i32 to index
        %parallel_loop3A_1053 = arith.constant 0 : index
        %parallel_loop3A_1054 = tpu.vector_load %arg8[%parallel_loop3A_1052, %parallel_loop3A_1053] {strides = array<i32>} : memref<64x64xf32, #tpu.memory_space<vmem>>, vector<1x16xf32>,
        %parallel_loop3A_1055 = vector.shape_cast %parallel_loop3A_1054 : vector<1x16xf32> to vector<16xf32>
        %parallel_loop3A_1056 = arith.mulf %parallel_loop3A_1055, %parallel_loop3A_1051 : vector<16xf32>
        %parallel_loop3A_1057 = arith.index_cast %parallel_loop3A_1048 : i32 to index
        %parallel_loop3A_1058 = arith.constant 0 : index
        %parallel_loop3A_1059 = tpu.vector_load %arg10[%parallel_loop3A_1057, %parallel_loop3A_1058] {strides = array<i32>} : memref<64x128xf32, #tpu.memory_space<vmem>>, vector<1x16xf32>,
        %parallel_loop3A_1060 = vector.shape_cast %parallel_loop3A_1059 : vector<1x16xf32> to vector<16xf32>
        %parallel_loop3A_1061 = vector.shape_cast %parallel_loop3A_1056 : vector<16xf32> to vector<1x16xf32>
        tpu.vector_store %arg10[%parallel_loop3A_1057, %parallel_loop3A_1058], %parallel_loop3A_1061 {strides = array<i32>} : memref<64x128xf32, #tpu.memory_space<vmem>>, vector<1x16xf32>,
        %parallel_loop3A_1062 = arith.index_cast %parallel_loop3A_1048 : i32 to index
        %parallel_loop3A_1063 = arith.constant 16 : index
        %parallel_loop3A_1064 = tpu.vector_load %arg8[%parallel_loop3A_1062, %parallel_loop3A_1063] {strides = array<i32>} : memref<64x64xf32, #tpu.memory_space<vmem>>, vector<1x16xf32>,
        %parallel_loop3A_1065 = vector.shape_cast %parallel_loop3A_1064 : vector<1x16xf32> to vector<16xf32>
        %parallel_loop3A_1066 = arith.mulf %parallel_loop3A_1065, %parallel_loop3A_1051 : vector<16xf32>
        %parallel_loop3A_1067 = arith.index_cast %parallel_loop3A_1048 : i32 to index
        %parallel_loop3A_1068 = arith.constant 16 : index
        %parallel_loop3A_1069 = tpu.vector_load %arg10[%parallel_loop3A_1067, %parallel_loop3A_1068] {strides = array<i32>} : memref<64x128xf32, #tpu.memory_space<vmem>>, vector<1x16xf32>,
        %parallel_loop3A_1070 = vector.shape_cast %parallel_loop3A_1069 : vector<1x16xf32> to vector<16xf32>
        %parallel_loop3A_1071 = vector.shape_cast %parallel_loop3A_1066 : vector<16xf32> to vector<1x16xf32>
        tpu.vector_store %arg10[%parallel_loop3A_1067, %parallel_loop3A_1068], %parallel_loop3A_1071 {strides = array<i32>} : memref<64x128xf32, #tpu.memory_space<vmem>>, vector<1x16xf32>,
        %parallel_loop3A_1072 = arith.index_cast %parallel_loop3A_1048 : i32 to index
        %parallel_loop3A_1073 = arith.constant 32 : index
        %parallel_loop3A_1074 = tpu.vector_load %arg8[%parallel_loop3A_1072, %parallel_loop3A_1073] {strides = array<i32>} : memref<64x64xf32, #tpu.memory_space<vmem>>, vector<1x16xf32>,
        %parallel_loop3A_1075 = vector.shape_cast %parallel_loop3A_1074 : vector<1x16xf32> to vector<16xf32>
        %parallel_loop3A_1076 = arith.mulf %parallel_loop3A_1075, %parallel_loop3A_1051 : vector<16xf32>
        %parallel_loop3A_1077 = arith.index_cast %parallel_loop3A_1048 : i32 to index
        %parallel_loop3A_1078 = arith.constant 32 : index
        %parallel_loop3A_1079 = tpu.vector_load %arg10[%parallel_loop3A_1077, %parallel_loop3A_1078] {strides = array<i32>} : memref<64x128xf32, #tpu.memory_space<vmem>>, vector<1x16xf32>,
        %parallel_loop3A_1080 = vector.shape_cast %parallel_loop3A_1079 : vector<1x16xf32> to vector<16xf32>
        %parallel_loop3A_1081 = vector.shape_cast %parallel_loop3A_1076 : vector<16xf32> to vector<1x16xf32>
        tpu.vector_store %arg10[%parallel_loop3A_1077, %parallel_loop3A_1078], %parallel_loop3A_1081 {strides = array<i32>} : memref<64x128xf32, #tpu.memory_space<vmem>>, vector<1x16xf32>,
        %parallel_loop3A_1082 = arith.index_cast %parallel_loop3A_1048 : i32 to index
        %parallel_loop3A_1083 = arith.constant 48 : index
        %parallel_loop3A_1084 = tpu.vector_load %arg8[%parallel_loop3A_1082, %parallel_loop3A_1083] {strides = array<i32>} : memref<64x64xf32, #tpu.memory_space<vmem>>, vector<1x16xf32>,
        %parallel_loop3A_1085 = vector.shape_cast %parallel_loop3A_1084 : vector<1x16xf32> to vector<16xf32>
        %parallel_loop3A_1086 = arith.mulf %parallel_loop3A_1085, %parallel_loop3A_1051 : vector<16xf32>
        %parallel_loop3A_1087 = arith.index_cast %parallel_loop3A_1048 : i32 to index
        %parallel_loop3A_1088 = arith.constant 48 : index
        %parallel_loop3A_1089 = tpu.vector_load %arg10[%parallel_loop3A_1087, %parallel_loop3A_1088] {strides = array<i32>} : memref<64x128xf32, #tpu.memory_space<vmem>>, vector<1x16xf32>,
        %parallel_loop3A_1090 = vector.shape_cast %parallel_loop3A_1089 : vector<1x16xf32> to vector<16xf32>
        %parallel_loop3A_1091 = vector.shape_cast %parallel_loop3A_1086 : vector<16xf32> to vector<1x16xf32>
        tpu.vector_store %arg10[%parallel_loop3A_1087, %parallel_loop3A_1088], %parallel_loop3A_1091 {strides = array<i32>} : memref<64x128xf32, #tpu.memory_space<vmem>>, vector<1x16xf32>,
        %parallel_loop3A_1092 = arith.index_cast %parallel_loop3A_1048 : i32 to index
        %parallel_loop3A_1093 = arith.constant 64 : index
        %parallel_loop3A_1094 = tpu.vector_load %arg10[%parallel_loop3A_1092, %parallel_loop3A_1093] {strides = array<i32>} : memref<64x128xf32, #tpu.memory_space<vmem>>, vector<1x16xf32>,
        %parallel_loop3A_1095 = vector.shape_cast %parallel_loop3A_1094 : vector<1x16xf32> to vector<16xf32>
        %parallel_loop3A_1096 = vector.shape_cast %parallel_loop3A_1051 : vector<16xf32> to vector<1x16xf32>
        tpu.vector_store %arg10[%parallel_loop3A_1092, %parallel_loop3A_1093], %parallel_loop3A_1096 {strides = array<i32>} : memref<64x128xf32, #tpu.memory_space<vmem>>, vector<1x16xf32>,
        %parallel_loop3A_1097 = arith.constant 16 : i32
        %parallel_loop3A_1098 = arith.muli %parallel_loop3A_552, %parallel_loop3A_1097 : i32
        %parallel_loop3A_1099 = arith.constant 10 : i32
        %parallel_loop3A_1100 = arith.addi %parallel_loop3A_1098, %parallel_loop3A_1099 : i32
        %parallel_loop3A_1101 = vector.extract_strided_slice %parallel_loop3A_560 {offsets = [10], sizes = [1], strides = [1]} : vector<16xf32> to vector<1xf32>
        %parallel_loop3A_1102 = vector.extract %parallel_loop3A_1101[0] : f32 from vector<1xf32>
        %parallel_loop3A_1103 = vector.broadcast %parallel_loop3A_1102 : f32 to vector<16xf32>
        %parallel_loop3A_1104 = arith.index_cast %parallel_loop3A_1100 : i32 to index
        %parallel_loop3A_1105 = arith.constant 0 : index
        %parallel_loop3A_1106 = tpu.vector_load %arg8[%parallel_loop3A_1104, %parallel_loop3A_1105] {strides = array<i32>} : memref<64x64xf32, #tpu.memory_space<vmem>>, vector<1x16xf32>,
        %parallel_loop3A_1107 = vector.shape_cast %parallel_loop3A_1106 : vector<1x16xf32> to vector<16xf32>
        %parallel_loop3A_1108 = arith.mulf %parallel_loop3A_1107, %parallel_loop3A_1103 : vector<16xf32>
        %parallel_loop3A_1109 = arith.index_cast %parallel_loop3A_1100 : i32 to index
        %parallel_loop3A_1110 = arith.constant 0 : index
        %parallel_loop3A_1111 = tpu.vector_load %arg10[%parallel_loop3A_1109, %parallel_loop3A_1110] {strides = array<i32>} : memref<64x128xf32, #tpu.memory_space<vmem>>, vector<1x16xf32>,
        %parallel_loop3A_1112 = vector.shape_cast %parallel_loop3A_1111 : vector<1x16xf32> to vector<16xf32>
        %parallel_loop3A_1113 = vector.shape_cast %parallel_loop3A_1108 : vector<16xf32> to vector<1x16xf32>
        tpu.vector_store %arg10[%parallel_loop3A_1109, %parallel_loop3A_1110], %parallel_loop3A_1113 {strides = array<i32>} : memref<64x128xf32, #tpu.memory_space<vmem>>, vector<1x16xf32>,
        %parallel_loop3A_1114 = arith.index_cast %parallel_loop3A_1100 : i32 to index
        %parallel_loop3A_1115 = arith.constant 16 : index
        %parallel_loop3A_1116 = tpu.vector_load %arg8[%parallel_loop3A_1114, %parallel_loop3A_1115] {strides = array<i32>} : memref<64x64xf32, #tpu.memory_space<vmem>>, vector<1x16xf32>,
        %parallel_loop3A_1117 = vector.shape_cast %parallel_loop3A_1116 : vector<1x16xf32> to vector<16xf32>
        %parallel_loop3A_1118 = arith.mulf %parallel_loop3A_1117, %parallel_loop3A_1103 : vector<16xf32>
        %parallel_loop3A_1119 = arith.index_cast %parallel_loop3A_1100 : i32 to index
        %parallel_loop3A_1120 = arith.constant 16 : index
        %parallel_loop3A_1121 = tpu.vector_load %arg10[%parallel_loop3A_1119, %parallel_loop3A_1120] {strides = array<i32>} : memref<64x128xf32, #tpu.memory_space<vmem>>, vector<1x16xf32>,
        %parallel_loop3A_1122 = vector.shape_cast %parallel_loop3A_1121 : vector<1x16xf32> to vector<16xf32>
        %parallel_loop3A_1123 = vector.shape_cast %parallel_loop3A_1118 : vector<16xf32> to vector<1x16xf32>
        tpu.vector_store %arg10[%parallel_loop3A_1119, %parallel_loop3A_1120], %parallel_loop3A_1123 {strides = array<i32>} : memref<64x128xf32, #tpu.memory_space<vmem>>, vector<1x16xf32>,
        %parallel_loop3A_1124 = arith.index_cast %parallel_loop3A_1100 : i32 to index
        %parallel_loop3A_1125 = arith.constant 32 : index
        %parallel_loop3A_1126 = tpu.vector_load %arg8[%parallel_loop3A_1124, %parallel_loop3A_1125] {strides = array<i32>} : memref<64x64xf32, #tpu.memory_space<vmem>>, vector<1x16xf32>,
        %parallel_loop3A_1127 = vector.shape_cast %parallel_loop3A_1126 : vector<1x16xf32> to vector<16xf32>
        %parallel_loop3A_1128 = arith.mulf %parallel_loop3A_1127, %parallel_loop3A_1103 : vector<16xf32>
        %parallel_loop3A_1129 = arith.index_cast %parallel_loop3A_1100 : i32 to index
        %parallel_loop3A_1130 = arith.constant 32 : index
        %parallel_loop3A_1131 = tpu.vector_load %arg10[%parallel_loop3A_1129, %parallel_loop3A_1130] {strides = array<i32>} : memref<64x128xf32, #tpu.memory_space<vmem>>, vector<1x16xf32>,
        %parallel_loop3A_1132 = vector.shape_cast %parallel_loop3A_1131 : vector<1x16xf32> to vector<16xf32>
        %parallel_loop3A_1133 = vector.shape_cast %parallel_loop3A_1128 : vector<16xf32> to vector<1x16xf32>
        tpu.vector_store %arg10[%parallel_loop3A_1129, %parallel_loop3A_1130], %parallel_loop3A_1133 {strides = array<i32>} : memref<64x128xf32, #tpu.memory_space<vmem>>, vector<1x16xf32>,
        %parallel_loop3A_1134 = arith.index_cast %parallel_loop3A_1100 : i32 to index
        %parallel_loop3A_1135 = arith.constant 48 : index
        %parallel_loop3A_1136 = tpu.vector_load %arg8[%parallel_loop3A_1134, %parallel_loop3A_1135] {strides = array<i32>} : memref<64x64xf32, #tpu.memory_space<vmem>>, vector<1x16xf32>,
        %parallel_loop3A_1137 = vector.shape_cast %parallel_loop3A_1136 : vector<1x16xf32> to vector<16xf32>
        %parallel_loop3A_1138 = arith.mulf %parallel_loop3A_1137, %parallel_loop3A_1103 : vector<16xf32>
        %parallel_loop3A_1139 = arith.index_cast %parallel_loop3A_1100 : i32 to index
        %parallel_loop3A_1140 = arith.constant 48 : index
        %parallel_loop3A_1141 = tpu.vector_load %arg10[%parallel_loop3A_1139, %parallel_loop3A_1140] {strides = array<i32>} : memref<64x128xf32, #tpu.memory_space<vmem>>, vector<1x16xf32>,
        %parallel_loop3A_1142 = vector.shape_cast %parallel_loop3A_1141 : vector<1x16xf32> to vector<16xf32>
        %parallel_loop3A_1143 = vector.shape_cast %parallel_loop3A_1138 : vector<16xf32> to vector<1x16xf32>
        tpu.vector_store %arg10[%parallel_loop3A_1139, %parallel_loop3A_1140], %parallel_loop3A_1143 {strides = array<i32>} : memref<64x128xf32, #tpu.memory_space<vmem>>, vector<1x16xf32>,
        %parallel_loop3A_1144 = arith.index_cast %parallel_loop3A_1100 : i32 to index
        %parallel_loop3A_1145 = arith.constant 64 : index
        %parallel_loop3A_1146 = tpu.vector_load %arg10[%parallel_loop3A_1144, %parallel_loop3A_1145] {strides = array<i32>} : memref<64x128xf32, #tpu.memory_space<vmem>>, vector<1x16xf32>,
        %parallel_loop3A_1147 = vector.shape_cast %parallel_loop3A_1146 : vector<1x16xf32> to vector<16xf32>
        %parallel_loop3A_1148 = vector.shape_cast %parallel_loop3A_1103 : vector<16xf32> to vector<1x16xf32>
        tpu.vector_store %arg10[%parallel_loop3A_1144, %parallel_loop3A_1145], %parallel_loop3A_1148 {strides = array<i32>} : memref<64x128xf32, #tpu.memory_space<vmem>>, vector<1x16xf32>,
        %parallel_loop3A_1149 = arith.constant 16 : i32
        %parallel_loop3A_1150 = arith.muli %parallel_loop3A_552, %parallel_loop3A_1149 : i32
        %parallel_loop3A_1151 = arith.constant 11 : i32
        %parallel_loop3A_1152 = arith.addi %parallel_loop3A_1150, %parallel_loop3A_1151 : i32
        %parallel_loop3A_1153 = vector.extract_strided_slice %parallel_loop3A_560 {offsets = [11], sizes = [1], strides = [1]} : vector<16xf32> to vector<1xf32>
        %parallel_loop3A_1154 = vector.extract %parallel_loop3A_1153[0] : f32 from vector<1xf32>
        %parallel_loop3A_1155 = vector.broadcast %parallel_loop3A_1154 : f32 to vector<16xf32>
        %parallel_loop3A_1156 = arith.index_cast %parallel_loop3A_1152 : i32 to index
        %parallel_loop3A_1157 = arith.constant 0 : index
        %parallel_loop3A_1158 = tpu.vector_load %arg8[%parallel_loop3A_1156, %parallel_loop3A_1157] {strides = array<i32>} : memref<64x64xf32, #tpu.memory_space<vmem>>, vector<1x16xf32>,
        %parallel_loop3A_1159 = vector.shape_cast %parallel_loop3A_1158 : vector<1x16xf32> to vector<16xf32>
        %parallel_loop3A_1160 = arith.mulf %parallel_loop3A_1159, %parallel_loop3A_1155 : vector<16xf32>
        %parallel_loop3A_1161 = arith.index_cast %parallel_loop3A_1152 : i32 to index
        %parallel_loop3A_1162 = arith.constant 0 : index
        %parallel_loop3A_1163 = tpu.vector_load %arg10[%parallel_loop3A_1161, %parallel_loop3A_1162] {strides = array<i32>} : memref<64x128xf32, #tpu.memory_space<vmem>>, vector<1x16xf32>,
        %parallel_loop3A_1164 = vector.shape_cast %parallel_loop3A_1163 : vector<1x16xf32> to vector<16xf32>
        %parallel_loop3A_1165 = vector.shape_cast %parallel_loop3A_1160 : vector<16xf32> to vector<1x16xf32>
        tpu.vector_store %arg10[%parallel_loop3A_1161, %parallel_loop3A_1162], %parallel_loop3A_1165 {strides = array<i32>} : memref<64x128xf32, #tpu.memory_space<vmem>>, vector<1x16xf32>,
        %parallel_loop3A_1166 = arith.index_cast %parallel_loop3A_1152 : i32 to index
        %parallel_loop3A_1167 = arith.constant 16 : index
        %parallel_loop3A_1168 = tpu.vector_load %arg8[%parallel_loop3A_1166, %parallel_loop3A_1167] {strides = array<i32>} : memref<64x64xf32, #tpu.memory_space<vmem>>, vector<1x16xf32>,
        %parallel_loop3A_1169 = vector.shape_cast %parallel_loop3A_1168 : vector<1x16xf32> to vector<16xf32>
        %parallel_loop3A_1170 = arith.mulf %parallel_loop3A_1169, %parallel_loop3A_1155 : vector<16xf32>
        %parallel_loop3A_1171 = arith.index_cast %parallel_loop3A_1152 : i32 to index
        %parallel_loop3A_1172 = arith.constant 16 : index
        %parallel_loop3A_1173 = tpu.vector_load %arg10[%parallel_loop3A_1171, %parallel_loop3A_1172] {strides = array<i32>} : memref<64x128xf32, #tpu.memory_space<vmem>>, vector<1x16xf32>,
        %parallel_loop3A_1174 = vector.shape_cast %parallel_loop3A_1173 : vector<1x16xf32> to vector<16xf32>
        %parallel_loop3A_1175 = vector.shape_cast %parallel_loop3A_1170 : vector<16xf32> to vector<1x16xf32>
        tpu.vector_store %arg10[%parallel_loop3A_1171, %parallel_loop3A_1172], %parallel_loop3A_1175 {strides = array<i32>} : memref<64x128xf32, #tpu.memory_space<vmem>>, vector<1x16xf32>,
        %parallel_loop3A_1176 = arith.index_cast %parallel_loop3A_1152 : i32 to index
        %parallel_loop3A_1177 = arith.constant 32 : index
        %parallel_loop3A_1178 = tpu.vector_load %arg8[%parallel_loop3A_1176, %parallel_loop3A_1177] {strides = array<i32>} : memref<64x64xf32, #tpu.memory_space<vmem>>, vector<1x16xf32>,
        %parallel_loop3A_1179 = vector.shape_cast %parallel_loop3A_1178 : vector<1x16xf32> to vector<16xf32>
        %parallel_loop3A_1180 = arith.mulf %parallel_loop3A_1179, %parallel_loop3A_1155 : vector<16xf32>
        %parallel_loop3A_1181 = arith.index_cast %parallel_loop3A_1152 : i32 to index
        %parallel_loop3A_1182 = arith.constant 32 : index
        %parallel_loop3A_1183 = tpu.vector_load %arg10[%parallel_loop3A_1181, %parallel_loop3A_1182] {strides = array<i32>} : memref<64x128xf32, #tpu.memory_space<vmem>>, vector<1x16xf32>,
        %parallel_loop3A_1184 = vector.shape_cast %parallel_loop3A_1183 : vector<1x16xf32> to vector<16xf32>
        %parallel_loop3A_1185 = vector.shape_cast %parallel_loop3A_1180 : vector<16xf32> to vector<1x16xf32>
        tpu.vector_store %arg10[%parallel_loop3A_1181, %parallel_loop3A_1182], %parallel_loop3A_1185 {strides = array<i32>} : memref<64x128xf32, #tpu.memory_space<vmem>>, vector<1x16xf32>,
        %parallel_loop3A_1186 = arith.index_cast %parallel_loop3A_1152 : i32 to index
        %parallel_loop3A_1187 = arith.constant 48 : index
        %parallel_loop3A_1188 = tpu.vector_load %arg8[%parallel_loop3A_1186, %parallel_loop3A_1187] {strides = array<i32>} : memref<64x64xf32, #tpu.memory_space<vmem>>, vector<1x16xf32>,
        %parallel_loop3A_1189 = vector.shape_cast %parallel_loop3A_1188 : vector<1x16xf32> to vector<16xf32>
        %parallel_loop3A_1190 = arith.mulf %parallel_loop3A_1189, %parallel_loop3A_1155 : vector<16xf32>
        %parallel_loop3A_1191 = arith.index_cast %parallel_loop3A_1152 : i32 to index
        %parallel_loop3A_1192 = arith.constant 48 : index
        %parallel_loop3A_1193 = tpu.vector_load %arg10[%parallel_loop3A_1191, %parallel_loop3A_1192] {strides = array<i32>} : memref<64x128xf32, #tpu.memory_space<vmem>>, vector<1x16xf32>,
        %parallel_loop3A_1194 = vector.shape_cast %parallel_loop3A_1193 : vector<1x16xf32> to vector<16xf32>
        %parallel_loop3A_1195 = vector.shape_cast %parallel_loop3A_1190 : vector<16xf32> to vector<1x16xf32>
        tpu.vector_store %arg10[%parallel_loop3A_1191, %parallel_loop3A_1192], %parallel_loop3A_1195 {strides = array<i32>} : memref<64x128xf32, #tpu.memory_space<vmem>>, vector<1x16xf32>,
        %parallel_loop3A_1196 = arith.index_cast %parallel_loop3A_1152 : i32 to index
        %parallel_loop3A_1197 = arith.constant 64 : index
        %parallel_loop3A_1198 = tpu.vector_load %arg10[%parallel_loop3A_1196, %parallel_loop3A_1197] {strides = array<i32>} : memref<64x128xf32, #tpu.memory_space<vmem>>, vector<1x16xf32>,
        %parallel_loop3A_1199 = vector.shape_cast %parallel_loop3A_1198 : vector<1x16xf32> to vector<16xf32>
        %parallel_loop3A_1200 = vector.shape_cast %parallel_loop3A_1155 : vector<16xf32> to vector<1x16xf32>
        tpu.vector_store %arg10[%parallel_loop3A_1196, %parallel_loop3A_1197], %parallel_loop3A_1200 {strides = array<i32>} : memref<64x128xf32, #tpu.memory_space<vmem>>, vector<1x16xf32>,
        %parallel_loop3A_1201 = arith.constant 16 : i32
        %parallel_loop3A_1202 = arith.muli %parallel_loop3A_552, %parallel_loop3A_1201 : i32
        %parallel_loop3A_1203 = arith.constant 12 : i32
        %parallel_loop3A_1204 = arith.addi %parallel_loop3A_1202, %parallel_loop3A_1203 : i32
        %parallel_loop3A_1205 = vector.extract_strided_slice %parallel_loop3A_560 {offsets = [12], sizes = [1], strides = [1]} : vector<16xf32> to vector<1xf32>
        %parallel_loop3A_1206 = vector.extract %parallel_loop3A_1205[0] : f32 from vector<1xf32>
        %parallel_loop3A_1207 = vector.broadcast %parallel_loop3A_1206 : f32 to vector<16xf32>
        %parallel_loop3A_1208 = arith.index_cast %parallel_loop3A_1204 : i32 to index
        %parallel_loop3A_1209 = arith.constant 0 : index
        %parallel_loop3A_1210 = tpu.vector_load %arg8[%parallel_loop3A_1208, %parallel_loop3A_1209] {strides = array<i32>} : memref<64x64xf32, #tpu.memory_space<vmem>>, vector<1x16xf32>,
        %parallel_loop3A_1211 = vector.shape_cast %parallel_loop3A_1210 : vector<1x16xf32> to vector<16xf32>
        %parallel_loop3A_1212 = arith.mulf %parallel_loop3A_1211, %parallel_loop3A_1207 : vector<16xf32>
        %parallel_loop3A_1213 = arith.index_cast %parallel_loop3A_1204 : i32 to index
        %parallel_loop3A_1214 = arith.constant 0 : index
        %parallel_loop3A_1215 = tpu.vector_load %arg10[%parallel_loop3A_1213, %parallel_loop3A_1214] {strides = array<i32>} : memref<64x128xf32, #tpu.memory_space<vmem>>, vector<1x16xf32>,
        %parallel_loop3A_1216 = vector.shape_cast %parallel_loop3A_1215 : vector<1x16xf32> to vector<16xf32>
        %parallel_loop3A_1217 = vector.shape_cast %parallel_loop3A_1212 : vector<16xf32> to vector<1x16xf32>
        tpu.vector_store %arg10[%parallel_loop3A_1213, %parallel_loop3A_1214], %parallel_loop3A_1217 {strides = array<i32>} : memref<64x128xf32, #tpu.memory_space<vmem>>, vector<1x16xf32>,
        %parallel_loop3A_1218 = arith.index_cast %parallel_loop3A_1204 : i32 to index
        %parallel_loop3A_1219 = arith.constant 16 : index
        %parallel_loop3A_1220 = tpu.vector_load %arg8[%parallel_loop3A_1218, %parallel_loop3A_1219] {strides = array<i32>} : memref<64x64xf32, #tpu.memory_space<vmem>>, vector<1x16xf32>,
        %parallel_loop3A_1221 = vector.shape_cast %parallel_loop3A_1220 : vector<1x16xf32> to vector<16xf32>
        %parallel_loop3A_1222 = arith.mulf %parallel_loop3A_1221, %parallel_loop3A_1207 : vector<16xf32>
        %parallel_loop3A_1223 = arith.index_cast %parallel_loop3A_1204 : i32 to index
        %parallel_loop3A_1224 = arith.constant 16 : index
        %parallel_loop3A_1225 = tpu.vector_load %arg10[%parallel_loop3A_1223, %parallel_loop3A_1224] {strides = array<i32>} : memref<64x128xf32, #tpu.memory_space<vmem>>, vector<1x16xf32>,
        %parallel_loop3A_1226 = vector.shape_cast %parallel_loop3A_1225 : vector<1x16xf32> to vector<16xf32>
        %parallel_loop3A_1227 = vector.shape_cast %parallel_loop3A_1222 : vector<16xf32> to vector<1x16xf32>
        tpu.vector_store %arg10[%parallel_loop3A_1223, %parallel_loop3A_1224], %parallel_loop3A_1227 {strides = array<i32>} : memref<64x128xf32, #tpu.memory_space<vmem>>, vector<1x16xf32>,
        %parallel_loop3A_1228 = arith.index_cast %parallel_loop3A_1204 : i32 to index
        %parallel_loop3A_1229 = arith.constant 32 : index
        %parallel_loop3A_1230 = tpu.vector_load %arg8[%parallel_loop3A_1228, %parallel_loop3A_1229] {strides = array<i32>} : memref<64x64xf32, #tpu.memory_space<vmem>>, vector<1x16xf32>,
        %parallel_loop3A_1231 = vector.shape_cast %parallel_loop3A_1230 : vector<1x16xf32> to vector<16xf32>
        %parallel_loop3A_1232 = arith.mulf %parallel_loop3A_1231, %parallel_loop3A_1207 : vector<16xf32>
        %parallel_loop3A_1233 = arith.index_cast %parallel_loop3A_1204 : i32 to index
        %parallel_loop3A_1234 = arith.constant 32 : index
        %parallel_loop3A_1235 = tpu.vector_load %arg10[%parallel_loop3A_1233, %parallel_loop3A_1234] {strides = array<i32>} : memref<64x128xf32, #tpu.memory_space<vmem>>, vector<1x16xf32>,
        %parallel_loop3A_1236 = vector.shape_cast %parallel_loop3A_1235 : vector<1x16xf32> to vector<16xf32>
        %parallel_loop3A_1237 = vector.shape_cast %parallel_loop3A_1232 : vector<16xf32> to vector<1x16xf32>
        tpu.vector_store %arg10[%parallel_loop3A_1233, %parallel_loop3A_1234], %parallel_loop3A_1237 {strides = array<i32>} : memref<64x128xf32, #tpu.memory_space<vmem>>, vector<1x16xf32>,
        %parallel_loop3A_1238 = arith.index_cast %parallel_loop3A_1204 : i32 to index
        %parallel_loop3A_1239 = arith.constant 48 : index
        %parallel_loop3A_1240 = tpu.vector_load %arg8[%parallel_loop3A_1238, %parallel_loop3A_1239] {strides = array<i32>} : memref<64x64xf32, #tpu.memory_space<vmem>>, vector<1x16xf32>,
        %parallel_loop3A_1241 = vector.shape_cast %parallel_loop3A_1240 : vector<1x16xf32> to vector<16xf32>
        %parallel_loop3A_1242 = arith.mulf %parallel_loop3A_1241, %parallel_loop3A_1207 : vector<16xf32>
        %parallel_loop3A_1243 = arith.index_cast %parallel_loop3A_1204 : i32 to index
        %parallel_loop3A_1244 = arith.constant 48 : index
        %parallel_loop3A_1245 = tpu.vector_load %arg10[%parallel_loop3A_1243, %parallel_loop3A_1244] {strides = array<i32>} : memref<64x128xf32, #tpu.memory_space<vmem>>, vector<1x16xf32>,
        %parallel_loop3A_1246 = vector.shape_cast %parallel_loop3A_1245 : vector<1x16xf32> to vector<16xf32>
        %parallel_loop3A_1247 = vector.shape_cast %parallel_loop3A_1242 : vector<16xf32> to vector<1x16xf32>
        tpu.vector_store %arg10[%parallel_loop3A_1243, %parallel_loop3A_1244], %parallel_loop3A_1247 {strides = array<i32>} : memref<64x128xf32, #tpu.memory_space<vmem>>, vector<1x16xf32>,
        %parallel_loop3A_1248 = arith.index_cast %parallel_loop3A_1204 : i32 to index
        %parallel_loop3A_1249 = arith.constant 64 : index
        %parallel_loop3A_1250 = tpu.vector_load %arg10[%parallel_loop3A_1248, %parallel_loop3A_1249] {strides = array<i32>} : memref<64x128xf32, #tpu.memory_space<vmem>>, vector<1x16xf32>,
        %parallel_loop3A_1251 = vector.shape_cast %parallel_loop3A_1250 : vector<1x16xf32> to vector<16xf32>
        %parallel_loop3A_1252 = vector.shape_cast %parallel_loop3A_1207 : vector<16xf32> to vector<1x16xf32>
        tpu.vector_store %arg10[%parallel_loop3A_1248, %parallel_loop3A_1249], %parallel_loop3A_1252 {strides = array<i32>} : memref<64x128xf32, #tpu.memory_space<vmem>>, vector<1x16xf32>,
        %parallel_loop3A_1253 = arith.constant 16 : i32
        %parallel_loop3A_1254 = arith.muli %parallel_loop3A_552, %parallel_loop3A_1253 : i32
        %parallel_loop3A_1255 = arith.constant 13 : i32
        %parallel_loop3A_1256 = arith.addi %parallel_loop3A_1254, %parallel_loop3A_1255 : i32
        %parallel_loop3A_1257 = vector.extract_strided_slice %parallel_loop3A_560 {offsets = [13], sizes = [1], strides = [1]} : vector<16xf32> to vector<1xf32>
        %parallel_loop3A_1258 = vector.extract %parallel_loop3A_1257[0] : f32 from vector<1xf32>
        %parallel_loop3A_1259 = vector.broadcast %parallel_loop3A_1258 : f32 to vector<16xf32>
        %parallel_loop3A_1260 = arith.index_cast %parallel_loop3A_1256 : i32 to index
        %parallel_loop3A_1261 = arith.constant 0 : index
        %parallel_loop3A_1262 = tpu.vector_load %arg8[%parallel_loop3A_1260, %parallel_loop3A_1261] {strides = array<i32>} : memref<64x64xf32, #tpu.memory_space<vmem>>, vector<1x16xf32>,
        %parallel_loop3A_1263 = vector.shape_cast %parallel_loop3A_1262 : vector<1x16xf32> to vector<16xf32>
        %parallel_loop3A_1264 = arith.mulf %parallel_loop3A_1263, %parallel_loop3A_1259 : vector<16xf32>
        %parallel_loop3A_1265 = arith.index_cast %parallel_loop3A_1256 : i32 to index
        %parallel_loop3A_1266 = arith.constant 0 : index
        %parallel_loop3A_1267 = tpu.vector_load %arg10[%parallel_loop3A_1265, %parallel_loop3A_1266] {strides = array<i32>} : memref<64x128xf32, #tpu.memory_space<vmem>>, vector<1x16xf32>,
        %parallel_loop3A_1268 = vector.shape_cast %parallel_loop3A_1267 : vector<1x16xf32> to vector<16xf32>
        %parallel_loop3A_1269 = vector.shape_cast %parallel_loop3A_1264 : vector<16xf32> to vector<1x16xf32>
        tpu.vector_store %arg10[%parallel_loop3A_1265, %parallel_loop3A_1266], %parallel_loop3A_1269 {strides = array<i32>} : memref<64x128xf32, #tpu.memory_space<vmem>>, vector<1x16xf32>,
        %parallel_loop3A_1270 = arith.index_cast %parallel_loop3A_1256 : i32 to index
        %parallel_loop3A_1271 = arith.constant 16 : index
        %parallel_loop3A_1272 = tpu.vector_load %arg8[%parallel_loop3A_1270, %parallel_loop3A_1271] {strides = array<i32>} : memref<64x64xf32, #tpu.memory_space<vmem>>, vector<1x16xf32>,
        %parallel_loop3A_1273 = vector.shape_cast %parallel_loop3A_1272 : vector<1x16xf32> to vector<16xf32>
        %parallel_loop3A_1274 = arith.mulf %parallel_loop3A_1273, %parallel_loop3A_1259 : vector<16xf32>
        %parallel_loop3A_1275 = arith.index_cast %parallel_loop3A_1256 : i32 to index
        %parallel_loop3A_1276 = arith.constant 16 : index
        %parallel_loop3A_1277 = tpu.vector_load %arg10[%parallel_loop3A_1275, %parallel_loop3A_1276] {strides = array<i32>} : memref<64x128xf32, #tpu.memory_space<vmem>>, vector<1x16xf32>,
        %parallel_loop3A_1278 = vector.shape_cast %parallel_loop3A_1277 : vector<1x16xf32> to vector<16xf32>
        %parallel_loop3A_1279 = vector.shape_cast %parallel_loop3A_1274 : vector<16xf32> to vector<1x16xf32>
        tpu.vector_store %arg10[%parallel_loop3A_1275, %parallel_loop3A_1276], %parallel_loop3A_1279 {strides = array<i32>} : memref<64x128xf32, #tpu.memory_space<vmem>>, vector<1x16xf32>,
        %parallel_loop3A_1280 = arith.index_cast %parallel_loop3A_1256 : i32 to index
        %parallel_loop3A_1281 = arith.constant 32 : index
        %parallel_loop3A_1282 = tpu.vector_load %arg8[%parallel_loop3A_1280, %parallel_loop3A_1281] {strides = array<i32>} : memref<64x64xf32, #tpu.memory_space<vmem>>, vector<1x16xf32>,
        %parallel_loop3A_1283 = vector.shape_cast %parallel_loop3A_1282 : vector<1x16xf32> to vector<16xf32>
        %parallel_loop3A_1284 = arith.mulf %parallel_loop3A_1283, %parallel_loop3A_1259 : vector<16xf32>
        %parallel_loop3A_1285 = arith.index_cast %parallel_loop3A_1256 : i32 to index
        %parallel_loop3A_1286 = arith.constant 32 : index
        %parallel_loop3A_1287 = tpu.vector_load %arg10[%parallel_loop3A_1285, %parallel_loop3A_1286] {strides = array<i32>} : memref<64x128xf32, #tpu.memory_space<vmem>>, vector<1x16xf32>,
        %parallel_loop3A_1288 = vector.shape_cast %parallel_loop3A_1287 : vector<1x16xf32> to vector<16xf32>
        %parallel_loop3A_1289 = vector.shape_cast %parallel_loop3A_1284 : vector<16xf32> to vector<1x16xf32>
        tpu.vector_store %arg10[%parallel_loop3A_1285, %parallel_loop3A_1286], %parallel_loop3A_1289 {strides = array<i32>} : memref<64x128xf32, #tpu.memory_space<vmem>>, vector<1x16xf32>,
        %parallel_loop3A_1290 = arith.index_cast %parallel_loop3A_1256 : i32 to index
        %parallel_loop3A_1291 = arith.constant 48 : index
        %parallel_loop3A_1292 = tpu.vector_load %arg8[%parallel_loop3A_1290, %parallel_loop3A_1291] {strides = array<i32>} : memref<64x64xf32, #tpu.memory_space<vmem>>, vector<1x16xf32>,
        %parallel_loop3A_1293 = vector.shape_cast %parallel_loop3A_1292 : vector<1x16xf32> to vector<16xf32>
        %parallel_loop3A_1294 = arith.mulf %parallel_loop3A_1293, %parallel_loop3A_1259 : vector<16xf32>
        %parallel_loop3A_1295 = arith.index_cast %parallel_loop3A_1256 : i32 to index
        %parallel_loop3A_1296 = arith.constant 48 : index
        %parallel_loop3A_1297 = tpu.vector_load %arg10[%parallel_loop3A_1295, %parallel_loop3A_1296] {strides = array<i32>} : memref<64x128xf32, #tpu.memory_space<vmem>>, vector<1x16xf32>,
        %parallel_loop3A_1298 = vector.shape_cast %parallel_loop3A_1297 : vector<1x16xf32> to vector<16xf32>
        %parallel_loop3A_1299 = vector.shape_cast %parallel_loop3A_1294 : vector<16xf32> to vector<1x16xf32>
        tpu.vector_store %arg10[%parallel_loop3A_1295, %parallel_loop3A_1296], %parallel_loop3A_1299 {strides = array<i32>} : memref<64x128xf32, #tpu.memory_space<vmem>>, vector<1x16xf32>,
        %parallel_loop3A_1300 = arith.index_cast %parallel_loop3A_1256 : i32 to index
        %parallel_loop3A_1301 = arith.constant 64 : index
        %parallel_loop3A_1302 = tpu.vector_load %arg10[%parallel_loop3A_1300, %parallel_loop3A_1301] {strides = array<i32>} : memref<64x128xf32, #tpu.memory_space<vmem>>, vector<1x16xf32>,
        %parallel_loop3A_1303 = vector.shape_cast %parallel_loop3A_1302 : vector<1x16xf32> to vector<16xf32>
        %parallel_loop3A_1304 = vector.shape_cast %parallel_loop3A_1259 : vector<16xf32> to vector<1x16xf32>
        tpu.vector_store %arg10[%parallel_loop3A_1300, %parallel_loop3A_1301], %parallel_loop3A_1304 {strides = array<i32>} : memref<64x128xf32, #tpu.memory_space<vmem>>, vector<1x16xf32>,
        %parallel_loop3A_1305 = arith.constant 16 : i32
        %parallel_loop3A_1306 = arith.muli %parallel_loop3A_552, %parallel_loop3A_1305 : i32
        %parallel_loop3A_1307 = arith.constant 14 : i32
        %parallel_loop3A_1308 = arith.addi %parallel_loop3A_1306, %parallel_loop3A_1307 : i32
        %parallel_loop3A_1309 = vector.extract_strided_slice %parallel_loop3A_560 {offsets = [14], sizes = [1], strides = [1]} : vector<16xf32> to vector<1xf32>
        %parallel_loop3A_1310 = vector.extract %parallel_loop3A_1309[0] : f32 from vector<1xf32>
        %parallel_loop3A_1311 = vector.broadcast %parallel_loop3A_1310 : f32 to vector<16xf32>
        %parallel_loop3A_1312 = arith.index_cast %parallel_loop3A_1308 : i32 to index
        %parallel_loop3A_1313 = arith.constant 0 : index
        %parallel_loop3A_1314 = tpu.vector_load %arg8[%parallel_loop3A_1312, %parallel_loop3A_1313] {strides = array<i32>} : memref<64x64xf32, #tpu.memory_space<vmem>>, vector<1x16xf32>,
        %parallel_loop3A_1315 = vector.shape_cast %parallel_loop3A_1314 : vector<1x16xf32> to vector<16xf32>
        %parallel_loop3A_1316 = arith.mulf %parallel_loop3A_1315, %parallel_loop3A_1311 : vector<16xf32>
        %parallel_loop3A_1317 = arith.index_cast %parallel_loop3A_1308 : i32 to index
        %parallel_loop3A_1318 = arith.constant 0 : index
        %parallel_loop3A_1319 = tpu.vector_load %arg10[%parallel_loop3A_1317, %parallel_loop3A_1318] {strides = array<i32>} : memref<64x128xf32, #tpu.memory_space<vmem>>, vector<1x16xf32>,
        %parallel_loop3A_1320 = vector.shape_cast %parallel_loop3A_1319 : vector<1x16xf32> to vector<16xf32>
        %parallel_loop3A_1321 = vector.shape_cast %parallel_loop3A_1316 : vector<16xf32> to vector<1x16xf32>
        tpu.vector_store %arg10[%parallel_loop3A_1317, %parallel_loop3A_1318], %parallel_loop3A_1321 {strides = array<i32>} : memref<64x128xf32, #tpu.memory_space<vmem>>, vector<1x16xf32>,
        %parallel_loop3A_1322 = arith.index_cast %parallel_loop3A_1308 : i32 to index
        %parallel_loop3A_1323 = arith.constant 16 : index
        %parallel_loop3A_1324 = tpu.vector_load %arg8[%parallel_loop3A_1322, %parallel_loop3A_1323] {strides = array<i32>} : memref<64x64xf32, #tpu.memory_space<vmem>>, vector<1x16xf32>,
        %parallel_loop3A_1325 = vector.shape_cast %parallel_loop3A_1324 : vector<1x16xf32> to vector<16xf32>
        %parallel_loop3A_1326 = arith.mulf %parallel_loop3A_1325, %parallel_loop3A_1311 : vector<16xf32>
        %parallel_loop3A_1327 = arith.index_cast %parallel_loop3A_1308 : i32 to index
        %parallel_loop3A_1328 = arith.constant 16 : index
        %parallel_loop3A_1329 = tpu.vector_load %arg10[%parallel_loop3A_1327, %parallel_loop3A_1328] {strides = array<i32>} : memref<64x128xf32, #tpu.memory_space<vmem>>, vector<1x16xf32>,
        %parallel_loop3A_1330 = vector.shape_cast %parallel_loop3A_1329 : vector<1x16xf32> to vector<16xf32>
        %parallel_loop3A_1331 = vector.shape_cast %parallel_loop3A_1326 : vector<16xf32> to vector<1x16xf32>
        tpu.vector_store %arg10[%parallel_loop3A_1327, %parallel_loop3A_1328], %parallel_loop3A_1331 {strides = array<i32>} : memref<64x128xf32, #tpu.memory_space<vmem>>, vector<1x16xf32>,
        %parallel_loop3A_1332 = arith.index_cast %parallel_loop3A_1308 : i32 to index
        %parallel_loop3A_1333 = arith.constant 32 : index
        %parallel_loop3A_1334 = tpu.vector_load %arg8[%parallel_loop3A_1332, %parallel_loop3A_1333] {strides = array<i32>} : memref<64x64xf32, #tpu.memory_space<vmem>>, vector<1x16xf32>,
        %parallel_loop3A_1335 = vector.shape_cast %parallel_loop3A_1334 : vector<1x16xf32> to vector<16xf32>
        %parallel_loop3A_1336 = arith.mulf %parallel_loop3A_1335, %parallel_loop3A_1311 : vector<16xf32>
        %parallel_loop3A_1337 = arith.index_cast %parallel_loop3A_1308 : i32 to index
        %parallel_loop3A_1338 = arith.constant 32 : index
        %parallel_loop3A_1339 = tpu.vector_load %arg10[%parallel_loop3A_1337, %parallel_loop3A_1338] {strides = array<i32>} : memref<64x128xf32, #tpu.memory_space<vmem>>, vector<1x16xf32>,
        %parallel_loop3A_1340 = vector.shape_cast %parallel_loop3A_1339 : vector<1x16xf32> to vector<16xf32>
        %parallel_loop3A_1341 = vector.shape_cast %parallel_loop3A_1336 : vector<16xf32> to vector<1x16xf32>
        tpu.vector_store %arg10[%parallel_loop3A_1337, %parallel_loop3A_1338], %parallel_loop3A_1341 {strides = array<i32>} : memref<64x128xf32, #tpu.memory_space<vmem>>, vector<1x16xf32>,
        %parallel_loop3A_1342 = arith.index_cast %parallel_loop3A_1308 : i32 to index
        %parallel_loop3A_1343 = arith.constant 48 : index
        %parallel_loop3A_1344 = tpu.vector_load %arg8[%parallel_loop3A_1342, %parallel_loop3A_1343] {strides = array<i32>} : memref<64x64xf32, #tpu.memory_space<vmem>>, vector<1x16xf32>,
        %parallel_loop3A_1345 = vector.shape_cast %parallel_loop3A_1344 : vector<1x16xf32> to vector<16xf32>
        %parallel_loop3A_1346 = arith.mulf %parallel_loop3A_1345, %parallel_loop3A_1311 : vector<16xf32>
        %parallel_loop3A_1347 = arith.index_cast %parallel_loop3A_1308 : i32 to index
        %parallel_loop3A_1348 = arith.constant 48 : index
        %parallel_loop3A_1349 = tpu.vector_load %arg10[%parallel_loop3A_1347, %parallel_loop3A_1348] {strides = array<i32>} : memref<64x128xf32, #tpu.memory_space<vmem>>, vector<1x16xf32>,
        %parallel_loop3A_1350 = vector.shape_cast %parallel_loop3A_1349 : vector<1x16xf32> to vector<16xf32>
        %parallel_loop3A_1351 = vector.shape_cast %parallel_loop3A_1346 : vector<16xf32> to vector<1x16xf32>
        tpu.vector_store %arg10[%parallel_loop3A_1347, %parallel_loop3A_1348], %parallel_loop3A_1351 {strides = array<i32>} : memref<64x128xf32, #tpu.memory_space<vmem>>, vector<1x16xf32>,
        %parallel_loop3A_1352 = arith.index_cast %parallel_loop3A_1308 : i32 to index
        %parallel_loop3A_1353 = arith.constant 64 : index
        %parallel_loop3A_1354 = tpu.vector_load %arg10[%parallel_loop3A_1352, %parallel_loop3A_1353] {strides = array<i32>} : memref<64x128xf32, #tpu.memory_space<vmem>>, vector<1x16xf32>,
        %parallel_loop3A_1355 = vector.shape_cast %parallel_loop3A_1354 : vector<1x16xf32> to vector<16xf32>
        %parallel_loop3A_1356 = vector.shape_cast %parallel_loop3A_1311 : vector<16xf32> to vector<1x16xf32>
        tpu.vector_store %arg10[%parallel_loop3A_1352, %parallel_loop3A_1353], %parallel_loop3A_1356 {strides = array<i32>} : memref<64x128xf32, #tpu.memory_space<vmem>>, vector<1x16xf32>,
        %parallel_loop3A_1357 = arith.constant 16 : i32
        %parallel_loop3A_1358 = arith.muli %parallel_loop3A_552, %parallel_loop3A_1357 : i32
        %parallel_loop3A_1359 = arith.constant 15 : i32
        %parallel_loop3A_1360 = arith.addi %parallel_loop3A_1358, %parallel_loop3A_1359 : i32
        %parallel_loop3A_1361 = vector.extract_strided_slice %parallel_loop3A_560 {offsets = [15], sizes = [1], strides = [1]} : vector<16xf32> to vector<1xf32>
        %parallel_loop3A_1362 = vector.extract %parallel_loop3A_1361[0] : f32 from vector<1xf32>
        %parallel_loop3A_1363 = vector.broadcast %parallel_loop3A_1362 : f32 to vector<16xf32>
        %parallel_loop3A_1364 = arith.index_cast %parallel_loop3A_1360 : i32 to index
        %parallel_loop3A_1365 = arith.constant 0 : index
        %parallel_loop3A_1366 = tpu.vector_load %arg8[%parallel_loop3A_1364, %parallel_loop3A_1365] {strides = array<i32>} : memref<64x64xf32, #tpu.memory_space<vmem>>, vector<1x16xf32>,
        %parallel_loop3A_1367 = vector.shape_cast %parallel_loop3A_1366 : vector<1x16xf32> to vector<16xf32>
        %parallel_loop3A_1368 = arith.mulf %parallel_loop3A_1367, %parallel_loop3A_1363 : vector<16xf32>
        %parallel_loop3A_1369 = arith.index_cast %parallel_loop3A_1360 : i32 to index
        %parallel_loop3A_1370 = arith.constant 0 : index
        %parallel_loop3A_1371 = tpu.vector_load %arg10[%parallel_loop3A_1369, %parallel_loop3A_1370] {strides = array<i32>} : memref<64x128xf32, #tpu.memory_space<vmem>>, vector<1x16xf32>,
        %parallel_loop3A_1372 = vector.shape_cast %parallel_loop3A_1371 : vector<1x16xf32> to vector<16xf32>
        %parallel_loop3A_1373 = vector.shape_cast %parallel_loop3A_1368 : vector<16xf32> to vector<1x16xf32>
        tpu.vector_store %arg10[%parallel_loop3A_1369, %parallel_loop3A_1370], %parallel_loop3A_1373 {strides = array<i32>} : memref<64x128xf32, #tpu.memory_space<vmem>>, vector<1x16xf32>,
        %parallel_loop3A_1374 = arith.index_cast %parallel_loop3A_1360 : i32 to index
        %parallel_loop3A_1375 = arith.constant 16 : index
        %parallel_loop3A_1376 = tpu.vector_load %arg8[%parallel_loop3A_1374, %parallel_loop3A_1375] {strides = array<i32>} : memref<64x64xf32, #tpu.memory_space<vmem>>, vector<1x16xf32>,
        %parallel_loop3A_1377 = vector.shape_cast %parallel_loop3A_1376 : vector<1x16xf32> to vector<16xf32>
        %parallel_loop3A_1378 = arith.mulf %parallel_loop3A_1377, %parallel_loop3A_1363 : vector<16xf32>
        %parallel_loop3A_1379 = arith.index_cast %parallel_loop3A_1360 : i32 to index
        %parallel_loop3A_1380 = arith.constant 16 : index
        %parallel_loop3A_1381 = tpu.vector_load %arg10[%parallel_loop3A_1379, %parallel_loop3A_1380] {strides = array<i32>} : memref<64x128xf32, #tpu.memory_space<vmem>>, vector<1x16xf32>,
        %parallel_loop3A_1382 = vector.shape_cast %parallel_loop3A_1381 : vector<1x16xf32> to vector<16xf32>
        %parallel_loop3A_1383 = vector.shape_cast %parallel_loop3A_1378 : vector<16xf32> to vector<1x16xf32>
        tpu.vector_store %arg10[%parallel_loop3A_1379, %parallel_loop3A_1380], %parallel_loop3A_1383 {strides = array<i32>} : memref<64x128xf32, #tpu.memory_space<vmem>>, vector<1x16xf32>,
        %parallel_loop3A_1384 = arith.index_cast %parallel_loop3A_1360 : i32 to index
        %parallel_loop3A_1385 = arith.constant 32 : index
        %parallel_loop3A_1386 = tpu.vector_load %arg8[%parallel_loop3A_1384, %parallel_loop3A_1385] {strides = array<i32>} : memref<64x64xf32, #tpu.memory_space<vmem>>, vector<1x16xf32>,
        %parallel_loop3A_1387 = vector.shape_cast %parallel_loop3A_1386 : vector<1x16xf32> to vector<16xf32>
        %parallel_loop3A_1388 = arith.mulf %parallel_loop3A_1387, %parallel_loop3A_1363 : vector<16xf32>
        %parallel_loop3A_1389 = arith.index_cast %parallel_loop3A_1360 : i32 to index
        %parallel_loop3A_1390 = arith.constant 32 : index
        %parallel_loop3A_1391 = tpu.vector_load %arg10[%parallel_loop3A_1389, %parallel_loop3A_1390] {strides = array<i32>} : memref<64x128xf32, #tpu.memory_space<vmem>>, vector<1x16xf32>,
        %parallel_loop3A_1392 = vector.shape_cast %parallel_loop3A_1391 : vector<1x16xf32> to vector<16xf32>
        %parallel_loop3A_1393 = vector.shape_cast %parallel_loop3A_1388 : vector<16xf32> to vector<1x16xf32>
        tpu.vector_store %arg10[%parallel_loop3A_1389, %parallel_loop3A_1390], %parallel_loop3A_1393 {strides = array<i32>} : memref<64x128xf32, #tpu.memory_space<vmem>>, vector<1x16xf32>,
        %parallel_loop3A_1394 = arith.index_cast %parallel_loop3A_1360 : i32 to index
        %parallel_loop3A_1395 = arith.constant 48 : index
        %parallel_loop3A_1396 = tpu.vector_load %arg8[%parallel_loop3A_1394, %parallel_loop3A_1395] {strides = array<i32>} : memref<64x64xf32, #tpu.memory_space<vmem>>, vector<1x16xf32>,
        %parallel_loop3A_1397 = vector.shape_cast %parallel_loop3A_1396 : vector<1x16xf32> to vector<16xf32>
        %parallel_loop3A_1398 = arith.mulf %parallel_loop3A_1397, %parallel_loop3A_1363 : vector<16xf32>
        %parallel_loop3A_1399 = arith.index_cast %parallel_loop3A_1360 : i32 to index
        %parallel_loop3A_1400 = arith.constant 48 : index
        %parallel_loop3A_1401 = tpu.vector_load %arg10[%parallel_loop3A_1399, %parallel_loop3A_1400] {strides = array<i32>} : memref<64x128xf32, #tpu.memory_space<vmem>>, vector<1x16xf32>,
        %parallel_loop3A_1402 = vector.shape_cast %parallel_loop3A_1401 : vector<1x16xf32> to vector<16xf32>
        %parallel_loop3A_1403 = vector.shape_cast %parallel_loop3A_1398 : vector<16xf32> to vector<1x16xf32>
        tpu.vector_store %arg10[%parallel_loop3A_1399, %parallel_loop3A_1400], %parallel_loop3A_1403 {strides = array<i32>} : memref<64x128xf32, #tpu.memory_space<vmem>>, vector<1x16xf32>,
        %parallel_loop3A_1404 = arith.index_cast %parallel_loop3A_1360 : i32 to index
        %parallel_loop3A_1405 = arith.constant 64 : index
        %parallel_loop3A_1406 = tpu.vector_load %arg10[%parallel_loop3A_1404, %parallel_loop3A_1405] {strides = array<i32>} : memref<64x128xf32, #tpu.memory_space<vmem>>, vector<1x16xf32>,
        %parallel_loop3A_1407 = vector.shape_cast %parallel_loop3A_1406 : vector<1x16xf32> to vector<16xf32>
        %parallel_loop3A_1408 = vector.shape_cast %parallel_loop3A_1363 : vector<16xf32> to vector<1x16xf32>
        tpu.vector_store %arg10[%parallel_loop3A_1404, %parallel_loop3A_1405], %parallel_loop3A_1408 {strides = array<i32>} : memref<64x128xf32, #tpu.memory_space<vmem>>, vector<1x16xf32>,
      } {sc.loop_unroll_factor = 4 : i64, sc.parallel_access}
      %lt3A_543 = arith.constant 15 : i32
      %lt3A_544 = arith.cmpi slt, %scan3A_497, %lt3A_543 : i32
      %convert_element_type3A_545 = arith.extui %lt3A_544 : i1 to i32
      %cond3A_546 = arith.constant 0 : i32
      %cond3A_547 = arith.cmpi ne, %convert_element_type3A_545, %cond3A_546 : i32
      scf.if %cond3A_547 {
        %add3A_552 = arith.constant 2 : i32
        %add3A_553 = arith.addi %add3A_526, %add3A_552 : i32
        %mul3A_554 = arith.constant 64 : i32
        %mul3A_555 = arith.muli %add3A_553, %mul3A_554 : i32
        %add3A_556 = arith.addi %add3A, %mul3A_555 : i32
        %multiple_of3A_557 = tpu.assume_multiple %add3A_556, 64 : i32
        %dma_start3A_558 = arith.constant 0 : i32
        %dma_start3A_559 = tpu.memref_slice %arg2[%multiple_of3A_557, %dma_start3A_558] : memref<65536x64xf32, #tpu.memory_space<hbm>> -> memref<64x64xf32, #tpu.memory_space<hbm>>
        %dma_start3A_560 = arith.constant 0 : i32
        %dma_start3A_561 = tpu.memref_slice %arg2[%multiple_of3A_557, %dma_start3A_560] : memref<65536x64xf32, #tpu.memory_space<hbm>> -> memref<64x64xf32, #tpu.memory_space<hbm>>
        tpu.enqueue_dma source(%dma_start3A_561 : memref<64x64xf32, #tpu.memory_space<hbm>>) target(%arg8 : memref<64x64xf32, #tpu.memory_space<vmem>>) target_semaphore(%arg16 : memref<!tpu.dma_semaphore, #tpu.memory_space<semaphore_mem>>)
      } else {
      }
      %dma_start3A_548 = arith.constant 0 : i32
      %dma_start3A_549 = arith.constant 0 : i32
      %dma_start3A_550 = tpu.memref_slice %arg6[%dma_start3A_548, %dma_start3A_549] : memref<8192x128xf32, #tpu.memory_space<vmem_shared>> -> memref<8192x128xf32, #tpu.memory_space<vmem_shared>>
      tpu.enqueue_indirect_dma source(%arg10 : memref<64x128xf32, #tpu.memory_space<vmem>>) target(%dma_start3A_550 : memref<8192x128xf32, #tpu.memory_space<vmem_shared>>) offsets(%arg14 : memref<64xi32, #tpu.memory_space<vmem>>) semaphore(%arg18 : memref<!tpu.dma_semaphore, #tpu.memory_space<semaphore_mem>>) {add = true}
      %scan3A_551 = arith.constant 0 : i32
      scf.yield %scan3A_551 : i32
    }
    %scan3A_145 = arith.constant 16 : i32
    %dma_wait3A_146 = arith.constant 0 : i32
    %dma_wait3A_147 = arith.constant 0 : i32
    %dma_wait3A_148 = tpu.memref_slice %arg6[%dma_wait3A_146, %dma_wait3A_147] : memref<8192x128xf32, #tpu.memory_space<vmem_shared>> -> memref<8192x128xf32, #tpu.memory_space<vmem_shared>>
    tpu.wait_indirect_dma semaphore(%arg17 : memref<!tpu.dma_semaphore, #tpu.memory_space<semaphore_mem>>) src(%arg9 : memref<64x128xf32, #tpu.memory_space<vmem>>) dst(%dma_wait3A_148 : memref<8192x128xf32, #tpu.memory_space<vmem_shared>>)
    %dma_wait3A_149 = arith.constant 0 : i32
    %dma_wait3A_150 = arith.constant 0 : i32
    %dma_wait3A_151 = tpu.memref_slice %arg6[%dma_wait3A_149, %dma_wait3A_150] : memref<8192x128xf32, #tpu.memory_space<vmem_shared>> -> memref<8192x128xf32, #tpu.memory_space<vmem_shared>>
    tpu.wait_indirect_dma semaphore(%arg18 : memref<!tpu.dma_semaphore, #tpu.memory_space<semaphore_mem>>) src(%arg10 : memref<64x128xf32, #tpu.memory_space<vmem>>) dst(%dma_wait3A_151 : memref<8192x128xf32, #tpu.memory_space<vmem_shared>>)
    %barrier3A_152 = arith.constant 0 : index
    tpu.barrier barrier_id(%barrier3A_152)
    %mul3A_153 = arith.constant 512 : i32
    %mul3A_154 = arith.muli %arg1, %mul3A_153 : i32
    %add3A_155 = arith.constant 0 : i32
    %add3A_156 = arith.addi %mul3A_154, %add3A_155 : i32
    %dma_start3A_157 = arith.constant 0 : i32
    %dma_start3A_158 = tpu.memref_slice %arg6[%add3A_156, %dma_start3A_157] : memref<8192x128xf32, #tpu.memory_space<vmem_shared>> -> memref<64x128xf32, #tpu.memory_space<vmem_shared>>
    %dma_start3A_159 = arith.constant 0 : i32
    %dma_start3A_160 = tpu.memref_slice %arg6[%add3A_156, %dma_start3A_159] : memref<8192x128xf32, #tpu.memory_space<vmem_shared>> -> memref<64x128xf32, #tpu.memory_space<vmem_shared>>
    tpu.enqueue_dma source(%dma_start3A_160 : memref<64x128xf32, #tpu.memory_space<vmem_shared>>) target(%arg9 : memref<64x128xf32, #tpu.memory_space<vmem>>) target_semaphore(%arg15 : memref<!tpu.dma_semaphore, #tpu.memory_space<semaphore_mem>>)
    %mul3A_161 = arith.constant 512 : i32
    %mul3A_162 = arith.muli %arg1, %mul3A_161 : i32
    %add3A_163 = arith.constant 64 : i32
    %add3A_164 = arith.addi %mul3A_162, %add3A_163 : i32
    %dma_start3A_165 = arith.constant 0 : i32
    %dma_start3A_166 = tpu.memref_slice %arg6[%add3A_164, %dma_start3A_165] : memref<8192x128xf32, #tpu.memory_space<vmem_shared>> -> memref<64x128xf32, #tpu.memory_space<vmem_shared>>
    %dma_start3A_167 = arith.constant 0 : i32
    %dma_start3A_168 = tpu.memref_slice %arg6[%add3A_164, %dma_start3A_167] : memref<8192x128xf32, #tpu.memory_space<vmem_shared>> -> memref<64x128xf32, #tpu.memory_space<vmem_shared>>
    tpu.enqueue_dma source(%dma_start3A_168 : memref<64x128xf32, #tpu.memory_space<vmem_shared>>) target(%arg10 : memref<64x128xf32, #tpu.memory_space<vmem>>) target_semaphore(%arg16 : memref<!tpu.dma_semaphore, #tpu.memory_space<semaphore_mem>>)
    %mul3A_169 = arith.constant 512 : i32
    %mul3A_170 = arith.muli %arg1, %mul3A_169 : i32
    %add3A_171 = arith.constant 0 : i32
    %add3A_172 = arith.addi %mul3A_170, %add3A_171 : i32
    %dma_wait3A_173 = arith.constant 0 : i32
    %dma_wait3A_174 = tpu.memref_slice %arg6[%add3A_172, %dma_wait3A_173] : memref<8192x128xf32, #tpu.memory_space<vmem_shared>> -> memref<64x128xf32, #tpu.memory_space<vmem_shared>>
    %dma_wait3A_175 = arith.constant 0 : i32
    %dma_wait3A_176 = tpu.memref_slice %arg6[%add3A_172, %dma_wait3A_175] : memref<8192x128xf32, #tpu.memory_space<vmem_shared>> -> memref<64x128xf32, #tpu.memory_space<vmem_shared>>
    tpu.wait_dma2 semaphore(%arg15 : memref<!tpu.dma_semaphore, #tpu.memory_space<semaphore_mem>>) src(%dma_wait3A_176 : memref<64x128xf32, #tpu.memory_space<vmem_shared>>) dst(%arg9 : memref<64x128xf32, #tpu.memory_space<vmem>>)
    %parallel_loop3A_177 = arith.constant 0 : i32
    %parallel_loop3A_178 = arith.constant 64 : i32
    %parallel_loop3A_179 = arith.constant 1 : i32
    scf.for %parallel_loop3A_497 = %parallel_loop3A_177 to %parallel_loop3A_178 step %parallel_loop3A_179  : i32 {
      %parallel_loop3A_498 = arith.index_cast %parallel_loop3A_497 : i32 to index
      %parallel_loop3A_499 = arith.constant 64 : index
      %parallel_loop3A_500 = tpu.vector_load %arg9[%parallel_loop3A_498, %parallel_loop3A_499] {strides = array<i32>} : memref<64x128xf32, #tpu.memory_space<vmem>>, vector<1x16xf32>,
      %parallel_loop3A_501 = vector.shape_cast %parallel_loop3A_500 : vector<1x16xf32> to vector<16xf32>
      %parallel_loop3A_502 = vector.extract_strided_slice %parallel_loop3A_501 {offsets = [0], sizes = [1], strides = [1]} : vector<16xf32> to vector<1xf32>
      %parallel_loop3A_503 = vector.extract %parallel_loop3A_502[0] : f32 from vector<1xf32>
      %parallel_loop3A_504 = vector.broadcast %parallel_loop3A_503 : f32 to vector<16xf32>
      %parallel_loop3A_505 = arith.constant 9.99999997E-7 : f32
      %parallel_loop3A_506 = vector.broadcast %parallel_loop3A_505 : f32 to vector<16xf32>
      %parallel_loop3A_507 = arith.addf %parallel_loop3A_504, %parallel_loop3A_506 : vector<16xf32>
      %parallel_loop3A_508 = arith.constant 1.000000e+00 : f32
      %parallel_loop3A_509 = vector.broadcast %parallel_loop3A_508 : f32 to vector<16xf32>
      %parallel_loop3A_510 = arith.divf %parallel_loop3A_509, %parallel_loop3A_507 : vector<16xf32>
      %parallel_loop3A_511 = arith.index_cast %parallel_loop3A_497 : i32 to index
      %parallel_loop3A_512 = arith.constant 0 : index
      %parallel_loop3A_513 = tpu.vector_load %arg9[%parallel_loop3A_511, %parallel_loop3A_512] {strides = array<i32>} : memref<64x128xf32, #tpu.memory_space<vmem>>, vector<1x16xf32>,
      %parallel_loop3A_514 = vector.shape_cast %parallel_loop3A_513 : vector<1x16xf32> to vector<16xf32>
      %parallel_loop3A_515 = arith.mulf %parallel_loop3A_514, %parallel_loop3A_510 : vector<16xf32>
      %parallel_loop3A_516 = arith.index_cast %parallel_loop3A_497 : i32 to index
      %parallel_loop3A_517 = arith.constant 0 : index
      %parallel_loop3A_518 = tpu.vector_load %arg7[%parallel_loop3A_516, %parallel_loop3A_517] {strides = array<i32>} : memref<64x64xf32, #tpu.memory_space<vmem>>, vector<1x16xf32>,
      %parallel_loop3A_519 = vector.shape_cast %parallel_loop3A_518 : vector<1x16xf32> to vector<16xf32>
      %parallel_loop3A_520 = vector.shape_cast %parallel_loop3A_515 : vector<16xf32> to vector<1x16xf32>
      tpu.vector_store %arg7[%parallel_loop3A_516, %parallel_loop3A_517], %parallel_loop3A_520 {strides = array<i32>} : memref<64x64xf32, #tpu.memory_space<vmem>>, vector<1x16xf32>,
      %parallel_loop3A_521 = arith.index_cast %parallel_loop3A_497 : i32 to index
      %parallel_loop3A_522 = arith.constant 16 : index
      %parallel_loop3A_523 = tpu.vector_load %arg9[%parallel_loop3A_521, %parallel_loop3A_522] {strides = array<i32>} : memref<64x128xf32, #tpu.memory_space<vmem>>, vector<1x16xf32>,
      %parallel_loop3A_524 = vector.shape_cast %parallel_loop3A_523 : vector<1x16xf32> to vector<16xf32>
      %parallel_loop3A_525 = arith.mulf %parallel_loop3A_524, %parallel_loop3A_510 : vector<16xf32>
      %parallel_loop3A_526 = arith.index_cast %parallel_loop3A_497 : i32 to index
      %parallel_loop3A_527 = arith.constant 16 : index
      %parallel_loop3A_528 = tpu.vector_load %arg7[%parallel_loop3A_526, %parallel_loop3A_527] {strides = array<i32>} : memref<64x64xf32, #tpu.memory_space<vmem>>, vector<1x16xf32>,
      %parallel_loop3A_529 = vector.shape_cast %parallel_loop3A_528 : vector<1x16xf32> to vector<16xf32>
      %parallel_loop3A_530 = vector.shape_cast %parallel_loop3A_525 : vector<16xf32> to vector<1x16xf32>
      tpu.vector_store %arg7[%parallel_loop3A_526, %parallel_loop3A_527], %parallel_loop3A_530 {strides = array<i32>} : memref<64x64xf32, #tpu.memory_space<vmem>>, vector<1x16xf32>,
      %parallel_loop3A_531 = arith.index_cast %parallel_loop3A_497 : i32 to index
      %parallel_loop3A_532 = arith.constant 32 : index
      %parallel_loop3A_533 = tpu.vector_load %arg9[%parallel_loop3A_531, %parallel_loop3A_532] {strides = array<i32>} : memref<64x128xf32, #tpu.memory_space<vmem>>, vector<1x16xf32>,
      %parallel_loop3A_534 = vector.shape_cast %parallel_loop3A_533 : vector<1x16xf32> to vector<16xf32>
      %parallel_loop3A_535 = arith.mulf %parallel_loop3A_534, %parallel_loop3A_510 : vector<16xf32>
      %parallel_loop3A_536 = arith.index_cast %parallel_loop3A_497 : i32 to index
      %parallel_loop3A_537 = arith.constant 32 : index
      %parallel_loop3A_538 = tpu.vector_load %arg7[%parallel_loop3A_536, %parallel_loop3A_537] {strides = array<i32>} : memref<64x64xf32, #tpu.memory_space<vmem>>, vector<1x16xf32>,
      %parallel_loop3A_539 = vector.shape_cast %parallel_loop3A_538 : vector<1x16xf32> to vector<16xf32>
      %parallel_loop3A_540 = vector.shape_cast %parallel_loop3A_535 : vector<16xf32> to vector<1x16xf32>
      tpu.vector_store %arg7[%parallel_loop3A_536, %parallel_loop3A_537], %parallel_loop3A_540 {strides = array<i32>} : memref<64x64xf32, #tpu.memory_space<vmem>>, vector<1x16xf32>,
      %parallel_loop3A_541 = arith.index_cast %parallel_loop3A_497 : i32 to index
      %parallel_loop3A_542 = arith.constant 48 : index
      %parallel_loop3A_543 = tpu.vector_load %arg9[%parallel_loop3A_541, %parallel_loop3A_542] {strides = array<i32>} : memref<64x128xf32, #tpu.memory_space<vmem>>, vector<1x16xf32>,
      %parallel_loop3A_544 = vector.shape_cast %parallel_loop3A_543 : vector<1x16xf32> to vector<16xf32>
      %parallel_loop3A_545 = arith.mulf %parallel_loop3A_544, %parallel_loop3A_510 : vector<16xf32>
      %parallel_loop3A_546 = arith.index_cast %parallel_loop3A_497 : i32 to index
      %parallel_loop3A_547 = arith.constant 48 : index
      %parallel_loop3A_548 = tpu.vector_load %arg7[%parallel_loop3A_546, %parallel_loop3A_547] {strides = array<i32>} : memref<64x64xf32, #tpu.memory_space<vmem>>, vector<1x16xf32>,
      %parallel_loop3A_549 = vector.shape_cast %parallel_loop3A_548 : vector<1x16xf32> to vector<16xf32>
      %parallel_loop3A_550 = vector.shape_cast %parallel_loop3A_545 : vector<16xf32> to vector<1x16xf32>
      tpu.vector_store %arg7[%parallel_loop3A_546, %parallel_loop3A_547], %parallel_loop3A_550 {strides = array<i32>} : memref<64x64xf32, #tpu.memory_space<vmem>>, vector<1x16xf32>,
    } {sc.loop_unroll_factor = 2 : i64, sc.parallel_access}
    %mul3A_180 = arith.constant 512 : i32
    %mul3A_181 = arith.muli %arg1, %mul3A_180 : i32
    %add3A_182 = arith.constant 128 : i32
    %add3A_183 = arith.addi %mul3A_181, %add3A_182 : i32
    %dma_start3A_184 = arith.constant 0 : i32
    %dma_start3A_185 = tpu.memref_slice %arg6[%add3A_183, %dma_start3A_184] : memref<8192x128xf32, #tpu.memory_space<vmem_shared>> -> memref<64x128xf32, #tpu.memory_space<vmem_shared>>
    %dma_start3A_186 = arith.constant 0 : i32
    %dma_start3A_187 = tpu.memref_slice %arg6[%add3A_183, %dma_start3A_186] : memref<8192x128xf32, #tpu.memory_space<vmem_shared>> -> memref<64x128xf32, #tpu.memory_space<vmem_shared>>
    tpu.enqueue_dma source(%dma_start3A_187 : memref<64x128xf32, #tpu.memory_space<vmem_shared>>) target(%arg9 : memref<64x128xf32, #tpu.memory_space<vmem>>) target_semaphore(%arg15 : memref<!tpu.dma_semaphore, #tpu.memory_space<semaphore_mem>>)
    %mul3A_188 = arith.constant 8192 : i32
    %mul3A_189 = arith.muli %arg0, %mul3A_188 : i32
    %mul3A_190 = arith.constant 512 : i32
    %mul3A_191 = arith.muli %arg1, %mul3A_190 : i32
    %add3A_192 = arith.addi %mul3A_189, %mul3A_191 : i32
    %add3A_193 = arith.constant 0 : i32
    %add3A_194 = arith.addi %add3A_192, %add3A_193 : i32
    %multiple_of3A_195 = tpu.assume_multiple %add3A_194, 64 : i32
    %dma_start3A_196 = arith.constant 0 : i32
    %dma_start3A_197 = tpu.memref_slice %arg5[%multiple_of3A_195, %dma_start3A_196] : memref<16384x64xf32, #tpu.memory_space<hbm>> -> memref<64x64xf32, #tpu.memory_space<hbm>>
    %dma_start3A_198 = arith.constant 0 : i32
    %dma_start3A_199 = tpu.memref_slice %arg5[%multiple_of3A_195, %dma_start3A_198] : memref<16384x64xf32, #tpu.memory_space<hbm>> -> memref<64x64xf32, #tpu.memory_space<hbm>>
    tpu.enqueue_dma source(%arg7 : memref<64x64xf32, #tpu.memory_space<vmem>>) target(%dma_start3A_199 : memref<64x64xf32, #tpu.memory_space<hbm>>) target_semaphore(%arg17 : memref<!tpu.dma_semaphore, #tpu.memory_space<semaphore_mem>>)
    %mul3A_200 = arith.constant 512 : i32
    %mul3A_201 = arith.muli %arg1, %mul3A_200 : i32
    %add3A_202 = arith.constant 64 : i32
    %add3A_203 = arith.addi %mul3A_201, %add3A_202 : i32
    %dma_wait3A_204 = arith.constant 0 : i32
    %dma_wait3A_205 = tpu.memref_slice %arg6[%add3A_203, %dma_wait3A_204] : memref<8192x128xf32, #tpu.memory_space<vmem_shared>> -> memref<64x128xf32, #tpu.memory_space<vmem_shared>>
    %dma_wait3A_206 = arith.constant 0 : i32
    %dma_wait3A_207 = tpu.memref_slice %arg6[%add3A_203, %dma_wait3A_206] : memref<8192x128xf32, #tpu.memory_space<vmem_shared>> -> memref<64x128xf32, #tpu.memory_space<vmem_shared>>
    tpu.wait_dma2 semaphore(%arg16 : memref<!tpu.dma_semaphore, #tpu.memory_space<semaphore_mem>>) src(%dma_wait3A_207 : memref<64x128xf32, #tpu.memory_space<vmem_shared>>) dst(%arg10 : memref<64x128xf32, #tpu.memory_space<vmem>>)
    %parallel_loop3A_208 = arith.constant 0 : i32
    %parallel_loop3A_209 = arith.constant 64 : i32
    %parallel_loop3A_210 = arith.constant 1 : i32
    scf.for %parallel_loop3A_497 = %parallel_loop3A_208 to %parallel_loop3A_209 step %parallel_loop3A_210  : i32 {
      %parallel_loop3A_498 = arith.index_cast %parallel_loop3A_497 : i32 to index
      %parallel_loop3A_499 = arith.constant 64 : index
      %parallel_loop3A_500 = tpu.vector_load %arg10[%parallel_loop3A_498, %parallel_loop3A_499] {strides = array<i32>} : memref<64x128xf32, #tpu.memory_space<vmem>>, vector<1x16xf32>,
      %parallel_loop3A_501 = vector.shape_cast %parallel_loop3A_500 : vector<1x16xf32> to vector<16xf32>
      %parallel_loop3A_502 = vector.extract_strided_slice %parallel_loop3A_501 {offsets = [0], sizes = [1], strides = [1]} : vector<16xf32> to vector<1xf32>
      %parallel_loop3A_503 = vector.extract %parallel_loop3A_502[0] : f32 from vector<1xf32>
      %parallel_loop3A_504 = vector.broadcast %parallel_loop3A_503 : f32 to vector<16xf32>
      %parallel_loop3A_505 = arith.constant 9.99999997E-7 : f32
      %parallel_loop3A_506 = vector.broadcast %parallel_loop3A_505 : f32 to vector<16xf32>
      %parallel_loop3A_507 = arith.addf %parallel_loop3A_504, %parallel_loop3A_506 : vector<16xf32>
      %parallel_loop3A_508 = arith.constant 1.000000e+00 : f32
      %parallel_loop3A_509 = vector.broadcast %parallel_loop3A_508 : f32 to vector<16xf32>
      %parallel_loop3A_510 = arith.divf %parallel_loop3A_509, %parallel_loop3A_507 : vector<16xf32>
      %parallel_loop3A_511 = arith.index_cast %parallel_loop3A_497 : i32 to index
      %parallel_loop3A_512 = arith.constant 0 : index
      %parallel_loop3A_513 = tpu.vector_load %arg10[%parallel_loop3A_511, %parallel_loop3A_512] {strides = array<i32>} : memref<64x128xf32, #tpu.memory_space<vmem>>, vector<1x16xf32>,
      %parallel_loop3A_514 = vector.shape_cast %parallel_loop3A_513 : vector<1x16xf32> to vector<16xf32>
      %parallel_loop3A_515 = arith.mulf %parallel_loop3A_514, %parallel_loop3A_510 : vector<16xf32>
      %parallel_loop3A_516 = arith.index_cast %parallel_loop3A_497 : i32 to index
      %parallel_loop3A_517 = arith.constant 0 : index
      %parallel_loop3A_518 = tpu.vector_load %arg8[%parallel_loop3A_516, %parallel_loop3A_517] {strides = array<i32>} : memref<64x64xf32, #tpu.memory_space<vmem>>, vector<1x16xf32>,
      %parallel_loop3A_519 = vector.shape_cast %parallel_loop3A_518 : vector<1x16xf32> to vector<16xf32>
      %parallel_loop3A_520 = vector.shape_cast %parallel_loop3A_515 : vector<16xf32> to vector<1x16xf32>
      tpu.vector_store %arg8[%parallel_loop3A_516, %parallel_loop3A_517], %parallel_loop3A_520 {strides = array<i32>} : memref<64x64xf32, #tpu.memory_space<vmem>>, vector<1x16xf32>,
      %parallel_loop3A_521 = arith.index_cast %parallel_loop3A_497 : i32 to index
      %parallel_loop3A_522 = arith.constant 16 : index
      %parallel_loop3A_523 = tpu.vector_load %arg10[%parallel_loop3A_521, %parallel_loop3A_522] {strides = array<i32>} : memref<64x128xf32, #tpu.memory_space<vmem>>, vector<1x16xf32>,
      %parallel_loop3A_524 = vector.shape_cast %parallel_loop3A_523 : vector<1x16xf32> to vector<16xf32>
      %parallel_loop3A_525 = arith.mulf %parallel_loop3A_524, %parallel_loop3A_510 : vector<16xf32>
      %parallel_loop3A_526 = arith.index_cast %parallel_loop3A_497 : i32 to index
      %parallel_loop3A_527 = arith.constant 16 : index
      %parallel_loop3A_528 = tpu.vector_load %arg8[%parallel_loop3A_526, %parallel_loop3A_527] {strides = array<i32>} : memref<64x64xf32, #tpu.memory_space<vmem>>, vector<1x16xf32>,
      %parallel_loop3A_529 = vector.shape_cast %parallel_loop3A_528 : vector<1x16xf32> to vector<16xf32>
      %parallel_loop3A_530 = vector.shape_cast %parallel_loop3A_525 : vector<16xf32> to vector<1x16xf32>
      tpu.vector_store %arg8[%parallel_loop3A_526, %parallel_loop3A_527], %parallel_loop3A_530 {strides = array<i32>} : memref<64x64xf32, #tpu.memory_space<vmem>>, vector<1x16xf32>,
      %parallel_loop3A_531 = arith.index_cast %parallel_loop3A_497 : i32 to index
      %parallel_loop3A_532 = arith.constant 32 : index
      %parallel_loop3A_533 = tpu.vector_load %arg10[%parallel_loop3A_531, %parallel_loop3A_532] {strides = array<i32>} : memref<64x128xf32, #tpu.memory_space<vmem>>, vector<1x16xf32>,
      %parallel_loop3A_534 = vector.shape_cast %parallel_loop3A_533 : vector<1x16xf32> to vector<16xf32>
      %parallel_loop3A_535 = arith.mulf %parallel_loop3A_534, %parallel_loop3A_510 : vector<16xf32>
      %parallel_loop3A_536 = arith.index_cast %parallel_loop3A_497 : i32 to index
      %parallel_loop3A_537 = arith.constant 32 : index
      %parallel_loop3A_538 = tpu.vector_load %arg8[%parallel_loop3A_536, %parallel_loop3A_537] {strides = array<i32>} : memref<64x64xf32, #tpu.memory_space<vmem>>, vector<1x16xf32>,
      %parallel_loop3A_539 = vector.shape_cast %parallel_loop3A_538 : vector<1x16xf32> to vector<16xf32>
      %parallel_loop3A_540 = vector.shape_cast %parallel_loop3A_535 : vector<16xf32> to vector<1x16xf32>
      tpu.vector_store %arg8[%parallel_loop3A_536, %parallel_loop3A_537], %parallel_loop3A_540 {strides = array<i32>} : memref<64x64xf32, #tpu.memory_space<vmem>>, vector<1x16xf32>,
      %parallel_loop3A_541 = arith.index_cast %parallel_loop3A_497 : i32 to index
      %parallel_loop3A_542 = arith.constant 48 : index
      %parallel_loop3A_543 = tpu.vector_load %arg10[%parallel_loop3A_541, %parallel_loop3A_542] {strides = array<i32>} : memref<64x128xf32, #tpu.memory_space<vmem>>, vector<1x16xf32>,
      %parallel_loop3A_544 = vector.shape_cast %parallel_loop3A_543 : vector<1x16xf32> to vector<16xf32>
      %parallel_loop3A_545 = arith.mulf %parallel_loop3A_544, %parallel_loop3A_510 : vector<16xf32>
      %parallel_loop3A_546 = arith.index_cast %parallel_loop3A_497 : i32 to index
      %parallel_loop3A_547 = arith.constant 48 : index
      %parallel_loop3A_548 = tpu.vector_load %arg8[%parallel_loop3A_546, %parallel_loop3A_547] {strides = array<i32>} : memref<64x64xf32, #tpu.memory_space<vmem>>, vector<1x16xf32>,
      %parallel_loop3A_549 = vector.shape_cast %parallel_loop3A_548 : vector<1x16xf32> to vector<16xf32>
      %parallel_loop3A_550 = vector.shape_cast %parallel_loop3A_545 : vector<16xf32> to vector<1x16xf32>
      tpu.vector_store %arg8[%parallel_loop3A_546, %parallel_loop3A_547], %parallel_loop3A_550 {strides = array<i32>} : memref<64x64xf32, #tpu.memory_space<vmem>>, vector<1x16xf32>,
    } {sc.loop_unroll_factor = 2 : i64, sc.parallel_access}
    %mul3A_211 = arith.constant 512 : i32
    %mul3A_212 = arith.muli %arg1, %mul3A_211 : i32
    %add3A_213 = arith.constant 192 : i32
    %add3A_214 = arith.addi %mul3A_212, %add3A_213 : i32
    %dma_start3A_215 = arith.constant 0 : i32
    %dma_start3A_216 = tpu.memref_slice %arg6[%add3A_214, %dma_start3A_215] : memref<8192x128xf32, #tpu.memory_space<vmem_shared>> -> memref<64x128xf32, #tpu.memory_space<vmem_shared>>
    %dma_start3A_217 = arith.constant 0 : i32
    %dma_start3A_218 = tpu.memref_slice %arg6[%add3A_214, %dma_start3A_217] : memref<8192x128xf32, #tpu.memory_space<vmem_shared>> -> memref<64x128xf32, #tpu.memory_space<vmem_shared>>
    tpu.enqueue_dma source(%dma_start3A_218 : memref<64x128xf32, #tpu.memory_space<vmem_shared>>) target(%arg10 : memref<64x128xf32, #tpu.memory_space<vmem>>) target_semaphore(%arg16 : memref<!tpu.dma_semaphore, #tpu.memory_space<semaphore_mem>>)
    %mul3A_219 = arith.constant 8192 : i32
    %mul3A_220 = arith.muli %arg0, %mul3A_219 : i32
    %mul3A_221 = arith.constant 512 : i32
    %mul3A_222 = arith.muli %arg1, %mul3A_221 : i32
    %add3A_223 = arith.addi %mul3A_220, %mul3A_222 : i32
    %add3A_224 = arith.constant 64 : i32
    %add3A_225 = arith.addi %add3A_223, %add3A_224 : i32
    %multiple_of3A_226 = tpu.assume_multiple %add3A_225, 64 : i32
    %dma_start3A_227 = arith.constant 0 : i32
    %dma_start3A_228 = tpu.memref_slice %arg5[%multiple_of3A_226, %dma_start3A_227] : memref<16384x64xf32, #tpu.memory_space<hbm>> -> memref<64x64xf32, #tpu.memory_space<hbm>>
    %dma_start3A_229 = arith.constant 0 : i32
    %dma_start3A_230 = tpu.memref_slice %arg5[%multiple_of3A_226, %dma_start3A_229] : memref<16384x64xf32, #tpu.memory_space<hbm>> -> memref<64x64xf32, #tpu.memory_space<hbm>>
    tpu.enqueue_dma source(%arg8 : memref<64x64xf32, #tpu.memory_space<vmem>>) target(%dma_start3A_230 : memref<64x64xf32, #tpu.memory_space<hbm>>) target_semaphore(%arg18 : memref<!tpu.dma_semaphore, #tpu.memory_space<semaphore_mem>>)
    %mul3A_231 = arith.constant 512 : i32
    %mul3A_232 = arith.muli %arg1, %mul3A_231 : i32
    %add3A_233 = arith.constant 128 : i32
    %add3A_234 = arith.addi %mul3A_232, %add3A_233 : i32
    %dma_wait3A_235 = arith.constant 0 : i32
    %dma_wait3A_236 = tpu.memref_slice %arg6[%add3A_234, %dma_wait3A_235] : memref<8192x128xf32, #tpu.memory_space<vmem_shared>> -> memref<64x128xf32, #tpu.memory_space<vmem_shared>>
    %dma_wait3A_237 = arith.constant 0 : i32
    %dma_wait3A_238 = tpu.memref_slice %arg6[%add3A_234, %dma_wait3A_237] : memref<8192x128xf32, #tpu.memory_space<vmem_shared>> -> memref<64x128xf32, #tpu.memory_space<vmem_shared>>
    tpu.wait_dma2 semaphore(%arg15 : memref<!tpu.dma_semaphore, #tpu.memory_space<semaphore_mem>>) src(%dma_wait3A_238 : memref<64x128xf32, #tpu.memory_space<vmem_shared>>) dst(%arg9 : memref<64x128xf32, #tpu.memory_space<vmem>>)
    %mul3A_239 = arith.constant 8192 : i32
    %mul3A_240 = arith.muli %arg0, %mul3A_239 : i32
    %mul3A_241 = arith.constant 512 : i32
    %mul3A_242 = arith.muli %arg1, %mul3A_241 : i32
    %add3A_243 = arith.addi %mul3A_240, %mul3A_242 : i32
    %add3A_244 = arith.constant 0 : i32
    %add3A_245 = arith.addi %add3A_243, %add3A_244 : i32
    %multiple_of3A_246 = tpu.assume_multiple %add3A_245, 64 : i32
    %dma_wait3A_247 = arith.constant 0 : i32
    %dma_wait3A_248 = tpu.memref_slice %arg5[%multiple_of3A_246, %dma_wait3A_247] : memref<16384x64xf32, #tpu.memory_space<hbm>> -> memref<64x64xf32, #tpu.memory_space<hbm>>
    %dma_wait3A_249 = arith.constant 0 : i32
    %dma_wait3A_250 = tpu.memref_slice %arg5[%multiple_of3A_246, %dma_wait3A_249] : memref<16384x64xf32, #tpu.memory_space<hbm>> -> memref<64x64xf32, #tpu.memory_space<hbm>>
    tpu.wait_dma2 semaphore(%arg17 : memref<!tpu.dma_semaphore, #tpu.memory_space<semaphore_mem>>) src(%arg7 : memref<64x64xf32, #tpu.memory_space<vmem>>) dst(%dma_wait3A_250 : memref<64x64xf32, #tpu.memory_space<hbm>>)
    %parallel_loop3A_251 = arith.constant 0 : i32
    %parallel_loop3A_252 = arith.constant 64 : i32
    %parallel_loop3A_253 = arith.constant 1 : i32
    scf.for %parallel_loop3A_497 = %parallel_loop3A_251 to %parallel_loop3A_252 step %parallel_loop3A_253  : i32 {
      %parallel_loop3A_498 = arith.index_cast %parallel_loop3A_497 : i32 to index
      %parallel_loop3A_499 = arith.constant 64 : index
      %parallel_loop3A_500 = tpu.vector_load %arg9[%parallel_loop3A_498, %parallel_loop3A_499] {strides = array<i32>} : memref<64x128xf32, #tpu.memory_space<vmem>>, vector<1x16xf32>,
      %parallel_loop3A_501 = vector.shape_cast %parallel_loop3A_500 : vector<1x16xf32> to vector<16xf32>
      %parallel_loop3A_502 = vector.extract_strided_slice %parallel_loop3A_501 {offsets = [0], sizes = [1], strides = [1]} : vector<16xf32> to vector<1xf32>
      %parallel_loop3A_503 = vector.extract %parallel_loop3A_502[0] : f32 from vector<1xf32>
      %parallel_loop3A_504 = vector.broadcast %parallel_loop3A_503 : f32 to vector<16xf32>
      %parallel_loop3A_505 = arith.constant 9.99999997E-7 : f32
      %parallel_loop3A_506 = vector.broadcast %parallel_loop3A_505 : f32 to vector<16xf32>
      %parallel_loop3A_507 = arith.addf %parallel_loop3A_504, %parallel_loop3A_506 : vector<16xf32>
      %parallel_loop3A_508 = arith.constant 1.000000e+00 : f32
      %parallel_loop3A_509 = vector.broadcast %parallel_loop3A_508 : f32 to vector<16xf32>
      %parallel_loop3A_510 = arith.divf %parallel_loop3A_509, %parallel_loop3A_507 : vector<16xf32>
      %parallel_loop3A_511 = arith.index_cast %parallel_loop3A_497 : i32 to index
      %parallel_loop3A_512 = arith.constant 0 : index
      %parallel_loop3A_513 = tpu.vector_load %arg9[%parallel_loop3A_511, %parallel_loop3A_512] {strides = array<i32>} : memref<64x128xf32, #tpu.memory_space<vmem>>, vector<1x16xf32>,
      %parallel_loop3A_514 = vector.shape_cast %parallel_loop3A_513 : vector<1x16xf32> to vector<16xf32>
      %parallel_loop3A_515 = arith.mulf %parallel_loop3A_514, %parallel_loop3A_510 : vector<16xf32>
      %parallel_loop3A_516 = arith.index_cast %parallel_loop3A_497 : i32 to index
      %parallel_loop3A_517 = arith.constant 0 : index
      %parallel_loop3A_518 = tpu.vector_load %arg7[%parallel_loop3A_516, %parallel_loop3A_517] {strides = array<i32>} : memref<64x64xf32, #tpu.memory_space<vmem>>, vector<1x16xf32>,
      %parallel_loop3A_519 = vector.shape_cast %parallel_loop3A_518 : vector<1x16xf32> to vector<16xf32>
      %parallel_loop3A_520 = vector.shape_cast %parallel_loop3A_515 : vector<16xf32> to vector<1x16xf32>
      tpu.vector_store %arg7[%parallel_loop3A_516, %parallel_loop3A_517], %parallel_loop3A_520 {strides = array<i32>} : memref<64x64xf32, #tpu.memory_space<vmem>>, vector<1x16xf32>,
      %parallel_loop3A_521 = arith.index_cast %parallel_loop3A_497 : i32 to index
      %parallel_loop3A_522 = arith.constant 16 : index
      %parallel_loop3A_523 = tpu.vector_load %arg9[%parallel_loop3A_521, %parallel_loop3A_522] {strides = array<i32>} : memref<64x128xf32, #tpu.memory_space<vmem>>, vector<1x16xf32>,
      %parallel_loop3A_524 = vector.shape_cast %parallel_loop3A_523 : vector<1x16xf32> to vector<16xf32>
      %parallel_loop3A_525 = arith.mulf %parallel_loop3A_524, %parallel_loop3A_510 : vector<16xf32>
      %parallel_loop3A_526 = arith.index_cast %parallel_loop3A_497 : i32 to index
      %parallel_loop3A_527 = arith.constant 16 : index
      %parallel_loop3A_528 = tpu.vector_load %arg7[%parallel_loop3A_526, %parallel_loop3A_527] {strides = array<i32>} : memref<64x64xf32, #tpu.memory_space<vmem>>, vector<1x16xf32>,
      %parallel_loop3A_529 = vector.shape_cast %parallel_loop3A_528 : vector<1x16xf32> to vector<16xf32>
      %parallel_loop3A_530 = vector.shape_cast %parallel_loop3A_525 : vector<16xf32> to vector<1x16xf32>
      tpu.vector_store %arg7[%parallel_loop3A_526, %parallel_loop3A_527], %parallel_loop3A_530 {strides = array<i32>} : memref<64x64xf32, #tpu.memory_space<vmem>>, vector<1x16xf32>,
      %parallel_loop3A_531 = arith.index_cast %parallel_loop3A_497 : i32 to index
      %parallel_loop3A_532 = arith.constant 32 : index
      %parallel_loop3A_533 = tpu.vector_load %arg9[%parallel_loop3A_531, %parallel_loop3A_532] {strides = array<i32>} : memref<64x128xf32, #tpu.memory_space<vmem>>, vector<1x16xf32>,
      %parallel_loop3A_534 = vector.shape_cast %parallel_loop3A_533 : vector<1x16xf32> to vector<16xf32>
      %parallel_loop3A_535 = arith.mulf %parallel_loop3A_534, %parallel_loop3A_510 : vector<16xf32>
      %parallel_loop3A_536 = arith.index_cast %parallel_loop3A_497 : i32 to index
      %parallel_loop3A_537 = arith.constant 32 : index
      %parallel_loop3A_538 = tpu.vector_load %arg7[%parallel_loop3A_536, %parallel_loop3A_537] {strides = array<i32>} : memref<64x64xf32, #tpu.memory_space<vmem>>, vector<1x16xf32>,
      %parallel_loop3A_539 = vector.shape_cast %parallel_loop3A_538 : vector<1x16xf32> to vector<16xf32>
      %parallel_loop3A_540 = vector.shape_cast %parallel_loop3A_535 : vector<16xf32> to vector<1x16xf32>
      tpu.vector_store %arg7[%parallel_loop3A_536, %parallel_loop3A_537], %parallel_loop3A_540 {strides = array<i32>} : memref<64x64xf32, #tpu.memory_space<vmem>>, vector<1x16xf32>,
      %parallel_loop3A_541 = arith.index_cast %parallel_loop3A_497 : i32 to index
      %parallel_loop3A_542 = arith.constant 48 : index
      %parallel_loop3A_543 = tpu.vector_load %arg9[%parallel_loop3A_541, %parallel_loop3A_542] {strides = array<i32>} : memref<64x128xf32, #tpu.memory_space<vmem>>, vector<1x16xf32>,
      %parallel_loop3A_544 = vector.shape_cast %parallel_loop3A_543 : vector<1x16xf32> to vector<16xf32>
      %parallel_loop3A_545 = arith.mulf %parallel_loop3A_544, %parallel_loop3A_510 : vector<16xf32>
      %parallel_loop3A_546 = arith.index_cast %parallel_loop3A_497 : i32 to index
      %parallel_loop3A_547 = arith.constant 48 : index
      %parallel_loop3A_548 = tpu.vector_load %arg7[%parallel_loop3A_546, %parallel_loop3A_547] {strides = array<i32>} : memref<64x64xf32, #tpu.memory_space<vmem>>, vector<1x16xf32>,
      %parallel_loop3A_549 = vector.shape_cast %parallel_loop3A_548 : vector<1x16xf32> to vector<16xf32>
      %parallel_loop3A_550 = vector.shape_cast %parallel_loop3A_545 : vector<16xf32> to vector<1x16xf32>
      tpu.vector_store %arg7[%parallel_loop3A_546, %parallel_loop3A_547], %parallel_loop3A_550 {strides = array<i32>} : memref<64x64xf32, #tpu.memory_space<vmem>>, vector<1x16xf32>,
    } {sc.loop_unroll_factor = 2 : i64, sc.parallel_access}
    %mul3A_254 = arith.constant 512 : i32
    %mul3A_255 = arith.muli %arg1, %mul3A_254 : i32
    %add3A_256 = arith.constant 256 : i32
    %add3A_257 = arith.addi %mul3A_255, %add3A_256 : i32
    %dma_start3A_258 = arith.constant 0 : i32
    %dma_start3A_259 = tpu.memref_slice %arg6[%add3A_257, %dma_start3A_258] : memref<8192x128xf32, #tpu.memory_space<vmem_shared>> -> memref<64x128xf32, #tpu.memory_space<vmem_shared>>
    %dma_start3A_260 = arith.constant 0 : i32
    %dma_start3A_261 = tpu.memref_slice %arg6[%add3A_257, %dma_start3A_260] : memref<8192x128xf32, #tpu.memory_space<vmem_shared>> -> memref<64x128xf32, #tpu.memory_space<vmem_shared>>
    tpu.enqueue_dma source(%dma_start3A_261 : memref<64x128xf32, #tpu.memory_space<vmem_shared>>) target(%arg9 : memref<64x128xf32, #tpu.memory_space<vmem>>) target_semaphore(%arg15 : memref<!tpu.dma_semaphore, #tpu.memory_space<semaphore_mem>>)
    %mul3A_262 = arith.constant 8192 : i32
    %mul3A_263 = arith.muli %arg0, %mul3A_262 : i32
    %mul3A_264 = arith.constant 512 : i32
    %mul3A_265 = arith.muli %arg1, %mul3A_264 : i32
    %add3A_266 = arith.addi %mul3A_263, %mul3A_265 : i32
    %add3A_267 = arith.constant 128 : i32
    %add3A_268 = arith.addi %add3A_266, %add3A_267 : i32
    %multiple_of3A_269 = tpu.assume_multiple %add3A_268, 64 : i32
    %dma_start3A_270 = arith.constant 0 : i32
    %dma_start3A_271 = tpu.memref_slice %arg5[%multiple_of3A_269, %dma_start3A_270] : memref<16384x64xf32, #tpu.memory_space<hbm>> -> memref<64x64xf32, #tpu.memory_space<hbm>>
    %dma_start3A_272 = arith.constant 0 : i32
    %dma_start3A_273 = tpu.memref_slice %arg5[%multiple_of3A_269, %dma_start3A_272] : memref<16384x64xf32, #tpu.memory_space<hbm>> -> memref<64x64xf32, #tpu.memory_space<hbm>>
    tpu.enqueue_dma source(%arg7 : memref<64x64xf32, #tpu.memory_space<vmem>>) target(%dma_start3A_273 : memref<64x64xf32, #tpu.memory_space<hbm>>) target_semaphore(%arg17 : memref<!tpu.dma_semaphore, #tpu.memory_space<semaphore_mem>>)
    %mul3A_274 = arith.constant 512 : i32
    %mul3A_275 = arith.muli %arg1, %mul3A_274 : i32
    %add3A_276 = arith.constant 192 : i32
    %add3A_277 = arith.addi %mul3A_275, %add3A_276 : i32
    %dma_wait3A_278 = arith.constant 0 : i32
    %dma_wait3A_279 = tpu.memref_slice %arg6[%add3A_277, %dma_wait3A_278] : memref<8192x128xf32, #tpu.memory_space<vmem_shared>> -> memref<64x128xf32, #tpu.memory_space<vmem_shared>>
    %dma_wait3A_280 = arith.constant 0 : i32
    %dma_wait3A_281 = tpu.memref_slice %arg6[%add3A_277, %dma_wait3A_280] : memref<8192x128xf32, #tpu.memory_space<vmem_shared>> -> memref<64x128xf32, #tpu.memory_space<vmem_shared>>
    tpu.wait_dma2 semaphore(%arg16 : memref<!tpu.dma_semaphore, #tpu.memory_space<semaphore_mem>>) src(%dma_wait3A_281 : memref<64x128xf32, #tpu.memory_space<vmem_shared>>) dst(%arg10 : memref<64x128xf32, #tpu.memory_space<vmem>>)
    %mul3A_282 = arith.constant 8192 : i32
    %mul3A_283 = arith.muli %arg0, %mul3A_282 : i32
    %mul3A_284 = arith.constant 512 : i32
    %mul3A_285 = arith.muli %arg1, %mul3A_284 : i32
    %add3A_286 = arith.addi %mul3A_283, %mul3A_285 : i32
    %add3A_287 = arith.constant 64 : i32
    %add3A_288 = arith.addi %add3A_286, %add3A_287 : i32
    %multiple_of3A_289 = tpu.assume_multiple %add3A_288, 64 : i32
    %dma_wait3A_290 = arith.constant 0 : i32
    %dma_wait3A_291 = tpu.memref_slice %arg5[%multiple_of3A_289, %dma_wait3A_290] : memref<16384x64xf32, #tpu.memory_space<hbm>> -> memref<64x64xf32, #tpu.memory_space<hbm>>
    %dma_wait3A_292 = arith.constant 0 : i32
    %dma_wait3A_293 = tpu.memref_slice %arg5[%multiple_of3A_289, %dma_wait3A_292] : memref<16384x64xf32, #tpu.memory_space<hbm>> -> memref<64x64xf32, #tpu.memory_space<hbm>>
    tpu.wait_dma2 semaphore(%arg18 : memref<!tpu.dma_semaphore, #tpu.memory_space<semaphore_mem>>) src(%arg8 : memref<64x64xf32, #tpu.memory_space<vmem>>) dst(%dma_wait3A_293 : memref<64x64xf32, #tpu.memory_space<hbm>>)
    %parallel_loop3A_294 = arith.constant 0 : i32
    %parallel_loop3A_295 = arith.constant 64 : i32
    %parallel_loop3A_296 = arith.constant 1 : i32
    scf.for %parallel_loop3A_497 = %parallel_loop3A_294 to %parallel_loop3A_295 step %parallel_loop3A_296  : i32 {
      %parallel_loop3A_498 = arith.index_cast %parallel_loop3A_497 : i32 to index
      %parallel_loop3A_499 = arith.constant 64 : index
      %parallel_loop3A_500 = tpu.vector_load %arg10[%parallel_loop3A_498, %parallel_loop3A_499] {strides = array<i32>} : memref<64x128xf32, #tpu.memory_space<vmem>>, vector<1x16xf32>,
      %parallel_loop3A_501 = vector.shape_cast %parallel_loop3A_500 : vector<1x16xf32> to vector<16xf32>
      %parallel_loop3A_502 = vector.extract_strided_slice %parallel_loop3A_501 {offsets = [0], sizes = [1], strides = [1]} : vector<16xf32> to vector<1xf32>
      %parallel_loop3A_503 = vector.extract %parallel_loop3A_502[0] : f32 from vector<1xf32>
      %parallel_loop3A_504 = vector.broadcast %parallel_loop3A_503 : f32 to vector<16xf32>
      %parallel_loop3A_505 = arith.constant 9.99999997E-7 : f32
      %parallel_loop3A_506 = vector.broadcast %parallel_loop3A_505 : f32 to vector<16xf32>
      %parallel_loop3A_507 = arith.addf %parallel_loop3A_504, %parallel_loop3A_506 : vector<16xf32>
      %parallel_loop3A_508 = arith.constant 1.000000e+00 : f32
      %parallel_loop3A_509 = vector.broadcast %parallel_loop3A_508 : f32 to vector<16xf32>
      %parallel_loop3A_510 = arith.divf %parallel_loop3A_509, %parallel_loop3A_507 : vector<16xf32>
      %parallel_loop3A_511 = arith.index_cast %parallel_loop3A_497 : i32 to index
      %parallel_loop3A_512 = arith.constant 0 : index
      %parallel_loop3A_513 = tpu.vector_load %arg10[%parallel_loop3A_511, %parallel_loop3A_512] {strides = array<i32>} : memref<64x128xf32, #tpu.memory_space<vmem>>, vector<1x16xf32>,
      %parallel_loop3A_514 = vector.shape_cast %parallel_loop3A_513 : vector<1x16xf32> to vector<16xf32>
      %parallel_loop3A_515 = arith.mulf %parallel_loop3A_514, %parallel_loop3A_510 : vector<16xf32>
      %parallel_loop3A_516 = arith.index_cast %parallel_loop3A_497 : i32 to index
      %parallel_loop3A_517 = arith.constant 0 : index
      %parallel_loop3A_518 = tpu.vector_load %arg8[%parallel_loop3A_516, %parallel_loop3A_517] {strides = array<i32>} : memref<64x64xf32, #tpu.memory_space<vmem>>, vector<1x16xf32>,
      %parallel_loop3A_519 = vector.shape_cast %parallel_loop3A_518 : vector<1x16xf32> to vector<16xf32>
      %parallel_loop3A_520 = vector.shape_cast %parallel_loop3A_515 : vector<16xf32> to vector<1x16xf32>
      tpu.vector_store %arg8[%parallel_loop3A_516, %parallel_loop3A_517], %parallel_loop3A_520 {strides = array<i32>} : memref<64x64xf32, #tpu.memory_space<vmem>>, vector<1x16xf32>,
      %parallel_loop3A_521 = arith.index_cast %parallel_loop3A_497 : i32 to index
      %parallel_loop3A_522 = arith.constant 16 : index
      %parallel_loop3A_523 = tpu.vector_load %arg10[%parallel_loop3A_521, %parallel_loop3A_522] {strides = array<i32>} : memref<64x128xf32, #tpu.memory_space<vmem>>, vector<1x16xf32>,
      %parallel_loop3A_524 = vector.shape_cast %parallel_loop3A_523 : vector<1x16xf32> to vector<16xf32>
      %parallel_loop3A_525 = arith.mulf %parallel_loop3A_524, %parallel_loop3A_510 : vector<16xf32>
      %parallel_loop3A_526 = arith.index_cast %parallel_loop3A_497 : i32 to index
      %parallel_loop3A_527 = arith.constant 16 : index
      %parallel_loop3A_528 = tpu.vector_load %arg8[%parallel_loop3A_526, %parallel_loop3A_527] {strides = array<i32>} : memref<64x64xf32, #tpu.memory_space<vmem>>, vector<1x16xf32>,
      %parallel_loop3A_529 = vector.shape_cast %parallel_loop3A_528 : vector<1x16xf32> to vector<16xf32>
      %parallel_loop3A_530 = vector.shape_cast %parallel_loop3A_525 : vector<16xf32> to vector<1x16xf32>
      tpu.vector_store %arg8[%parallel_loop3A_526, %parallel_loop3A_527], %parallel_loop3A_530 {strides = array<i32>} : memref<64x64xf32, #tpu.memory_space<vmem>>, vector<1x16xf32>,
      %parallel_loop3A_531 = arith.index_cast %parallel_loop3A_497 : i32 to index
      %parallel_loop3A_532 = arith.constant 32 : index
      %parallel_loop3A_533 = tpu.vector_load %arg10[%parallel_loop3A_531, %parallel_loop3A_532] {strides = array<i32>} : memref<64x128xf32, #tpu.memory_space<vmem>>, vector<1x16xf32>,
      %parallel_loop3A_534 = vector.shape_cast %parallel_loop3A_533 : vector<1x16xf32> to vector<16xf32>
      %parallel_loop3A_535 = arith.mulf %parallel_loop3A_534, %parallel_loop3A_510 : vector<16xf32>
      %parallel_loop3A_536 = arith.index_cast %parallel_loop3A_497 : i32 to index
      %parallel_loop3A_537 = arith.constant 32 : index
      %parallel_loop3A_538 = tpu.vector_load %arg8[%parallel_loop3A_536, %parallel_loop3A_537] {strides = array<i32>} : memref<64x64xf32, #tpu.memory_space<vmem>>, vector<1x16xf32>,
      %parallel_loop3A_539 = vector.shape_cast %parallel_loop3A_538 : vector<1x16xf32> to vector<16xf32>
      %parallel_loop3A_540 = vector.shape_cast %parallel_loop3A_535 : vector<16xf32> to vector<1x16xf32>
      tpu.vector_store %arg8[%parallel_loop3A_536, %parallel_loop3A_537], %parallel_loop3A_540 {strides = array<i32>} : memref<64x64xf32, #tpu.memory_space<vmem>>, vector<1x16xf32>,
      %parallel_loop3A_541 = arith.index_cast %parallel_loop3A_497 : i32 to index
      %parallel_loop3A_542 = arith.constant 48 : index
      %parallel_loop3A_543 = tpu.vector_load %arg10[%parallel_loop3A_541, %parallel_loop3A_542] {strides = array<i32>} : memref<64x128xf32, #tpu.memory_space<vmem>>, vector<1x16xf32>,
      %parallel_loop3A_544 = vector.shape_cast %parallel_loop3A_543 : vector<1x16xf32> to vector<16xf32>
      %parallel_loop3A_545 = arith.mulf %parallel_loop3A_544, %parallel_loop3A_510 : vector<16xf32>
      %parallel_loop3A_546 = arith.index_cast %parallel_loop3A_497 : i32 to index
      %parallel_loop3A_547 = arith.constant 48 : index
      %parallel_loop3A_548 = tpu.vector_load %arg8[%parallel_loop3A_546, %parallel_loop3A_547] {strides = array<i32>} : memref<64x64xf32, #tpu.memory_space<vmem>>, vector<1x16xf32>,
      %parallel_loop3A_549 = vector.shape_cast %parallel_loop3A_548 : vector<1x16xf32> to vector<16xf32>
      %parallel_loop3A_550 = vector.shape_cast %parallel_loop3A_545 : vector<16xf32> to vector<1x16xf32>
      tpu.vector_store %arg8[%parallel_loop3A_546, %parallel_loop3A_547], %parallel_loop3A_550 {strides = array<i32>} : memref<64x64xf32, #tpu.memory_space<vmem>>, vector<1x16xf32>,
    } {sc.loop_unroll_factor = 2 : i64, sc.parallel_access}
    %mul3A_297 = arith.constant 512 : i32
    %mul3A_298 = arith.muli %arg1, %mul3A_297 : i32
    %add3A_299 = arith.constant 320 : i32
    %add3A_300 = arith.addi %mul3A_298, %add3A_299 : i32
    %dma_start3A_301 = arith.constant 0 : i32
    %dma_start3A_302 = tpu.memref_slice %arg6[%add3A_300, %dma_start3A_301] : memref<8192x128xf32, #tpu.memory_space<vmem_shared>> -> memref<64x128xf32, #tpu.memory_space<vmem_shared>>
    %dma_start3A_303 = arith.constant 0 : i32
    %dma_start3A_304 = tpu.memref_slice %arg6[%add3A_300, %dma_start3A_303] : memref<8192x128xf32, #tpu.memory_space<vmem_shared>> -> memref<64x128xf32, #tpu.memory_space<vmem_shared>>
    tpu.enqueue_dma source(%dma_start3A_304 : memref<64x128xf32, #tpu.memory_space<vmem_shared>>) target(%arg10 : memref<64x128xf32, #tpu.memory_space<vmem>>) target_semaphore(%arg16 : memref<!tpu.dma_semaphore, #tpu.memory_space<semaphore_mem>>)
    %mul3A_305 = arith.constant 8192 : i32
    %mul3A_306 = arith.muli %arg0, %mul3A_305 : i32
    %mul3A_307 = arith.constant 512 : i32
    %mul3A_308 = arith.muli %arg1, %mul3A_307 : i32
    %add3A_309 = arith.addi %mul3A_306, %mul3A_308 : i32
    %add3A_310 = arith.constant 192 : i32
    %add3A_311 = arith.addi %add3A_309, %add3A_310 : i32
    %multiple_of3A_312 = tpu.assume_multiple %add3A_311, 64 : i32
    %dma_start3A_313 = arith.constant 0 : i32
    %dma_start3A_314 = tpu.memref_slice %arg5[%multiple_of3A_312, %dma_start3A_313] : memref<16384x64xf32, #tpu.memory_space<hbm>> -> memref<64x64xf32, #tpu.memory_space<hbm>>
    %dma_start3A_315 = arith.constant 0 : i32
    %dma_start3A_316 = tpu.memref_slice %arg5[%multiple_of3A_312, %dma_start3A_315] : memref<16384x64xf32, #tpu.memory_space<hbm>> -> memref<64x64xf32, #tpu.memory_space<hbm>>
    tpu.enqueue_dma source(%arg8 : memref<64x64xf32, #tpu.memory_space<vmem>>) target(%dma_start3A_316 : memref<64x64xf32, #tpu.memory_space<hbm>>) target_semaphore(%arg18 : memref<!tpu.dma_semaphore, #tpu.memory_space<semaphore_mem>>)
    %mul3A_317 = arith.constant 512 : i32
    %mul3A_318 = arith.muli %arg1, %mul3A_317 : i32
    %add3A_319 = arith.constant 256 : i32
    %add3A_320 = arith.addi %mul3A_318, %add3A_319 : i32
    %dma_wait3A_321 = arith.constant 0 : i32
    %dma_wait3A_322 = tpu.memref_slice %arg6[%add3A_320, %dma_wait3A_321] : memref<8192x128xf32, #tpu.memory_space<vmem_shared>> -> memref<64x128xf32, #tpu.memory_space<vmem_shared>>
    %dma_wait3A_323 = arith.constant 0 : i32
    %dma_wait3A_324 = tpu.memref_slice %arg6[%add3A_320, %dma_wait3A_323] : memref<8192x128xf32, #tpu.memory_space<vmem_shared>> -> memref<64x128xf32, #tpu.memory_space<vmem_shared>>
    tpu.wait_dma2 semaphore(%arg15 : memref<!tpu.dma_semaphore, #tpu.memory_space<semaphore_mem>>) src(%dma_wait3A_324 : memref<64x128xf32, #tpu.memory_space<vmem_shared>>) dst(%arg9 : memref<64x128xf32, #tpu.memory_space<vmem>>)
    %mul3A_325 = arith.constant 8192 : i32
    %mul3A_326 = arith.muli %arg0, %mul3A_325 : i32
    %mul3A_327 = arith.constant 512 : i32
    %mul3A_328 = arith.muli %arg1, %mul3A_327 : i32
    %add3A_329 = arith.addi %mul3A_326, %mul3A_328 : i32
    %add3A_330 = arith.constant 128 : i32
    %add3A_331 = arith.addi %add3A_329, %add3A_330 : i32
    %multiple_of3A_332 = tpu.assume_multiple %add3A_331, 64 : i32
    %dma_wait3A_333 = arith.constant 0 : i32
    %dma_wait3A_334 = tpu.memref_slice %arg5[%multiple_of3A_332, %dma_wait3A_333] : memref<16384x64xf32, #tpu.memory_space<hbm>> -> memref<64x64xf32, #tpu.memory_space<hbm>>
    %dma_wait3A_335 = arith.constant 0 : i32
    %dma_wait3A_336 = tpu.memref_slice %arg5[%multiple_of3A_332, %dma_wait3A_335] : memref<16384x64xf32, #tpu.memory_space<hbm>> -> memref<64x64xf32, #tpu.memory_space<hbm>>
    tpu.wait_dma2 semaphore(%arg17 : memref<!tpu.dma_semaphore, #tpu.memory_space<semaphore_mem>>) src(%arg7 : memref<64x64xf32, #tpu.memory_space<vmem>>) dst(%dma_wait3A_336 : memref<64x64xf32, #tpu.memory_space<hbm>>)
    %parallel_loop3A_337 = arith.constant 0 : i32
    %parallel_loop3A_338 = arith.constant 64 : i32
    %parallel_loop3A_339 = arith.constant 1 : i32
    scf.for %parallel_loop3A_497 = %parallel_loop3A_337 to %parallel_loop3A_338 step %parallel_loop3A_339  : i32 {
      %parallel_loop3A_498 = arith.index_cast %parallel_loop3A_497 : i32 to index
      %parallel_loop3A_499 = arith.constant 64 : index
      %parallel_loop3A_500 = tpu.vector_load %arg9[%parallel_loop3A_498, %parallel_loop3A_499] {strides = array<i32>} : memref<64x128xf32, #tpu.memory_space<vmem>>, vector<1x16xf32>,
      %parallel_loop3A_501 = vector.shape_cast %parallel_loop3A_500 : vector<1x16xf32> to vector<16xf32>
      %parallel_loop3A_502 = vector.extract_strided_slice %parallel_loop3A_501 {offsets = [0], sizes = [1], strides = [1]} : vector<16xf32> to vector<1xf32>
      %parallel_loop3A_503 = vector.extract %parallel_loop3A_502[0] : f32 from vector<1xf32>
      %parallel_loop3A_504 = vector.broadcast %parallel_loop3A_503 : f32 to vector<16xf32>
      %parallel_loop3A_505 = arith.constant 9.99999997E-7 : f32
      %parallel_loop3A_506 = vector.broadcast %parallel_loop3A_505 : f32 to vector<16xf32>
      %parallel_loop3A_507 = arith.addf %parallel_loop3A_504, %parallel_loop3A_506 : vector<16xf32>
      %parallel_loop3A_508 = arith.constant 1.000000e+00 : f32
      %parallel_loop3A_509 = vector.broadcast %parallel_loop3A_508 : f32 to vector<16xf32>
      %parallel_loop3A_510 = arith.divf %parallel_loop3A_509, %parallel_loop3A_507 : vector<16xf32>
      %parallel_loop3A_511 = arith.index_cast %parallel_loop3A_497 : i32 to index
      %parallel_loop3A_512 = arith.constant 0 : index
      %parallel_loop3A_513 = tpu.vector_load %arg9[%parallel_loop3A_511, %parallel_loop3A_512] {strides = array<i32>} : memref<64x128xf32, #tpu.memory_space<vmem>>, vector<1x16xf32>,
      %parallel_loop3A_514 = vector.shape_cast %parallel_loop3A_513 : vector<1x16xf32> to vector<16xf32>
      %parallel_loop3A_515 = arith.mulf %parallel_loop3A_514, %parallel_loop3A_510 : vector<16xf32>
      %parallel_loop3A_516 = arith.index_cast %parallel_loop3A_497 : i32 to index
      %parallel_loop3A_517 = arith.constant 0 : index
      %parallel_loop3A_518 = tpu.vector_load %arg7[%parallel_loop3A_516, %parallel_loop3A_517] {strides = array<i32>} : memref<64x64xf32, #tpu.memory_space<vmem>>, vector<1x16xf32>,
      %parallel_loop3A_519 = vector.shape_cast %parallel_loop3A_518 : vector<1x16xf32> to vector<16xf32>
      %parallel_loop3A_520 = vector.shape_cast %parallel_loop3A_515 : vector<16xf32> to vector<1x16xf32>
      tpu.vector_store %arg7[%parallel_loop3A_516, %parallel_loop3A_517], %parallel_loop3A_520 {strides = array<i32>} : memref<64x64xf32, #tpu.memory_space<vmem>>, vector<1x16xf32>,
      %parallel_loop3A_521 = arith.index_cast %parallel_loop3A_497 : i32 to index
      %parallel_loop3A_522 = arith.constant 16 : index
      %parallel_loop3A_523 = tpu.vector_load %arg9[%parallel_loop3A_521, %parallel_loop3A_522] {strides = array<i32>} : memref<64x128xf32, #tpu.memory_space<vmem>>, vector<1x16xf32>,
      %parallel_loop3A_524 = vector.shape_cast %parallel_loop3A_523 : vector<1x16xf32> to vector<16xf32>
      %parallel_loop3A_525 = arith.mulf %parallel_loop3A_524, %parallel_loop3A_510 : vector<16xf32>
      %parallel_loop3A_526 = arith.index_cast %parallel_loop3A_497 : i32 to index
      %parallel_loop3A_527 = arith.constant 16 : index
      %parallel_loop3A_528 = tpu.vector_load %arg7[%parallel_loop3A_526, %parallel_loop3A_527] {strides = array<i32>} : memref<64x64xf32, #tpu.memory_space<vmem>>, vector<1x16xf32>,
      %parallel_loop3A_529 = vector.shape_cast %parallel_loop3A_528 : vector<1x16xf32> to vector<16xf32>
      %parallel_loop3A_530 = vector.shape_cast %parallel_loop3A_525 : vector<16xf32> to vector<1x16xf32>
      tpu.vector_store %arg7[%parallel_loop3A_526, %parallel_loop3A_527], %parallel_loop3A_530 {strides = array<i32>} : memref<64x64xf32, #tpu.memory_space<vmem>>, vector<1x16xf32>,
      %parallel_loop3A_531 = arith.index_cast %parallel_loop3A_497 : i32 to index
      %parallel_loop3A_532 = arith.constant 32 : index
      %parallel_loop3A_533 = tpu.vector_load %arg9[%parallel_loop3A_531, %parallel_loop3A_532] {strides = array<i32>} : memref<64x128xf32, #tpu.memory_space<vmem>>, vector<1x16xf32>,
      %parallel_loop3A_534 = vector.shape_cast %parallel_loop3A_533 : vector<1x16xf32> to vector<16xf32>
      %parallel_loop3A_535 = arith.mulf %parallel_loop3A_534, %parallel_loop3A_510 : vector<16xf32>
      %parallel_loop3A_536 = arith.index_cast %parallel_loop3A_497 : i32 to index
      %parallel_loop3A_537 = arith.constant 32 : index
      %parallel_loop3A_538 = tpu.vector_load %arg7[%parallel_loop3A_536, %parallel_loop3A_537] {strides = array<i32>} : memref<64x64xf32, #tpu.memory_space<vmem>>, vector<1x16xf32>,
      %parallel_loop3A_539 = vector.shape_cast %parallel_loop3A_538 : vector<1x16xf32> to vector<16xf32>
      %parallel_loop3A_540 = vector.shape_cast %parallel_loop3A_535 : vector<16xf32> to vector<1x16xf32>
      tpu.vector_store %arg7[%parallel_loop3A_536, %parallel_loop3A_537], %parallel_loop3A_540 {strides = array<i32>} : memref<64x64xf32, #tpu.memory_space<vmem>>, vector<1x16xf32>,
      %parallel_loop3A_541 = arith.index_cast %parallel_loop3A_497 : i32 to index
      %parallel_loop3A_542 = arith.constant 48 : index
      %parallel_loop3A_543 = tpu.vector_load %arg9[%parallel_loop3A_541, %parallel_loop3A_542] {strides = array<i32>} : memref<64x128xf32, #tpu.memory_space<vmem>>, vector<1x16xf32>,
      %parallel_loop3A_544 = vector.shape_cast %parallel_loop3A_543 : vector<1x16xf32> to vector<16xf32>
      %parallel_loop3A_545 = arith.mulf %parallel_loop3A_544, %parallel_loop3A_510 : vector<16xf32>
      %parallel_loop3A_546 = arith.index_cast %parallel_loop3A_497 : i32 to index
      %parallel_loop3A_547 = arith.constant 48 : index
      %parallel_loop3A_548 = tpu.vector_load %arg7[%parallel_loop3A_546, %parallel_loop3A_547] {strides = array<i32>} : memref<64x64xf32, #tpu.memory_space<vmem>>, vector<1x16xf32>,
      %parallel_loop3A_549 = vector.shape_cast %parallel_loop3A_548 : vector<1x16xf32> to vector<16xf32>
      %parallel_loop3A_550 = vector.shape_cast %parallel_loop3A_545 : vector<16xf32> to vector<1x16xf32>
      tpu.vector_store %arg7[%parallel_loop3A_546, %parallel_loop3A_547], %parallel_loop3A_550 {strides = array<i32>} : memref<64x64xf32, #tpu.memory_space<vmem>>, vector<1x16xf32>,
    } {sc.loop_unroll_factor = 2 : i64, sc.parallel_access}
    %mul3A_340 = arith.constant 512 : i32
    %mul3A_341 = arith.muli %arg1, %mul3A_340 : i32
    %add3A_342 = arith.constant 384 : i32
    %add3A_343 = arith.addi %mul3A_341, %add3A_342 : i32
    %dma_start3A_344 = arith.constant 0 : i32
    %dma_start3A_345 = tpu.memref_slice %arg6[%add3A_343, %dma_start3A_344] : memref<8192x128xf32, #tpu.memory_space<vmem_shared>> -> memref<64x128xf32, #tpu.memory_space<vmem_shared>>
    %dma_start3A_346 = arith.constant 0 : i32
    %dma_start3A_347 = tpu.memref_slice %arg6[%add3A_343, %dma_start3A_346] : memref<8192x128xf32, #tpu.memory_space<vmem_shared>> -> memref<64x128xf32, #tpu.memory_space<vmem_shared>>
    tpu.enqueue_dma source(%dma_start3A_347 : memref<64x128xf32, #tpu.memory_space<vmem_shared>>) target(%arg9 : memref<64x128xf32, #tpu.memory_space<vmem>>) target_semaphore(%arg15 : memref<!tpu.dma_semaphore, #tpu.memory_space<semaphore_mem>>)
    %mul3A_348 = arith.constant 8192 : i32
    %mul3A_349 = arith.muli %arg0, %mul3A_348 : i32
    %mul3A_350 = arith.constant 512 : i32
    %mul3A_351 = arith.muli %arg1, %mul3A_350 : i32
    %add3A_352 = arith.addi %mul3A_349, %mul3A_351 : i32
    %add3A_353 = arith.constant 256 : i32
    %add3A_354 = arith.addi %add3A_352, %add3A_353 : i32
    %multiple_of3A_355 = tpu.assume_multiple %add3A_354, 64 : i32
    %dma_start3A_356 = arith.constant 0 : i32
    %dma_start3A_357 = tpu.memref_slice %arg5[%multiple_of3A_355, %dma_start3A_356] : memref<16384x64xf32, #tpu.memory_space<hbm>> -> memref<64x64xf32, #tpu.memory_space<hbm>>
    %dma_start3A_358 = arith.constant 0 : i32
    %dma_start3A_359 = tpu.memref_slice %arg5[%multiple_of3A_355, %dma_start3A_358] : memref<16384x64xf32, #tpu.memory_space<hbm>> -> memref<64x64xf32, #tpu.memory_space<hbm>>
    tpu.enqueue_dma source(%arg7 : memref<64x64xf32, #tpu.memory_space<vmem>>) target(%dma_start3A_359 : memref<64x64xf32, #tpu.memory_space<hbm>>) target_semaphore(%arg17 : memref<!tpu.dma_semaphore, #tpu.memory_space<semaphore_mem>>)
    %mul3A_360 = arith.constant 512 : i32
    %mul3A_361 = arith.muli %arg1, %mul3A_360 : i32
    %add3A_362 = arith.constant 320 : i32
    %add3A_363 = arith.addi %mul3A_361, %add3A_362 : i32
    %dma_wait3A_364 = arith.constant 0 : i32
    %dma_wait3A_365 = tpu.memref_slice %arg6[%add3A_363, %dma_wait3A_364] : memref<8192x128xf32, #tpu.memory_space<vmem_shared>> -> memref<64x128xf32, #tpu.memory_space<vmem_shared>>
    %dma_wait3A_366 = arith.constant 0 : i32
    %dma_wait3A_367 = tpu.memref_slice %arg6[%add3A_363, %dma_wait3A_366] : memref<8192x128xf32, #tpu.memory_space<vmem_shared>> -> memref<64x128xf32, #tpu.memory_space<vmem_shared>>
    tpu.wait_dma2 semaphore(%arg16 : memref<!tpu.dma_semaphore, #tpu.memory_space<semaphore_mem>>) src(%dma_wait3A_367 : memref<64x128xf32, #tpu.memory_space<vmem_shared>>) dst(%arg10 : memref<64x128xf32, #tpu.memory_space<vmem>>)
    %mul3A_368 = arith.constant 8192 : i32
    %mul3A_369 = arith.muli %arg0, %mul3A_368 : i32
    %mul3A_370 = arith.constant 512 : i32
    %mul3A_371 = arith.muli %arg1, %mul3A_370 : i32
    %add3A_372 = arith.addi %mul3A_369, %mul3A_371 : i32
    %add3A_373 = arith.constant 192 : i32
    %add3A_374 = arith.addi %add3A_372, %add3A_373 : i32
    %multiple_of3A_375 = tpu.assume_multiple %add3A_374, 64 : i32
    %dma_wait3A_376 = arith.constant 0 : i32
    %dma_wait3A_377 = tpu.memref_slice %arg5[%multiple_of3A_375, %dma_wait3A_376] : memref<16384x64xf32, #tpu.memory_space<hbm>> -> memref<64x64xf32, #tpu.memory_space<hbm>>
    %dma_wait3A_378 = arith.constant 0 : i32
    %dma_wait3A_379 = tpu.memref_slice %arg5[%multiple_of3A_375, %dma_wait3A_378] : memref<16384x64xf32, #tpu.memory_space<hbm>> -> memref<64x64xf32, #tpu.memory_space<hbm>>
    tpu.wait_dma2 semaphore(%arg18 : memref<!tpu.dma_semaphore, #tpu.memory_space<semaphore_mem>>) src(%arg8 : memref<64x64xf32, #tpu.memory_space<vmem>>) dst(%dma_wait3A_379 : memref<64x64xf32, #tpu.memory_space<hbm>>)
    %parallel_loop3A_380 = arith.constant 0 : i32
    %parallel_loop3A_381 = arith.constant 64 : i32
    %parallel_loop3A_382 = arith.constant 1 : i32
    scf.for %parallel_loop3A_497 = %parallel_loop3A_380 to %parallel_loop3A_381 step %parallel_loop3A_382  : i32 {
      %parallel_loop3A_498 = arith.index_cast %parallel_loop3A_497 : i32 to index
      %parallel_loop3A_499 = arith.constant 64 : index
      %parallel_loop3A_500 = tpu.vector_load %arg10[%parallel_loop3A_498, %parallel_loop3A_499] {strides = array<i32>} : memref<64x128xf32, #tpu.memory_space<vmem>>, vector<1x16xf32>,
      %parallel_loop3A_501 = vector.shape_cast %parallel_loop3A_500 : vector<1x16xf32> to vector<16xf32>
      %parallel_loop3A_502 = vector.extract_strided_slice %parallel_loop3A_501 {offsets = [0], sizes = [1], strides = [1]} : vector<16xf32> to vector<1xf32>
      %parallel_loop3A_503 = vector.extract %parallel_loop3A_502[0] : f32 from vector<1xf32>
      %parallel_loop3A_504 = vector.broadcast %parallel_loop3A_503 : f32 to vector<16xf32>
      %parallel_loop3A_505 = arith.constant 9.99999997E-7 : f32
      %parallel_loop3A_506 = vector.broadcast %parallel_loop3A_505 : f32 to vector<16xf32>
      %parallel_loop3A_507 = arith.addf %parallel_loop3A_504, %parallel_loop3A_506 : vector<16xf32>
      %parallel_loop3A_508 = arith.constant 1.000000e+00 : f32
      %parallel_loop3A_509 = vector.broadcast %parallel_loop3A_508 : f32 to vector<16xf32>
      %parallel_loop3A_510 = arith.divf %parallel_loop3A_509, %parallel_loop3A_507 : vector<16xf32>
      %parallel_loop3A_511 = arith.index_cast %parallel_loop3A_497 : i32 to index
      %parallel_loop3A_512 = arith.constant 0 : index
      %parallel_loop3A_513 = tpu.vector_load %arg10[%parallel_loop3A_511, %parallel_loop3A_512] {strides = array<i32>} : memref<64x128xf32, #tpu.memory_space<vmem>>, vector<1x16xf32>,
      %parallel_loop3A_514 = vector.shape_cast %parallel_loop3A_513 : vector<1x16xf32> to vector<16xf32>
      %parallel_loop3A_515 = arith.mulf %parallel_loop3A_514, %parallel_loop3A_510 : vector<16xf32>
      %parallel_loop3A_516 = arith.index_cast %parallel_loop3A_497 : i32 to index
      %parallel_loop3A_517 = arith.constant 0 : index
      %parallel_loop3A_518 = tpu.vector_load %arg8[%parallel_loop3A_516, %parallel_loop3A_517] {strides = array<i32>} : memref<64x64xf32, #tpu.memory_space<vmem>>, vector<1x16xf32>,
      %parallel_loop3A_519 = vector.shape_cast %parallel_loop3A_518 : vector<1x16xf32> to vector<16xf32>
      %parallel_loop3A_520 = vector.shape_cast %parallel_loop3A_515 : vector<16xf32> to vector<1x16xf32>
      tpu.vector_store %arg8[%parallel_loop3A_516, %parallel_loop3A_517], %parallel_loop3A_520 {strides = array<i32>} : memref<64x64xf32, #tpu.memory_space<vmem>>, vector<1x16xf32>,
      %parallel_loop3A_521 = arith.index_cast %parallel_loop3A_497 : i32 to index
      %parallel_loop3A_522 = arith.constant 16 : index
      %parallel_loop3A_523 = tpu.vector_load %arg10[%parallel_loop3A_521, %parallel_loop3A_522] {strides = array<i32>} : memref<64x128xf32, #tpu.memory_space<vmem>>, vector<1x16xf32>,
      %parallel_loop3A_524 = vector.shape_cast %parallel_loop3A_523 : vector<1x16xf32> to vector<16xf32>
      %parallel_loop3A_525 = arith.mulf %parallel_loop3A_524, %parallel_loop3A_510 : vector<16xf32>
      %parallel_loop3A_526 = arith.index_cast %parallel_loop3A_497 : i32 to index
      %parallel_loop3A_527 = arith.constant 16 : index
      %parallel_loop3A_528 = tpu.vector_load %arg8[%parallel_loop3A_526, %parallel_loop3A_527] {strides = array<i32>} : memref<64x64xf32, #tpu.memory_space<vmem>>, vector<1x16xf32>,
      %parallel_loop3A_529 = vector.shape_cast %parallel_loop3A_528 : vector<1x16xf32> to vector<16xf32>
      %parallel_loop3A_530 = vector.shape_cast %parallel_loop3A_525 : vector<16xf32> to vector<1x16xf32>
      tpu.vector_store %arg8[%parallel_loop3A_526, %parallel_loop3A_527], %parallel_loop3A_530 {strides = array<i32>} : memref<64x64xf32, #tpu.memory_space<vmem>>, vector<1x16xf32>,
      %parallel_loop3A_531 = arith.index_cast %parallel_loop3A_497 : i32 to index
      %parallel_loop3A_532 = arith.constant 32 : index
      %parallel_loop3A_533 = tpu.vector_load %arg10[%parallel_loop3A_531, %parallel_loop3A_532] {strides = array<i32>} : memref<64x128xf32, #tpu.memory_space<vmem>>, vector<1x16xf32>,
      %parallel_loop3A_534 = vector.shape_cast %parallel_loop3A_533 : vector<1x16xf32> to vector<16xf32>
      %parallel_loop3A_535 = arith.mulf %parallel_loop3A_534, %parallel_loop3A_510 : vector<16xf32>
      %parallel_loop3A_536 = arith.index_cast %parallel_loop3A_497 : i32 to index
      %parallel_loop3A_537 = arith.constant 32 : index
      %parallel_loop3A_538 = tpu.vector_load %arg8[%parallel_loop3A_536, %parallel_loop3A_537] {strides = array<i32>} : memref<64x64xf32, #tpu.memory_space<vmem>>, vector<1x16xf32>,
      %parallel_loop3A_539 = vector.shape_cast %parallel_loop3A_538 : vector<1x16xf32> to vector<16xf32>
      %parallel_loop3A_540 = vector.shape_cast %parallel_loop3A_535 : vector<16xf32> to vector<1x16xf32>
      tpu.vector_store %arg8[%parallel_loop3A_536, %parallel_loop3A_537], %parallel_loop3A_540 {strides = array<i32>} : memref<64x64xf32, #tpu.memory_space<vmem>>, vector<1x16xf32>,
      %parallel_loop3A_541 = arith.index_cast %parallel_loop3A_497 : i32 to index
      %parallel_loop3A_542 = arith.constant 48 : index
      %parallel_loop3A_543 = tpu.vector_load %arg10[%parallel_loop3A_541, %parallel_loop3A_542] {strides = array<i32>} : memref<64x128xf32, #tpu.memory_space<vmem>>, vector<1x16xf32>,
      %parallel_loop3A_544 = vector.shape_cast %parallel_loop3A_543 : vector<1x16xf32> to vector<16xf32>
      %parallel_loop3A_545 = arith.mulf %parallel_loop3A_544, %parallel_loop3A_510 : vector<16xf32>
      %parallel_loop3A_546 = arith.index_cast %parallel_loop3A_497 : i32 to index
      %parallel_loop3A_547 = arith.constant 48 : index
      %parallel_loop3A_548 = tpu.vector_load %arg8[%parallel_loop3A_546, %parallel_loop3A_547] {strides = array<i32>} : memref<64x64xf32, #tpu.memory_space<vmem>>, vector<1x16xf32>,
      %parallel_loop3A_549 = vector.shape_cast %parallel_loop3A_548 : vector<1x16xf32> to vector<16xf32>
      %parallel_loop3A_550 = vector.shape_cast %parallel_loop3A_545 : vector<16xf32> to vector<1x16xf32>
      tpu.vector_store %arg8[%parallel_loop3A_546, %parallel_loop3A_547], %parallel_loop3A_550 {strides = array<i32>} : memref<64x64xf32, #tpu.memory_space<vmem>>, vector<1x16xf32>,
    } {sc.loop_unroll_factor = 2 : i64, sc.parallel_access}
    %mul3A_383 = arith.constant 512 : i32
    %mul3A_384 = arith.muli %arg1, %mul3A_383 : i32
    %add3A_385 = arith.constant 448 : i32
    %add3A_386 = arith.addi %mul3A_384, %add3A_385 : i32
    %dma_start3A_387 = arith.constant 0 : i32
    %dma_start3A_388 = tpu.memref_slice %arg6[%add3A_386, %dma_start3A_387] : memref<8192x128xf32, #tpu.memory_space<vmem_shared>> -> memref<64x128xf32, #tpu.memory_space<vmem_shared>>
    %dma_start3A_389 = arith.constant 0 : i32
    %dma_start3A_390 = tpu.memref_slice %arg6[%add3A_386, %dma_start3A_389] : memref<8192x128xf32, #tpu.memory_space<vmem_shared>> -> memref<64x128xf32, #tpu.memory_space<vmem_shared>>
    tpu.enqueue_dma source(%dma_start3A_390 : memref<64x128xf32, #tpu.memory_space<vmem_shared>>) target(%arg10 : memref<64x128xf32, #tpu.memory_space<vmem>>) target_semaphore(%arg16 : memref<!tpu.dma_semaphore, #tpu.memory_space<semaphore_mem>>)
    %mul3A_391 = arith.constant 8192 : i32
    %mul3A_392 = arith.muli %arg0, %mul3A_391 : i32
    %mul3A_393 = arith.constant 512 : i32
    %mul3A_394 = arith.muli %arg1, %mul3A_393 : i32
    %add3A_395 = arith.addi %mul3A_392, %mul3A_394 : i32
    %add3A_396 = arith.constant 320 : i32
    %add3A_397 = arith.addi %add3A_395, %add3A_396 : i32
    %multiple_of3A_398 = tpu.assume_multiple %add3A_397, 64 : i32
    %dma_start3A_399 = arith.constant 0 : i32
    %dma_start3A_400 = tpu.memref_slice %arg5[%multiple_of3A_398, %dma_start3A_399] : memref<16384x64xf32, #tpu.memory_space<hbm>> -> memref<64x64xf32, #tpu.memory_space<hbm>>
    %dma_start3A_401 = arith.constant 0 : i32
    %dma_start3A_402 = tpu.memref_slice %arg5[%multiple_of3A_398, %dma_start3A_401] : memref<16384x64xf32, #tpu.memory_space<hbm>> -> memref<64x64xf32, #tpu.memory_space<hbm>>
    tpu.enqueue_dma source(%arg8 : memref<64x64xf32, #tpu.memory_space<vmem>>) target(%dma_start3A_402 : memref<64x64xf32, #tpu.memory_space<hbm>>) target_semaphore(%arg18 : memref<!tpu.dma_semaphore, #tpu.memory_space<semaphore_mem>>)
    %mul3A_403 = arith.constant 512 : i32
    %mul3A_404 = arith.muli %arg1, %mul3A_403 : i32
    %add3A_405 = arith.constant 384 : i32
    %add3A_406 = arith.addi %mul3A_404, %add3A_405 : i32
    %dma_wait3A_407 = arith.constant 0 : i32
    %dma_wait3A_408 = tpu.memref_slice %arg6[%add3A_406, %dma_wait3A_407] : memref<8192x128xf32, #tpu.memory_space<vmem_shared>> -> memref<64x128xf32, #tpu.memory_space<vmem_shared>>
    %dma_wait3A_409 = arith.constant 0 : i32
    %dma_wait3A_410 = tpu.memref_slice %arg6[%add3A_406, %dma_wait3A_409] : memref<8192x128xf32, #tpu.memory_space<vmem_shared>> -> memref<64x128xf32, #tpu.memory_space<vmem_shared>>
    tpu.wait_dma2 semaphore(%arg15 : memref<!tpu.dma_semaphore, #tpu.memory_space<semaphore_mem>>) src(%dma_wait3A_410 : memref<64x128xf32, #tpu.memory_space<vmem_shared>>) dst(%arg9 : memref<64x128xf32, #tpu.memory_space<vmem>>)
    %mul3A_411 = arith.constant 8192 : i32
    %mul3A_412 = arith.muli %arg0, %mul3A_411 : i32
    %mul3A_413 = arith.constant 512 : i32
    %mul3A_414 = arith.muli %arg1, %mul3A_413 : i32
    %add3A_415 = arith.addi %mul3A_412, %mul3A_414 : i32
    %add3A_416 = arith.constant 256 : i32
    %add3A_417 = arith.addi %add3A_415, %add3A_416 : i32
    %multiple_of3A_418 = tpu.assume_multiple %add3A_417, 64 : i32
    %dma_wait3A_419 = arith.constant 0 : i32
    %dma_wait3A_420 = tpu.memref_slice %arg5[%multiple_of3A_418, %dma_wait3A_419] : memref<16384x64xf32, #tpu.memory_space<hbm>> -> memref<64x64xf32, #tpu.memory_space<hbm>>
    %dma_wait3A_421 = arith.constant 0 : i32
    %dma_wait3A_422 = tpu.memref_slice %arg5[%multiple_of3A_418, %dma_wait3A_421] : memref<16384x64xf32, #tpu.memory_space<hbm>> -> memref<64x64xf32, #tpu.memory_space<hbm>>
    tpu.wait_dma2 semaphore(%arg17 : memref<!tpu.dma_semaphore, #tpu.memory_space<semaphore_mem>>) src(%arg7 : memref<64x64xf32, #tpu.memory_space<vmem>>) dst(%dma_wait3A_422 : memref<64x64xf32, #tpu.memory_space<hbm>>)
    %parallel_loop3A_423 = arith.constant 0 : i32
    %parallel_loop3A_424 = arith.constant 64 : i32
    %parallel_loop3A_425 = arith.constant 1 : i32
    scf.for %parallel_loop3A_497 = %parallel_loop3A_423 to %parallel_loop3A_424 step %parallel_loop3A_425  : i32 {
      %parallel_loop3A_498 = arith.index_cast %parallel_loop3A_497 : i32 to index
      %parallel_loop3A_499 = arith.constant 64 : index
      %parallel_loop3A_500 = tpu.vector_load %arg9[%parallel_loop3A_498, %parallel_loop3A_499] {strides = array<i32>} : memref<64x128xf32, #tpu.memory_space<vmem>>, vector<1x16xf32>,
      %parallel_loop3A_501 = vector.shape_cast %parallel_loop3A_500 : vector<1x16xf32> to vector<16xf32>
      %parallel_loop3A_502 = vector.extract_strided_slice %parallel_loop3A_501 {offsets = [0], sizes = [1], strides = [1]} : vector<16xf32> to vector<1xf32>
      %parallel_loop3A_503 = vector.extract %parallel_loop3A_502[0] : f32 from vector<1xf32>
      %parallel_loop3A_504 = vector.broadcast %parallel_loop3A_503 : f32 to vector<16xf32>
      %parallel_loop3A_505 = arith.constant 9.99999997E-7 : f32
      %parallel_loop3A_506 = vector.broadcast %parallel_loop3A_505 : f32 to vector<16xf32>
      %parallel_loop3A_507 = arith.addf %parallel_loop3A_504, %parallel_loop3A_506 : vector<16xf32>
      %parallel_loop3A_508 = arith.constant 1.000000e+00 : f32
      %parallel_loop3A_509 = vector.broadcast %parallel_loop3A_508 : f32 to vector<16xf32>
      %parallel_loop3A_510 = arith.divf %parallel_loop3A_509, %parallel_loop3A_507 : vector<16xf32>
      %parallel_loop3A_511 = arith.index_cast %parallel_loop3A_497 : i32 to index
      %parallel_loop3A_512 = arith.constant 0 : index
      %parallel_loop3A_513 = tpu.vector_load %arg9[%parallel_loop3A_511, %parallel_loop3A_512] {strides = array<i32>} : memref<64x128xf32, #tpu.memory_space<vmem>>, vector<1x16xf32>,
      %parallel_loop3A_514 = vector.shape_cast %parallel_loop3A_513 : vector<1x16xf32> to vector<16xf32>
      %parallel_loop3A_515 = arith.mulf %parallel_loop3A_514, %parallel_loop3A_510 : vector<16xf32>
      %parallel_loop3A_516 = arith.index_cast %parallel_loop3A_497 : i32 to index
      %parallel_loop3A_517 = arith.constant 0 : index
      %parallel_loop3A_518 = tpu.vector_load %arg7[%parallel_loop3A_516, %parallel_loop3A_517] {strides = array<i32>} : memref<64x64xf32, #tpu.memory_space<vmem>>, vector<1x16xf32>,
      %parallel_loop3A_519 = vector.shape_cast %parallel_loop3A_518 : vector<1x16xf32> to vector<16xf32>
      %parallel_loop3A_520 = vector.shape_cast %parallel_loop3A_515 : vector<16xf32> to vector<1x16xf32>
      tpu.vector_store %arg7[%parallel_loop3A_516, %parallel_loop3A_517], %parallel_loop3A_520 {strides = array<i32>} : memref<64x64xf32, #tpu.memory_space<vmem>>, vector<1x16xf32>,
      %parallel_loop3A_521 = arith.index_cast %parallel_loop3A_497 : i32 to index
      %parallel_loop3A_522 = arith.constant 16 : index
      %parallel_loop3A_523 = tpu.vector_load %arg9[%parallel_loop3A_521, %parallel_loop3A_522] {strides = array<i32>} : memref<64x128xf32, #tpu.memory_space<vmem>>, vector<1x16xf32>,
      %parallel_loop3A_524 = vector.shape_cast %parallel_loop3A_523 : vector<1x16xf32> to vector<16xf32>
      %parallel_loop3A_525 = arith.mulf %parallel_loop3A_524, %parallel_loop3A_510 : vector<16xf32>
      %parallel_loop3A_526 = arith.index_cast %parallel_loop3A_497 : i32 to index
      %parallel_loop3A_527 = arith.constant 16 : index
      %parallel_loop3A_528 = tpu.vector_load %arg7[%parallel_loop3A_526, %parallel_loop3A_527] {strides = array<i32>} : memref<64x64xf32, #tpu.memory_space<vmem>>, vector<1x16xf32>,
      %parallel_loop3A_529 = vector.shape_cast %parallel_loop3A_528 : vector<1x16xf32> to vector<16xf32>
      %parallel_loop3A_530 = vector.shape_cast %parallel_loop3A_525 : vector<16xf32> to vector<1x16xf32>
      tpu.vector_store %arg7[%parallel_loop3A_526, %parallel_loop3A_527], %parallel_loop3A_530 {strides = array<i32>} : memref<64x64xf32, #tpu.memory_space<vmem>>, vector<1x16xf32>,
      %parallel_loop3A_531 = arith.index_cast %parallel_loop3A_497 : i32 to index
      %parallel_loop3A_532 = arith.constant 32 : index
      %parallel_loop3A_533 = tpu.vector_load %arg9[%parallel_loop3A_531, %parallel_loop3A_532] {strides = array<i32>} : memref<64x128xf32, #tpu.memory_space<vmem>>, vector<1x16xf32>,
      %parallel_loop3A_534 = vector.shape_cast %parallel_loop3A_533 : vector<1x16xf32> to vector<16xf32>
      %parallel_loop3A_535 = arith.mulf %parallel_loop3A_534, %parallel_loop3A_510 : vector<16xf32>
      %parallel_loop3A_536 = arith.index_cast %parallel_loop3A_497 : i32 to index
      %parallel_loop3A_537 = arith.constant 32 : index
      %parallel_loop3A_538 = tpu.vector_load %arg7[%parallel_loop3A_536, %parallel_loop3A_537] {strides = array<i32>} : memref<64x64xf32, #tpu.memory_space<vmem>>, vector<1x16xf32>,
      %parallel_loop3A_539 = vector.shape_cast %parallel_loop3A_538 : vector<1x16xf32> to vector<16xf32>
      %parallel_loop3A_540 = vector.shape_cast %parallel_loop3A_535 : vector<16xf32> to vector<1x16xf32>
      tpu.vector_store %arg7[%parallel_loop3A_536, %parallel_loop3A_537], %parallel_loop3A_540 {strides = array<i32>} : memref<64x64xf32, #tpu.memory_space<vmem>>, vector<1x16xf32>,
      %parallel_loop3A_541 = arith.index_cast %parallel_loop3A_497 : i32 to index
      %parallel_loop3A_542 = arith.constant 48 : index
      %parallel_loop3A_543 = tpu.vector_load %arg9[%parallel_loop3A_541, %parallel_loop3A_542] {strides = array<i32>} : memref<64x128xf32, #tpu.memory_space<vmem>>, vector<1x16xf32>,
      %parallel_loop3A_544 = vector.shape_cast %parallel_loop3A_543 : vector<1x16xf32> to vector<16xf32>
      %parallel_loop3A_545 = arith.mulf %parallel_loop3A_544, %parallel_loop3A_510 : vector<16xf32>
      %parallel_loop3A_546 = arith.index_cast %parallel_loop3A_497 : i32 to index
      %parallel_loop3A_547 = arith.constant 48 : index
      %parallel_loop3A_548 = tpu.vector_load %arg7[%parallel_loop3A_546, %parallel_loop3A_547] {strides = array<i32>} : memref<64x64xf32, #tpu.memory_space<vmem>>, vector<1x16xf32>,
      %parallel_loop3A_549 = vector.shape_cast %parallel_loop3A_548 : vector<1x16xf32> to vector<16xf32>
      %parallel_loop3A_550 = vector.shape_cast %parallel_loop3A_545 : vector<16xf32> to vector<1x16xf32>
      tpu.vector_store %arg7[%parallel_loop3A_546, %parallel_loop3A_547], %parallel_loop3A_550 {strides = array<i32>} : memref<64x64xf32, #tpu.memory_space<vmem>>, vector<1x16xf32>,
    } {sc.loop_unroll_factor = 2 : i64, sc.parallel_access}
    %mul3A_426 = arith.constant 8192 : i32
    %mul3A_427 = arith.muli %arg0, %mul3A_426 : i32
    %mul3A_428 = arith.constant 512 : i32
    %mul3A_429 = arith.muli %arg1, %mul3A_428 : i32
    %add3A_430 = arith.addi %mul3A_427, %mul3A_429 : i32
    %add3A_431 = arith.constant 384 : i32
    %add3A_432 = arith.addi %add3A_430, %add3A_431 : i32
    %multiple_of3A_433 = tpu.assume_multiple %add3A_432, 64 : i32
    %dma_start3A_434 = arith.constant 0 : i32
    %dma_start3A_435 = tpu.memref_slice %arg5[%multiple_of3A_433, %dma_start3A_434] : memref<16384x64xf32, #tpu.memory_space<hbm>> -> memref<64x64xf32, #tpu.memory_space<hbm>>
    %dma_start3A_436 = arith.constant 0 : i32
    %dma_start3A_437 = tpu.memref_slice %arg5[%multiple_of3A_433, %dma_start3A_436] : memref<16384x64xf32, #tpu.memory_space<hbm>> -> memref<64x64xf32, #tpu.memory_space<hbm>>
    tpu.enqueue_dma source(%arg7 : memref<64x64xf32, #tpu.memory_space<vmem>>) target(%dma_start3A_437 : memref<64x64xf32, #tpu.memory_space<hbm>>) target_semaphore(%arg17 : memref<!tpu.dma_semaphore, #tpu.memory_space<semaphore_mem>>)
    %mul3A_438 = arith.constant 512 : i32
    %mul3A_439 = arith.muli %arg1, %mul3A_438 : i32
    %add3A_440 = arith.constant 448 : i32
    %add3A_441 = arith.addi %mul3A_439, %add3A_440 : i32
    %dma_wait3A_442 = arith.constant 0 : i32
    %dma_wait3A_443 = tpu.memref_slice %arg6[%add3A_441, %dma_wait3A_442] : memref<8192x128xf32, #tpu.memory_space<vmem_shared>> -> memref<64x128xf32, #tpu.memory_space<vmem_shared>>
    %dma_wait3A_444 = arith.constant 0 : i32
    %dma_wait3A_445 = tpu.memref_slice %arg6[%add3A_441, %dma_wait3A_444] : memref<8192x128xf32, #tpu.memory_space<vmem_shared>> -> memref<64x128xf32, #tpu.memory_space<vmem_shared>>
    tpu.wait_dma2 semaphore(%arg16 : memref<!tpu.dma_semaphore, #tpu.memory_space<semaphore_mem>>) src(%dma_wait3A_445 : memref<64x128xf32, #tpu.memory_space<vmem_shared>>) dst(%arg10 : memref<64x128xf32, #tpu.memory_space<vmem>>)
    %mul3A_446 = arith.constant 8192 : i32
    %mul3A_447 = arith.muli %arg0, %mul3A_446 : i32
    %mul3A_448 = arith.constant 512 : i32
    %mul3A_449 = arith.muli %arg1, %mul3A_448 : i32
    %add3A_450 = arith.addi %mul3A_447, %mul3A_449 : i32
    %add3A_451 = arith.constant 320 : i32
    %add3A_452 = arith.addi %add3A_450, %add3A_451 : i32
    %multiple_of3A_453 = tpu.assume_multiple %add3A_452, 64 : i32
    %dma_wait3A_454 = arith.constant 0 : i32
    %dma_wait3A_455 = tpu.memref_slice %arg5[%multiple_of3A_453, %dma_wait3A_454] : memref<16384x64xf32, #tpu.memory_space<hbm>> -> memref<64x64xf32, #tpu.memory_space<hbm>>
    %dma_wait3A_456 = arith.constant 0 : i32
    %dma_wait3A_457 = tpu.memref_slice %arg5[%multiple_of3A_453, %dma_wait3A_456] : memref<16384x64xf32, #tpu.memory_space<hbm>> -> memref<64x64xf32, #tpu.memory_space<hbm>>
    tpu.wait_dma2 semaphore(%arg18 : memref<!tpu.dma_semaphore, #tpu.memory_space<semaphore_mem>>) src(%arg8 : memref<64x64xf32, #tpu.memory_space<vmem>>) dst(%dma_wait3A_457 : memref<64x64xf32, #tpu.memory_space<hbm>>)
    %parallel_loop3A_458 = arith.constant 0 : i32
    %parallel_loop3A_459 = arith.constant 64 : i32
    %parallel_loop3A_460 = arith.constant 1 : i32
    scf.for %parallel_loop3A_497 = %parallel_loop3A_458 to %parallel_loop3A_459 step %parallel_loop3A_460  : i32 {
      %parallel_loop3A_498 = arith.index_cast %parallel_loop3A_497 : i32 to index
      %parallel_loop3A_499 = arith.constant 64 : index
      %parallel_loop3A_500 = tpu.vector_load %arg10[%parallel_loop3A_498, %parallel_loop3A_499] {strides = array<i32>} : memref<64x128xf32, #tpu.memory_space<vmem>>, vector<1x16xf32>,
      %parallel_loop3A_501 = vector.shape_cast %parallel_loop3A_500 : vector<1x16xf32> to vector<16xf32>
      %parallel_loop3A_502 = vector.extract_strided_slice %parallel_loop3A_501 {offsets = [0], sizes = [1], strides = [1]} : vector<16xf32> to vector<1xf32>
      %parallel_loop3A_503 = vector.extract %parallel_loop3A_502[0] : f32 from vector<1xf32>
      %parallel_loop3A_504 = vector.broadcast %parallel_loop3A_503 : f32 to vector<16xf32>
      %parallel_loop3A_505 = arith.constant 9.99999997E-7 : f32
      %parallel_loop3A_506 = vector.broadcast %parallel_loop3A_505 : f32 to vector<16xf32>
      %parallel_loop3A_507 = arith.addf %parallel_loop3A_504, %parallel_loop3A_506 : vector<16xf32>
      %parallel_loop3A_508 = arith.constant 1.000000e+00 : f32
      %parallel_loop3A_509 = vector.broadcast %parallel_loop3A_508 : f32 to vector<16xf32>
      %parallel_loop3A_510 = arith.divf %parallel_loop3A_509, %parallel_loop3A_507 : vector<16xf32>
      %parallel_loop3A_511 = arith.index_cast %parallel_loop3A_497 : i32 to index
      %parallel_loop3A_512 = arith.constant 0 : index
      %parallel_loop3A_513 = tpu.vector_load %arg10[%parallel_loop3A_511, %parallel_loop3A_512] {strides = array<i32>} : memref<64x128xf32, #tpu.memory_space<vmem>>, vector<1x16xf32>,
      %parallel_loop3A_514 = vector.shape_cast %parallel_loop3A_513 : vector<1x16xf32> to vector<16xf32>
      %parallel_loop3A_515 = arith.mulf %parallel_loop3A_514, %parallel_loop3A_510 : vector<16xf32>
      %parallel_loop3A_516 = arith.index_cast %parallel_loop3A_497 : i32 to index
      %parallel_loop3A_517 = arith.constant 0 : index
      %parallel_loop3A_518 = tpu.vector_load %arg8[%parallel_loop3A_516, %parallel_loop3A_517] {strides = array<i32>} : memref<64x64xf32, #tpu.memory_space<vmem>>, vector<1x16xf32>,
      %parallel_loop3A_519 = vector.shape_cast %parallel_loop3A_518 : vector<1x16xf32> to vector<16xf32>
      %parallel_loop3A_520 = vector.shape_cast %parallel_loop3A_515 : vector<16xf32> to vector<1x16xf32>
      tpu.vector_store %arg8[%parallel_loop3A_516, %parallel_loop3A_517], %parallel_loop3A_520 {strides = array<i32>} : memref<64x64xf32, #tpu.memory_space<vmem>>, vector<1x16xf32>,
      %parallel_loop3A_521 = arith.index_cast %parallel_loop3A_497 : i32 to index
      %parallel_loop3A_522 = arith.constant 16 : index
      %parallel_loop3A_523 = tpu.vector_load %arg10[%parallel_loop3A_521, %parallel_loop3A_522] {strides = array<i32>} : memref<64x128xf32, #tpu.memory_space<vmem>>, vector<1x16xf32>,
      %parallel_loop3A_524 = vector.shape_cast %parallel_loop3A_523 : vector<1x16xf32> to vector<16xf32>
      %parallel_loop3A_525 = arith.mulf %parallel_loop3A_524, %parallel_loop3A_510 : vector<16xf32>
      %parallel_loop3A_526 = arith.index_cast %parallel_loop3A_497 : i32 to index
      %parallel_loop3A_527 = arith.constant 16 : index
      %parallel_loop3A_528 = tpu.vector_load %arg8[%parallel_loop3A_526, %parallel_loop3A_527] {strides = array<i32>} : memref<64x64xf32, #tpu.memory_space<vmem>>, vector<1x16xf32>,
      %parallel_loop3A_529 = vector.shape_cast %parallel_loop3A_528 : vector<1x16xf32> to vector<16xf32>
      %parallel_loop3A_530 = vector.shape_cast %parallel_loop3A_525 : vector<16xf32> to vector<1x16xf32>
      tpu.vector_store %arg8[%parallel_loop3A_526, %parallel_loop3A_527], %parallel_loop3A_530 {strides = array<i32>} : memref<64x64xf32, #tpu.memory_space<vmem>>, vector<1x16xf32>,
      %parallel_loop3A_531 = arith.index_cast %parallel_loop3A_497 : i32 to index
      %parallel_loop3A_532 = arith.constant 32 : index
      %parallel_loop3A_533 = tpu.vector_load %arg10[%parallel_loop3A_531, %parallel_loop3A_532] {strides = array<i32>} : memref<64x128xf32, #tpu.memory_space<vmem>>, vector<1x16xf32>,
      %parallel_loop3A_534 = vector.shape_cast %parallel_loop3A_533 : vector<1x16xf32> to vector<16xf32>
      %parallel_loop3A_535 = arith.mulf %parallel_loop3A_534, %parallel_loop3A_510 : vector<16xf32>
      %parallel_loop3A_536 = arith.index_cast %parallel_loop3A_497 : i32 to index
      %parallel_loop3A_537 = arith.constant 32 : index
      %parallel_loop3A_538 = tpu.vector_load %arg8[%parallel_loop3A_536, %parallel_loop3A_537] {strides = array<i32>} : memref<64x64xf32, #tpu.memory_space<vmem>>, vector<1x16xf32>,
      %parallel_loop3A_539 = vector.shape_cast %parallel_loop3A_538 : vector<1x16xf32> to vector<16xf32>
      %parallel_loop3A_540 = vector.shape_cast %parallel_loop3A_535 : vector<16xf32> to vector<1x16xf32>
      tpu.vector_store %arg8[%parallel_loop3A_536, %parallel_loop3A_537], %parallel_loop3A_540 {strides = array<i32>} : memref<64x64xf32, #tpu.memory_space<vmem>>, vector<1x16xf32>,
      %parallel_loop3A_541 = arith.index_cast %parallel_loop3A_497 : i32 to index
      %parallel_loop3A_542 = arith.constant 48 : index
      %parallel_loop3A_543 = tpu.vector_load %arg10[%parallel_loop3A_541, %parallel_loop3A_542] {strides = array<i32>} : memref<64x128xf32, #tpu.memory_space<vmem>>, vector<1x16xf32>,
      %parallel_loop3A_544 = vector.shape_cast %parallel_loop3A_543 : vector<1x16xf32> to vector<16xf32>
      %parallel_loop3A_545 = arith.mulf %parallel_loop3A_544, %parallel_loop3A_510 : vector<16xf32>
      %parallel_loop3A_546 = arith.index_cast %parallel_loop3A_497 : i32 to index
      %parallel_loop3A_547 = arith.constant 48 : index
      %parallel_loop3A_548 = tpu.vector_load %arg8[%parallel_loop3A_546, %parallel_loop3A_547] {strides = array<i32>} : memref<64x64xf32, #tpu.memory_space<vmem>>, vector<1x16xf32>,
      %parallel_loop3A_549 = vector.shape_cast %parallel_loop3A_548 : vector<1x16xf32> to vector<16xf32>
      %parallel_loop3A_550 = vector.shape_cast %parallel_loop3A_545 : vector<16xf32> to vector<1x16xf32>
      tpu.vector_store %arg8[%parallel_loop3A_546, %parallel_loop3A_547], %parallel_loop3A_550 {strides = array<i32>} : memref<64x64xf32, #tpu.memory_space<vmem>>, vector<1x16xf32>,
    } {sc.loop_unroll_factor = 2 : i64, sc.parallel_access}
    %mul3A_461 = arith.constant 8192 : i32
    %mul3A_462 = arith.muli %arg0, %mul3A_461 : i32
    %mul3A_463 = arith.constant 512 : i32
    %mul3A_464 = arith.muli %arg1, %mul3A_463 : i32
    %add3A_465 = arith.addi %mul3A_462, %mul3A_464 : i32
    %add3A_466 = arith.constant 448 : i32
    %add3A_467 = arith.addi %add3A_465, %add3A_466 : i32
    %multiple_of3A_468 = tpu.assume_multiple %add3A_467, 64 : i32
    %dma_start3A_469 = arith.constant 0 : i32
    %dma_start3A_470 = tpu.memref_slice %arg5[%multiple_of3A_468, %dma_start3A_469] : memref<16384x64xf32, #tpu.memory_space<hbm>> -> memref<64x64xf32, #tpu.memory_space<hbm>>
    %dma_start3A_471 = arith.constant 0 : i32
    %dma_start3A_472 = tpu.memref_slice %arg5[%multiple_of3A_468, %dma_start3A_471] : memref<16384x64xf32, #tpu.memory_space<hbm>> -> memref<64x64xf32, #tpu.memory_space<hbm>>
    tpu.enqueue_dma source(%arg8 : memref<64x64xf32, #tpu.memory_space<vmem>>) target(%dma_start3A_472 : memref<64x64xf32, #tpu.memory_space<hbm>>) target_semaphore(%arg18 : memref<!tpu.dma_semaphore, #tpu.memory_space<semaphore_mem>>)
    %mul3A_473 = arith.constant 8192 : i32
    %mul3A_474 = arith.muli %arg0, %mul3A_473 : i32
    %mul3A_475 = arith.constant 512 : i32
    %mul3A_476 = arith.muli %arg1, %mul3A_475 : i32
    %add3A_477 = arith.addi %mul3A_474, %mul3A_476 : i32
    %add3A_478 = arith.constant 384 : i32
    %add3A_479 = arith.addi %add3A_477, %add3A_478 : i32
    %multiple_of3A_480 = tpu.assume_multiple %add3A_479, 64 : i32
    %dma_wait3A_481 = arith.constant 0 : i32
    %dma_wait3A_482 = tpu.memref_slice %arg5[%multiple_of3A_480, %dma_wait3A_481] : memref<16384x64xf32, #tpu.memory_space<hbm>> -> memref<64x64xf32, #tpu.memory_space<hbm>>
    %dma_wait3A_483 = arith.constant 0 : i32
    %dma_wait3A_484 = tpu.memref_slice %arg5[%multiple_of3A_480, %dma_wait3A_483] : memref<16384x64xf32, #tpu.memory_space<hbm>> -> memref<64x64xf32, #tpu.memory_space<hbm>>
    tpu.wait_dma2 semaphore(%arg17 : memref<!tpu.dma_semaphore, #tpu.memory_space<semaphore_mem>>) src(%arg7 : memref<64x64xf32, #tpu.memory_space<vmem>>) dst(%dma_wait3A_484 : memref<64x64xf32, #tpu.memory_space<hbm>>)
    %mul3A_485 = arith.constant 8192 : i32
    %mul3A_486 = arith.muli %arg0, %mul3A_485 : i32
    %mul3A_487 = arith.constant 512 : i32
    %mul3A_488 = arith.muli %arg1, %mul3A_487 : i32
    %add3A_489 = arith.addi %mul3A_486, %mul3A_488 : i32
    %add3A_490 = arith.constant 448 : i32
    %add3A_491 = arith.addi %add3A_489, %add3A_490 : i32
    %multiple_of3A_492 = tpu.assume_multiple %add3A_491, 64 : i32
    %dma_wait3A_493 = arith.constant 0 : i32
    %dma_wait3A_494 = tpu.memref_slice %arg5[%multiple_of3A_492, %dma_wait3A_493] : memref<16384x64xf32, #tpu.memory_space<hbm>> -> memref<64x64xf32, #tpu.memory_space<hbm>>
    %dma_wait3A_495 = arith.constant 0 : i32
    %dma_wait3A_496 = tpu.memref_slice %arg5[%multiple_of3A_492, %dma_wait3A_495] : memref<16384x64xf32, #tpu.memory_space<hbm>> -> memref<64x64xf32, #tpu.memory_space<hbm>>
    tpu.wait_dma2 semaphore(%arg18 : memref<!tpu.dma_semaphore, #tpu.memory_space<semaphore_mem>>) src(%arg8 : memref<64x64xf32, #tpu.memory_space<vmem>>) dst(%dma_wait3A_496 : memref<64x64xf32, #tpu.memory_space<hbm>>)
    return
  }
}

</mosaic_0001>

<sc_bundles>
// kernel: _ctm_merge.3.cloned.1.call-start
scs
__scs_entry_jumppad:
0x0: {  	(pc) =	sbr.rel $0x88, $3  }
0x1: {  	(tag) =	ssettag $0x0;
	lr =	simm.s32 $0x1  }
0x2: {  	[smem:$0x3F9E] =	sst lr;
	_ =	strace $0xD0000000  }
0x3: {  	_ = 	snop  }
0x4: {  	_ = 	snop  }
0x5: {  	_ = 	snop  }
0x6: {  	_ = 	snop  }
0x7: {  	_ = 	snop  }
__scs_overlays_trampoline_lowered:
0x8: {  	[smem:$0x3FAD] =	sst s0  }
0x9: {  	[smem:$0x3FAE] =	sst s1  }
0xa: {  	[smem:$0x3FAF] =	sst s2  }
0xb: {  	[smem:$0x3FB0] =	sst s3  }
0xc: {  	[smem:$0x3FB1] =	sst s4  }
0xd: {  	[smem:$0x3FB2] =	sst s5  }
0xe: {  	[smem:$0x3FB3] =	sst s6  }
0xf: {  	[smem:$0x3FB4] =	sst s7  }
0x10: {  	[smem:$0x3FB5] =	sst s8  }
0x11: {  	[smem:$0x3FB6] =	sst s9;
	s0 =	simm.s32 @!p0 $0x0  }
0x12: {  	s1 =	sld [smem:$0x3F9C];
	s0 =	simm.s32 @p0 $0x1  }
0x13: {  	[smem:$0x3FB7] =	sst s0;
	s0 =	simm.s32 @!p1 $0x0  }
0x14: {  	s2 =	sld [smem:$0x3F9B];
	s0 =	simm.s32 @p1 $0x1  }
0x15: {  	[smem:$0x3FB8] =	sst s0;
	s0 =	simm.s32 @!p2 $0x0  }
0x16: {  	s3 =	sld [smem:$0x3FDB];
	s0 =	simm.s32 @p2 $0x1  }
0x17: {  	s4 =	simm.s32 $0x1BF5;
	[smem:$0x3FBA] =	sst s0  }
0x18: {  	s0 =	sld [smem:$0x3F9D];
	_ =	swait.ge [sflag:s4], $0x0  }
0x19: {  	s7 =	sld [smem:$0x3F9E]  }
0x1a: {  	s8 =	sadd.s32 $0xFFFFE003, lr  }
0x1b: {  	s9 =	sadd.s32 $0xFFFFFEF7, lr;
	s5 =	simm.s32 $0xFFFFFFFF;
	p2 =	slt.u32 s8, $0xFFFFF086  }
0x1c: {  	p1 =	slt.u32 s9, $0xF7A;
	s5 =	simm.s32 @!p2 $0x0  }
0x1d: {  	s5 =	simm.s32 @p1 $0x1;
	p0 =	seq.s32 s7, s2  }
0x1e: {  	s7 =	smul.u32 @!p0 $0xF7A, s2;
	p2 =	seq.s32 @!p0 s5, $0x0  }
0x1f: {  	s9 =	smul.u32 $0xF7A, s1;
	s8 =	simm.s32 @!p0 $0x1BF5;
	p2 =	por !p2, p0  }
0x20: {  	[sflag:s8] =	ssyncset.s32 @!p0 $0xFFFFF086;
	s6 =	sadd.s32 @!p0 s3, s7;
	s7 =	simm.s32 @!p0 $0x108  }
0x21: {  	s3 =	sadd.s32 s3, s9;
	s6 =	sadd.s32 @!p0 $0x88, s6;
	s7 =	simm.s32 @p2 $0x1082  }
0x22: {  	[simem:s7], [sflag:s8] =	dma.local @!p0 [hbm:s6], $0xF7A  }
0x23: {  	s9 =	sor.u32 $0xD0000000, s2;
	s6 =	simm.s32 $0x108;
	_ =	swait.ge @!p0 [sflag:s8], $0x0  }
0x24: {  	s3 =	sadd.s32 $0x88, s3;
	s6 =	simm.s32 @!p1 $0x1082;
	[sflag:s4] =	ssyncset.s32 $0xFFFFF086  }
0x25: {  	[simem:s6], [sflag:s4] =	dma.local [hbm:s3], $0xF7A  }
0x26: {  	[smem:$0x3F9E] =	sst s1;
	(tag) =	ssettag s2;
	_ =	strace s9  }
0x27: {  	s1 =	sld [smem:$0x3FAE]  }
0x28: {  	s2 =	sld [smem:$0x3FAF]  }
0x29: {  	s4 =	sld [smem:$0x3FB1]  }
0x2a: {  	p0 =	seq.s32 s5, $0x0;
	s5 =	sld [smem:$0x3FB2]  }
0x2b: {  	s6 =	sld [smem:$0x3FB3]  }
0x2c: {  	s7 =	sld [smem:$0x3FB4]  }
0x2d: {  	s3 =	simm.s32 $0x108;
	s8 =	sld [smem:$0x3FB5]  }
0x2e: {  	s3 =	simm.s32 @!p0 $0x1082;
	s9 =	sld [smem:$0x3FB6]  }
0x2f: {  	lr =	sadd.s32 s0, s3;
	s0 =	sld [smem:$0x3FAD]  }
0x30: {  	s3 =	sld [smem:$0x3FB0]  }
0x31: {  	[smem:$0x3FB9] =	sst s10  }
0x32: {  	s10 =	sld [smem:$0x3FB7];
	_ =	sdelay $0x3  }
0x33: {  	p0 =	seq.s32 s10, $0x1;
	s10 =	sld [smem:$0x3FB9];
	_ =	sdelay $0x3  }
0x34: {  	[smem:$0x3FB9] =	sst s10  }
0x35: {  	s10 =	sld [smem:$0x3FB8];
	_ =	sdelay $0x3  }
0x36: {  	p1 =	seq.s32 s10, $0x1;
	s10 =	sld [smem:$0x3FB9];
	_ =	sdelay $0x3  }
0x37: {  	[smem:$0x3FB9] =	sst s10  }
0x38: {  	s10 =	sld [smem:$0x3FBA]  }
0x39: {  	_ = 	snop;
	(pc) =	sbr.ind lr, $3  }
0x3a: {  	_ = 	snop  }
0x3b: {  	_ = 	snop  }
0x3c: {  	p2 =	seq.s32 s10, $0x1;
	s10 =	sld [smem:$0x3FB9]  }
0x3d: {  	_ =	shalt  }
0x3e: {  	_ =	shalt  }
0x3f: {  	_ =	shalt  }
0x40: {  	_ =	shalt  }
0x41: {  	_ =	shalt  }
0x42: {  	_ =	shalt  }
0x43: {  	_ =	shalt  }
0x44: {  	_ =	shalt  }
0x45: {  	_ =	shalt  }
0x46: {  	_ =	shalt  }
0x47: {  	_ =	shalt  }
0x48: {  	_ =	shalt  }
0x49: {  	_ =	shalt  }
0x4a: {  	_ =	shalt  }
0x4b: {  	_ =	shalt  }
0x4c: {  	_ =	shalt  }
0x4d: {  	_ =	shalt  }
0x4e: {  	_ =	shalt  }
0x4f: {  	_ =	shalt  }
0x50: {  	_ =	shalt  }
0x51: {  	_ =	shalt  }
0x52: {  	_ =	shalt  }
0x53: {  	_ =	shalt  }
0x54: {  	_ =	shalt  }
0x55: {  	_ =	shalt  }
0x56: {  	_ =	shalt  }
0x57: {  	_ =	shalt  }
0x58: {  	_ =	shalt  }
0x59: {  	_ =	shalt  }
0x5a: {  	_ =	shalt  }
0x5b: {  	_ =	shalt  }
0x5c: {  	_ =	shalt  }
0x5d: {  	_ =	shalt  }
0x5e: {  	_ =	shalt  }
0x5f: {  	_ =	shalt  }
0x60: {  	_ =	shalt  }
0x61: {  	_ =	shalt  }
0x62: {  	_ =	shalt  }
0x63: {  	_ =	shalt  }
0x64: {  	_ =	shalt  }
0x65: {  	_ =	shalt  }
0x66: {  	_ =	shalt  }
0x67: {  	_ =	shalt  }
0x68: {  	_ =	shalt  }
0x69: {  	_ =	shalt  }
0x6a: {  	_ =	shalt  }
0x6b: {  	_ =	shalt  }
0x6c: {  	_ =	shalt  }
0x6d: {  	_ =	shalt  }
0x6e: {  	_ =	shalt  }
0x6f: {  	_ =	shalt  }
0x70: {  	_ =	shalt  }
0x71: {  	_ =	shalt  }
0x72: {  	_ =	shalt  }
0x73: {  	_ =	shalt  }
0x74: {  	_ =	shalt  }
0x75: {  	_ =	shalt  }
0x76: {  	_ =	shalt  }
0x77: {  	_ =	shalt  }
0x78: {  	_ =	shalt  }
0x79: {  	_ =	shalt  }
0x7a: {  	_ =	shalt  }
0x7b: {  	_ =	shalt  }
0x7c: {  	_ =	shalt  }
0x7d: {  	_ =	shalt  }
0x7e: {  	_ =	shalt  }
0x7f: {  	_ =	shalt  }
0x80: {  	_ =	shalt  }
0x81: {  	_ =	shalt  }
0x82: {  	_ =	shalt  }
0x83: {  	_ =	shalt  }
0x84: {  	_ =	shalt  }
0x85: {  	_ =	shalt  }
0x86: {  	_ =	shalt  }
0x87: {  	_ =	shalt  }
.Lfunc_end0:
.L_simem_size_0:
called_computation_lowered:
.L_overlay_start_0:
0x88: {  	s2 =	sld [smem:$0x3FD9]  }
0x89: {  	s3 =	sld [smem:$0x3FFE];
	_ =	sdelay $0x1  }
0x8a: {  	s1 =	srdreg.scid  }
0x8b: {  	s0 =	sand.u32 $0x1, s1  }
0x8c: {  	s17 =	sshll.u32 s0, $0xA;
	s2 =	sadd.s32 s3, s2  }
0x8d: {  	s2 =	sadd.s32 s2, s17  }
0x8e: {  	[smem:$0x3FC5] =	sst s2  }
0x8f: {  	_ = 	snop  }
0x90: {  	s2 =	sld [smem:$0x3FC8]  }
0x91: {  	s18 =	sld [smem:$0x3FC7];
	(tm) =	ssettm $0x1  }
0x92: {  	s4 =	sld [smem:$0x3FFB];
	_ =	sdelay $0x3  }
0x93: {  	_ =	strace s4  }
0x94: {  	s4 =	sld [smem:$0x3FFC];
	_ =	sdelay $0x3  }
0x95: {  	_ =	strace s4  }
0x96: {  	s4 =	sld [smem:$0x3FFD];
	_ =	sdelay $0x3  }
0x97: {  	_ =	strace s4  }
0x98: {  	_ =	strace $0x8FFFFFFF  }
0x99: {  	s19 =	sld [smem:$0x3FDB];
	_ =	sdelay $0x1  }
0x9a: {  	s5 =	simm.s32 $_scs_section_size  }
0x9b: {  	s6 =	simm.s32 $_size__tile_overlayer_lowered;
	s7 =	simm.s32 $_tile_overlayer_lowered  }
0x9c: {  	s22 =	simm.s32 $0x1BFF;
	s21 =	sshll.u32 s7, $0x1;
	s4 =	sadd.s32 s5, s19  }
0x9d: {  	s8 =	simm.s32 $0x0;
	s20 =	sshll.u32 s6, $0x1;
	s6 =	sadd.s32 s21, s4  }
0x9e: {  	[timem:s8], [sflag:s22] =	dma.local [hbm:s6], s20  }
0x9f: {  	_ =	swait.ge [sflag:s22], s20  }
0xa0: {  	s5 =	ssub.s32 $0x0, s20;
	[sflag:s22] =	ssyncset.done $0x0  }
0xa1: {  	[sflag:s22] =	ssyncadd.s32 s5;
	_ =	sdelay $0x1  }
0xa2: {  	s23 =	simm.s32 $0x1B8B  }
0xa3: {  	_ =	swait.ge [sflag:s23], $0x1  }
0xa4: {  	[sflag:s23] =	ssyncset.done $0x0  }
0xa5: {  	s25 =	simm.s32 $0x1B8E;
	s24 =	sld [smem:$0x3FFE];
	[sflag:s23] =	ssyncadd.s32 $0xFFFFFFFF  }
0xa6: {  	s26 =	simm.s32 $execute0_lowered;
	[smem:$0x3FD2] =	sst s25  }
0xa7: {  	s6 =	sshll.u32 s26, $0x1;
	_ =	strace $0x80000046;
	[dreg:$0x1] =	wrdreg $0xFFFFFFFF  }
0xa8: {  	s28 =	simm.s32 $_size_execute0_lowered;
	s4 =	sadd.s32 s4, s6;
	[dreg:$0x0] =	wrdreg $0x0  }
0xa9: {  	s6 =	sshll.u32 s28, $0x1;
	[dreg:$0x2] =	wrdreg s4  }
0xaa: {  	[dreg:$0x3] =	wrdreg s6  }
0xab: {  	[dreg:$0x4] =	wrdreg $0xC0  }
0xac: {  	_ =	task [dreg:s8], $0x5FFFF  }
0xad: {  	[dreg:$0x1] =	wrdreg $0xFFFFFFFF  }
0xae: {  	[dreg:$0x0] =	wrdreg $0x60  }
0xaf: {  	[dreg:$0x2] =	wrdreg s24  }
0xb0: {  	[dreg:$0x3] =	wrdreg s2  }
0xb1: {  	[dreg:$0x4] =	wrdreg s18  }
0xb2: {  	[dreg:$0x5] =	wrdreg $0x0  }
0xb3: {  	[dreg:$0x6] =	wrdreg $0x9  }
0xb4: {  	_ =	task.clear_ibuf [dreg:s8], $0x7FFFF;
	_ =	strace $0x90000046  }
0xb5: {  	s29 =	simm.s32 $0x9;
	_ =	strace $0x80000048  }
0xb6: {  	_ =	swait.ge [sflag:s29], $0x1  }
0xb7: {  	[sflag:s29] =	ssyncadd.s32 $0xFFFFFFFF  }
0xb8: {  	_ =	strace $0x90000048  }
0xb9: {  	_ =	sfence  }
0xba: {  	s30 =	sld [smem:$0x0];
	_ =	sdelay $0x2  }
0xbb: {  	s31 =	sshll.u32 s1, $0xD;
	s1 =	sshrl.u32 s1, $0x2  }
0xbc: {  	s3 =	sand.u32 $0x4000, s31;
	s1 =	sadd.s32 s1, s30  }
0xbd: {  	s0 =	sor.u32 s3, s0;
	s1 =	sshll.u32 s1, $0x11  }
0xbe: {  	s0 =	sor.u32 s1, s0  }
0xbf: {  	s0 =	sadd.s32 $0x8F2B, s0  }
0xc0: {  	[sflag:s0] =	ssyncadd.remote.s32 $0x1  }
0xc1: {  	_ =	sfence.sel $0xFFFF  }
0xc2: {  	[dreg:$0x0] =	wrdreg $0xFFFFFFFF;
	(pc) =	sbr.abs _section_cstart, $3  }
0xc3: {  	[dreg:$0x1] =	wrdreg $0xFFFFFFFF  }
0xc4: {  	_ =	task.clear_ibuf [dreg:s8], $0x2FFFF;
	_ =	strace $0x9FFFFFFF  }
0xc5: {  	(tm) =	ssettm $0x7FFFFFFF  }
tec
execute0_lowered:
.L_overlay_start_1:
0x0: {  	(tag) =	ssettag $0x1  }
0x1: {  	s0 =	rddreg [dreg:$0x0]  }
0x2: {  	s1 =	rddreg [dreg:$0x1]  }
0x3: {  	s4 =	rddreg [dreg:$0x2]  }
0x4: {  	s2 =	rddreg [dreg:$0x3];
	s5 =	srdreg.scid;
	s3 =	simm.s32 $0x0  }
0x5: {  	s14 =	stileid.u32;
	s29 =	simm.s32 $0x10000;
	s30 =	simm.s32 $0x12000  }
0x6: {  	s31 =	simm.s32 $0x14000;
	s28 =	simm.s32 $0x40;
	s5 =	sand.u32 $0x1, s5  }
0x7: {  	[smem:$0x7FF] =	sst s3;
	s7 =	sshll.u32 s14, $0xD;
	s8 =	sadd.s32 $0x400, s0  }
0x8: {  	s10 =	sshll.u32 s14, $0xB;
	s26 =	sshll.u32 s14, $0x9;
	s22 =	sshll.u32 s14, $0xF  }
0x9: {  	s6 =	sshll.u32 s5, $0x11;
	_ =	strace $0x80000047;
	s9 =	sshll.u32 s5, $0xF  }
0xa: {  	s24 =	ssub.s32 $0x2, s5;
	s13 =	sand.u32 $0x1C00, s26;
	s9 =	sor.u32 s10, s9  }
0xb: {  	s19 =	sshll.u32 s5, $0x13;
	s5 =	simm.s32 $0x2;
	s10 =	sshrl.u32 s9, $0x3  }
0xc: {  	s6 =	sor.u32 s7, s6;
	s25 =	sshrl.u32 s24, $0x1;
	s1 =	sadd.s32 s1, s10  }
0xd: {  	s9 =	sshll.u32 s9, $0x4;
	s4 =	sadd.s32 s4, s10;
	[dreg:$0x5] =	wrdreg s1  }
0xe: {  	s0 =	sadd.s32 s6, s0;
	s10 =	sadd.s32 s8, s9;
	[dreg:$0x6] =	wrdreg s4  }
0xf: {  	v0 =	vmov s13;
	s13 =	simm.s32 $0x19080;
	s16 =	sadd.s32 $0x100400, s0;
	[dreg:$0x7] =	wrdreg s10  }
0x10: {  	s7 =	ssub.s32 s24, s25;
	s17 =	sadd.s32 $0x100800, s0;
	[dreg:$0xb] =	wrdreg s16  }
0x11: {  	s6 =	sshll.u32 s14, $0x10;
	s18 =	sadd.s32 $0x100C00, s0;
	[dreg:$0xc] =	wrdreg s17  }
0x12: {  	s14 =	simm.s32 $0x16000;
	s21 =	sadd.s32 $0x101000, s0;
	[dreg:$0xd] =	wrdreg s18  }
0x13: {  	s6 =	sadd.s32 s6, s2;
	s23 =	sadd.s32 $0x101400, s0;
	[dreg:$0xe] =	wrdreg s21  }
0x14: {  	s24 =	sadd.s32 $0x101800, s0;
	s25 =	sadd.s32 $0x101C00, s0;
	[dreg:$0xf] =	wrdreg s23  }
0x15: {  	s0 =	sadd.s32 $0x102000, s0;
	s26 =	smax.u32 s7, $0x1;
	[dreg:$0x10] =	wrdreg s24  }
0x16: {  	s20 =	sadd.s32 $0x2000, s6;
	s12 =	sadd.s32 $0x4000, s6;
	[dreg:$0x11] =	wrdreg s25  }
0x17: {  	s15 =	sadd.s32 $0x6000, s6;
	s11 =	sadd.s32 $0x8000, s6;
	[dreg:$0x12] =	wrdreg s0  }
0x18: {  	s1 =	sadd.s32 $0x400, s10;
	s16 =	sadd.s32 $0xC000, s6;
	[dreg:$0x13] =	wrdreg s26  }
0x19: {  	s25 =	sadd.s32 $0xE000, s6;
	s0 =	simm.s32 $0x3;
	[dreg:$0x8] =	wrdreg s12  }
0x1a: {  	s26 =	simm.s32 $0x1;
	s4 =	simm.s32 $0x19000;
	[dreg:$0x9] =	wrdreg s15  }
0x1b: {  	s12 =	sadd.s32 $0xA000, s6;
	[dreg:$0xa] =	wrdreg s1;
	s1 =	sadd.s32 s19, s8  }
0x1c: {  	v1 =	vimm.f32 $0.0e+00;
	s15 =	simm.s32 $0x0;
	s21 =	sadd.s32 s22, s1;
	s1 =	simm.s32 $0x4  }
.LBB2_1:
0x1d: {  	s7 =	rddreg [dreg:$0x5]  }
0x1e: {  	s18 =	rddreg [dreg:$0x6]  }
0x1f: {  	s8 =	simm.s32 $0x18000;
	s22 =	rddreg [dreg:$0x7]  }
0x20: {  	[tilespmem:s8], [sflag:$0x4] =	stream.linear.gather [hbm4b:s7+s3], $0x800, $0x38;
	[tilespmem:$0x19100] =	vst v63  }
0x21: {  	s19 =	simm.s32 $0x18800;
	s23 =	rddreg [dreg:$0xa];
	s24 =	sand.u32 $0x7E00, s3  }
0x22: {  	[tilespmem:s19], [sflag:$0x4] =	stream.linear.gather [hbm4b:s18+s3], $0x800, $0x38;
	[tilespmem:$0x19100] =	vst v63  }
0x23: {  	s9 =	sand.u32 $0x40, s3;
	s17 =	simm.s32 $0x0;
	s8 =	sshrl.u32 s24, $0x2  }
0x24: {  	[tilespmem:s29], [sflag:$0x1] =	stream.linear.gather [hbm4b:s22+s3], $0x2000, $0x38;
	[tilespmem:$0x19100] =	vst v63  }
0x25: {  	s7 =	simm.s32 $0x0;
	s8 =	sor.u32 s9, s8;
	s9 =	simm.s32 $0x0  }
0x26: {  	[tilespmem:s30], [sflag:$0x2] =	stream.linear.gather [hbm4b:s23+s3], $0x2000, $0x38;
	[tilespmem:$0x19100] =	vst v63  }
.LBB2_2:
0x27: {  	s7 =	sadd.s32 $0x4, s7  }
0x28: {  	[tilespmem:s8+$0x14030] =	vst v1;
	s9 =	sadd.s32 $0x40, s9;
	s17 =	sadd.s32 $0x100, s17;
	p0 =	slt.u32 s7, $0x1FC  }
.Ltmp0:
0x29: {  	[tilespmem:s8+$0x14020] =	vst v1;
	(pc) =	sbr.rel @p0 .LBB2_2-.Ltmp0, $4  }
0x2a: {  	[tilespmem:s8+$0x14000] =	vst v1  }
0x2b: {  	s18 =	sand.u32 $0x7E00, s17;
	[tilespmem:s8+$0x14010] =	vst v1  }
0x2c: {  	s18 =	sshrl.u32 s18, $0x2;
	s8 =	sand.u32 $0x40, s9  }
0x2d: {  	s8 =	sor.u32 s8, s18  }
0x2e: {  	[tilespmem:s8+$0x14030] =	vst v1  }
0x2f: {  	[tilespmem:s8+$0x14020] =	vst v1  }
0x30: {  	[tilespmem:s8+$0x14000] =	vst v1  }
0x31: {  	[tilespmem:s8+$0x14010] =	vst v1  }
0x32: {  	[spmem:s6] =	stream.linear.scatter [tilespmem:s31], [sflag:$0x3], $0x2000, $0x38;
	[tilespmem:$0x19100] =	vst v63  }
0x33: {  	_ = 	snop  }
0x34: {  	[spmem:s20] =	stream.linear.scatter [tilespmem:s31], [sflag:$0x3], $0x2000, $0x38;
	[tilespmem:$0x19100] =	vst v63  }
0x35: {  	s7 =	rddreg [dreg:$0x8]  }
0x36: {  	[spmem:s7] =	stream.linear.scatter [tilespmem:s31], [sflag:$0x3], $0x2000, $0x38;
	[tilespmem:$0x19100] =	vst v63  }
0x37: {  	s24 =	rddreg [dreg:$0x9]  }
0x38: {  	[spmem:s24] =	stream.linear.scatter [tilespmem:s31], [sflag:$0x3], $0x2000, $0x38;
	[tilespmem:$0x19100] =	vst v63  }
0x39: {  	_ = 	snop  }
0x3a: {  	[spmem:s11] =	stream.linear.scatter [tilespmem:s31], [sflag:$0x3], $0x2000, $0x38;
	[tilespmem:$0x19100] =	vst v63  }
0x3b: {  	_ = 	snop  }
0x3c: {  	[spmem:s12] =	stream.linear.scatter [tilespmem:s31], [sflag:$0x3], $0x2000, $0x38;
	[tilespmem:$0x19100] =	vst v63  }
0x3d: {  	_ = 	snop  }
0x3e: {  	[spmem:s16] =	stream.linear.scatter [tilespmem:s31], [sflag:$0x3], $0x2000, $0x38;
	[tilespmem:$0x19100] =	vst v63  }
0x3f: {  	_ = 	snop  }
0x40: {  	[spmem:s25] =	stream.linear.scatter [tilespmem:s31], [sflag:$0x3], $0x2000, $0x38;
	[tilespmem:$0x19100] =	vst v63  }
0x41: {  	_ =	swait.ge [sflag:s0], $0x2000  }
0x42: {  	[sflag:s0] =	ssyncset.done $0x0  }
0x43: {  	[sflag:s0] =	ssyncadd.s32 $0xFFFFE000  }
0x44: {  	_ =	swait.ge [sflag:s0], $0x2000  }
0x45: {  	[sflag:s0] =	ssyncset.done $0x0  }
0x46: {  	[sflag:s0] =	ssyncadd.s32 $0xFFFFE000  }
0x47: {  	_ =	swait.ge [sflag:s0], $0x2000  }
0x48: {  	[sflag:s0] =	ssyncset.done $0x0  }
0x49: {  	[sflag:s0] =	ssyncadd.s32 $0xFFFFE000  }
0x4a: {  	_ =	swait.ge [sflag:s0], $0x2000  }
0x4b: {  	[sflag:s0] =	ssyncset.done $0x0  }
0x4c: {  	[sflag:s0] =	ssyncadd.s32 $0xFFFFE000  }
0x4d: {  	_ =	swait.ge [sflag:s0], $0x2000  }
0x4e: {  	[sflag:s0] =	ssyncset.done $0x0  }
0x4f: {  	[sflag:s0] =	ssyncadd.s32 $0xFFFFE000  }
0x50: {  	_ =	swait.ge [sflag:s0], $0x2000  }
0x51: {  	[sflag:s0] =	ssyncset.done $0x0  }
0x52: {  	[sflag:s0] =	ssyncadd.s32 $0xFFFFE000  }
0x53: {  	_ =	swait.ge [sflag:s0], $0x2000  }
0x54: {  	[sflag:s0] =	ssyncset.done $0x0  }
0x55: {  	[sflag:s0] =	ssyncadd.s32 $0xFFFFE000  }
0x56: {  	_ =	swait.ge [sflag:s0], $0x2000  }
0x57: {  	[sflag:s0] =	ssyncset.done $0x0  }
0x58: {  	[sflag:s0] =	ssyncadd.s32 $0xFFFFE000  }
0x59: {  	_ =	swait.ge [sflag:s1], $0x800  }
0x5a: {  	[sflag:s1] =	ssyncset.done $0x0  }
0x5b: {  	[sflag:s1] =	ssyncadd.s32 $0xFFFFF800  }
0x5c: {  	_ =	swait.ge [sflag:s1], $0x800  }
0x5d: {  	[sflag:s1] =	ssyncset.done $0x0  }
0x5e: {  	s17 =	simm.s32 $0x0;
	[sflag:s1] =	ssyncadd.s32 $0xFFFFF800  }
0x5f: {  	s18 =	simm.s32 $0x18040;
	s19 =	simm.s32 $0x18840;
	[bflag:$0x0] =	sbarrier.arrive $0xFFFF  }
.LBB2_4:
0x60: {  	p0 =	seq.s32 s17, $0x0  }
0x61: {  	s7 =	simm.s32 @!p0 $0x3  }
0x62: {  	_ =	swait.ge @!p0 [sflag:s7], $0x2000  }
0x63: {  	[sflag:s7] =	ssyncset.done @!p0 $0x0  }
0x64: {  	[sflag:s7] =	ssyncadd.s32 @!p0 $0xFFFFE000  }
0x65: {  	_ =	swait.ge [sflag:s26], $0x2000  }
0x66: {  	[sflag:s26] =	ssyncset.done $0x0  }
0x67: {  	[sflag:s26] =	ssyncadd.s32 $0xFFFFE000  }
0x68: {  	v2 =	vld [tilespmem:s19+$0xFFFFFFC0]  }
0x69: {  	v3 =	vld [tilespmem:s18+$0xFFFFFFC0];
	_ =	sdelay $0x4  }
0x6a: {  	v7 =	vbroadcast v2, $0x0;
	v3 =	vadd.s32 v0, v3  }
0x6b: {  	v49 =	vbroadcast v2, $0x1;
	[tilespmem:$0x19000] =	vst v3  }
0x6c: {  	v54 =	vbroadcast v2, $0x2;
	[tilespmem:$0x14040] =	vst v7  }
0x6d: {  	v61 =	vbroadcast v2, $0x3;
	[tilespmem:$0x140C0] =	vst v49  }
0x6e: {  	v4 =	vld [tilespmem:$0x10000];
	v15 =	vbroadcast v2, $0x4;
	[tilespmem:$0x14140] =	vst v54  }
0x6f: {  	v5 =	vld [tilespmem:$0x10010];
	v22 =	vbroadcast v2, $0x5;
	[tilespmem:$0x141C0] =	vst v61  }
0x70: {  	v6 =	vld [tilespmem:$0x10020];
	v29 =	vbroadcast v2, $0x6;
	[tilespmem:$0x14240] =	vst v15  }
0x71: {  	v8 =	vld [tilespmem:$0x10030];
	v36 =	vbroadcast v2, $0x7;
	[tilespmem:$0x142C0] =	vst v22  }
0x72: {  	v46 =	vld [tilespmem:$0x10090];
	v43 =	vbroadcast v2, $0x8;
	[tilespmem:$0x14340] =	vst v29  }
0x73: {  	v9 =	vld [tilespmem:$0x10080];
	v4 =	vmul.f32 v4, v7;
	[tilespmem:$0x143C0] =	vst v36  }
0x74: {  	v10 =	vld [tilespmem:$0x100B0];
	v3 =	vmul.f32 v5, v7;
	[tilespmem:$0x14440] =	vst v43  }
0x75: {  	v48 =	vld [tilespmem:$0x100A0];
	v47 =	vmul.f32 v6, v7;
	[tilespmem:$0x14000] =	vst v4  }
0x76: {  	v51 =	vld [tilespmem:$0x10110];
	[tilespmem:$0x14010] =	vst v3;
	v3 =	vmul.f32 v8, v7  }
0x77: {  	v50 =	vld [tilespmem:$0x10100];
	v5 =	vmul.f32 v46, v49;
	[tilespmem:$0x14020] =	vst v47  }
0x78: {  	v55 =	vld [tilespmem:$0x10130];
	[tilespmem:$0x14030] =	vst v3;
	v3 =	vmul.f32 v9, v49  }
0x79: {  	v52 =	vld [tilespmem:$0x10120];
	v53 =	vmul.f32 v10, v49;
	[tilespmem:$0x14090] =	vst v5  }
0x7a: {  	v58 =	vld [tilespmem:$0x10190];
	[tilespmem:$0x14080] =	vst v3;
	v3 =	vmul.f32 v48, v49  }
0x7b: {  	v56 =	vld [tilespmem:$0x10180];
	v57 =	vmul.f32 v51, v54;
	[tilespmem:$0x140B0] =	vst v53  }
0x7c: {  	v62 =	vld [tilespmem:$0x101B0];
	[tilespmem:$0x140A0] =	vst v3;
	v3 =	vmul.f32 v50, v54  }
0x7d: {  	v59 =	vld [tilespmem:$0x101A0];
	v60 =	vmul.f32 v55, v54;
	[tilespmem:$0x14110] =	vst v57  }
0x7e: {  	v12 =	vld [tilespmem:$0x10210];
	[tilespmem:$0x14100] =	vst v3;
	v3 =	vmul.f32 v52, v54  }
0x7f: {  	v63 =	vld [tilespmem:$0x10200];
	v11 =	vmul.f32 v58, v61;
	[tilespmem:$0x14130] =	vst v60  }
0x80: {  	v16 =	vld [tilespmem:$0x10230];
	[tilespmem:$0x14120] =	vst v3;
	v3 =	vmul.f32 v56, v61  }
0x81: {  	v13 =	vld [tilespmem:$0x10220];
	v14 =	vmul.f32 v62, v61;
	[tilespmem:$0x14190] =	vst v11  }
0x82: {  	v19 =	vld [tilespmem:$0x10290];
	[tilespmem:$0x14180] =	vst v3;
	v3 =	vmul.f32 v59, v61  }
0x83: {  	v17 =	vld [tilespmem:$0x10280];
	v18 =	vmul.f32 v12, v15;
	[tilespmem:$0x141B0] =	vst v14  }
0x84: {  	v23 =	vld [tilespmem:$0x102B0];
	[tilespmem:$0x141A0] =	vst v3;
	v3 =	vmul.f32 v63, v15  }
0x85: {  	v20 =	vld [tilespmem:$0x102A0];
	v21 =	vmul.f32 v16, v15;
	[tilespmem:$0x14210] =	vst v18  }
0x86: {  	v26 =	vld [tilespmem:$0x10310];
	[tilespmem:$0x14200] =	vst v3;
	v3 =	vmul.f32 v13, v15  }
0x87: {  	v24 =	vld [tilespmem:$0x10300];
	v25 =	vmul.f32 v19, v22;
	[tilespmem:$0x14230] =	vst v21  }
0x88: {  	v30 =	vld [tilespmem:$0x10330];
	[tilespmem:$0x14220] =	vst v3;
	v3 =	vmul.f32 v17, v22  }
0x89: {  	v27 =	vld [tilespmem:$0x10320];
	v28 =	vmul.f32 v23, v22;
	[tilespmem:$0x14290] =	vst v25  }
0x8a: {  	v33 =	vld [tilespmem:$0x10390];
	[tilespmem:$0x14280] =	vst v3;
	v3 =	vmul.f32 v20, v22  }
0x8b: {  	v31 =	vld [tilespmem:$0x10380];
	v32 =	vmul.f32 v26, v29;
	[tilespmem:$0x142B0] =	vst v28  }
0x8c: {  	v37 =	vld [tilespmem:$0x103B0];
	[tilespmem:$0x142A0] =	vst v3;
	v3 =	vmul.f32 v24, v29  }
0x8d: {  	v34 =	vld [tilespmem:$0x103A0];
	v35 =	vmul.f32 v30, v29;
	[tilespmem:$0x14310] =	vst v32  }
0x8e: {  	v40 =	vld [tilespmem:$0x10410];
	[tilespmem:$0x14300] =	vst v3;
	v3 =	vmul.f32 v27, v29  }
0x8f: {  	v38 =	vld [tilespmem:$0x10400];
	v39 =	vmul.f32 v33, v36;
	[tilespmem:$0x14330] =	vst v35  }
0x90: {  	v44 =	vld [tilespmem:$0x10430];
	[tilespmem:$0x14320] =	vst v3;
	v3 =	vmul.f32 v31, v36  }
0x91: {  	v41 =	vld [tilespmem:$0x10420];
	v42 =	vmul.f32 v37, v36;
	[tilespmem:$0x14390] =	vst v39  }
0x92: {  	v47 =	vld [tilespmem:$0x10490];
	[tilespmem:$0x14380] =	vst v3;
	v3 =	vmul.f32 v34, v36  }
0x93: {  	v45 =	vld [tilespmem:$0x10480];
	v46 =	vmul.f32 v40, v43;
	[tilespmem:$0x143B0] =	vst v42  }
0x94: {  	[tilespmem:$0x143A0] =	vst v3;
	v3 =	vmul.f32 v38, v43  }
0x95: {  	[tilespmem:$0x14410] =	vst v46;
	v48 =	vmul.f32 v44, v43;
	v49 =	vbroadcast v2, $0x9  }
0x96: {  	[tilespmem:$0x14400] =	vst v3;
	v3 =	vmul.f32 v41, v43  }
0x97: {  	[tilespmem:$0x14430] =	vst v48;
	v50 =	vmul.f32 v47, v49  }
0x98: {  	[tilespmem:$0x14420] =	vst v3;
	v3 =	vmul.f32 v45, v49  }
0x99: {  	[tilespmem:$0x14490] =	vst v50  }
0x9a: {  	v55 =	vbroadcast v2, $0xA;
	[tilespmem:$0x14480] =	vst v3  }
0x9b: {  	v62 =	vbroadcast v2, $0xB;
	v3 =	vld [tilespmem:$0x104A0];
	[tilespmem:$0x144C0] =	vst v49  }
0x9c: {  	v17 =	vbroadcast v2, $0xC;
	v51 =	vld [tilespmem:$0x104B0];
	[tilespmem:$0x14540] =	vst v55  }
0x9d: {  	v24 =	vbroadcast v2, $0xD;
	v53 =	vld [tilespmem:$0x10510];
	[tilespmem:$0x145C0] =	vst v62  }
0x9e: {  	v31 =	vbroadcast v2, $0xE;
	v56 =	vld [tilespmem:$0x10530];
	[tilespmem:$0x14640] =	vst v17  }
0x9f: {  	v38 =	vbroadcast v2, $0xF;
	v59 =	vld [tilespmem:$0x10590];
	[tilespmem:$0x146C0] =	vst v24  }
0xa0: {  	v63 =	vld [tilespmem:$0x105B0];
	[tilespmem:$0x14740] =	vst v31;
	v3 =	vmul.f32 v3, v49  }
0xa1: {  	v14 =	vld [tilespmem:$0x10610];
	[tilespmem:$0x147C0] =	vst v38;
	v4 =	vmul.f32 v51, v49  }
0xa2: {  	v18 =	vld [tilespmem:$0x10630];
	v58 =	vmul.f32 v53, v55;
	[tilespmem:$0x144A0] =	vst v3  }
0xa3: {  	v21 =	vld [tilespmem:$0x10690];
	v61 =	vmul.f32 v56, v55;
	[tilespmem:$0x144B0] =	vst v4  }
0xa4: {  	v25 =	vld [tilespmem:$0x106B0];
	v13 =	vmul.f32 v59, v62;
	[tilespmem:$0x14510] =	vst v58  }
0xa5: {  	v28 =	vld [tilespmem:$0x10710];
	v16 =	vmul.f32 v63, v62;
	[tilespmem:$0x14530] =	vst v61  }
0xa6: {  	v32 =	vld [tilespmem:$0x10730];
	v20 =	vmul.f32 v14, v17;
	[tilespmem:$0x14590] =	vst v13  }
0xa7: {  	v35 =	vld [tilespmem:$0x10790];
	v23 =	vmul.f32 v18, v17;
	[tilespmem:$0x145B0] =	vst v16  }
0xa8: {  	v39 =	vld [tilespmem:$0x107B0];
	v27 =	vmul.f32 v21, v24;
	[tilespmem:$0x14610] =	vst v20  }
0xa9: {  	v52 =	vld [tilespmem:$0x10500];
	v30 =	vmul.f32 v25, v24;
	[tilespmem:$0x14630] =	vst v23  }
0xaa: {  	v40 =	vld [tilespmem:s18+$0xFFFFFFD0];
	v34 =	vmul.f32 v28, v31;
	[tilespmem:$0x14690] =	vst v27  }
0xab: {  	v2 =	vld [tilespmem:s19+$0xFFFFFFD0];
	v37 =	vmul.f32 v32, v31;
	[tilespmem:$0x146B0] =	vst v30  }
0xac: {  	v41 =	vmul.f32 v35, v38;
	[tilespmem:$0x14710] =	vst v34  }
0xad: {  	v44 =	vmul.f32 v39, v38;
	[tilespmem:$0x14730] =	vst v37  }
0xae: {  	[tilespmem:$0x14790] =	vst v41  }
0xaf: {  	v3 =	vmul.f32 v52, v55;
	[tilespmem:$0x147B0] =	vst v44;
	v4 =	vadd.s32 v0, v40  }
0xb0: {  	v61 =	vbroadcast v2, $0x2;
	[tilespmem:$0x19010] =	vst v4  }
0xb1: {  	v54 =	vld [tilespmem:$0x10520];
	v16 =	vbroadcast v2, $0x3;
	[tilespmem:$0x14500] =	vst v3  }
0xb2: {  	v23 =	vbroadcast v2, $0x4;
	[tilespmem:$0x14940] =	vst v61  }
0xb3: {  	v57 =	vld [tilespmem:$0x10580];
	v30 =	vbroadcast v2, $0x5;
	[tilespmem:$0x149C0] =	vst v16  }
0xb4: {  	v48 =	vld [tilespmem:$0x10880];
	v37 =	vbroadcast v2, $0x6;
	[tilespmem:$0x14A40] =	vst v23  }
0xb5: {  	v52 =	vld [tilespmem:$0x108A0];
	v44 =	vbroadcast v2, $0x7;
	[tilespmem:$0x14AC0] =	vst v30  }
0xb6: {  	v34 =	vld [tilespmem:$0x10B10];
	v3 =	vmul.f32 v54, v55;
	[tilespmem:$0x14B40] =	vst v37  }
0xb7: {  	v60 =	vld [tilespmem:$0x105A0];
	v54 =	vbroadcast v2, $0x1;
	[tilespmem:$0x14BC0] =	vst v44  }
0xb8: {  	[tilespmem:$0x14520] =	vst v3;
	v3 =	vmul.f32 v57, v62  }
0xb9: {  	v12 =	vld [tilespmem:$0x10600];
	v56 =	vmul.f32 v48, v54;
	[tilespmem:$0x148C0] =	vst v54  }
0xba: {  	v58 =	vld [tilespmem:$0x10910];
	v59 =	vmul.f32 v52, v54;
	[tilespmem:$0x14580] =	vst v3  }
0xbb: {  	v40 =	vmul.f32 v34, v37;
	[tilespmem:$0x14880] =	vst v56  }
0xbc: {  	v15 =	vld [tilespmem:$0x10620];
	v3 =	vmul.f32 v60, v62;
	[tilespmem:$0x148A0] =	vst v59  }
0xbd: {  	v34 =	vbroadcast v2, $0xD;
	v62 =	vld [tilespmem:$0x10930];
	[tilespmem:$0x14B10] =	vst v40  }
0xbe: {  	v19 =	vld [tilespmem:$0x10680];
	[tilespmem:$0x145A0] =	vst v3;
	v3 =	vmul.f32 v12, v17  }
0xbf: {  	v13 =	vld [tilespmem:$0x10990];
	[tilespmem:$0x14EC0] =	vst v34;
	v12 =	vmul.f32 v58, v61  }
0xc0: {  	v59 =	vld [tilespmem:$0x10CB0];
	v58 =	vbroadcast v2, $0x9;
	[tilespmem:$0x14600] =	vst v3  }
0xc1: {  	v3 =	vmul.f32 v15, v17;
	[tilespmem:$0x14910] =	vst v12  }
0xc2: {  	v22 =	vld [tilespmem:$0x106A0];
	[tilespmem:$0x14CC0] =	vst v58;
	v15 =	vmul.f32 v62, v61  }
0xc3: {  	v17 =	vld [tilespmem:$0x109B0];
	[tilespmem:$0x14620] =	vst v3;
	v3 =	vmul.f32 v19, v24  }
0xc4: {  	v26 =	vld [tilespmem:$0x10700];
	v19 =	vmul.f32 v13, v16;
	[tilespmem:$0x14930] =	vst v15  }
0xc5: {  	v20 =	vld [tilespmem:$0x10A10];
	v12 =	vmul.f32 v59, v58;
	[tilespmem:$0x14680] =	vst v3  }
0xc6: {  	v13 =	vbroadcast v2, $0xA;
	[tilespmem:$0x14990] =	vst v19  }
0xc7: {  	v29 =	vld [tilespmem:$0x10720];
	v3 =	vmul.f32 v22, v24;
	[tilespmem:$0x14CB0] =	vst v12  }
0xc8: {  	v24 =	vld [tilespmem:$0x10A30];
	[tilespmem:$0x14D40] =	vst v13;
	v22 =	vmul.f32 v17, v16  }
0xc9: {  	v33 =	vld [tilespmem:$0x10780];
	[tilespmem:$0x146A0] =	vst v3;
	v3 =	vmul.f32 v26, v31  }
0xca: {  	v27 =	vld [tilespmem:$0x10A90];
	v26 =	vmul.f32 v20, v23;
	[tilespmem:$0x149B0] =	vst v22  }
0xcb: {  	v36 =	vld [tilespmem:$0x107A0];
	v20 =	vbroadcast v2, $0xB;
	[tilespmem:$0x14700] =	vst v3  }
0xcc: {  	v3 =	vmul.f32 v29, v31;
	[tilespmem:$0x14A10] =	vst v26  }
0xcd: {  	v31 =	vld [tilespmem:$0x10AB0];
	[tilespmem:$0x14DC0] =	vst v20;
	v29 =	vmul.f32 v24, v23  }
0xce: {  	[tilespmem:$0x14720] =	vst v3;
	v3 =	vmul.f32 v33, v38  }
0xcf: {  	v42 =	vld [tilespmem:$0x10800];
	v33 =	vmul.f32 v27, v30;
	[tilespmem:$0x14A30] =	vst v29  }
0xd0: {  	v43 =	vld [tilespmem:$0x10810];
	[tilespmem:$0x14780] =	vst v3;
	v3 =	vmul.f32 v36, v38  }
0xd1: {  	v45 =	vld [tilespmem:$0x10820];
	v27 =	vbroadcast v2, $0xC;
	[tilespmem:$0x14A90] =	vst v33  }
0xd2: {  	v46 =	vld [tilespmem:$0x10830];
	v36 =	vmul.f32 v31, v30;
	[tilespmem:$0x147A0] =	vst v3;
	v3 =	vbroadcast v2, $0x0  }
0xd3: {  	v50 =	vld [tilespmem:$0x10890];
	[tilespmem:$0x14E40] =	vst v27  }
0xd4: {  	v38 =	vld [tilespmem:$0x10B30];
	[tilespmem:$0x14AB0] =	vst v36;
	v47 =	vmul.f32 v42, v3  }
0xd5: {  	v55 =	vld [tilespmem:$0x108B0];
	v49 =	vmul.f32 v43, v3;
	[tilespmem:$0x14840] =	vst v3  }
0xd6: {  	v41 =	vld [tilespmem:$0x10B90];
	v51 =	vmul.f32 v45, v3;
	[tilespmem:$0x14800] =	vst v47  }
0xd7: {  	v53 =	vmul.f32 v46, v3;
	[tilespmem:$0x14810] =	vst v49  }
0xd8: {  	v3 =	vmul.f32 v50, v54;
	[tilespmem:$0x14820] =	vst v51  }
0xd9: {  	v57 =	vld [tilespmem:$0x10900];
	v43 =	vmul.f32 v38, v37;
	[tilespmem:$0x14830] =	vst v53  }
0xda: {  	v48 =	vld [tilespmem:$0x10C10];
	[tilespmem:$0x14890] =	vst v3;
	v3 =	vmul.f32 v55, v54  }
0xdb: {  	v52 =	vld [tilespmem:$0x10C30];
	v47 =	vmul.f32 v41, v44;
	[tilespmem:$0x14B30] =	vst v43  }
0xdc: {  	v51 =	vbroadcast v2, $0x8;
	[tilespmem:$0x148B0] =	vst v3  }
0xdd: {  	v45 =	vld [tilespmem:$0x10BB0];
	v41 =	vbroadcast v2, $0xE;
	[tilespmem:$0x14B90] =	vst v47  }
0xde: {  	v60 =	vld [tilespmem:$0x10920];
	v3 =	vmul.f32 v57, v61;
	[tilespmem:$0x14C40] =	vst v51  }
0xdf: {  	v55 =	vld [tilespmem:$0x10C90];
	v54 =	vmul.f32 v48, v51;
	[tilespmem:$0x14F40] =	vst v41  }
0xe0: {  	v63 =	vld [tilespmem:$0x10980];
	v57 =	vmul.f32 v52, v51;
	[tilespmem:$0x14900] =	vst v3  }
0xe1: {  	v48 =	vbroadcast v2, $0xF;
	v2 =	vld [tilespmem:s19+$0xFFFFFFE0];
	[tilespmem:$0x14C10] =	vst v54  }
0xe2: {  	v14 =	vld [tilespmem:$0x109A0];
	v50 =	vmul.f32 v45, v44;
	[tilespmem:$0x14C30] =	vst v57  }
0xe3: {  	v62 =	vld [tilespmem:$0x10D10];
	v3 =	vmul.f32 v60, v61;
	[tilespmem:$0x14FC0] =	vst v48  }
0xe4: {  	v18 =	vld [tilespmem:$0x10A00];
	[tilespmem:$0x14BB0] =	vst v50;
	v61 =	vmul.f32 v55, v58  }
0xe5: {  	v21 =	vld [tilespmem:$0x10A20];
	[tilespmem:$0x14920] =	vst v3;
	v3 =	vmul.f32 v63, v16  }
0xe6: {  	v50 =	vld [tilespmem:s18+$0xFFFFFFE0];
	[tilespmem:$0x14C90] =	vst v61;
	v12 =	vbroadcast v2, $0x1  }
0xe7: {  	v17 =	vld [tilespmem:$0x10D90];
	[tilespmem:$0x14980] =	vst v3;
	v3 =	vmul.f32 v14, v16  }
0xe8: {  	v14 =	vld [tilespmem:$0x10D30];
	v16 =	vmul.f32 v62, v13;
	[tilespmem:$0x150C0] =	vst v12  }
0xe9: {  	v62 =	vld [tilespmem:$0x110A0];
	[tilespmem:$0x149A0] =	vst v3;
	v3 =	vmul.f32 v18, v23  }
0xea: {  	v25 =	vld [tilespmem:$0x10A80];
	[tilespmem:$0x14D10] =	vst v16  }
0xeb: {  	v4 =	vadd.s32 v0, v50;
	[tilespmem:$0x14A00] =	vst v3;
	v3 =	vmul.f32 v21, v23  }
0xec: {  	v28 =	vld [tilespmem:$0x10AA0];
	[tilespmem:$0x19020] =	vst v4;
	v23 =	vmul.f32 v17, v20  }
0xed: {  	v24 =	vld [tilespmem:$0x10E10];
	v19 =	vmul.f32 v14, v13;
	[tilespmem:$0x14A20] =	vst v3  }
0xee: {  	v21 =	vld [tilespmem:$0x10DB0];
	v17 =	vmul.f32 v62, v12;
	[tilespmem:$0x14D90] =	vst v23  }
0xef: {  	v32 =	vld [tilespmem:$0x10B00];
	v3 =	vmul.f32 v25, v30;
	[tilespmem:$0x14D30] =	vst v19  }
0xf0: {  	v19 =	vbroadcast v2, $0x2;
	[tilespmem:$0x150A0] =	vst v17  }
0xf1: {  	v35 =	vld [tilespmem:$0x10B20];
	[tilespmem:$0x14A80] =	vst v3;
	v3 =	vmul.f32 v28, v30  }
0xf2: {  	v31 =	vld [tilespmem:$0x10E90];
	v30 =	vmul.f32 v24, v27;
	[tilespmem:$0x15140] =	vst v19  }
0xf3: {  	v28 =	vld [tilespmem:$0x10E30];
	v26 =	vmul.f32 v21, v20;
	[tilespmem:$0x14AA0] =	vst v3  }
0xf4: {  	v39 =	vld [tilespmem:$0x10B80];
	v3 =	vmul.f32 v32, v37;
	[tilespmem:$0x14E10] =	vst v30  }
0xf5: {  	[tilespmem:$0x14DB0] =	vst v26;
	v26 =	vbroadcast v2, $0x3  }
0xf6: {  	v42 =	vld [tilespmem:$0x10BA0];
	[tilespmem:$0x14B00] =	vst v3;
	v3 =	vmul.f32 v35, v37  }
0xf7: {  	v38 =	vld [tilespmem:$0x10F10];
	v37 =	vmul.f32 v31, v34;
	[tilespmem:$0x151C0] =	vst v26  }
0xf8: {  	v35 =	vld [tilespmem:$0x10EB0];
	v33 =	vmul.f32 v28, v27;
	[tilespmem:$0x14B20] =	vst v3  }
0xf9: {  	v46 =	vld [tilespmem:$0x10C00];
	v3 =	vmul.f32 v39, v44;
	[tilespmem:$0x14E90] =	vst v37  }
0xfa: {  	[tilespmem:$0x14E30] =	vst v33;
	v33 =	vbroadcast v2, $0x4  }
0xfb: {  	v49 =	vld [tilespmem:$0x10C20];
	[tilespmem:$0x14B80] =	vst v3;
	v3 =	vmul.f32 v42, v44  }
0xfc: {  	v45 =	vld [tilespmem:$0x10F90];
	v44 =	vmul.f32 v38, v41;
	[tilespmem:$0x15240] =	vst v33  }
0xfd: {  	v42 =	vld [tilespmem:$0x10F30];
	v40 =	vmul.f32 v35, v34;
	[tilespmem:$0x14BA0] =	vst v3  }
0xfe: {  	v53 =	vld [tilespmem:$0x10C80];
	v3 =	vmul.f32 v46, v51;
	[tilespmem:$0x14F10] =	vst v44  }
0xff: {  	[tilespmem:$0x14EB0] =	vst v40;
	v40 =	vbroadcast v2, $0x5  }
0x100: {  	v56 =	vld [tilespmem:$0x10CA0];
	[tilespmem:$0x14C00] =	vst v3;
	v3 =	vmul.f32 v49, v51  }
0x101: {  	v49 =	vld [tilespmem:$0x10FB0];
	v51 =	vmul.f32 v45, v48;
	[tilespmem:$0x152C0] =	vst v40  }
0x102: {  	v60 =	vld [tilespmem:$0x10D00];
	v47 =	vmul.f32 v42, v41;
	[tilespmem:$0x14C20] =	vst v3  }
0x103: {  	v44 =	vld [tilespmem:$0x11310];
	v3 =	vmul.f32 v53, v58;
	[tilespmem:$0x14F90] =	vst v51  }
0x104: {  	v63 =	vld [tilespmem:$0x10D20];
	[tilespmem:$0x14F30] =	vst v47;
	v47 =	vbroadcast v2, $0x6  }
0x105: {  	[tilespmem:$0x14C80] =	vst v3;
	v3 =	vmul.f32 v56, v58  }
0x106: {  	v15 =	vld [tilespmem:$0x10D80];
	v54 =	vmul.f32 v49, v48;
	[tilespmem:$0x15340] =	vst v47  }
0x107: {  	[tilespmem:$0x14CA0] =	vst v3;
	v3 =	vmul.f32 v60, v13  }
0x108: {  	v18 =	vld [tilespmem:$0x10DA0];
	v50 =	vmul.f32 v44, v47;
	[tilespmem:$0x14FB0] =	vst v54  }
0x109: {  	v58 =	vld [tilespmem:$0x11080];
	[tilespmem:$0x14D00] =	vst v3;
	v3 =	vmul.f32 v63, v13  }
0x10a: {  	v22 =	vld [tilespmem:$0x10E00];
	[tilespmem:$0x15310] =	vst v50;
	v54 =	vbroadcast v2, $0x7  }
0x10b: {  	v16 =	vld [tilespmem:$0x11110];
	[tilespmem:$0x14D20] =	vst v3;
	v3 =	vmul.f32 v15, v20  }
0x10c: {  	v25 =	vld [tilespmem:$0x10E20];
	v50 =	vbroadcast v2, $0xE;
	[tilespmem:$0x153C0] =	vst v54  }
0x10d: {  	[tilespmem:$0x14D80] =	vst v3;
	v3 =	vmul.f32 v18, v20  }
0x10e: {  	v14 =	vmul.f32 v58, v12;
	[tilespmem:$0x15740] =	vst v50;
	v20 =	vld [tilespmem:$0x11130]  }
0x10f: {  	v29 =	vld [tilespmem:$0x10E80];
	[tilespmem:$0x14DA0] =	vst v3;
	v3 =	vmul.f32 v22, v27  }
0x110: {  	v23 =	vld [tilespmem:$0x11190];
	[tilespmem:$0x15080] =	vst v14;
	v22 =	vmul.f32 v16, v19  }
0x111: {  	v32 =	vld [tilespmem:$0x10EA0];
	[tilespmem:$0x14E00] =	vst v3;
	v3 =	vmul.f32 v25, v27  }
0x112: {  	[tilespmem:$0x15110] =	vst v22;
	v22 =	vbroadcast v2, $0xA  }
0x113: {  	v27 =	vld [tilespmem:$0x111B0];
	v25 =	vmul.f32 v20, v19;
	[tilespmem:$0x14E20] =	vst v3  }
0x114: {  	v36 =	vld [tilespmem:$0x10F00];
	v3 =	vmul.f32 v29, v34;
	[tilespmem:$0x15540] =	vst v22  }
0x115: {  	v30 =	vld [tilespmem:$0x11210];
	v29 =	vmul.f32 v23, v26;
	[tilespmem:$0x15130] =	vst v25  }
0x116: {  	v39 =	vld [tilespmem:$0x10F20];
	[tilespmem:$0x14E80] =	vst v3;
	v3 =	vmul.f32 v32, v34  }
0x117: {  	[tilespmem:$0x15190] =	vst v29;
	v29 =	vbroadcast v2, $0xB  }
0x118: {  	v34 =	vld [tilespmem:$0x11230];
	v32 =	vmul.f32 v27, v26;
	[tilespmem:$0x14EA0] =	vst v3  }
0x119: {  	v43 =	vld [tilespmem:$0x10F80];
	v3 =	vmul.f32 v36, v41;
	[tilespmem:$0x155C0] =	vst v29  }
0x11a: {  	v37 =	vld [tilespmem:$0x11290];
	v36 =	vmul.f32 v30, v33;
	[tilespmem:$0x151B0] =	vst v32  }
0x11b: {  	v46 =	vld [tilespmem:$0x10FA0];
	[tilespmem:$0x14F00] =	vst v3;
	v3 =	vmul.f32 v39, v41  }
0x11c: {  	[tilespmem:$0x15210] =	vst v36;
	v36 =	vbroadcast v2, $0xC  }
0x11d: {  	v41 =	vld [tilespmem:$0x112B0];
	v39 =	vmul.f32 v34, v33;
	[tilespmem:$0x14F20] =	vst v3  }
0x11e: {  	v3 =	vmul.f32 v43, v48;
	[tilespmem:$0x15640] =	vst v36  }
0x11f: {  	v52 =	vld [tilespmem:$0x11000];
	v43 =	vmul.f32 v37, v40;
	[tilespmem:$0x15230] =	vst v39  }
0x120: {  	v53 =	vld [tilespmem:$0x11010];
	[tilespmem:$0x14F80] =	vst v3;
	v3 =	vmul.f32 v46, v48  }
0x121: {  	v55 =	vld [tilespmem:$0x11020];
	[tilespmem:$0x15290] =	vst v43;
	v43 =	vbroadcast v2, $0xD  }
0x122: {  	v56 =	vld [tilespmem:$0x11030];
	v46 =	vmul.f32 v41, v40;
	[tilespmem:$0x14FA0] =	vst v3;
	v3 =	vbroadcast v2, $0x0  }
0x123: {  	v60 =	vld [tilespmem:$0x11090];
	[tilespmem:$0x156C0] =	vst v43  }
0x124: {  	v48 =	vld [tilespmem:$0x11330];
	[tilespmem:$0x152B0] =	vst v46;
	v57 =	vmul.f32 v52, v3  }
0x125: {  	v13 =	vld [tilespmem:$0x110B0];
	v59 =	vmul.f32 v53, v3;
	[tilespmem:$0x15040] =	vst v3  }
0x126: {  	v51 =	vld [tilespmem:$0x11390];
	v61 =	vmul.f32 v55, v3;
	[tilespmem:$0x15000] =	vst v57  }
0x127: {  	v63 =	vmul.f32 v56, v3;
	[tilespmem:$0x15010] =	vst v59  }
0x128: {  	v15 =	vld [tilespmem:$0x11100];
	v3 =	vmul.f32 v60, v12;
	[tilespmem:$0x15020] =	vst v61  }
0x129: {  	v58 =	vld [tilespmem:$0x11410];
	v53 =	vmul.f32 v48, v47;
	[tilespmem:$0x15030] =	vst v63  }
0x12a: {  	v62 =	vld [tilespmem:$0x11430];
	[tilespmem:$0x15090] =	vst v3;
	v3 =	vmul.f32 v13, v12  }
0x12b: {  	v57 =	vmul.f32 v51, v54;
	[tilespmem:$0x15330] =	vst v53  }
0x12c: {  	v24 =	vld [tilespmem:$0x111A0];
	v61 =	vbroadcast v2, $0x8;
	[tilespmem:$0x150B0] =	vst v3  }
0x12d: {  	v55 =	vld [tilespmem:$0x113B0];
	v3 =	vmul.f32 v15, v19;
	[tilespmem:$0x15390] =	vst v57  }
0x12e: {  	v18 =	vld [tilespmem:$0x11120];
	v11 =	vmul.f32 v58, v61;
	[tilespmem:$0x15440] =	vst v61  }
0x12f: {  	v12 =	vld [tilespmem:$0x11490];
	v14 =	vmul.f32 v62, v61;
	[tilespmem:$0x15100] =	vst v3  }
0x130: {  	v21 =	vld [tilespmem:$0x11180];
	v15 =	vbroadcast v2, $0x9;
	[tilespmem:$0x15410] =	vst v11  }
0x131: {  	v16 =	vld [tilespmem:$0x114B0];
	v57 =	vbroadcast v2, $0xF;
	[tilespmem:$0x15430] =	vst v14  }
0x132: {  	v31 =	vld [tilespmem:$0x11220];
	v60 =	vmul.f32 v55, v54;
	[tilespmem:$0x154C0] =	vst v15  }
0x133: {  	v3 =	vmul.f32 v18, v19;
	v19 =	vld [tilespmem:$0x11510];
	[tilespmem:$0x157C0] =	vst v57  }
0x134: {  	v28 =	vld [tilespmem:$0x11200];
	[tilespmem:$0x153B0] =	vst v60;
	v18 =	vmul.f32 v12, v15  }
0x135: {  	v23 =	vld [tilespmem:$0x11530];
	[tilespmem:$0x15120] =	vst v3;
	v3 =	vmul.f32 v21, v26  }
0x136: {  	v38 =	vld [tilespmem:$0x112A0];
	v21 =	vmul.f32 v16, v15;
	[tilespmem:$0x15490] =	vst v18  }
0x137: {  	[tilespmem:$0x15180] =	vst v3;
	v3 =	vmul.f32 v24, v26;
	v26 =	vld [tilespmem:$0x11590]  }
0x138: {  	v35 =	vld [tilespmem:$0x11280];
	[tilespmem:$0x154B0] =	vst v21;
	v25 =	vmul.f32 v19, v22  }
0x139: {  	v30 =	vld [tilespmem:$0x115B0];
	[tilespmem:$0x151A0] =	vst v3;
	v3 =	vmul.f32 v28, v33  }
0x13a: {  	v45 =	vld [tilespmem:$0x11320];
	v28 =	vmul.f32 v23, v22;
	[tilespmem:$0x15510] =	vst v25  }
0x13b: {  	[tilespmem:$0x15200] =	vst v3;
	v3 =	vmul.f32 v31, v33;
	v33 =	vld [tilespmem:$0x11610]  }
0x13c: {  	v42 =	vld [tilespmem:$0x11300];
	[tilespmem:$0x15530] =	vst v28;
	v32 =	vmul.f32 v26, v29  }
0x13d: {  	v37 =	vld [tilespmem:$0x11630];
	[tilespmem:$0x15220] =	vst v3;
	v3 =	vmul.f32 v35, v40  }
0x13e: {  	v49 =	vld [tilespmem:$0x11380];
	v35 =	vmul.f32 v30, v29;
	[tilespmem:$0x15590] =	vst v32  }
0x13f: {  	[tilespmem:$0x15280] =	vst v3;
	v3 =	vmul.f32 v38, v40;
	v40 =	vld [tilespmem:$0x11690]  }
0x140: {  	v44 =	vld [tilespmem:$0x116B0];
	[tilespmem:$0x155B0] =	vst v35;
	v39 =	vmul.f32 v33, v36  }
0x141: {  	v52 =	vld [tilespmem:$0x113A0];
	[tilespmem:$0x152A0] =	vst v3;
	v3 =	vmul.f32 v42, v47  }
0x142: {  	v56 =	vld [tilespmem:$0x11400];
	v42 =	vmul.f32 v37, v36;
	[tilespmem:$0x15610] =	vst v39  }
0x143: {  	[tilespmem:$0x15300] =	vst v3;
	v3 =	vmul.f32 v45, v47;
	v47 =	vld [tilespmem:$0x11710]  }
0x144: {  	v2 =	vld [tilespmem:s19+$0xFFFFFFF0];
	[tilespmem:$0x15630] =	vst v42;
	v46 =	vmul.f32 v40, v43  }
0x145: {  	v51 =	vld [tilespmem:$0x11730];
	[tilespmem:$0x15320] =	vst v3;
	v3 =	vmul.f32 v49, v54  }
0x146: {  	v19 =	vld [tilespmem:$0x118A0];
	v49 =	vmul.f32 v44, v43;
	[tilespmem:$0x15690] =	vst v46  }
0x147: {  	[tilespmem:$0x15380] =	vst v3;
	v3 =	vmul.f32 v52, v54  }
0x148: {  	v59 =	vld [tilespmem:$0x11420];
	[tilespmem:$0x156B0] =	vst v49;
	v53 =	vmul.f32 v47, v50  }
0x149: {  	v21 =	vbroadcast v2, $0x1;
	[tilespmem:$0x153A0] =	vst v3;
	v3 =	vmul.f32 v56, v61  }
0x14a: {  	v56 =	vmul.f32 v51, v50;
	[tilespmem:$0x15710] =	vst v53  }
0x14b: {  	v63 =	vld [tilespmem:$0x11480];
	v26 =	vmul.f32 v19, v21;
	[tilespmem:$0x15400] =	vst v3  }
0x14c: {  	v13 =	vld [tilespmem:$0x114A0];
	[tilespmem:$0x15730] =	vst v56  }
0x14d: {  	v28 =	vbroadcast v2, $0x2;
	v3 =	vmul.f32 v59, v61;
	v59 =	vld [tilespmem:s18+$0xFFFFFFF0];
	[tilespmem:$0x158A0] =	vst v26  }
0x14e: {  	[tilespmem:$0x158C0] =	vst v21  }
0x14f: {  	v17 =	vld [tilespmem:$0x11500];
	v35 =	vbroadcast v2, $0x3;
	[tilespmem:$0x15940] =	vst v28  }
0x150: {  	[tilespmem:$0x15420] =	vst v3;
	v3 =	vmul.f32 v63, v15  }
0x151: {  	v20 =	vld [tilespmem:$0x11520];
	v42 =	vbroadcast v2, $0x4;
	[tilespmem:$0x159C0] =	vst v35  }
0x152: {  	v54 =	vld [tilespmem:$0x11790];
	[tilespmem:$0x15480] =	vst v3;
	v3 =	vmul.f32 v13, v15  }
0x153: {  	v24 =	vld [tilespmem:$0x11580];
	v49 =	vbroadcast v2, $0x5;
	[tilespmem:$0x15A40] =	vst v42  }
0x154: {  	v58 =	vld [tilespmem:$0x117B0];
	[tilespmem:$0x154A0] =	vst v3;
	v3 =	vmul.f32 v17, v22  }
0x155: {  	v27 =	vld [tilespmem:$0x115A0];
	v56 =	vbroadcast v2, $0x6;
	[tilespmem:$0x15AC0] =	vst v49  }
0x156: {  	[tilespmem:$0x15500] =	vst v3;
	v3 =	vmul.f32 v20, v22  }
0x157: {  	v31 =	vld [tilespmem:$0x11600];
	v60 =	vmul.f32 v54, v57;
	[tilespmem:$0x15B40] =	vst v56  }
0x158: {  	v34 =	vld [tilespmem:$0x11620];
	[tilespmem:$0x15520] =	vst v3;
	v3 =	vmul.f32 v24, v29  }
0x159: {  	v41 =	vld [tilespmem:$0x116A0];
	v63 =	vmul.f32 v58, v57;
	[tilespmem:$0x15790] =	vst v60  }
0x15a: {  	v53 =	vld [tilespmem:$0x11B10];
	[tilespmem:$0x15580] =	vst v3;
	v3 =	vmul.f32 v27, v29  }
0x15b: {  	v38 =	vld [tilespmem:$0x11680];
	[tilespmem:$0x157B0] =	vst v63  }
0x15c: {  	v15 =	vld [tilespmem:$0x11880];
	v4 =	vadd.s32 v0, v59;
	[tilespmem:$0x155A0] =	vst v3;
	v3 =	vmul.f32 v31, v36  }
0x15d: {  	v48 =	vld [tilespmem:$0x11720];
	v63 =	vbroadcast v2, $0x7;
	[tilespmem:$0x19030] =	vst v4  }
0x15e: {  	v25 =	vld [tilespmem:$0x11910];
	[tilespmem:$0x15600] =	vst v3;
	v3 =	vmul.f32 v34, v36  }
0x15f: {  	v45 =	vld [tilespmem:$0x11700];
	v59 =	vmul.f32 v53, v56;
	[tilespmem:$0x15BC0] =	vst v63  }
0x160: {  	v62 =	vld [tilespmem:$0x11810];
	[tilespmem:$0x15620] =	vst v3;
	v3 =	vmul.f32 v38, v43  }
0x161: {  	v55 =	vld [tilespmem:$0x117A0];
	[tilespmem:$0x15B10] =	vst v59;
	v23 =	vmul.f32 v15, v21  }
0x162: {  	v26 =	vld [tilespmem:$0x11CB0];
	[tilespmem:$0x15680] =	vst v3;
	v3 =	vmul.f32 v41, v43  }
0x163: {  	v52 =	vld [tilespmem:$0x11780];
	[tilespmem:$0x15880] =	vst v23;
	v31 =	vmul.f32 v25, v28  }
0x164: {  	v29 =	vld [tilespmem:$0x11930];
	[tilespmem:$0x156A0] =	vst v3;
	v3 =	vmul.f32 v45, v50  }
0x165: {  	v12 =	vld [tilespmem:$0x11820];
	v25 =	vbroadcast v2, $0x9;
	[tilespmem:$0x15910] =	vst v31  }
0x166: {  	v32 =	vld [tilespmem:$0x11990];
	[tilespmem:$0x15700] =	vst v3;
	v3 =	vmul.f32 v48, v50  }
0x167: {  	v39 =	vld [tilespmem:$0x11A10];
	v31 =	vmul.f32 v26, v25;
	[tilespmem:$0x15CC0] =	vst v25  }
0x168: {  	v36 =	vld [tilespmem:$0x119B0];
	[tilespmem:$0x15720] =	vst v3;
	v3 =	vmul.f32 v52, v57  }
0x169: {  	v61 =	vld [tilespmem:$0x11800];
	v34 =	vmul.f32 v29, v28;
	[tilespmem:$0x15CB0] =	vst v31  }
0x16a: {  	v13 =	vld [tilespmem:$0x11830];
	[tilespmem:$0x15780] =	vst v3;
	v3 =	vmul.f32 v55, v57  }
0x16b: {  	v17 =	vld [tilespmem:$0x11890];
	v38 =	vmul.f32 v32, v35;
	[tilespmem:$0x15930] =	vst v34  }
0x16c: {  	v32 =	vbroadcast v2, $0xA;
	[tilespmem:$0x157A0] =	vst v3;
	v3 =	vbroadcast v2, $0x0  }
0x16d: {  	v22 =	vld [tilespmem:$0x118B0];
	[tilespmem:$0x15990] =	vst v38;
	v41 =	vmul.f32 v36, v35  }
0x16e: {  	v43 =	vld [tilespmem:$0x11A30];
	[tilespmem:$0x15D40] =	vst v32;
	v45 =	vmul.f32 v39, v42;
	v14 =	vmul.f32 v61, v3  }
0x16f: {  	v24 =	vld [tilespmem:$0x11900];
	[tilespmem:$0x159B0] =	vst v41;
	v16 =	vmul.f32 v62, v3;
	v18 =	vmul.f32 v12, v3  }
0x170: {  	v46 =	vld [tilespmem:$0x11A90];
	v20 =	vmul.f32 v13, v3;
	[tilespmem:$0x15840] =	vst v3;
	v3 =	vmul.f32 v17, v21  }
0x171: {  	v27 =	vld [tilespmem:$0x11920];
	v39 =	vbroadcast v2, $0xB;
	[tilespmem:$0x15A10] =	vst v45  }
0x172: {  	[tilespmem:$0x15890] =	vst v3;
	v3 =	vmul.f32 v22, v21  }
0x173: {  	v30 =	vld [tilespmem:$0x11980];
	[tilespmem:$0x15DC0] =	vst v39;
	v48 =	vmul.f32 v43, v42  }
0x174: {  	v50 =	vld [tilespmem:$0x11AB0];
	[tilespmem:$0x158B0] =	vst v3;
	v3 =	vmul.f32 v24, v28  }
0x175: {  	v33 =	vld [tilespmem:$0x119A0];
	v52 =	vmul.f32 v46, v49;
	[tilespmem:$0x15A30] =	vst v48  }
0x176: {  	[tilespmem:$0x15900] =	vst v3;
	v3 =	vmul.f32 v27, v28  }
0x177: {  	v37 =	vld [tilespmem:$0x11A00];
	v46 =	vbroadcast v2, $0xC;
	[tilespmem:$0x15A90] =	vst v52  }
0x178: {  	v43 =	vld [tilespmem:$0x11E10];
	[tilespmem:$0x15920] =	vst v3;
	v3 =	vmul.f32 v30, v35  }
0x179: {  	v40 =	vld [tilespmem:$0x11A20];
	[tilespmem:$0x15E40] =	vst v46;
	v55 =	vmul.f32 v50, v49  }
0x17a: {  	[tilespmem:$0x15980] =	vst v3;
	v3 =	vmul.f32 v33, v35  }
0x17b: {  	v44 =	vld [tilespmem:$0x11A80];
	v50 =	vbroadcast v2, $0xD;
	[tilespmem:$0x15AB0] =	vst v55  }
0x17c: {  	[tilespmem:$0x159A0] =	vst v3;
	v3 =	vmul.f32 v37, v42  }
0x17d: {  	v47 =	vld [tilespmem:$0x11AA0];
	v6 =	vmul.f32 v43, v46;
	[tilespmem:$0x15EC0] =	vst v50  }
0x17e: {  	[tilespmem:$0x15A00] =	vst v3;
	v3 =	vmul.f32 v40, v42  }
0x17f: {  	v51 =	vld [tilespmem:$0x11B00];
	v55 =	vbroadcast v2, $0xE;
	[tilespmem:$0x15E10] =	vst v6  }
0x180: {  	[tilespmem:$0x15A20] =	vst v3;
	v3 =	vmul.f32 v44, v49  }
0x181: {  	v54 =	vld [tilespmem:$0x11B20];
	[tilespmem:$0x15F40] =	vst v55  }
0x182: {  	[tilespmem:$0x15A80] =	vst v3;
	v3 =	vmul.f32 v47, v49  }
0x183: {  	v58 =	vld [tilespmem:$0x11B80];
	[tilespmem:$0x15800] =	vst v14  }
0x184: {  	v48 =	vld [tilespmem:$0x11E80];
	[tilespmem:$0x15AA0] =	vst v3;
	v3 =	vmul.f32 v51, v56  }
0x185: {  	v61 =	vld [tilespmem:$0x11BA0];
	[tilespmem:$0x15810] =	vst v16  }
0x186: {  	v57 =	vld [tilespmem:$0x11B30];
	[tilespmem:$0x15B00] =	vst v3;
	v3 =	vmul.f32 v54, v56  }
0x187: {  	v13 =	vld [tilespmem:$0x11C00];
	[tilespmem:$0x15820] =	vst v18  }
0x188: {  	v53 =	vld [tilespmem:$0x11F10];
	[tilespmem:$0x15B20] =	vst v3;
	v3 =	vmul.f32 v58, v63  }
0x189: {  	v4 =	vmul.f32 v48, v50;
	[tilespmem:$0x15830] =	vst v20;
	v16 =	vld [tilespmem:$0x11C20]  }
0x18a: {  	v60 =	vld [tilespmem:$0x11B90];
	v18 =	vbroadcast v2, $0x8;
	[tilespmem:$0x15B80] =	vst v3;
	v3 =	vmul.f32 v61, v63  }
0x18b: {  	v62 =	vmul.f32 v57, v56;
	v20 =	vld [tilespmem:$0x11C80];
	[tilespmem:$0x15E80] =	vst v4  }
0x18c: {  	[tilespmem:$0x15BA0] =	vst v3;
	v3 =	vmul.f32 v13, v18  }
0x18d: {  	v23 =	vld [tilespmem:$0x11CA0];
	v8 =	vmul.f32 v53, v55;
	[tilespmem:$0x15B30] =	vst v62  }
0x18e: {  	[tilespmem:$0x15C00] =	vst v3;
	v3 =	vmul.f32 v16, v18  }
0x18f: {  	v14 =	vmul.f32 v60, v63;
	[tilespmem:$0x15F10] =	vst v8;
	v27 =	vld [tilespmem:$0x11D00]  }
0x190: {  	v15 =	vld [tilespmem:$0x11C10];
	[tilespmem:$0x15C20] =	vst v3;
	v3 =	vmul.f32 v20, v25  }
0x191: {  	[tilespmem:$0x15B90] =	vst v14;
	v30 =	vld [tilespmem:$0x11D20]  }
0x192: {  	v19 =	vld [tilespmem:$0x11C30];
	[tilespmem:$0x15C80] =	vst v3;
	v3 =	vmul.f32 v23, v25  }
0x193: {  	v34 =	vld [tilespmem:$0x11D80];
	v2 =	vbroadcast v2, $0xF;
	[tilespmem:$0x15C40] =	vst v18  }
0x194: {  	v12 =	vld [tilespmem:$0x11BB0];
	[tilespmem:$0x15CA0] =	vst v3;
	v3 =	vmul.f32 v27, v32  }
0x195: {  	v21 =	vmul.f32 v15, v18;
	[tilespmem:$0x15FC0] =	vst v2;
	v37 =	vld [tilespmem:$0x11DA0]  }
0x196: {  	v22 =	vld [tilespmem:$0x11C90];
	[tilespmem:$0x15D00] =	vst v3;
	v3 =	vmul.f32 v30, v32  }
0x197: {  	v41 =	vld [tilespmem:$0x11E00];
	v24 =	vmul.f32 v19, v18;
	[tilespmem:$0x15C10] =	vst v21  }
0x198: {  	v29 =	vld [tilespmem:$0x11D10];
	[tilespmem:$0x15D20] =	vst v3;
	v3 =	vmul.f32 v34, v39  }
0x199: {  	v36 =	vld [tilespmem:$0x11D90];
	v17 =	vmul.f32 v12, v63;
	[tilespmem:$0x15C30] =	vst v24  }
0x19a: {  	v33 =	vld [tilespmem:$0x11D30];
	[tilespmem:$0x15D80] =	vst v3;
	v3 =	vmul.f32 v37, v39  }
0x19b: {  	[tilespmem:$0x15BB0] =	vst v17;
	v28 =	vmul.f32 v22, v25;
	v40 =	vld [tilespmem:$0x11DB0]  }
0x19c: {  	v44 =	vld [tilespmem:$0x11E20];
	[tilespmem:$0x15DA0] =	vst v3;
	v3 =	vmul.f32 v41, v46  }
0x19d: {  	[tilespmem:$0x15C90] =	vst v28;
	v35 =	vmul.f32 v29, v32;
	v47 =	vld [tilespmem:$0x11E30]  }
0x19e: {  	v42 =	vmul.f32 v36, v39;
	[tilespmem:$0x15E00] =	vst v3;
	v3 =	vld [tilespmem:$0x11EA0]  }
0x19f: {  	[tilespmem:$0x15D10] =	vst v35;
	v38 =	vmul.f32 v33, v32;
	v49 =	vld [tilespmem:$0x11E90]  }
0x1a0: {  	v52 =	vld [tilespmem:$0x11F00];
	[tilespmem:$0x15D90] =	vst v42;
	v45 =	vmul.f32 v40, v39  }
0x1a1: {  	[tilespmem:$0x15D30] =	vst v38;
	v51 =	vld [tilespmem:$0x11EB0];
	v7 =	vmul.f32 v44, v46  }
0x1a2: {  	v57 =	vld [tilespmem:$0x11F80];
	[tilespmem:$0x15DB0] =	vst v45;
	v10 =	vmul.f32 v47, v46  }
0x1a3: {  	v60 =	vld [tilespmem:$0x11FB0];
	[tilespmem:$0x15E20] =	vst v7;
	v3 =	vmul.f32 v3, v50  }
0x1a4: {  	v54 =	vld [tilespmem:$0x11F20];
	v5 =	vmul.f32 v49, v50;
	[tilespmem:$0x15E30] =	vst v10  }
0x1a5: {  	v56 =	vld [tilespmem:$0x11F30];
	[tilespmem:$0x15EA0] =	vst v3;
	v3 =	vmul.f32 v52, v55  }
0x1a6: {  	v58 =	vld [tilespmem:$0x11F90];
	[tilespmem:$0x15E90] =	vst v5;
	v9 =	vmul.f32 v51, v50  }
0x1a7: {  	v61 =	vmul.f32 v57, v2;
	[tilespmem:$0x15F00] =	vst v3;
	v3 =	vld [tilespmem:$0x11FA0]  }
0x1a8: {  	v63 =	vmul.f32 v60, v2;
	[tilespmem:$0x15EB0] =	vst v9  }
0x1a9: {  	p1 =	sne.s32 s17, $0x7800;
	v4 =	vmul.f32 v54, v55;
	[tilespmem:$0x15F80] =	vst v61  }
.Ltmp1:
0x1aa: {  	v59 =	vmul.f32 v56, v55;
	[tilespmem:$0x15FB0] =	vst v63;
	(pc) =	sbr.rel @p1 .LBB2_6-.Ltmp1, $4  }
0x1ab: {  	[tilespmem:$0x15F20] =	vst v4;
	v62 =	vmul.f32 v58, v2  }
0x1ac: {  	[tilespmem:$0x15F30] =	vst v59;
	v3 =	vmul.f32 v3, v2  }
0x1ad: {  	[tilespmem:$0x15F90] =	vst v62  }
0x1ae: {  	[tilespmem:$0x15FA0] =	vst v3  }
.Ltmp2:
0x1af: {  	(pc) =	sbr.rel .LBB2_7-.Ltmp2, $2  }
0x1b0: {  	_ =	sdelay $0x2  }
0x1b1: {  	[spmem:s2] =	stream.indirect.scatter.add.f32 [tilespmem:s31], [sflag:$0x3], $0x80, s4, s28, $0xb8;
	[tilespmem:$0x19100] =	vst v63  }
.LBB2_6:
.Ltmp3:
0x1b2: {  	s7 =	sadd.s32 s17, s21;
	(pc) =	sbr.rel @p0 .LBB2_8-.Ltmp3, $4  }
0x1b3: {  	s7 =	sadd.s32 $0x800, s7  }
0x1b4: {  	[tilespmem:s29], [sflag:$0x1] =	stream.linear.gather [hbm4b:s7+s3], $0x2000, $0x38;
	[tilespmem:$0x19100] =	vst v63  }
0x1b5: {  	_ = 	snop  }
0x1b6: {  	[spmem:s2] =	stream.indirect.scatter.add.f32 [tilespmem:s31], [sflag:$0x3], $0x80, s4, s28, $0xb8;
	[tilespmem:$0x19100] =	vst v63  }
.LBB2_7:
0x1b7: {  	_ =	swait.ge [sflag:s1], $0x2000  }
0x1b8: {  	[sflag:s1] =	ssyncset.done $0x0  }
0x1b9: {  	[sflag:s1] =	ssyncadd.s32 $0xFFFFE000  }
.LBB2_8:
0x1ba: {  	_ =	swait.ge [sflag:s5], $0x2000  }
0x1bb: {  	[sflag:s5] =	ssyncset.done $0x0  }
0x1bc: {  	[sflag:s5] =	ssyncadd.s32 $0xFFFFE000  }
0x1bd: {  	v2 =	vld [tilespmem:s19+$0x0]  }
0x1be: {  	v3 =	vld [tilespmem:s18+$0x0];
	_ =	sdelay $0x4  }
0x1bf: {  	v7 =	vbroadcast v2, $0x0;
	v3 =	vadd.s32 v0, v3  }
0x1c0: {  	v49 =	vbroadcast v2, $0x1;
	[tilespmem:$0x19080] =	vst v3  }
0x1c1: {  	v54 =	vbroadcast v2, $0x2;
	[tilespmem:$0x16040] =	vst v7  }
0x1c2: {  	v61 =	vbroadcast v2, $0x3;
	[tilespmem:$0x160C0] =	vst v49  }
0x1c3: {  	v4 =	vld [tilespmem:$0x12000];
	v15 =	vbroadcast v2, $0x4;
	[tilespmem:$0x16140] =	vst v54  }
0x1c4: {  	v5 =	vld [tilespmem:$0x12010];
	v22 =	vbroadcast v2, $0x5;
	[tilespmem:$0x161C0] =	vst v61  }
0x1c5: {  	v6 =	vld [tilespmem:$0x12020];
	v29 =	vbroadcast v2, $0x6;
	[tilespmem:$0x16240] =	vst v15  }
0x1c6: {  	v8 =	vld [tilespmem:$0x12030];
	v36 =	vbroadcast v2, $0x7;
	[tilespmem:$0x162C0] =	vst v22  }
0x1c7: {  	v46 =	vld [tilespmem:$0x12090];
	v43 =	vbroadcast v2, $0x8;
	[tilespmem:$0x16340] =	vst v29  }
0x1c8: {  	v9 =	vld [tilespmem:$0x12080];
	v4 =	vmul.f32 v4, v7;
	[tilespmem:$0x163C0] =	vst v36  }
0x1c9: {  	v10 =	vld [tilespmem:$0x120B0];
	v3 =	vmul.f32 v5, v7;
	[tilespmem:$0x16440] =	vst v43  }
0x1ca: {  	v48 =	vld [tilespmem:$0x120A0];
	v47 =	vmul.f32 v6, v7;
	[tilespmem:$0x16000] =	vst v4  }
0x1cb: {  	v51 =	vld [tilespmem:$0x12110];
	[tilespmem:$0x16010] =	vst v3;
	v3 =	vmul.f32 v8, v7  }
0x1cc: {  	v50 =	vld [tilespmem:$0x12100];
	v5 =	vmul.f32 v46, v49;
	[tilespmem:$0x16020] =	vst v47  }
0x1cd: {  	v55 =	vld [tilespmem:$0x12130];
	[tilespmem:$0x16030] =	vst v3;
	v3 =	vmul.f32 v9, v49  }
0x1ce: {  	v52 =	vld [tilespmem:$0x12120];
	v53 =	vmul.f32 v10, v49;
	[tilespmem:$0x16090] =	vst v5  }
0x1cf: {  	v58 =	vld [tilespmem:$0x12190];
	[tilespmem:$0x16080] =	vst v3;
	v3 =	vmul.f32 v48, v49  }
0x1d0: {  	v56 =	vld [tilespmem:$0x12180];
	v57 =	vmul.f32 v51, v54;
	[tilespmem:$0x160B0] =	vst v53  }
0x1d1: {  	v62 =	vld [tilespmem:$0x121B0];
	[tilespmem:$0x160A0] =	vst v3;
	v3 =	vmul.f32 v50, v54  }
0x1d2: {  	v59 =	vld [tilespmem:$0x121A0];
	v60 =	vmul.f32 v55, v54;
	[tilespmem:$0x16110] =	vst v57  }
0x1d3: {  	v12 =	vld [tilespmem:$0x12210];
	[tilespmem:$0x16100] =	vst v3;
	v3 =	vmul.f32 v52, v54  }
0x1d4: {  	v63 =	vld [tilespmem:$0x12200];
	v11 =	vmul.f32 v58, v61;
	[tilespmem:$0x16130] =	vst v60  }
0x1d5: {  	v16 =	vld [tilespmem:$0x12230];
	[tilespmem:$0x16120] =	vst v3;
	v3 =	vmul.f32 v56, v61  }
0x1d6: {  	v13 =	vld [tilespmem:$0x12220];
	v14 =	vmul.f32 v62, v61;
	[tilespmem:$0x16190] =	vst v11  }
0x1d7: {  	v19 =	vld [tilespmem:$0x12290];
	[tilespmem:$0x16180] =	vst v3;
	v3 =	vmul.f32 v59, v61  }
0x1d8: {  	v17 =	vld [tilespmem:$0x12280];
	v18 =	vmul.f32 v12, v15;
	[tilespmem:$0x161B0] =	vst v14  }
0x1d9: {  	v23 =	vld [tilespmem:$0x122B0];
	[tilespmem:$0x161A0] =	vst v3;
	v3 =	vmul.f32 v63, v15  }
0x1da: {  	v20 =	vld [tilespmem:$0x122A0];
	v21 =	vmul.f32 v16, v15;
	[tilespmem:$0x16210] =	vst v18  }
0x1db: {  	v26 =	vld [tilespmem:$0x12310];
	[tilespmem:$0x16200] =	vst v3;
	v3 =	vmul.f32 v13, v15  }
0x1dc: {  	v24 =	vld [tilespmem:$0x12300];
	v25 =	vmul.f32 v19, v22;
	[tilespmem:$0x16230] =	vst v21  }
0x1dd: {  	v30 =	vld [tilespmem:$0x12330];
	[tilespmem:$0x16220] =	vst v3;
	v3 =	vmul.f32 v17, v22  }
0x1de: {  	v27 =	vld [tilespmem:$0x12320];
	v28 =	vmul.f32 v23, v22;
	[tilespmem:$0x16290] =	vst v25  }
0x1df: {  	v33 =	vld [tilespmem:$0x12390];
	[tilespmem:$0x16280] =	vst v3;
	v3 =	vmul.f32 v20, v22  }
0x1e0: {  	v31 =	vld [tilespmem:$0x12380];
	v32 =	vmul.f32 v26, v29;
	[tilespmem:$0x162B0] =	vst v28  }
0x1e1: {  	v37 =	vld [tilespmem:$0x123B0];
	[tilespmem:$0x162A0] =	vst v3;
	v3 =	vmul.f32 v24, v29  }
0x1e2: {  	v34 =	vld [tilespmem:$0x123A0];
	v35 =	vmul.f32 v30, v29;
	[tilespmem:$0x16310] =	vst v32  }
0x1e3: {  	v40 =	vld [tilespmem:$0x12410];
	[tilespmem:$0x16300] =	vst v3;
	v3 =	vmul.f32 v27, v29  }
0x1e4: {  	v38 =	vld [tilespmem:$0x12400];
	v39 =	vmul.f32 v33, v36;
	[tilespmem:$0x16330] =	vst v35  }
0x1e5: {  	v44 =	vld [tilespmem:$0x12430];
	[tilespmem:$0x16320] =	vst v3;
	v3 =	vmul.f32 v31, v36  }
0x1e6: {  	v41 =	vld [tilespmem:$0x12420];
	v42 =	vmul.f32 v37, v36;
	[tilespmem:$0x16390] =	vst v39  }
0x1e7: {  	v47 =	vld [tilespmem:$0x12490];
	[tilespmem:$0x16380] =	vst v3;
	v3 =	vmul.f32 v34, v36  }
0x1e8: {  	v45 =	vld [tilespmem:$0x12480];
	v46 =	vmul.f32 v40, v43;
	[tilespmem:$0x163B0] =	vst v42  }
0x1e9: {  	[tilespmem:$0x163A0] =	vst v3;
	v3 =	vmul.f32 v38, v43  }
0x1ea: {  	[tilespmem:$0x16410] =	vst v46;
	v48 =	vmul.f32 v44, v43;
	v49 =	vbroadcast v2, $0x9  }
0x1eb: {  	[tilespmem:$0x16400] =	vst v3;
	v3 =	vmul.f32 v41, v43  }
0x1ec: {  	[tilespmem:$0x16430] =	vst v48;
	v50 =	vmul.f32 v47, v49  }
0x1ed: {  	[tilespmem:$0x16420] =	vst v3;
	v3 =	vmul.f32 v45, v49  }
0x1ee: {  	[tilespmem:$0x16490] =	vst v50  }
0x1ef: {  	v55 =	vbroadcast v2, $0xA;
	[tilespmem:$0x16480] =	vst v3  }
0x1f0: {  	v62 =	vbroadcast v2, $0xB;
	v3 =	vld [tilespmem:$0x124A0];
	[tilespmem:$0x164C0] =	vst v49  }
0x1f1: {  	v17 =	vbroadcast v2, $0xC;
	v51 =	vld [tilespmem:$0x124B0];
	[tilespmem:$0x16540] =	vst v55  }
0x1f2: {  	v24 =	vbroadcast v2, $0xD;
	v53 =	vld [tilespmem:$0x12510];
	[tilespmem:$0x165C0] =	vst v62  }
0x1f3: {  	v31 =	vbroadcast v2, $0xE;
	v56 =	vld [tilespmem:$0x12530];
	[tilespmem:$0x16640] =	vst v17  }
0x1f4: {  	v38 =	vbroadcast v2, $0xF;
	v59 =	vld [tilespmem:$0x12590];
	[tilespmem:$0x166C0] =	vst v24  }
0x1f5: {  	v63 =	vld [tilespmem:$0x125B0];
	[tilespmem:$0x16740] =	vst v31;
	v3 =	vmul.f32 v3, v49  }
0x1f6: {  	v14 =	vld [tilespmem:$0x12610];
	[tilespmem:$0x167C0] =	vst v38;
	v4 =	vmul.f32 v51, v49  }
0x1f7: {  	v18 =	vld [tilespmem:$0x12630];
	v58 =	vmul.f32 v53, v55;
	[tilespmem:$0x164A0] =	vst v3  }
0x1f8: {  	v21 =	vld [tilespmem:$0x12690];
	v61 =	vmul.f32 v56, v55;
	[tilespmem:$0x164B0] =	vst v4  }
0x1f9: {  	v25 =	vld [tilespmem:$0x126B0];
	v13 =	vmul.f32 v59, v62;
	[tilespmem:$0x16510] =	vst v58  }
0x1fa: {  	v28 =	vld [tilespmem:$0x12710];
	v16 =	vmul.f32 v63, v62;
	[tilespmem:$0x16530] =	vst v61  }
0x1fb: {  	v32 =	vld [tilespmem:$0x12730];
	v20 =	vmul.f32 v14, v17;
	[tilespmem:$0x16590] =	vst v13  }
0x1fc: {  	v35 =	vld [tilespmem:$0x12790];
	v23 =	vmul.f32 v18, v17;
	[tilespmem:$0x165B0] =	vst v16  }
0x1fd: {  	v39 =	vld [tilespmem:$0x127B0];
	v27 =	vmul.f32 v21, v24;
	[tilespmem:$0x16610] =	vst v20  }
0x1fe: {  	v52 =	vld [tilespmem:$0x12500];
	v30 =	vmul.f32 v25, v24;
	[tilespmem:$0x16630] =	vst v23  }
0x1ff: {  	v40 =	vld [tilespmem:s18+$0x10];
	v34 =	vmul.f32 v28, v31;
	[tilespmem:$0x16690] =	vst v27  }
0x200: {  	v2 =	vld [tilespmem:s19+$0x10];
	v37 =	vmul.f32 v32, v31;
	[tilespmem:$0x166B0] =	vst v30  }
0x201: {  	v41 =	vmul.f32 v35, v38;
	[tilespmem:$0x16710] =	vst v34  }
0x202: {  	v44 =	vmul.f32 v39, v38;
	[tilespmem:$0x16730] =	vst v37  }
0x203: {  	[tilespmem:$0x16790] =	vst v41  }
0x204: {  	v3 =	vmul.f32 v52, v55;
	[tilespmem:$0x167B0] =	vst v44;
	v4 =	vadd.s32 v0, v40  }
0x205: {  	v61 =	vbroadcast v2, $0x2;
	[tilespmem:$0x19090] =	vst v4  }
0x206: {  	v54 =	vld [tilespmem:$0x12520];
	v16 =	vbroadcast v2, $0x3;
	[tilespmem:$0x16500] =	vst v3  }
0x207: {  	v23 =	vbroadcast v2, $0x4;
	[tilespmem:$0x16940] =	vst v61  }
0x208: {  	v57 =	vld [tilespmem:$0x12580];
	v30 =	vbroadcast v2, $0x5;
	[tilespmem:$0x169C0] =	vst v16  }
0x209: {  	v48 =	vld [tilespmem:$0x12880];
	v37 =	vbroadcast v2, $0x6;
	[tilespmem:$0x16A40] =	vst v23  }
0x20a: {  	v52 =	vld [tilespmem:$0x128A0];
	v44 =	vbroadcast v2, $0x7;
	[tilespmem:$0x16AC0] =	vst v30  }
0x20b: {  	v34 =	vld [tilespmem:$0x12B10];
	v3 =	vmul.f32 v54, v55;
	[tilespmem:$0x16B40] =	vst v37  }
0x20c: {  	v60 =	vld [tilespmem:$0x125A0];
	v54 =	vbroadcast v2, $0x1;
	[tilespmem:$0x16BC0] =	vst v44  }
0x20d: {  	[tilespmem:$0x16520] =	vst v3;
	v3 =	vmul.f32 v57, v62  }
0x20e: {  	v12 =	vld [tilespmem:$0x12600];
	v56 =	vmul.f32 v48, v54;
	[tilespmem:$0x168C0] =	vst v54  }
0x20f: {  	v58 =	vld [tilespmem:$0x12910];
	v59 =	vmul.f32 v52, v54;
	[tilespmem:$0x16580] =	vst v3  }
0x210: {  	v40 =	vmul.f32 v34, v37;
	[tilespmem:$0x16880] =	vst v56  }
0x211: {  	v15 =	vld [tilespmem:$0x12620];
	v3 =	vmul.f32 v60, v62;
	[tilespmem:$0x168A0] =	vst v59  }
0x212: {  	v34 =	vbroadcast v2, $0xD;
	v62 =	vld [tilespmem:$0x12930];
	[tilespmem:$0x16B10] =	vst v40  }
0x213: {  	v19 =	vld [tilespmem:$0x12680];
	[tilespmem:$0x165A0] =	vst v3;
	v3 =	vmul.f32 v12, v17  }
0x214: {  	v13 =	vld [tilespmem:$0x12990];
	[tilespmem:$0x16EC0] =	vst v34;
	v12 =	vmul.f32 v58, v61  }
0x215: {  	v59 =	vld [tilespmem:$0x12CB0];
	v58 =	vbroadcast v2, $0x9;
	[tilespmem:$0x16600] =	vst v3  }
0x216: {  	v3 =	vmul.f32 v15, v17;
	[tilespmem:$0x16910] =	vst v12  }
0x217: {  	v22 =	vld [tilespmem:$0x126A0];
	[tilespmem:$0x16CC0] =	vst v58;
	v15 =	vmul.f32 v62, v61  }
0x218: {  	v17 =	vld [tilespmem:$0x129B0];
	[tilespmem:$0x16620] =	vst v3;
	v3 =	vmul.f32 v19, v24  }
0x219: {  	v26 =	vld [tilespmem:$0x12700];
	v19 =	vmul.f32 v13, v16;
	[tilespmem:$0x16930] =	vst v15  }
0x21a: {  	v20 =	vld [tilespmem:$0x12A10];
	v12 =	vmul.f32 v59, v58;
	[tilespmem:$0x16680] =	vst v3  }
0x21b: {  	v13 =	vbroadcast v2, $0xA;
	[tilespmem:$0x16990] =	vst v19  }
0x21c: {  	v29 =	vld [tilespmem:$0x12720];
	v3 =	vmul.f32 v22, v24;
	[tilespmem:$0x16CB0] =	vst v12  }
0x21d: {  	v24 =	vld [tilespmem:$0x12A30];
	[tilespmem:$0x16D40] =	vst v13;
	v22 =	vmul.f32 v17, v16  }
0x21e: {  	v33 =	vld [tilespmem:$0x12780];
	[tilespmem:$0x166A0] =	vst v3;
	v3 =	vmul.f32 v26, v31  }
0x21f: {  	v27 =	vld [tilespmem:$0x12A90];
	v26 =	vmul.f32 v20, v23;
	[tilespmem:$0x169B0] =	vst v22  }
0x220: {  	v36 =	vld [tilespmem:$0x127A0];
	v20 =	vbroadcast v2, $0xB;
	[tilespmem:$0x16700] =	vst v3  }
0x221: {  	v3 =	vmul.f32 v29, v31;
	[tilespmem:$0x16A10] =	vst v26  }
0x222: {  	v31 =	vld [tilespmem:$0x12AB0];
	[tilespmem:$0x16DC0] =	vst v20;
	v29 =	vmul.f32 v24, v23  }
0x223: {  	[tilespmem:$0x16720] =	vst v3;
	v3 =	vmul.f32 v33, v38  }
0x224: {  	v42 =	vld [tilespmem:$0x12800];
	v33 =	vmul.f32 v27, v30;
	[tilespmem:$0x16A30] =	vst v29  }
0x225: {  	v43 =	vld [tilespmem:$0x12810];
	[tilespmem:$0x16780] =	vst v3;
	v3 =	vmul.f32 v36, v38  }
0x226: {  	v45 =	vld [tilespmem:$0x12820];
	v27 =	vbroadcast v2, $0xC;
	[tilespmem:$0x16A90] =	vst v33  }
0x227: {  	v46 =	vld [tilespmem:$0x12830];
	v36 =	vmul.f32 v31, v30;
	[tilespmem:$0x167A0] =	vst v3;
	v3 =	vbroadcast v2, $0x0  }
0x228: {  	v50 =	vld [tilespmem:$0x12890];
	[tilespmem:$0x16E40] =	vst v27  }
0x229: {  	v38 =	vld [tilespmem:$0x12B30];
	[tilespmem:$0x16AB0] =	vst v36;
	v47 =	vmul.f32 v42, v3  }
0x22a: {  	v55 =	vld [tilespmem:$0x128B0];
	v49 =	vmul.f32 v43, v3;
	[tilespmem:$0x16840] =	vst v3  }
0x22b: {  	v41 =	vld [tilespmem:$0x12B90];
	v51 =	vmul.f32 v45, v3;
	[tilespmem:$0x16800] =	vst v47  }
0x22c: {  	v53 =	vmul.f32 v46, v3;
	[tilespmem:$0x16810] =	vst v49  }
0x22d: {  	v3 =	vmul.f32 v50, v54;
	[tilespmem:$0x16820] =	vst v51  }
0x22e: {  	v57 =	vld [tilespmem:$0x12900];
	v43 =	vmul.f32 v38, v37;
	[tilespmem:$0x16830] =	vst v53  }
0x22f: {  	v48 =	vld [tilespmem:$0x12C10];
	[tilespmem:$0x16890] =	vst v3;
	v3 =	vmul.f32 v55, v54  }
0x230: {  	v52 =	vld [tilespmem:$0x12C30];
	v47 =	vmul.f32 v41, v44;
	[tilespmem:$0x16B30] =	vst v43  }
0x231: {  	v51 =	vbroadcast v2, $0x8;
	[tilespmem:$0x168B0] =	vst v3  }
0x232: {  	v45 =	vld [tilespmem:$0x12BB0];
	v41 =	vbroadcast v2, $0xE;
	[tilespmem:$0x16B90] =	vst v47  }
0x233: {  	v60 =	vld [tilespmem:$0x12920];
	v3 =	vmul.f32 v57, v61;
	[tilespmem:$0x16C40] =	vst v51  }
0x234: {  	v55 =	vld [tilespmem:$0x12C90];
	v54 =	vmul.f32 v48, v51;
	[tilespmem:$0x16F40] =	vst v41  }
0x235: {  	v63 =	vld [tilespmem:$0x12980];
	v57 =	vmul.f32 v52, v51;
	[tilespmem:$0x16900] =	vst v3  }
0x236: {  	v48 =	vbroadcast v2, $0xF;
	v2 =	vld [tilespmem:s19+$0x20];
	[tilespmem:$0x16C10] =	vst v54  }
0x237: {  	v14 =	vld [tilespmem:$0x129A0];
	v50 =	vmul.f32 v45, v44;
	[tilespmem:$0x16C30] =	vst v57  }
0x238: {  	v62 =	vld [tilespmem:$0x12D10];
	v3 =	vmul.f32 v60, v61;
	[tilespmem:$0x16FC0] =	vst v48  }
0x239: {  	v18 =	vld [tilespmem:$0x12A00];
	[tilespmem:$0x16BB0] =	vst v50;
	v61 =	vmul.f32 v55, v58  }
0x23a: {  	v21 =	vld [tilespmem:$0x12A20];
	[tilespmem:$0x16920] =	vst v3;
	v3 =	vmul.f32 v63, v16  }
0x23b: {  	v50 =	vld [tilespmem:s18+$0x20];
	[tilespmem:$0x16C90] =	vst v61;
	v12 =	vbroadcast v2, $0x1  }
0x23c: {  	v17 =	vld [tilespmem:$0x12D90];
	[tilespmem:$0x16980] =	vst v3;
	v3 =	vmul.f32 v14, v16  }
0x23d: {  	v14 =	vld [tilespmem:$0x12D30];
	v16 =	vmul.f32 v62, v13;
	[tilespmem:$0x170C0] =	vst v12  }
0x23e: {  	v62 =	vld [tilespmem:$0x130A0];
	[tilespmem:$0x169A0] =	vst v3;
	v3 =	vmul.f32 v18, v23  }
0x23f: {  	v25 =	vld [tilespmem:$0x12A80];
	[tilespmem:$0x16D10] =	vst v16  }
0x240: {  	v4 =	vadd.s32 v0, v50;
	[tilespmem:$0x16A00] =	vst v3;
	v3 =	vmul.f32 v21, v23  }
0x241: {  	v28 =	vld [tilespmem:$0x12AA0];
	[tilespmem:$0x190A0] =	vst v4;
	v23 =	vmul.f32 v17, v20  }
0x242: {  	v24 =	vld [tilespmem:$0x12E10];
	v19 =	vmul.f32 v14, v13;
	[tilespmem:$0x16A20] =	vst v3  }
0x243: {  	v21 =	vld [tilespmem:$0x12DB0];
	v17 =	vmul.f32 v62, v12;
	[tilespmem:$0x16D90] =	vst v23  }
0x244: {  	v32 =	vld [tilespmem:$0x12B00];
	v3 =	vmul.f32 v25, v30;
	[tilespmem:$0x16D30] =	vst v19  }
0x245: {  	v19 =	vbroadcast v2, $0x2;
	[tilespmem:$0x170A0] =	vst v17  }
0x246: {  	v35 =	vld [tilespmem:$0x12B20];
	[tilespmem:$0x16A80] =	vst v3;
	v3 =	vmul.f32 v28, v30  }
0x247: {  	v31 =	vld [tilespmem:$0x12E90];
	v30 =	vmul.f32 v24, v27;
	[tilespmem:$0x17140] =	vst v19  }
0x248: {  	v28 =	vld [tilespmem:$0x12E30];
	v26 =	vmul.f32 v21, v20;
	[tilespmem:$0x16AA0] =	vst v3  }
0x249: {  	v39 =	vld [tilespmem:$0x12B80];
	v3 =	vmul.f32 v32, v37;
	[tilespmem:$0x16E10] =	vst v30  }
0x24a: {  	[tilespmem:$0x16DB0] =	vst v26;
	v26 =	vbroadcast v2, $0x3  }
0x24b: {  	v42 =	vld [tilespmem:$0x12BA0];
	[tilespmem:$0x16B00] =	vst v3;
	v3 =	vmul.f32 v35, v37  }
0x24c: {  	v38 =	vld [tilespmem:$0x12F10];
	v37 =	vmul.f32 v31, v34;
	[tilespmem:$0x171C0] =	vst v26  }
0x24d: {  	v35 =	vld [tilespmem:$0x12EB0];
	v33 =	vmul.f32 v28, v27;
	[tilespmem:$0x16B20] =	vst v3  }
0x24e: {  	v46 =	vld [tilespmem:$0x12C00];
	v3 =	vmul.f32 v39, v44;
	[tilespmem:$0x16E90] =	vst v37  }
0x24f: {  	[tilespmem:$0x16E30] =	vst v33;
	v33 =	vbroadcast v2, $0x4  }
0x250: {  	v49 =	vld [tilespmem:$0x12C20];
	[tilespmem:$0x16B80] =	vst v3;
	v3 =	vmul.f32 v42, v44  }
0x251: {  	v45 =	vld [tilespmem:$0x12F90];
	v44 =	vmul.f32 v38, v41;
	[tilespmem:$0x17240] =	vst v33  }
0x252: {  	v42 =	vld [tilespmem:$0x12F30];
	v40 =	vmul.f32 v35, v34;
	[tilespmem:$0x16BA0] =	vst v3  }
0x253: {  	v53 =	vld [tilespmem:$0x12C80];
	v3 =	vmul.f32 v46, v51;
	[tilespmem:$0x16F10] =	vst v44  }
0x254: {  	[tilespmem:$0x16EB0] =	vst v40;
	v40 =	vbroadcast v2, $0x5  }
0x255: {  	v56 =	vld [tilespmem:$0x12CA0];
	[tilespmem:$0x16C00] =	vst v3;
	v3 =	vmul.f32 v49, v51  }
0x256: {  	v49 =	vld [tilespmem:$0x12FB0];
	v51 =	vmul.f32 v45, v48;
	[tilespmem:$0x172C0] =	vst v40  }
0x257: {  	v60 =	vld [tilespmem:$0x12D00];
	v47 =	vmul.f32 v42, v41;
	[tilespmem:$0x16C20] =	vst v3  }
0x258: {  	v44 =	vld [tilespmem:$0x13310];
	v3 =	vmul.f32 v53, v58;
	[tilespmem:$0x16F90] =	vst v51  }
0x259: {  	v63 =	vld [tilespmem:$0x12D20];
	[tilespmem:$0x16F30] =	vst v47;
	v47 =	vbroadcast v2, $0x6  }
0x25a: {  	[tilespmem:$0x16C80] =	vst v3;
	v3 =	vmul.f32 v56, v58  }
0x25b: {  	v15 =	vld [tilespmem:$0x12D80];
	v54 =	vmul.f32 v49, v48;
	[tilespmem:$0x17340] =	vst v47  }
0x25c: {  	[tilespmem:$0x16CA0] =	vst v3;
	v3 =	vmul.f32 v60, v13  }
0x25d: {  	v18 =	vld [tilespmem:$0x12DA0];
	v50 =	vmul.f32 v44, v47;
	[tilespmem:$0x16FB0] =	vst v54  }
0x25e: {  	v58 =	vld [tilespmem:$0x13080];
	[tilespmem:$0x16D00] =	vst v3;
	v3 =	vmul.f32 v63, v13  }
0x25f: {  	v22 =	vld [tilespmem:$0x12E00];
	[tilespmem:$0x17310] =	vst v50;
	v54 =	vbroadcast v2, $0x7  }
0x260: {  	v16 =	vld [tilespmem:$0x13110];
	[tilespmem:$0x16D20] =	vst v3;
	v3 =	vmul.f32 v15, v20  }
0x261: {  	v25 =	vld [tilespmem:$0x12E20];
	v50 =	vbroadcast v2, $0xE;
	[tilespmem:$0x173C0] =	vst v54  }
0x262: {  	[tilespmem:$0x16D80] =	vst v3;
	v3 =	vmul.f32 v18, v20  }
0x263: {  	v14 =	vmul.f32 v58, v12;
	[tilespmem:$0x17740] =	vst v50;
	v20 =	vld [tilespmem:$0x13130]  }
0x264: {  	v29 =	vld [tilespmem:$0x12E80];
	[tilespmem:$0x16DA0] =	vst v3;
	v3 =	vmul.f32 v22, v27  }
0x265: {  	v23 =	vld [tilespmem:$0x13190];
	[tilespmem:$0x17080] =	vst v14;
	v22 =	vmul.f32 v16, v19  }
0x266: {  	v32 =	vld [tilespmem:$0x12EA0];
	[tilespmem:$0x16E00] =	vst v3;
	v3 =	vmul.f32 v25, v27  }
0x267: {  	[tilespmem:$0x17110] =	vst v22;
	v22 =	vbroadcast v2, $0xA  }
0x268: {  	v27 =	vld [tilespmem:$0x131B0];
	v25 =	vmul.f32 v20, v19;
	[tilespmem:$0x16E20] =	vst v3  }
0x269: {  	v36 =	vld [tilespmem:$0x12F00];
	v3 =	vmul.f32 v29, v34;
	[tilespmem:$0x17540] =	vst v22  }
0x26a: {  	v30 =	vld [tilespmem:$0x13210];
	v29 =	vmul.f32 v23, v26;
	[tilespmem:$0x17130] =	vst v25  }
0x26b: {  	v39 =	vld [tilespmem:$0x12F20];
	[tilespmem:$0x16E80] =	vst v3;
	v3 =	vmul.f32 v32, v34  }
0x26c: {  	[tilespmem:$0x17190] =	vst v29;
	v29 =	vbroadcast v2, $0xB  }
0x26d: {  	v34 =	vld [tilespmem:$0x13230];
	v32 =	vmul.f32 v27, v26;
	[tilespmem:$0x16EA0] =	vst v3  }
0x26e: {  	v43 =	vld [tilespmem:$0x12F80];
	v3 =	vmul.f32 v36, v41;
	[tilespmem:$0x175C0] =	vst v29  }
0x26f: {  	v37 =	vld [tilespmem:$0x13290];
	v36 =	vmul.f32 v30, v33;
	[tilespmem:$0x171B0] =	vst v32  }
0x270: {  	v46 =	vld [tilespmem:$0x12FA0];
	[tilespmem:$0x16F00] =	vst v3;
	v3 =	vmul.f32 v39, v41  }
0x271: {  	[tilespmem:$0x17210] =	vst v36;
	v36 =	vbroadcast v2, $0xC  }
0x272: {  	v41 =	vld [tilespmem:$0x132B0];
	v39 =	vmul.f32 v34, v33;
	[tilespmem:$0x16F20] =	vst v3  }
0x273: {  	v3 =	vmul.f32 v43, v48;
	[tilespmem:$0x17640] =	vst v36  }
0x274: {  	v52 =	vld [tilespmem:$0x13000];
	v43 =	vmul.f32 v37, v40;
	[tilespmem:$0x17230] =	vst v39  }
0x275: {  	v53 =	vld [tilespmem:$0x13010];
	[tilespmem:$0x16F80] =	vst v3;
	v3 =	vmul.f32 v46, v48  }
0x276: {  	v55 =	vld [tilespmem:$0x13020];
	[tilespmem:$0x17290] =	vst v43;
	v43 =	vbroadcast v2, $0xD  }
0x277: {  	v56 =	vld [tilespmem:$0x13030];
	v46 =	vmul.f32 v41, v40;
	[tilespmem:$0x16FA0] =	vst v3;
	v3 =	vbroadcast v2, $0x0  }
0x278: {  	v60 =	vld [tilespmem:$0x13090];
	[tilespmem:$0x176C0] =	vst v43  }
0x279: {  	v48 =	vld [tilespmem:$0x13330];
	[tilespmem:$0x172B0] =	vst v46;
	v57 =	vmul.f32 v52, v3  }
0x27a: {  	v13 =	vld [tilespmem:$0x130B0];
	v59 =	vmul.f32 v53, v3;
	[tilespmem:$0x17040] =	vst v3  }
0x27b: {  	v51 =	vld [tilespmem:$0x13390];
	v61 =	vmul.f32 v55, v3;
	[tilespmem:$0x17000] =	vst v57  }
0x27c: {  	v63 =	vmul.f32 v56, v3;
	[tilespmem:$0x17010] =	vst v59  }
0x27d: {  	v15 =	vld [tilespmem:$0x13100];
	v3 =	vmul.f32 v60, v12;
	[tilespmem:$0x17020] =	vst v61  }
0x27e: {  	v58 =	vld [tilespmem:$0x13410];
	v53 =	vmul.f32 v48, v47;
	[tilespmem:$0x17030] =	vst v63  }
0x27f: {  	v62 =	vld [tilespmem:$0x13430];
	[tilespmem:$0x17090] =	vst v3;
	v3 =	vmul.f32 v13, v12  }
0x280: {  	v57 =	vmul.f32 v51, v54;
	[tilespmem:$0x17330] =	vst v53  }
0x281: {  	v24 =	vld [tilespmem:$0x131A0];
	v61 =	vbroadcast v2, $0x8;
	[tilespmem:$0x170B0] =	vst v3  }
0x282: {  	v55 =	vld [tilespmem:$0x133B0];
	v3 =	vmul.f32 v15, v19;
	[tilespmem:$0x17390] =	vst v57  }
0x283: {  	v18 =	vld [tilespmem:$0x13120];
	v11 =	vmul.f32 v58, v61;
	[tilespmem:$0x17440] =	vst v61  }
0x284: {  	v12 =	vld [tilespmem:$0x13490];
	v14 =	vmul.f32 v62, v61;
	[tilespmem:$0x17100] =	vst v3  }
0x285: {  	v21 =	vld [tilespmem:$0x13180];
	v15 =	vbroadcast v2, $0x9;
	[tilespmem:$0x17410] =	vst v11  }
0x286: {  	v16 =	vld [tilespmem:$0x134B0];
	v57 =	vbroadcast v2, $0xF;
	[tilespmem:$0x17430] =	vst v14  }
0x287: {  	v31 =	vld [tilespmem:$0x13220];
	v60 =	vmul.f32 v55, v54;
	[tilespmem:$0x174C0] =	vst v15  }
0x288: {  	v3 =	vmul.f32 v18, v19;
	v19 =	vld [tilespmem:$0x13510];
	[tilespmem:$0x177C0] =	vst v57  }
0x289: {  	v28 =	vld [tilespmem:$0x13200];
	[tilespmem:$0x173B0] =	vst v60;
	v18 =	vmul.f32 v12, v15  }
0x28a: {  	v23 =	vld [tilespmem:$0x13530];
	[tilespmem:$0x17120] =	vst v3;
	v3 =	vmul.f32 v21, v26  }
0x28b: {  	v38 =	vld [tilespmem:$0x132A0];
	v21 =	vmul.f32 v16, v15;
	[tilespmem:$0x17490] =	vst v18  }
0x28c: {  	[tilespmem:$0x17180] =	vst v3;
	v3 =	vmul.f32 v24, v26;
	v26 =	vld [tilespmem:$0x13590]  }
0x28d: {  	v35 =	vld [tilespmem:$0x13280];
	[tilespmem:$0x174B0] =	vst v21;
	v25 =	vmul.f32 v19, v22  }
0x28e: {  	v30 =	vld [tilespmem:$0x135B0];
	[tilespmem:$0x171A0] =	vst v3;
	v3 =	vmul.f32 v28, v33  }
0x28f: {  	v45 =	vld [tilespmem:$0x13320];
	v28 =	vmul.f32 v23, v22;
	[tilespmem:$0x17510] =	vst v25  }
0x290: {  	[tilespmem:$0x17200] =	vst v3;
	v3 =	vmul.f32 v31, v33;
	v33 =	vld [tilespmem:$0x13610]  }
0x291: {  	v42 =	vld [tilespmem:$0x13300];
	[tilespmem:$0x17530] =	vst v28;
	v32 =	vmul.f32 v26, v29  }
0x292: {  	v37 =	vld [tilespmem:$0x13630];
	[tilespmem:$0x17220] =	vst v3;
	v3 =	vmul.f32 v35, v40  }
0x293: {  	v49 =	vld [tilespmem:$0x13380];
	v35 =	vmul.f32 v30, v29;
	[tilespmem:$0x17590] =	vst v32  }
0x294: {  	[tilespmem:$0x17280] =	vst v3;
	v3 =	vmul.f32 v38, v40;
	v40 =	vld [tilespmem:$0x13690]  }
0x295: {  	v44 =	vld [tilespmem:$0x136B0];
	[tilespmem:$0x175B0] =	vst v35;
	v39 =	vmul.f32 v33, v36  }
0x296: {  	v52 =	vld [tilespmem:$0x133A0];
	[tilespmem:$0x172A0] =	vst v3;
	v3 =	vmul.f32 v42, v47  }
0x297: {  	v56 =	vld [tilespmem:$0x13400];
	v42 =	vmul.f32 v37, v36;
	[tilespmem:$0x17610] =	vst v39  }
0x298: {  	[tilespmem:$0x17300] =	vst v3;
	v3 =	vmul.f32 v45, v47;
	v47 =	vld [tilespmem:$0x13710]  }
0x299: {  	v2 =	vld [tilespmem:s19+$0x30];
	[tilespmem:$0x17630] =	vst v42;
	v46 =	vmul.f32 v40, v43  }
0x29a: {  	v51 =	vld [tilespmem:$0x13730];
	[tilespmem:$0x17320] =	vst v3;
	v3 =	vmul.f32 v49, v54  }
0x29b: {  	v19 =	vld [tilespmem:$0x138A0];
	v49 =	vmul.f32 v44, v43;
	[tilespmem:$0x17690] =	vst v46  }
0x29c: {  	[tilespmem:$0x17380] =	vst v3;
	v3 =	vmul.f32 v52, v54  }
0x29d: {  	v59 =	vld [tilespmem:$0x13420];
	[tilespmem:$0x176B0] =	vst v49;
	v53 =	vmul.f32 v47, v50  }
0x29e: {  	v21 =	vbroadcast v2, $0x1;
	[tilespmem:$0x173A0] =	vst v3;
	v3 =	vmul.f32 v56, v61  }
0x29f: {  	v56 =	vmul.f32 v51, v50;
	[tilespmem:$0x17710] =	vst v53  }
0x2a0: {  	v63 =	vld [tilespmem:$0x13480];
	v26 =	vmul.f32 v19, v21;
	[tilespmem:$0x17400] =	vst v3  }
0x2a1: {  	v13 =	vld [tilespmem:$0x134A0];
	[tilespmem:$0x17730] =	vst v56  }
0x2a2: {  	v28 =	vbroadcast v2, $0x2;
	v3 =	vmul.f32 v59, v61;
	v59 =	vld [tilespmem:s18+$0x30];
	[tilespmem:$0x178A0] =	vst v26  }
0x2a3: {  	[tilespmem:$0x178C0] =	vst v21  }
0x2a4: {  	v17 =	vld [tilespmem:$0x13500];
	v35 =	vbroadcast v2, $0x3;
	[tilespmem:$0x17940] =	vst v28  }
0x2a5: {  	[tilespmem:$0x17420] =	vst v3;
	v3 =	vmul.f32 v63, v15  }
0x2a6: {  	v20 =	vld [tilespmem:$0x13520];
	v42 =	vbroadcast v2, $0x4;
	[tilespmem:$0x179C0] =	vst v35  }
0x2a7: {  	v54 =	vld [tilespmem:$0x13790];
	[tilespmem:$0x17480] =	vst v3;
	v3 =	vmul.f32 v13, v15  }
0x2a8: {  	v24 =	vld [tilespmem:$0x13580];
	v49 =	vbroadcast v2, $0x5;
	[tilespmem:$0x17A40] =	vst v42  }
0x2a9: {  	v58 =	vld [tilespmem:$0x137B0];
	[tilespmem:$0x174A0] =	vst v3;
	v3 =	vmul.f32 v17, v22  }
0x2aa: {  	v27 =	vld [tilespmem:$0x135A0];
	v56 =	vbroadcast v2, $0x6;
	[tilespmem:$0x17AC0] =	vst v49  }
0x2ab: {  	[tilespmem:$0x17500] =	vst v3;
	v3 =	vmul.f32 v20, v22  }
0x2ac: {  	v31 =	vld [tilespmem:$0x13600];
	v60 =	vmul.f32 v54, v57;
	[tilespmem:$0x17B40] =	vst v56  }
0x2ad: {  	v34 =	vld [tilespmem:$0x13620];
	[tilespmem:$0x17520] =	vst v3;
	v3 =	vmul.f32 v24, v29  }
0x2ae: {  	v41 =	vld [tilespmem:$0x136A0];
	v63 =	vmul.f32 v58, v57;
	[tilespmem:$0x17790] =	vst v60  }
0x2af: {  	v53 =	vld [tilespmem:$0x13B10];
	[tilespmem:$0x17580] =	vst v3;
	v3 =	vmul.f32 v27, v29  }
0x2b0: {  	v38 =	vld [tilespmem:$0x13680];
	[tilespmem:$0x177B0] =	vst v63  }
0x2b1: {  	v15 =	vld [tilespmem:$0x13880];
	v4 =	vadd.s32 v0, v59;
	[tilespmem:$0x175A0] =	vst v3;
	v3 =	vmul.f32 v31, v36  }
0x2b2: {  	v48 =	vld [tilespmem:$0x13720];
	v63 =	vbroadcast v2, $0x7;
	[tilespmem:$0x190B0] =	vst v4  }
0x2b3: {  	v25 =	vld [tilespmem:$0x13910];
	[tilespmem:$0x17600] =	vst v3;
	v3 =	vmul.f32 v34, v36  }
0x2b4: {  	v45 =	vld [tilespmem:$0x13700];
	v59 =	vmul.f32 v53, v56;
	[tilespmem:$0x17BC0] =	vst v63  }
0x2b5: {  	v62 =	vld [tilespmem:$0x13810];
	[tilespmem:$0x17620] =	vst v3;
	v3 =	vmul.f32 v38, v43  }
0x2b6: {  	v55 =	vld [tilespmem:$0x137A0];
	[tilespmem:$0x17B10] =	vst v59;
	v23 =	vmul.f32 v15, v21  }
0x2b7: {  	v26 =	vld [tilespmem:$0x13CB0];
	[tilespmem:$0x17680] =	vst v3;
	v3 =	vmul.f32 v41, v43  }
0x2b8: {  	v52 =	vld [tilespmem:$0x13780];
	[tilespmem:$0x17880] =	vst v23;
	v31 =	vmul.f32 v25, v28  }
0x2b9: {  	v29 =	vld [tilespmem:$0x13930];
	[tilespmem:$0x176A0] =	vst v3;
	v3 =	vmul.f32 v45, v50  }
0x2ba: {  	v12 =	vld [tilespmem:$0x13820];
	v25 =	vbroadcast v2, $0x9;
	[tilespmem:$0x17910] =	vst v31  }
0x2bb: {  	v32 =	vld [tilespmem:$0x13990];
	[tilespmem:$0x17700] =	vst v3;
	v3 =	vmul.f32 v48, v50  }
0x2bc: {  	v39 =	vld [tilespmem:$0x13A10];
	v31 =	vmul.f32 v26, v25;
	[tilespmem:$0x17CC0] =	vst v25  }
0x2bd: {  	v36 =	vld [tilespmem:$0x139B0];
	[tilespmem:$0x17720] =	vst v3;
	v3 =	vmul.f32 v52, v57  }
0x2be: {  	v61 =	vld [tilespmem:$0x13800];
	v34 =	vmul.f32 v29, v28;
	[tilespmem:$0x17CB0] =	vst v31  }
0x2bf: {  	v13 =	vld [tilespmem:$0x13830];
	[tilespmem:$0x17780] =	vst v3;
	v3 =	vmul.f32 v55, v57  }
0x2c0: {  	v17 =	vld [tilespmem:$0x13890];
	v38 =	vmul.f32 v32, v35;
	[tilespmem:$0x17930] =	vst v34  }
0x2c1: {  	v32 =	vbroadcast v2, $0xA;
	[tilespmem:$0x177A0] =	vst v3;
	v3 =	vbroadcast v2, $0x0  }
0x2c2: {  	v22 =	vld [tilespmem:$0x138B0];
	[tilespmem:$0x17990] =	vst v38;
	v41 =	vmul.f32 v36, v35  }
0x2c3: {  	v43 =	vld [tilespmem:$0x13A30];
	[tilespmem:$0x17D40] =	vst v32;
	v45 =	vmul.f32 v39, v42;
	v14 =	vmul.f32 v61, v3  }
0x2c4: {  	v24 =	vld [tilespmem:$0x13900];
	[tilespmem:$0x179B0] =	vst v41;
	v16 =	vmul.f32 v62, v3;
	v18 =	vmul.f32 v12, v3  }
0x2c5: {  	v46 =	vld [tilespmem:$0x13A90];
	v20 =	vmul.f32 v13, v3;
	[tilespmem:$0x17840] =	vst v3;
	v3 =	vmul.f32 v17, v21  }
0x2c6: {  	v27 =	vld [tilespmem:$0x13920];
	v39 =	vbroadcast v2, $0xB;
	[tilespmem:$0x17A10] =	vst v45  }
0x2c7: {  	[tilespmem:$0x17890] =	vst v3;
	v3 =	vmul.f32 v22, v21  }
0x2c8: {  	v30 =	vld [tilespmem:$0x13980];
	[tilespmem:$0x17DC0] =	vst v39;
	v48 =	vmul.f32 v43, v42  }
0x2c9: {  	v50 =	vld [tilespmem:$0x13AB0];
	[tilespmem:$0x178B0] =	vst v3;
	v3 =	vmul.f32 v24, v28  }
0x2ca: {  	v33 =	vld [tilespmem:$0x139A0];
	v52 =	vmul.f32 v46, v49;
	[tilespmem:$0x17A30] =	vst v48  }
0x2cb: {  	[tilespmem:$0x17900] =	vst v3;
	v3 =	vmul.f32 v27, v28  }
0x2cc: {  	v37 =	vld [tilespmem:$0x13A00];
	v46 =	vbroadcast v2, $0xC;
	[tilespmem:$0x17A90] =	vst v52  }
0x2cd: {  	v43 =	vld [tilespmem:$0x13E10];
	[tilespmem:$0x17920] =	vst v3;
	v3 =	vmul.f32 v30, v35  }
0x2ce: {  	v40 =	vld [tilespmem:$0x13A20];
	[tilespmem:$0x17E40] =	vst v46;
	v55 =	vmul.f32 v50, v49  }
0x2cf: {  	[tilespmem:$0x17980] =	vst v3;
	v3 =	vmul.f32 v33, v35  }
0x2d0: {  	v44 =	vld [tilespmem:$0x13A80];
	v50 =	vbroadcast v2, $0xD;
	[tilespmem:$0x17AB0] =	vst v55  }
0x2d1: {  	[tilespmem:$0x179A0] =	vst v3;
	v3 =	vmul.f32 v37, v42  }
0x2d2: {  	v47 =	vld [tilespmem:$0x13AA0];
	v6 =	vmul.f32 v43, v46;
	[tilespmem:$0x17EC0] =	vst v50  }
0x2d3: {  	[tilespmem:$0x17A00] =	vst v3;
	v3 =	vmul.f32 v40, v42  }
0x2d4: {  	v51 =	vld [tilespmem:$0x13B00];
	v55 =	vbroadcast v2, $0xE;
	[tilespmem:$0x17E10] =	vst v6  }
0x2d5: {  	[tilespmem:$0x17A20] =	vst v3;
	v3 =	vmul.f32 v44, v49  }
0x2d6: {  	v54 =	vld [tilespmem:$0x13B20];
	[tilespmem:$0x17F40] =	vst v55  }
0x2d7: {  	[tilespmem:$0x17A80] =	vst v3;
	v3 =	vmul.f32 v47, v49  }
0x2d8: {  	v58 =	vld [tilespmem:$0x13B80];
	[tilespmem:$0x17800] =	vst v14  }
0x2d9: {  	v48 =	vld [tilespmem:$0x13E80];
	[tilespmem:$0x17AA0] =	vst v3;
	v3 =	vmul.f32 v51, v56  }
0x2da: {  	v61 =	vld [tilespmem:$0x13BA0];
	[tilespmem:$0x17810] =	vst v16  }
0x2db: {  	v57 =	vld [tilespmem:$0x13B30];
	[tilespmem:$0x17B00] =	vst v3;
	v3 =	vmul.f32 v54, v56  }
0x2dc: {  	v13 =	vld [tilespmem:$0x13C00];
	[tilespmem:$0x17820] =	vst v18  }
0x2dd: {  	v53 =	vld [tilespmem:$0x13F10];
	[tilespmem:$0x17B20] =	vst v3;
	v3 =	vmul.f32 v58, v63  }
0x2de: {  	v4 =	vmul.f32 v48, v50;
	[tilespmem:$0x17830] =	vst v20;
	v16 =	vld [tilespmem:$0x13C20]  }
0x2df: {  	v60 =	vld [tilespmem:$0x13B90];
	v18 =	vbroadcast v2, $0x8;
	[tilespmem:$0x17B80] =	vst v3;
	v3 =	vmul.f32 v61, v63  }
0x2e0: {  	v62 =	vmul.f32 v57, v56;
	v20 =	vld [tilespmem:$0x13C80];
	[tilespmem:$0x17E80] =	vst v4  }
0x2e1: {  	[tilespmem:$0x17BA0] =	vst v3;
	v3 =	vmul.f32 v13, v18  }
0x2e2: {  	v23 =	vld [tilespmem:$0x13CA0];
	v8 =	vmul.f32 v53, v55;
	[tilespmem:$0x17B30] =	vst v62  }
0x2e3: {  	[tilespmem:$0x17C00] =	vst v3;
	v3 =	vmul.f32 v16, v18  }
0x2e4: {  	v14 =	vmul.f32 v60, v63;
	[tilespmem:$0x17F10] =	vst v8;
	v27 =	vld [tilespmem:$0x13D00]  }
0x2e5: {  	v15 =	vld [tilespmem:$0x13C10];
	[tilespmem:$0x17C20] =	vst v3;
	v3 =	vmul.f32 v20, v25  }
0x2e6: {  	[tilespmem:$0x17B90] =	vst v14;
	v30 =	vld [tilespmem:$0x13D20]  }
0x2e7: {  	v19 =	vld [tilespmem:$0x13C30];
	[tilespmem:$0x17C80] =	vst v3;
	v3 =	vmul.f32 v23, v25  }
0x2e8: {  	v34 =	vld [tilespmem:$0x13D80];
	v2 =	vbroadcast v2, $0xF;
	[tilespmem:$0x17C40] =	vst v18  }
0x2e9: {  	v12 =	vld [tilespmem:$0x13BB0];
	[tilespmem:$0x17CA0] =	vst v3;
	v3 =	vmul.f32 v27, v32  }
0x2ea: {  	v21 =	vmul.f32 v15, v18;
	[tilespmem:$0x17FC0] =	vst v2;
	v37 =	vld [tilespmem:$0x13DA0]  }
0x2eb: {  	v22 =	vld [tilespmem:$0x13C90];
	[tilespmem:$0x17D00] =	vst v3;
	v3 =	vmul.f32 v30, v32  }
0x2ec: {  	v41 =	vld [tilespmem:$0x13E00];
	v24 =	vmul.f32 v19, v18;
	[tilespmem:$0x17C10] =	vst v21  }
0x2ed: {  	v29 =	vld [tilespmem:$0x13D10];
	[tilespmem:$0x17D20] =	vst v3;
	v3 =	vmul.f32 v34, v39  }
0x2ee: {  	v36 =	vld [tilespmem:$0x13D90];
	v17 =	vmul.f32 v12, v63;
	[tilespmem:$0x17C30] =	vst v24  }
0x2ef: {  	v33 =	vld [tilespmem:$0x13D30];
	[tilespmem:$0x17D80] =	vst v3;
	v3 =	vmul.f32 v37, v39  }
0x2f0: {  	[tilespmem:$0x17BB0] =	vst v17;
	v28 =	vmul.f32 v22, v25;
	v40 =	vld [tilespmem:$0x13DB0]  }
0x2f1: {  	v44 =	vld [tilespmem:$0x13E20];
	[tilespmem:$0x17DA0] =	vst v3;
	v3 =	vmul.f32 v41, v46  }
0x2f2: {  	[tilespmem:$0x17C90] =	vst v28;
	v35 =	vmul.f32 v29, v32;
	v47 =	vld [tilespmem:$0x13E30]  }
0x2f3: {  	v42 =	vmul.f32 v36, v39;
	[tilespmem:$0x17E00] =	vst v3;
	v3 =	vld [tilespmem:$0x13EA0]  }
0x2f4: {  	[tilespmem:$0x17D10] =	vst v35;
	v38 =	vmul.f32 v33, v32;
	v49 =	vld [tilespmem:$0x13E90]  }
0x2f5: {  	v52 =	vld [tilespmem:$0x13F00];
	[tilespmem:$0x17D90] =	vst v42;
	v45 =	vmul.f32 v40, v39  }
0x2f6: {  	[tilespmem:$0x17D30] =	vst v38;
	v51 =	vld [tilespmem:$0x13EB0];
	v7 =	vmul.f32 v44, v46  }
0x2f7: {  	v57 =	vld [tilespmem:$0x13F80];
	[tilespmem:$0x17DB0] =	vst v45;
	v10 =	vmul.f32 v47, v46  }
0x2f8: {  	v60 =	vld [tilespmem:$0x13FB0];
	[tilespmem:$0x17E20] =	vst v7;
	v3 =	vmul.f32 v3, v50  }
0x2f9: {  	v54 =	vld [tilespmem:$0x13F20];
	v5 =	vmul.f32 v49, v50;
	[tilespmem:$0x17E30] =	vst v10  }
0x2fa: {  	v56 =	vld [tilespmem:$0x13F30];
	[tilespmem:$0x17EA0] =	vst v3;
	v3 =	vmul.f32 v52, v55  }
0x2fb: {  	v58 =	vld [tilespmem:$0x13F90];
	[tilespmem:$0x17E90] =	vst v5;
	v9 =	vmul.f32 v51, v50  }
0x2fc: {  	v61 =	vmul.f32 v57, v2;
	[tilespmem:$0x17F00] =	vst v3;
	v3 =	vld [tilespmem:$0x13FA0]  }
0x2fd: {  	v63 =	vmul.f32 v60, v2;
	[tilespmem:$0x17EB0] =	vst v9  }
0x2fe: {  	p0 =	seq.s32 s17, $0x7800;
	v4 =	vmul.f32 v54, v55;
	[tilespmem:$0x17F80] =	vst v61  }
.Ltmp4:
0x2ff: {  	v59 =	vmul.f32 v56, v55;
	[tilespmem:$0x17FB0] =	vst v63;
	(pc) =	sbr.rel @p0 .LBB2_10-.Ltmp4, $4  }
0x300: {  	[tilespmem:$0x17F20] =	vst v4;
	v62 =	vmul.f32 v58, v2  }
0x301: {  	[tilespmem:$0x17F30] =	vst v59;
	v3 =	vmul.f32 v3, v2  }
0x302: {  	[tilespmem:$0x17F90] =	vst v62  }
0x303: {  	[tilespmem:$0x17FA0] =	vst v3  }
.Ltmp5:
0x304: {  	s7 =	sadd.s32 s17, s21;
	(pc) =	sbr.rel .LBB2_4-.Ltmp5, $4  }
0x305: {  	s7 =	sadd.s32 $0xC00, s7  }
0x306: {  	[tilespmem:s30], [sflag:$0x2] =	stream.linear.gather [hbm4b:s7+s3], $0x2000, $0x38;
	[tilespmem:$0x19100] =	vst v63  }
0x307: {  	s17 =	sadd.s32 $0x800, s17;
	s18 =	sadd.s32 $0x80, s18;
	s19 =	sadd.s32 $0x80, s19  }
0x308: {  	[spmem:s2] =	stream.indirect.scatter.add.f32 [tilespmem:s14], [sflag:$0x4], $0x80, s13, s28, $0xb8;
	[tilespmem:$0x19100] =	vst v63  }
.LBB2_10:
0x309: {  	[spmem:s2] =	stream.indirect.scatter.add.f32 [tilespmem:s14], [sflag:$0x4], $0x80, s13, s28, $0xb8;
	[tilespmem:$0x19100] =	vst v63  }
0x30a: {  	_ =	swait.ge [sflag:s0], $0x2000  }
0x30b: {  	[sflag:s0] =	ssyncset.done $0x0  }
0x30c: {  	[sflag:s0] =	ssyncadd.s32 $0xFFFFE000  }
0x30d: {  	_ =	swait.ge [sflag:s1], $0x2000  }
0x30e: {  	[sflag:s1] =	ssyncset.done $0x0  }
0x30f: {  	[sflag:s1] =	ssyncadd.s32 $0xFFFFE000  }
0x310: {  	[bflag:$0x0] =	sbarrier.arrive $0xFFFF  }
0x311: {  	[tilespmem:s31], [sflag:$0x1] =	stream.linear.gather [spmem:s6], $0x2000, $0x38;
	[tilespmem:$0x19100] =	vst v63  }
0x312: {  	_ = 	snop  }
0x313: {  	[tilespmem:s14], [sflag:$0x2] =	stream.linear.gather [spmem:s20], $0x2000, $0x38;
	[tilespmem:$0x19100] =	vst v63  }
0x314: {  	_ =	swait.ge [sflag:s26], $0x2000  }
0x315: {  	[sflag:s26] =	ssyncset.done $0x0  }
0x316: {  	s24 =	simm.s32 $0x14080;
	[sflag:s26] =	ssyncadd.s32 $0xFFFFE000  }
0x317: {  	v2 =	vld [tilespmem:s24+$0x40];
	_ =	sdelay $0x4  }
0x318: {  	v3 =	vld [tilespmem:s24+$0xFFFFFFC0];
	v2 =	vadd.f32 $9.999999970e-07, v2;
	_ =	sdelay $0x1  }
0x319: {  	v2 =	vbroadcast v2, $0x0  }
0x31a: {  	s17 =	simm.s32 $0x14180  }
0x31b: {  	(erf) = vrcp.f32 v2;
	v2 =	vld [tilespmem:s17+$0x40]  }
0x31c: {  	v3 =	vadd.f32 $9.999999970e-07, v3;
	_ =	sdelay $0x1  }
0x31d: {  	v3 =	vbroadcast v3, $0x0  }
0x31e: {  	v4 =	vld [tilespmem:s17+$0xFFFFFFC0]  }
0x31f: {  	v5 =	vld [tilespmem:s24+$0x0];
	(erf) = vrcp.f32 v3;
	v2 =	vadd.f32 $9.999999970e-07, v2;
	_ =	sdelay $0x1  }
0x320: {  	v2 =	vbroadcast v2, $0x0;
	_ =	sdelay $0x1  }
0x321: {  	s19 =	simm.s32 $0x14280;
	v4 =	vadd.f32 $9.999999970e-07, v4;
	v3 =	vld [tilespmem:s24+$0xFFFFFF80];
	v8 =	vpop (erf);
	(erf) = vrcp.f32 v2  }
0x322: {  	v2 =	vmul.f32 v8, v5;
	v5 =	vld [tilespmem:s19+$0x40]  }
0x323: {  	v4 =	vbroadcast v4, $0x0;
	_ =	sdelay $0x1  }
0x324: {  	s18 =	simm.s32 $0x10080;
	(erf) = vrcp.f32 v4;
	v4 =	vld [tilespmem:s19+$0xFFFFFFC0]  }
0x325: {  	v7 =	vld [tilespmem:s17+$0x0];
	[tilespmem:s18+$0x0] =	vst v2;
	v2 =	vpop (erf)  }
0x326: {  	v6 =	vld [tilespmem:s24+$0x10];
	v3 =	vmul.f32 v2, v3;
	v5 =	vadd.f32 $9.999999970e-07, v5;
	_ =	sdelay $0x1  }
0x327: {  	[tilespmem:s18+$0xFFFFFF80] =	vst v3;
	v3 =	vbroadcast v5, $0x0  }
0x328: {  	v10 =	vadd.f32 $9.999999970e-07, v4;
	v4 =	vpop (erf)  }
0x329: {  	v9 =	vld [tilespmem:s17+$0xFFFFFF80];
	(erf) = vrcp.f32 v3;
	v3 =	vmul.f32 v4, v7  }
0x32a: {  	s10 =	smov.u32 s20;
	s20 =	simm.s32 $0x14380;
	v5 =	vmul.f32 v8, v6  }
0x32b: {  	v11 =	vld [tilespmem:s20+$0x40]  }
0x32c: {  	s22 =	simm.s32 $0x10180;
	v6 =	vld [tilespmem:s24+$0xFFFFFF90];
	[tilespmem:s18+$0x10] =	vst v5  }
0x32d: {  	v5 =	vbroadcast v10, $0x0;
	v10 =	vld [tilespmem:s24+$0x20];
	[tilespmem:s22+$0x0] =	vst v3;
	v3 =	vpop (erf)  }
0x32e: {  	v7 =	vmul.f32 v3, v9;
	v9 =	vld [tilespmem:s20+$0xFFFFFFC0]  }
0x32f: {  	(erf) = vrcp.f32 v5;
	v5 =	vld [tilespmem:s17+$0x10]  }
0x330: {  	v12 =	vld [tilespmem:s19+$0xFFFFFF80]  }
0x331: {  	s23 =	simm.s32 $0x14480;
	v13 =	vld [tilespmem:s19+$0x0];
	v6 =	vmul.f32 v2, v6  }
0x332: {  	v17 =	vld [tilespmem:s23+$0x40];
	v11 =	vadd.f32 $9.999999970e-07, v11  }
0x333: {  	v18 =	vld [tilespmem:s23+$0xFFFFFFC0];
	[tilespmem:s18+$0xFFFFFF90] =	vst v6;
	v10 =	vmul.f32 v10, v8;
	v9 =	vadd.f32 $9.999999970e-07, v9  }
0x334: {  	v11 =	vbroadcast v11, $0x0;
	[tilespmem:s22+$0xFFFFFF80] =	vst v7;
	v15 =	vld [tilespmem:s24+$0xFFFFFFA0];
	v5 =	vmul.f32 v4, v5  }
0x335: {  	v14 =	vld [tilespmem:s17+$0xFFFFFF90];
	[tilespmem:s18+$0x20] =	vst v10;
	v6 =	vpop (erf);
	v9 =	vbroadcast v9, $0x0  }
0x336: {  	(erf) = vrcp.f32 v11;
	v16 =	vld [tilespmem:s24+$0x30];
	v10 =	vmul.f32 v6, v13;
	[tilespmem:s22+$0x10] =	vst v5  }
0x337: {  	s7 =	simm.s32 $0x10280;
	v13 =	vld [tilespmem:s17+$0x20];
	(erf) = vrcp.f32 v9  }
0x338: {  	v7 =	vld [tilespmem:s20+$0xFFFFFF80];
	v5 =	vpop (erf);
	[tilespmem:s7+$0x0] =	vst v10  }
0x339: {  	v11 =	vmul.f32 v5, v12;
	v19 =	vld [tilespmem:s19+$0x10]  }
0x33a: {  	v10 =	vld [tilespmem:s23+$0xFFFFFF80];
	v12 =	vmul.f32 v3, v14  }
0x33b: {  	v15 =	vmul.f32 v15, v2;
	v14 =	vld [tilespmem:s20+$0x0];
	[tilespmem:s7+$0xFFFFFF80] =	vst v11;
	v8 =	vmul.f32 v16, v8  }
0x33c: {  	v17 =	vadd.f32 $9.999999970e-07, v17;
	[tilespmem:s22+$0xFFFFFF90] =	vst v12;
	v11 =	vld [tilespmem:s19+$0xFFFFFF90];
	v13 =	vmul.f32 v13, v4  }
0x33d: {  	v18 =	vadd.f32 $9.999999970e-07, v18;
	[tilespmem:s18+$0xFFFFFFA0] =	vst v15;
	v12 =	vld [tilespmem:s17+$0xFFFFFFA0]  }
0x33e: {  	v16 =	vbroadcast v17, $0x0;
	v9 =	vld [tilespmem:s24+$0xFFFFFFB0];
	[tilespmem:s22+$0x20] =	vst v13;
	v15 =	vmul.f32 v6, v19  }
0x33f: {  	s8 =	simm.s32 $0x8;
	s9 =	simm.s32 $0x14580;
	v17 =	vbroadcast v18, $0x0;
	s24 =	simm.s32 $0x10280;
	[tilespmem:s18+$0x30] =	vst v8;
	v8 =	vpop (erf);
	v13 =	vld [tilespmem:s17+$0x30]  }
.LBB2_11:
0x340: {  	v18 =	vld [tilespmem:s9+$0x40];
	(erf) = vrcp.f32 v16;
	v14 =	vmul.f32 v8, v14;
	v16 =	vpop (erf);
	[tilespmem:s7+$0x10] =	vst v15  }
0x341: {  	s8 =	sadd.s32 $0x2, s8;
	s7 =	sadd.s32 $0x100, s7;
	(erf) = vrcp.f32 v17;
	v15 =	vmul.f32 v16, v7;
	v17 =	vld [tilespmem:s19+$0x20];
	v7 =	vmov v10  }
0x342: {  	p0 =	slt.u32 s8, $0x3E;
	v11 =	vmul.f32 v5, v11;
	v19 =	vld [tilespmem:s9+$0xFFFFFFC0];
	[tilespmem:s7+$0x0] =	vst v14;
	v12 =	vmul.f32 v12, v3  }
0x343: {  	[tilespmem:s7+$0xFFFFFF80] =	vst v15;
	v15 =	vld [tilespmem:s20+$0x10];
	v9 =	vmul.f32 v9, v2;
	v2 =	vmovc v3;
	v3 =	vmov v5;
	v5 =	vmov v16  }
0x344: {  	v10 =	vld [tilespmem:s9+$0xFFFFFF80];
	[tilespmem:s24+$0xFFFFFF90] =	vst v11;
	v13 =	vmul.f32 v13, v4;
	v4 =	vmov v6;
	v6 =	vmov v8  }
.Ltmp6:
0x345: {  	v14 =	vld [tilespmem:s23+$0x0];
	[tilespmem:s22+$0xFFFFFFA0] =	vst v12;
	(pc) =	sbr.rel @p0 .LBB2_11-.Ltmp6, $4  }
0x346: {  	v18 =	vadd.f32 $9.999999970e-07, v18;
	v11 =	vld [tilespmem:s20+$0xFFFFFF90];
	v17 =	vmul.f32 v17, v4;
	[tilespmem:s22+$0x30] =	vst v13  }
0x347: {  	v13 =	vadd.f32 $9.999999970e-07, v19;
	v12 =	vld [tilespmem:s19+$0xFFFFFFA0];
	[tilespmem:s18+$0xFFFFFFB0] =	vst v9;
	s18 =	smov.u32 s22;
	s22 =	smov.u32 s24;
	s24 =	smov.u32 s7  }
0x348: {  	v16 =	vbroadcast v18, $0x0;
	v15 =	vmul.f32 v6, v15;
	[tilespmem:s22+$0x20] =	vst v17;
	v9 =	vld [tilespmem:s17+$0xFFFFFFB0];
	s17 =	smov.u32 s19;
	s19 =	smov.u32 s20;
	s20 =	smov.u32 s23  }
0x349: {  	s23 =	smov.u32 s9;
	s9 =	sadd.s32 $0x100, s9;
	v17 =	vbroadcast v13, $0x0;
	v8 =	vpop (erf);
	v13 =	vld [tilespmem:s17+$0x30]  }
0x34a: {  	(erf) = vrcp.f32 v16;
	_ =	sdelay $0x1  }
0x34b: {  	(erf) = vrcp.f32 v17;
	_ =	sdelay $0x2  }
0x34c: {  	v16 =	vld [tilespmem:s23+$0x0];
	_ =	sdelay $0x2  }
0x34d: {  	v14 =	vmul.f32 v8, v14;
	v17 =	vpop (erf)  }
0x34e: {  	s8 =	sadd.s32 $0x100, s7;
	v18 =	vpop (erf)  }
0x34f: {  	[tilespmem:s8+$0x0] =	vst v14;
	v14 =	vmul.f32 v18, v16  }
0x350: {  	s9 =	sadd.s32 $0x100, s8;
	v7 =	vmul.f32 v17, v7;
	v16 =	vld [tilespmem:s20+$0x10];
	v19 =	vpop (erf)  }
0x351: {  	v10 =	vmul.f32 v19, v10;
	[tilespmem:s9+$0x0] =	vst v14  }
0x352: {  	[tilespmem:s8+$0xFFFFFF80] =	vst v7;
	v7 =	vld [tilespmem:s23+$0x10]  }
0x353: {  	v14 =	vld [tilespmem:s20+$0xFFFFFF90];
	[tilespmem:s9+$0xFFFFFF80] =	vst v10  }
0x354: {  	v10 =	vld [tilespmem:s23+$0xFFFFFF90]  }
0x355: {  	[tilespmem:s7+$0x10] =	vst v15;
	v15 =	vmul.f32 v8, v16  }
0x356: {  	v11 =	vmul.f32 v5, v11;
	v16 =	vld [tilespmem:s19+$0x20]  }
0x357: {  	[tilespmem:s8+$0x10] =	vst v15;
	v7 =	vmul.f32 v18, v7  }
0x358: {  	[tilespmem:s24+$0xFFFFFF90] =	vst v11;
	v14 =	vmul.f32 v17, v14;
	v11 =	vld [tilespmem:s20+$0x20]  }
0x359: {  	v10 =	vmul.f32 v19, v10;
	[tilespmem:s9+$0x10] =	vst v7;
	v7 =	vld [tilespmem:s19+$0xFFFFFFA0]  }
0x35a: {  	v12 =	vmul.f32 v12, v3;
	[tilespmem:s8+$0xFFFFFF90] =	vst v14;
	v14 =	vld [tilespmem:s23+$0x20]  }
0x35b: {  	v15 =	vmul.f32 v16, v6;
	[tilespmem:s9+$0xFFFFFF90] =	vst v10;
	v10 =	vld [tilespmem:s20+$0xFFFFFFA0]  }
0x35c: {  	v4 =	vmul.f32 v13, v4;
	[tilespmem:s22+$0xFFFFFFA0] =	vst v12;
	v12 =	vld [tilespmem:s23+$0xFFFFFFA0]  }
0x35d: {  	[tilespmem:s24+$0x20] =	vst v15;
	v11 =	vmul.f32 v11, v8  }
0x35e: {  	[tilespmem:s22+$0x30] =	vst v4;
	v4 =	vld [tilespmem:s19+$0x30];
	v7 =	vmul.f32 v7, v5  }
0x35f: {  	v13 =	vld [tilespmem:s17+$0xFFFFFFB0];
	[tilespmem:s8+$0x20] =	vst v11;
	v11 =	vmul.f32 v14, v18  }
0x360: {  	v10 =	vmul.f32 v10, v17;
	[tilespmem:s24+$0xFFFFFFA0] =	vst v7;
	v7 =	vld [tilespmem:s20+$0x30]  }
0x361: {  	v14 =	vld [tilespmem:s19+$0xFFFFFFB0];
	[tilespmem:s9+$0x20] =	vst v11;
	v11 =	vmul.f32 v12, v19  }
0x362: {  	v2 =	vmul.f32 v9, v2;
	[tilespmem:s8+$0xFFFFFFA0] =	vst v10;
	v9 =	vld [tilespmem:s23+$0x30]  }
0x363: {  	v4 =	vmul.f32 v4, v6;
	v6 =	vld [tilespmem:s20+$0xFFFFFFB0];
	[tilespmem:s9+$0xFFFFFFA0] =	vst v11  }
0x364: {  	[tilespmem:s18+$0xFFFFFFB0] =	vst v2;
	v2 =	vmul.f32 v13, v3;
	v3 =	vld [tilespmem:s23+$0xFFFFFFB0]  }
0x365: {  	[tilespmem:s24+$0x30] =	vst v4;
	v4 =	vmul.f32 v7, v8  }
0x366: {  	[tilespmem:s22+$0xFFFFFFB0] =	vst v2;
	v2 =	vmul.f32 v14, v5  }
0x367: {  	[tilespmem:s8+$0x30] =	vst v4;
	v4 =	vmul.f32 v9, v18  }
0x368: {  	[tilespmem:s24+$0xFFFFFFB0] =	vst v2;
	v2 =	vmul.f32 v6, v17  }
0x369: {  	[tilespmem:s9+$0x30] =	vst v4;
	v3 =	vmul.f32 v3, v19  }
0x36a: {  	[tilespmem:s8+$0xFFFFFFB0] =	vst v2  }
0x36b: {  	[tilespmem:s9+$0xFFFFFFB0] =	vst v3  }
0x36c: {  	s7 =	rddreg [dreg:$0x8]  }
0x36d: {  	[tilespmem:s31], [sflag:$0x1] =	stream.linear.gather [spmem:s7], $0x2000, $0x38;
	[tilespmem:$0x19100] =	vst v63  }
0x36e: {  	s8 =	rddreg [dreg:$0xb]  }
0x36f: {  	[hbm4b:s8+s3] =	stream.linear.scatter [tilespmem:s29], [sflag:$0x3], $0x2000, $0x38;
	[tilespmem:$0x19100] =	vst v63  }
0x370: {  	_ =	swait.ge [sflag:s5], $0x2000  }
0x371: {  	[sflag:s5] =	ssyncset.done $0x0  }
0x372: {  	s9 =	simm.s32 $0x16080;
	[sflag:s5] =	ssyncadd.s32 $0xFFFFE000  }
0x373: {  	v2 =	vld [tilespmem:s9+$0x40];
	_ =	sdelay $0x4  }
0x374: {  	v3 =	vld [tilespmem:s9+$0xFFFFFFC0];
	v2 =	vadd.f32 $9.999999970e-07, v2;
	_ =	sdelay $0x1  }
0x375: {  	v2 =	vbroadcast v2, $0x0  }
0x376: {  	s17 =	simm.s32 $0x16180  }
0x377: {  	(erf) = vrcp.f32 v2;
	v2 =	vld [tilespmem:s17+$0x40]  }
0x378: {  	v3 =	vadd.f32 $9.999999970e-07, v3;
	_ =	sdelay $0x1  }
0x379: {  	v3 =	vbroadcast v3, $0x0  }
0x37a: {  	v4 =	vld [tilespmem:s17+$0xFFFFFFC0]  }
0x37b: {  	v5 =	vld [tilespmem:s9+$0x0];
	(erf) = vrcp.f32 v3;
	v2 =	vadd.f32 $9.999999970e-07, v2;
	_ =	sdelay $0x1  }
0x37c: {  	v2 =	vbroadcast v2, $0x0;
	_ =	sdelay $0x1  }
0x37d: {  	s19 =	simm.s32 $0x16280;
	v4 =	vadd.f32 $9.999999970e-07, v4;
	v3 =	vld [tilespmem:s9+$0xFFFFFF80];
	v8 =	vpop (erf);
	(erf) = vrcp.f32 v2  }
0x37e: {  	v2 =	vmul.f32 v8, v5;
	v5 =	vld [tilespmem:s19+$0x40]  }
0x37f: {  	v4 =	vbroadcast v4, $0x0;
	_ =	sdelay $0x1  }
0x380: {  	s18 =	simm.s32 $0x12080;
	(erf) = vrcp.f32 v4;
	v4 =	vld [tilespmem:s19+$0xFFFFFFC0]  }
0x381: {  	v7 =	vld [tilespmem:s17+$0x0];
	[tilespmem:s18+$0x0] =	vst v2;
	v2 =	vpop (erf)  }
0x382: {  	v6 =	vld [tilespmem:s9+$0x10];
	v3 =	vmul.f32 v2, v3;
	v5 =	vadd.f32 $9.999999970e-07, v5;
	_ =	sdelay $0x1  }
0x383: {  	[tilespmem:s18+$0xFFFFFF80] =	vst v3;
	v3 =	vbroadcast v5, $0x0  }
0x384: {  	v10 =	vadd.f32 $9.999999970e-07, v4;
	v4 =	vpop (erf)  }
0x385: {  	v9 =	vld [tilespmem:s17+$0xFFFFFF80];
	(erf) = vrcp.f32 v3;
	v3 =	vmul.f32 v4, v7  }
0x386: {  	s20 =	simm.s32 $0x16380;
	v5 =	vmul.f32 v8, v6  }
0x387: {  	v11 =	vld [tilespmem:s20+$0x40]  }
0x388: {  	s22 =	simm.s32 $0x12180;
	v6 =	vld [tilespmem:s9+$0xFFFFFF90];
	[tilespmem:s18+$0x10] =	vst v5  }
0x389: {  	v5 =	vbroadcast v10, $0x0;
	v10 =	vld [tilespmem:s9+$0x20];
	[tilespmem:s22+$0x0] =	vst v3;
	v3 =	vpop (erf)  }
0x38a: {  	v7 =	vmul.f32 v3, v9;
	v9 =	vld [tilespmem:s20+$0xFFFFFFC0]  }
0x38b: {  	(erf) = vrcp.f32 v5;
	v5 =	vld [tilespmem:s17+$0x10]  }
0x38c: {  	v12 =	vld [tilespmem:s19+$0xFFFFFF80]  }
0x38d: {  	s23 =	simm.s32 $0x16480;
	v13 =	vld [tilespmem:s19+$0x0];
	v6 =	vmul.f32 v2, v6  }
0x38e: {  	v17 =	vld [tilespmem:s23+$0x40];
	v11 =	vadd.f32 $9.999999970e-07, v11  }
0x38f: {  	v18 =	vld [tilespmem:s23+$0xFFFFFFC0];
	[tilespmem:s18+$0xFFFFFF90] =	vst v6;
	v10 =	vmul.f32 v10, v8;
	v9 =	vadd.f32 $9.999999970e-07, v9  }
0x390: {  	v11 =	vbroadcast v11, $0x0;
	[tilespmem:s22+$0xFFFFFF80] =	vst v7;
	v15 =	vld [tilespmem:s9+$0xFFFFFFA0];
	v5 =	vmul.f32 v4, v5  }
0x391: {  	v14 =	vld [tilespmem:s17+$0xFFFFFF90];
	[tilespmem:s18+$0x20] =	vst v10;
	v6 =	vpop (erf);
	v9 =	vbroadcast v9, $0x0  }
0x392: {  	(erf) = vrcp.f32 v11;
	v16 =	vld [tilespmem:s9+$0x30];
	v10 =	vmul.f32 v6, v13;
	[tilespmem:s22+$0x10] =	vst v5  }
0x393: {  	s7 =	simm.s32 $0x12280;
	v13 =	vld [tilespmem:s17+$0x20];
	(erf) = vrcp.f32 v9  }
0x394: {  	v7 =	vld [tilespmem:s20+$0xFFFFFF80];
	v5 =	vpop (erf);
	[tilespmem:s7+$0x0] =	vst v10  }
0x395: {  	v11 =	vmul.f32 v5, v12;
	v19 =	vld [tilespmem:s19+$0x10]  }
0x396: {  	v10 =	vld [tilespmem:s23+$0xFFFFFF80];
	v12 =	vmul.f32 v3, v14  }
0x397: {  	v15 =	vmul.f32 v15, v2;
	v14 =	vld [tilespmem:s20+$0x0];
	[tilespmem:s7+$0xFFFFFF80] =	vst v11;
	v8 =	vmul.f32 v16, v8  }
0x398: {  	v17 =	vadd.f32 $9.999999970e-07, v17;
	[tilespmem:s22+$0xFFFFFF90] =	vst v12;
	v11 =	vld [tilespmem:s19+$0xFFFFFF90];
	v13 =	vmul.f32 v13, v4  }
0x399: {  	v18 =	vadd.f32 $9.999999970e-07, v18;
	[tilespmem:s18+$0xFFFFFFA0] =	vst v15;
	v12 =	vld [tilespmem:s17+$0xFFFFFFA0]  }
0x39a: {  	v16 =	vbroadcast v17, $0x0;
	v9 =	vld [tilespmem:s9+$0xFFFFFFB0];
	[tilespmem:s22+$0x20] =	vst v13;
	v15 =	vmul.f32 v6, v19  }
0x39b: {  	s24 =	simm.s32 $0x12280;
	s8 =	simm.s32 $0x8;
	v17 =	vbroadcast v18, $0x0;
	s9 =	simm.s32 $0x16580;
	[tilespmem:s18+$0x30] =	vst v8;
	v8 =	vpop (erf);
	v13 =	vld [tilespmem:s17+$0x30]  }
.LBB2_13:
0x39c: {  	v18 =	vld [tilespmem:s9+$0x40];
	(erf) = vrcp.f32 v16;
	v14 =	vmul.f32 v8, v14;
	v16 =	vpop (erf);
	[tilespmem:s7+$0x10] =	vst v15  }
0x39d: {  	s8 =	sadd.s32 $0x2, s8;
	s7 =	sadd.s32 $0x100, s7;
	(erf) = vrcp.f32 v17;
	v15 =	vmul.f32 v16, v7;
	v17 =	vld [tilespmem:s19+$0x20];
	v7 =	vmov v10  }
0x39e: {  	p0 =	slt.u32 s8, $0x3E;
	v11 =	vmul.f32 v5, v11;
	v19 =	vld [tilespmem:s9+$0xFFFFFFC0];
	[tilespmem:s7+$0x0] =	vst v14;
	v12 =	vmul.f32 v12, v3  }
0x39f: {  	[tilespmem:s7+$0xFFFFFF80] =	vst v15;
	v15 =	vld [tilespmem:s20+$0x10];
	v9 =	vmul.f32 v9, v2;
	v2 =	vmovc v3;
	v3 =	vmov v5;
	v5 =	vmov v16  }
0x3a0: {  	v10 =	vld [tilespmem:s9+$0xFFFFFF80];
	[tilespmem:s24+$0xFFFFFF90] =	vst v11;
	v13 =	vmul.f32 v13, v4;
	v4 =	vmov v6;
	v6 =	vmov v8  }
.Ltmp7:
0x3a1: {  	v14 =	vld [tilespmem:s23+$0x0];
	[tilespmem:s22+$0xFFFFFFA0] =	vst v12;
	(pc) =	sbr.rel @p0 .LBB2_13-.Ltmp7, $4  }
0x3a2: {  	v18 =	vadd.f32 $9.999999970e-07, v18;
	v11 =	vld [tilespmem:s20+$0xFFFFFF90];
	v17 =	vmul.f32 v17, v4;
	[tilespmem:s22+$0x30] =	vst v13  }
0x3a3: {  	v13 =	vadd.f32 $9.999999970e-07, v19;
	v12 =	vld [tilespmem:s19+$0xFFFFFFA0];
	[tilespmem:s18+$0xFFFFFFB0] =	vst v9;
	s18 =	smov.u32 s22;
	s22 =	smov.u32 s24;
	s24 =	smov.u32 s7  }
0x3a4: {  	v16 =	vbroadcast v18, $0x0;
	v15 =	vmul.f32 v6, v15;
	[tilespmem:s22+$0x20] =	vst v17;
	v9 =	vld [tilespmem:s17+$0xFFFFFFB0];
	s17 =	smov.u32 s19;
	s19 =	smov.u32 s20;
	s20 =	smov.u32 s23  }
0x3a5: {  	s23 =	smov.u32 s9;
	s9 =	sadd.s32 $0x100, s9;
	v17 =	vbroadcast v13, $0x0;
	v8 =	vpop (erf);
	v13 =	vld [tilespmem:s17+$0x30]  }
0x3a6: {  	(erf) = vrcp.f32 v16;
	_ =	sdelay $0x1  }
0x3a7: {  	(erf) = vrcp.f32 v17;
	_ =	sdelay $0x2  }
0x3a8: {  	v16 =	vld [tilespmem:s23+$0x0];
	_ =	sdelay $0x2  }
0x3a9: {  	v14 =	vmul.f32 v8, v14;
	v17 =	vpop (erf)  }
0x3aa: {  	s8 =	sadd.s32 $0x100, s7;
	v18 =	vpop (erf)  }
0x3ab: {  	[tilespmem:s8+$0x0] =	vst v14;
	v14 =	vmul.f32 v18, v16  }
0x3ac: {  	s9 =	sadd.s32 $0x100, s8;
	v7 =	vmul.f32 v17, v7;
	v16 =	vld [tilespmem:s20+$0x10];
	v19 =	vpop (erf)  }
0x3ad: {  	v10 =	vmul.f32 v19, v10;
	[tilespmem:s9+$0x0] =	vst v14  }
0x3ae: {  	[tilespmem:s8+$0xFFFFFF80] =	vst v7;
	v7 =	vld [tilespmem:s23+$0x10]  }
0x3af: {  	v14 =	vld [tilespmem:s20+$0xFFFFFF90];
	[tilespmem:s9+$0xFFFFFF80] =	vst v10  }
0x3b0: {  	v10 =	vld [tilespmem:s23+$0xFFFFFF90]  }
0x3b1: {  	[tilespmem:s7+$0x10] =	vst v15;
	v15 =	vmul.f32 v8, v16  }
0x3b2: {  	v11 =	vmul.f32 v5, v11;
	v16 =	vld [tilespmem:s19+$0x20]  }
0x3b3: {  	[tilespmem:s8+$0x10] =	vst v15;
	v7 =	vmul.f32 v18, v7  }
0x3b4: {  	[tilespmem:s24+$0xFFFFFF90] =	vst v11;
	v14 =	vmul.f32 v17, v14;
	v11 =	vld [tilespmem:s20+$0x20]  }
0x3b5: {  	v10 =	vmul.f32 v19, v10;
	[tilespmem:s9+$0x10] =	vst v7;
	v7 =	vld [tilespmem:s19+$0xFFFFFFA0]  }
0x3b6: {  	v12 =	vmul.f32 v12, v3;
	[tilespmem:s8+$0xFFFFFF90] =	vst v14;
	v14 =	vld [tilespmem:s23+$0x20]  }
0x3b7: {  	v15 =	vmul.f32 v16, v6;
	[tilespmem:s9+$0xFFFFFF90] =	vst v10;
	v10 =	vld [tilespmem:s20+$0xFFFFFFA0]  }
0x3b8: {  	v4 =	vmul.f32 v13, v4;
	[tilespmem:s22+$0xFFFFFFA0] =	vst v12;
	v12 =	vld [tilespmem:s23+$0xFFFFFFA0]  }
0x3b9: {  	[tilespmem:s24+$0x20] =	vst v15;
	v11 =	vmul.f32 v11, v8  }
0x3ba: {  	[tilespmem:s22+$0x30] =	vst v4;
	v4 =	vld [tilespmem:s19+$0x30];
	v7 =	vmul.f32 v7, v5  }
0x3bb: {  	v13 =	vld [tilespmem:s17+$0xFFFFFFB0];
	[tilespmem:s8+$0x20] =	vst v11;
	v11 =	vmul.f32 v14, v18  }
0x3bc: {  	v10 =	vmul.f32 v10, v17;
	[tilespmem:s24+$0xFFFFFFA0] =	vst v7;
	v7 =	vld [tilespmem:s20+$0x30]  }
0x3bd: {  	v14 =	vld [tilespmem:s19+$0xFFFFFFB0];
	[tilespmem:s9+$0x20] =	vst v11;
	v11 =	vmul.f32 v12, v19  }
0x3be: {  	v2 =	vmul.f32 v9, v2;
	[tilespmem:s8+$0xFFFFFFA0] =	vst v10;
	v9 =	vld [tilespmem:s23+$0x30]  }
0x3bf: {  	v4 =	vmul.f32 v4, v6;
	v6 =	vld [tilespmem:s20+$0xFFFFFFB0];
	[tilespmem:s9+$0xFFFFFFA0] =	vst v11  }
0x3c0: {  	[tilespmem:s18+$0xFFFFFFB0] =	vst v2;
	v2 =	vmul.f32 v13, v3;
	v3 =	vld [tilespmem:s23+$0xFFFFFFB0]  }
0x3c1: {  	[tilespmem:s24+$0x30] =	vst v4;
	v4 =	vmul.f32 v7, v8  }
0x3c2: {  	[tilespmem:s22+$0xFFFFFFB0] =	vst v2;
	v2 =	vmul.f32 v14, v5  }
0x3c3: {  	[tilespmem:s8+$0x30] =	vst v4;
	v4 =	vmul.f32 v9, v18  }
0x3c4: {  	[tilespmem:s24+$0xFFFFFFB0] =	vst v2;
	v2 =	vmul.f32 v6, v17  }
0x3c5: {  	[tilespmem:s9+$0x30] =	vst v4;
	v3 =	vmul.f32 v3, v19  }
0x3c6: {  	[tilespmem:s8+$0xFFFFFFB0] =	vst v2  }
0x3c7: {  	[tilespmem:s9+$0xFFFFFFB0] =	vst v3  }
0x3c8: {  	s7 =	rddreg [dreg:$0x9]  }
0x3c9: {  	[tilespmem:s14], [sflag:$0x2] =	stream.linear.gather [spmem:s7], $0x2000, $0x38;
	[tilespmem:$0x19100] =	vst v63  }
0x3ca: {  	s8 =	rddreg [dreg:$0xc]  }
0x3cb: {  	[hbm4b:s8+s3] =	stream.linear.scatter [tilespmem:s30], [sflag:$0x4], $0x2000, $0x38;
	[tilespmem:$0x19100] =	vst v63  }
0x3cc: {  	_ =	swait.ge [sflag:s26], $0x2000  }
0x3cd: {  	[sflag:s26] =	ssyncset.done $0x0  }
0x3ce: {  	[sflag:s26] =	ssyncadd.s32 $0xFFFFE000  }
0x3cf: {  	_ =	swait.ge [sflag:s0], $0x2000  }
0x3d0: {  	[sflag:s0] =	ssyncset.done $0x0  }
0x3d1: {  	s9 =	simm.s32 $0x14080;
	[sflag:s0] =	ssyncadd.s32 $0xFFFFE000  }
0x3d2: {  	v2 =	vld [tilespmem:s9+$0x40];
	_ =	sdelay $0x4  }
0x3d3: {  	v3 =	vld [tilespmem:s9+$0xFFFFFFC0];
	v2 =	vadd.f32 $9.999999970e-07, v2;
	_ =	sdelay $0x1  }
0x3d4: {  	v2 =	vbroadcast v2, $0x0  }
0x3d5: {  	s17 =	simm.s32 $0x14180  }
0x3d6: {  	(erf) = vrcp.f32 v2;
	v2 =	vld [tilespmem:s17+$0x40]  }
0x3d7: {  	v3 =	vadd.f32 $9.999999970e-07, v3;
	_ =	sdelay $0x1  }
0x3d8: {  	v3 =	vbroadcast v3, $0x0  }
0x3d9: {  	v4 =	vld [tilespmem:s17+$0xFFFFFFC0]  }
0x3da: {  	v5 =	vld [tilespmem:s9+$0x0];
	(erf) = vrcp.f32 v3;
	v2 =	vadd.f32 $9.999999970e-07, v2;
	_ =	sdelay $0x1  }
0x3db: {  	v2 =	vbroadcast v2, $0x0;
	_ =	sdelay $0x1  }
0x3dc: {  	s19 =	simm.s32 $0x14280;
	v4 =	vadd.f32 $9.999999970e-07, v4;
	v3 =	vld [tilespmem:s9+$0xFFFFFF80];
	v8 =	vpop (erf);
	(erf) = vrcp.f32 v2  }
0x3dd: {  	v2 =	vmul.f32 v8, v5;
	v5 =	vld [tilespmem:s19+$0x40]  }
0x3de: {  	v4 =	vbroadcast v4, $0x0;
	_ =	sdelay $0x1  }
0x3df: {  	s18 =	simm.s32 $0x10080;
	(erf) = vrcp.f32 v4;
	v4 =	vld [tilespmem:s19+$0xFFFFFFC0]  }
0x3e0: {  	v7 =	vld [tilespmem:s17+$0x0];
	[tilespmem:s18+$0x0] =	vst v2;
	v2 =	vpop (erf)  }
0x3e1: {  	v6 =	vld [tilespmem:s9+$0x10];
	v3 =	vmul.f32 v2, v3;
	v5 =	vadd.f32 $9.999999970e-07, v5;
	_ =	sdelay $0x1  }
0x3e2: {  	[tilespmem:s18+$0xFFFFFF80] =	vst v3;
	v3 =	vbroadcast v5, $0x0  }
0x3e3: {  	v10 =	vadd.f32 $9.999999970e-07, v4;
	v4 =	vpop (erf)  }
0x3e4: {  	v9 =	vld [tilespmem:s17+$0xFFFFFF80];
	(erf) = vrcp.f32 v3;
	v3 =	vmul.f32 v4, v7  }
0x3e5: {  	s20 =	simm.s32 $0x14380;
	v5 =	vmul.f32 v8, v6  }
0x3e6: {  	v11 =	vld [tilespmem:s20+$0x40]  }
0x3e7: {  	s22 =	simm.s32 $0x10180;
	v6 =	vld [tilespmem:s9+$0xFFFFFF90];
	[tilespmem:s18+$0x10] =	vst v5  }
0x3e8: {  	v5 =	vbroadcast v10, $0x0;
	v10 =	vld [tilespmem:s9+$0x20];
	[tilespmem:s22+$0x0] =	vst v3;
	v3 =	vpop (erf)  }
0x3e9: {  	v7 =	vmul.f32 v3, v9;
	v9 =	vld [tilespmem:s20+$0xFFFFFFC0]  }
0x3ea: {  	(erf) = vrcp.f32 v5;
	v5 =	vld [tilespmem:s17+$0x10]  }
0x3eb: {  	v12 =	vld [tilespmem:s19+$0xFFFFFF80]  }
0x3ec: {  	s23 =	simm.s32 $0x14480;
	v13 =	vld [tilespmem:s19+$0x0];
	v6 =	vmul.f32 v2, v6  }
0x3ed: {  	v17 =	vld [tilespmem:s23+$0x40];
	v11 =	vadd.f32 $9.999999970e-07, v11  }
0x3ee: {  	v18 =	vld [tilespmem:s23+$0xFFFFFFC0];
	[tilespmem:s18+$0xFFFFFF90] =	vst v6;
	v10 =	vmul.f32 v10, v8;
	v9 =	vadd.f32 $9.999999970e-07, v9  }
0x3ef: {  	v11 =	vbroadcast v11, $0x0;
	[tilespmem:s22+$0xFFFFFF80] =	vst v7;
	v15 =	vld [tilespmem:s9+$0xFFFFFFA0];
	v5 =	vmul.f32 v4, v5  }
0x3f0: {  	v14 =	vld [tilespmem:s17+$0xFFFFFF90];
	[tilespmem:s18+$0x20] =	vst v10;
	v6 =	vpop (erf);
	v9 =	vbroadcast v9, $0x0  }
0x3f1: {  	(erf) = vrcp.f32 v11;
	v16 =	vld [tilespmem:s9+$0x30];
	v10 =	vmul.f32 v6, v13;
	[tilespmem:s22+$0x10] =	vst v5  }
0x3f2: {  	s7 =	simm.s32 $0x10280;
	v13 =	vld [tilespmem:s17+$0x20];
	(erf) = vrcp.f32 v9  }
0x3f3: {  	v7 =	vld [tilespmem:s20+$0xFFFFFF80];
	v5 =	vpop (erf);
	[tilespmem:s7+$0x0] =	vst v10  }
0x3f4: {  	v11 =	vmul.f32 v5, v12;
	v19 =	vld [tilespmem:s19+$0x10]  }
0x3f5: {  	v10 =	vld [tilespmem:s23+$0xFFFFFF80];
	v12 =	vmul.f32 v3, v14  }
0x3f6: {  	v15 =	vmul.f32 v15, v2;
	v14 =	vld [tilespmem:s20+$0x0];
	[tilespmem:s7+$0xFFFFFF80] =	vst v11;
	v8 =	vmul.f32 v16, v8  }
0x3f7: {  	v17 =	vadd.f32 $9.999999970e-07, v17;
	[tilespmem:s22+$0xFFFFFF90] =	vst v12;
	v11 =	vld [tilespmem:s19+$0xFFFFFF90];
	v13 =	vmul.f32 v13, v4  }
0x3f8: {  	v18 =	vadd.f32 $9.999999970e-07, v18;
	[tilespmem:s18+$0xFFFFFFA0] =	vst v15;
	v12 =	vld [tilespmem:s17+$0xFFFFFFA0]  }
0x3f9: {  	v16 =	vbroadcast v17, $0x0;
	v9 =	vld [tilespmem:s9+$0xFFFFFFB0];
	[tilespmem:s22+$0x20] =	vst v13;
	v15 =	vmul.f32 v6, v19  }
0x3fa: {  	s24 =	simm.s32 $0x10280;
	s8 =	simm.s32 $0x8;
	v17 =	vbroadcast v18, $0x0;
	s9 =	simm.s32 $0x14580;
	[tilespmem:s18+$0x30] =	vst v8;
	v8 =	vpop (erf);
	v13 =	vld [tilespmem:s17+$0x30]  }
.LBB2_15:
0x3fb: {  	v18 =	vld [tilespmem:s9+$0x40];
	(erf) = vrcp.f32 v16;
	v14 =	vmul.f32 v8, v14;
	v16 =	vpop (erf);
	[tilespmem:s7+$0x10] =	vst v15  }
0x3fc: {  	s8 =	sadd.s32 $0x2, s8;
	s7 =	sadd.s32 $0x100, s7;
	(erf) = vrcp.f32 v17;
	v15 =	vmul.f32 v16, v7;
	v17 =	vld [tilespmem:s19+$0x20];
	v7 =	vmov v10  }
0x3fd: {  	p0 =	slt.u32 s8, $0x3E;
	v11 =	vmul.f32 v5, v11;
	v19 =	vld [tilespmem:s9+$0xFFFFFFC0];
	[tilespmem:s7+$0x0] =	vst v14;
	v12 =	vmul.f32 v12, v3  }
0x3fe: {  	[tilespmem:s7+$0xFFFFFF80] =	vst v15;
	v15 =	vld [tilespmem:s20+$0x10];
	v9 =	vmul.f32 v9, v2;
	v2 =	vmovc v3;
	v3 =	vmov v5;
	v5 =	vmov v16  }
0x3ff: {  	v10 =	vld [tilespmem:s9+$0xFFFFFF80];
	[tilespmem:s24+$0xFFFFFF90] =	vst v11;
	v13 =	vmul.f32 v13, v4;
	v4 =	vmov v6;
	v6 =	vmov v8  }
.Ltmp8:
0x400: {  	v14 =	vld [tilespmem:s23+$0x0];
	[tilespmem:s22+$0xFFFFFFA0] =	vst v12;
	(pc) =	sbr.rel @p0 .LBB2_15-.Ltmp8, $4  }
0x401: {  	v18 =	vadd.f32 $9.999999970e-07, v18;
	v11 =	vld [tilespmem:s20+$0xFFFFFF90];
	v17 =	vmul.f32 v17, v4;
	[tilespmem:s22+$0x30] =	vst v13  }
0x402: {  	v13 =	vadd.f32 $9.999999970e-07, v19;
	v12 =	vld [tilespmem:s19+$0xFFFFFFA0];
	[tilespmem:s18+$0xFFFFFFB0] =	vst v9;
	s18 =	smov.u32 s22;
	s22 =	smov.u32 s24;
	s24 =	smov.u32 s7  }
0x403: {  	v16 =	vbroadcast v18, $0x0;
	v15 =	vmul.f32 v6, v15;
	[tilespmem:s22+$0x20] =	vst v17;
	v9 =	vld [tilespmem:s17+$0xFFFFFFB0];
	s17 =	smov.u32 s19;
	s19 =	smov.u32 s20;
	s20 =	smov.u32 s23  }
0x404: {  	s23 =	smov.u32 s9;
	s9 =	sadd.s32 $0x100, s9;
	v17 =	vbroadcast v13, $0x0;
	v8 =	vpop (erf);
	v13 =	vld [tilespmem:s17+$0x30]  }
0x405: {  	(erf) = vrcp.f32 v16;
	_ =	sdelay $0x1  }
0x406: {  	(erf) = vrcp.f32 v17;
	_ =	sdelay $0x2  }
0x407: {  	v16 =	vld [tilespmem:s23+$0x0];
	_ =	sdelay $0x2  }
0x408: {  	v14 =	vmul.f32 v8, v14;
	v17 =	vpop (erf)  }
0x409: {  	s8 =	sadd.s32 $0x100, s7;
	v18 =	vpop (erf)  }
0x40a: {  	[tilespmem:s8+$0x0] =	vst v14;
	v14 =	vmul.f32 v18, v16  }
0x40b: {  	s9 =	sadd.s32 $0x100, s8;
	v7 =	vmul.f32 v17, v7;
	v16 =	vld [tilespmem:s20+$0x10];
	v19 =	vpop (erf)  }
0x40c: {  	v10 =	vmul.f32 v19, v10;
	[tilespmem:s9+$0x0] =	vst v14  }
0x40d: {  	[tilespmem:s8+$0xFFFFFF80] =	vst v7;
	v7 =	vld [tilespmem:s23+$0x10]  }
0x40e: {  	v14 =	vld [tilespmem:s20+$0xFFFFFF90];
	[tilespmem:s9+$0xFFFFFF80] =	vst v10  }
0x40f: {  	v10 =	vld [tilespmem:s23+$0xFFFFFF90]  }
0x410: {  	[tilespmem:s7+$0x10] =	vst v15;
	v15 =	vmul.f32 v8, v16  }
0x411: {  	v11 =	vmul.f32 v5, v11;
	v16 =	vld [tilespmem:s19+$0x20]  }
0x412: {  	[tilespmem:s8+$0x10] =	vst v15;
	v7 =	vmul.f32 v18, v7  }
0x413: {  	[tilespmem:s24+$0xFFFFFF90] =	vst v11;
	v14 =	vmul.f32 v17, v14;
	v11 =	vld [tilespmem:s20+$0x20]  }
0x414: {  	v10 =	vmul.f32 v19, v10;
	[tilespmem:s9+$0x10] =	vst v7;
	v7 =	vld [tilespmem:s19+$0xFFFFFFA0]  }
0x415: {  	v12 =	vmul.f32 v12, v3;
	[tilespmem:s8+$0xFFFFFF90] =	vst v14;
	v14 =	vld [tilespmem:s23+$0x20]  }
0x416: {  	v15 =	vmul.f32 v16, v6;
	[tilespmem:s9+$0xFFFFFF90] =	vst v10;
	v10 =	vld [tilespmem:s20+$0xFFFFFFA0]  }
0x417: {  	v4 =	vmul.f32 v13, v4;
	[tilespmem:s22+$0xFFFFFFA0] =	vst v12;
	v12 =	vld [tilespmem:s23+$0xFFFFFFA0]  }
0x418: {  	[tilespmem:s24+$0x20] =	vst v15;
	v11 =	vmul.f32 v11, v8  }
0x419: {  	[tilespmem:s22+$0x30] =	vst v4;
	v4 =	vld [tilespmem:s19+$0x30];
	v7 =	vmul.f32 v7, v5  }
0x41a: {  	v13 =	vld [tilespmem:s17+$0xFFFFFFB0];
	[tilespmem:s8+$0x20] =	vst v11;
	v11 =	vmul.f32 v14, v18  }
0x41b: {  	v10 =	vmul.f32 v10, v17;
	[tilespmem:s24+$0xFFFFFFA0] =	vst v7;
	v7 =	vld [tilespmem:s20+$0x30]  }
0x41c: {  	v14 =	vld [tilespmem:s19+$0xFFFFFFB0];
	[tilespmem:s9+$0x20] =	vst v11;
	v11 =	vmul.f32 v12, v19  }
0x41d: {  	v2 =	vmul.f32 v9, v2;
	[tilespmem:s8+$0xFFFFFFA0] =	vst v10;
	v9 =	vld [tilespmem:s23+$0x30]  }
0x41e: {  	v4 =	vmul.f32 v4, v6;
	v6 =	vld [tilespmem:s20+$0xFFFFFFB0];
	[tilespmem:s9+$0xFFFFFFA0] =	vst v11  }
0x41f: {  	[tilespmem:s18+$0xFFFFFFB0] =	vst v2;
	v2 =	vmul.f32 v13, v3;
	v3 =	vld [tilespmem:s23+$0xFFFFFFB0]  }
0x420: {  	[tilespmem:s24+$0x30] =	vst v4;
	v4 =	vmul.f32 v7, v8  }
0x421: {  	[tilespmem:s22+$0xFFFFFFB0] =	vst v2;
	v2 =	vmul.f32 v14, v5  }
0x422: {  	[tilespmem:s8+$0x30] =	vst v4;
	v4 =	vmul.f32 v9, v18  }
0x423: {  	[tilespmem:s24+$0xFFFFFFB0] =	vst v2;
	v2 =	vmul.f32 v6, v17  }
0x424: {  	[tilespmem:s9+$0x30] =	vst v4;
	v3 =	vmul.f32 v3, v19  }
0x425: {  	[tilespmem:s8+$0xFFFFFFB0] =	vst v2  }
0x426: {  	[tilespmem:s9+$0xFFFFFFB0] =	vst v3  }
0x427: {  	[tilespmem:s31], [sflag:$0x1] =	stream.linear.gather [spmem:s11], $0x2000, $0x38;
	[tilespmem:$0x19100] =	vst v63  }
0x428: {  	s7 =	rddreg [dreg:$0xd]  }
0x429: {  	[hbm4b:s7+s3] =	stream.linear.scatter [tilespmem:s29], [sflag:$0x3], $0x2000, $0x38;
	[tilespmem:$0x19100] =	vst v63  }
0x42a: {  	_ =	swait.ge [sflag:s5], $0x2000  }
0x42b: {  	[sflag:s5] =	ssyncset.done $0x0  }
0x42c: {  	[sflag:s5] =	ssyncadd.s32 $0xFFFFE000  }
0x42d: {  	_ =	swait.ge [sflag:s1], $0x2000  }
0x42e: {  	[sflag:s1] =	ssyncset.done $0x0  }
0x42f: {  	s9 =	simm.s32 $0x16080;
	[sflag:s1] =	ssyncadd.s32 $0xFFFFE000  }
0x430: {  	v2 =	vld [tilespmem:s9+$0x40];
	_ =	sdelay $0x4  }
0x431: {  	v3 =	vld [tilespmem:s9+$0xFFFFFFC0];
	v2 =	vadd.f32 $9.999999970e-07, v2;
	_ =	sdelay $0x1  }
0x432: {  	v2 =	vbroadcast v2, $0x0  }
0x433: {  	s17 =	simm.s32 $0x16180  }
0x434: {  	(erf) = vrcp.f32 v2;
	v2 =	vld [tilespmem:s17+$0x40]  }
0x435: {  	v3 =	vadd.f32 $9.999999970e-07, v3;
	_ =	sdelay $0x1  }
0x436: {  	v3 =	vbroadcast v3, $0x0  }
0x437: {  	v4 =	vld [tilespmem:s17+$0xFFFFFFC0]  }
0x438: {  	v5 =	vld [tilespmem:s9+$0x0];
	(erf) = vrcp.f32 v3;
	v2 =	vadd.f32 $9.999999970e-07, v2;
	_ =	sdelay $0x1  }
0x439: {  	v2 =	vbroadcast v2, $0x0;
	_ =	sdelay $0x1  }
0x43a: {  	s19 =	simm.s32 $0x16280;
	v4 =	vadd.f32 $9.999999970e-07, v4;
	v3 =	vld [tilespmem:s9+$0xFFFFFF80];
	v8 =	vpop (erf);
	(erf) = vrcp.f32 v2  }
0x43b: {  	v2 =	vmul.f32 v8, v5;
	v5 =	vld [tilespmem:s19+$0x40]  }
0x43c: {  	v4 =	vbroadcast v4, $0x0;
	_ =	sdelay $0x1  }
0x43d: {  	s18 =	simm.s32 $0x12080;
	(erf) = vrcp.f32 v4;
	v4 =	vld [tilespmem:s19+$0xFFFFFFC0]  }
0x43e: {  	v7 =	vld [tilespmem:s17+$0x0];
	[tilespmem:s18+$0x0] =	vst v2;
	v2 =	vpop (erf)  }
0x43f: {  	v6 =	vld [tilespmem:s9+$0x10];
	v3 =	vmul.f32 v2, v3;
	v5 =	vadd.f32 $9.999999970e-07, v5;
	_ =	sdelay $0x1  }
0x440: {  	[tilespmem:s18+$0xFFFFFF80] =	vst v3;
	v3 =	vbroadcast v5, $0x0  }
0x441: {  	v10 =	vadd.f32 $9.999999970e-07, v4;
	v4 =	vpop (erf)  }
0x442: {  	v9 =	vld [tilespmem:s17+$0xFFFFFF80];
	(erf) = vrcp.f32 v3;
	v3 =	vmul.f32 v4, v7  }
0x443: {  	s20 =	simm.s32 $0x16380;
	v5 =	vmul.f32 v8, v6  }
0x444: {  	v11 =	vld [tilespmem:s20+$0x40]  }
0x445: {  	s22 =	simm.s32 $0x12180;
	v6 =	vld [tilespmem:s9+$0xFFFFFF90];
	[tilespmem:s18+$0x10] =	vst v5  }
0x446: {  	v5 =	vbroadcast v10, $0x0;
	v10 =	vld [tilespmem:s9+$0x20];
	[tilespmem:s22+$0x0] =	vst v3;
	v3 =	vpop (erf)  }
0x447: {  	v7 =	vmul.f32 v3, v9;
	v9 =	vld [tilespmem:s20+$0xFFFFFFC0]  }
0x448: {  	(erf) = vrcp.f32 v5;
	v5 =	vld [tilespmem:s17+$0x10]  }
0x449: {  	v12 =	vld [tilespmem:s19+$0xFFFFFF80]  }
0x44a: {  	s23 =	simm.s32 $0x16480;
	v13 =	vld [tilespmem:s19+$0x0];
	v6 =	vmul.f32 v2, v6  }
0x44b: {  	v17 =	vld [tilespmem:s23+$0x40];
	v11 =	vadd.f32 $9.999999970e-07, v11  }
0x44c: {  	v18 =	vld [tilespmem:s23+$0xFFFFFFC0];
	[tilespmem:s18+$0xFFFFFF90] =	vst v6;
	v10 =	vmul.f32 v10, v8;
	v9 =	vadd.f32 $9.999999970e-07, v9  }
0x44d: {  	v11 =	vbroadcast v11, $0x0;
	[tilespmem:s22+$0xFFFFFF80] =	vst v7;
	v15 =	vld [tilespmem:s9+$0xFFFFFFA0];
	v5 =	vmul.f32 v4, v5  }
0x44e: {  	v14 =	vld [tilespmem:s17+$0xFFFFFF90];
	[tilespmem:s18+$0x20] =	vst v10;
	v6 =	vpop (erf);
	v9 =	vbroadcast v9, $0x0  }
0x44f: {  	(erf) = vrcp.f32 v11;
	v16 =	vld [tilespmem:s9+$0x30];
	v10 =	vmul.f32 v6, v13;
	[tilespmem:s22+$0x10] =	vst v5  }
0x450: {  	s7 =	simm.s32 $0x12280;
	v13 =	vld [tilespmem:s17+$0x20];
	(erf) = vrcp.f32 v9  }
0x451: {  	v7 =	vld [tilespmem:s20+$0xFFFFFF80];
	v5 =	vpop (erf);
	[tilespmem:s7+$0x0] =	vst v10  }
0x452: {  	v11 =	vmul.f32 v5, v12;
	v19 =	vld [tilespmem:s19+$0x10]  }
0x453: {  	v10 =	vld [tilespmem:s23+$0xFFFFFF80];
	v12 =	vmul.f32 v3, v14  }
0x454: {  	v15 =	vmul.f32 v15, v2;
	v14 =	vld [tilespmem:s20+$0x0];
	[tilespmem:s7+$0xFFFFFF80] =	vst v11;
	v8 =	vmul.f32 v16, v8  }
0x455: {  	v17 =	vadd.f32 $9.999999970e-07, v17;
	[tilespmem:s22+$0xFFFFFF90] =	vst v12;
	v11 =	vld [tilespmem:s19+$0xFFFFFF90];
	v13 =	vmul.f32 v13, v4  }
0x456: {  	v18 =	vadd.f32 $9.999999970e-07, v18;
	[tilespmem:s18+$0xFFFFFFA0] =	vst v15;
	v12 =	vld [tilespmem:s17+$0xFFFFFFA0]  }
0x457: {  	v16 =	vbroadcast v17, $0x0;
	v9 =	vld [tilespmem:s9+$0xFFFFFFB0];
	[tilespmem:s22+$0x20] =	vst v13;
	v15 =	vmul.f32 v6, v19  }
0x458: {  	s24 =	simm.s32 $0x12280;
	s8 =	simm.s32 $0x8;
	v17 =	vbroadcast v18, $0x0;
	s9 =	simm.s32 $0x16580;
	[tilespmem:s18+$0x30] =	vst v8;
	v8 =	vpop (erf);
	v13 =	vld [tilespmem:s17+$0x30]  }
.LBB2_17:
0x459: {  	v18 =	vld [tilespmem:s9+$0x40];
	(erf) = vrcp.f32 v16;
	v14 =	vmul.f32 v8, v14;
	v16 =	vpop (erf);
	[tilespmem:s7+$0x10] =	vst v15  }
0x45a: {  	s8 =	sadd.s32 $0x2, s8;
	s7 =	sadd.s32 $0x100, s7;
	(erf) = vrcp.f32 v17;
	v15 =	vmul.f32 v16, v7;
	v17 =	vld [tilespmem:s19+$0x20];
	v7 =	vmov v10  }
0x45b: {  	p0 =	slt.u32 s8, $0x3E;
	v11 =	vmul.f32 v5, v11;
	v19 =	vld [tilespmem:s9+$0xFFFFFFC0];
	[tilespmem:s7+$0x0] =	vst v14;
	v12 =	vmul.f32 v12, v3  }
0x45c: {  	[tilespmem:s7+$0xFFFFFF80] =	vst v15;
	v15 =	vld [tilespmem:s20+$0x10];
	v9 =	vmul.f32 v9, v2;
	v2 =	vmovc v3;
	v3 =	vmov v5;
	v5 =	vmov v16  }
0x45d: {  	v10 =	vld [tilespmem:s9+$0xFFFFFF80];
	[tilespmem:s24+$0xFFFFFF90] =	vst v11;
	v13 =	vmul.f32 v13, v4;
	v4 =	vmov v6;
	v6 =	vmov v8  }
.Ltmp9:
0x45e: {  	v14 =	vld [tilespmem:s23+$0x0];
	[tilespmem:s22+$0xFFFFFFA0] =	vst v12;
	(pc) =	sbr.rel @p0 .LBB2_17-.Ltmp9, $4  }
0x45f: {  	v18 =	vadd.f32 $9.999999970e-07, v18;
	v11 =	vld [tilespmem:s20+$0xFFFFFF90];
	v17 =	vmul.f32 v17, v4;
	[tilespmem:s22+$0x30] =	vst v13  }
0x460: {  	v13 =	vadd.f32 $9.999999970e-07, v19;
	v12 =	vld [tilespmem:s19+$0xFFFFFFA0];
	[tilespmem:s18+$0xFFFFFFB0] =	vst v9;
	s18 =	smov.u32 s22;
	s22 =	smov.u32 s24;
	s24 =	smov.u32 s7  }
0x461: {  	v16 =	vbroadcast v18, $0x0;
	v15 =	vmul.f32 v6, v15;
	[tilespmem:s22+$0x20] =	vst v17;
	v9 =	vld [tilespmem:s17+$0xFFFFFFB0];
	s17 =	smov.u32 s19;
	s19 =	smov.u32 s20;
	s20 =	smov.u32 s23  }
0x462: {  	s23 =	smov.u32 s9;
	s9 =	sadd.s32 $0x100, s9;
	v17 =	vbroadcast v13, $0x0;
	v8 =	vpop (erf);
	v13 =	vld [tilespmem:s17+$0x30]  }
0x463: {  	(erf) = vrcp.f32 v16;
	_ =	sdelay $0x1  }
0x464: {  	(erf) = vrcp.f32 v17;
	_ =	sdelay $0x2  }
0x465: {  	v16 =	vld [tilespmem:s23+$0x0];
	_ =	sdelay $0x2  }
0x466: {  	v14 =	vmul.f32 v8, v14;
	v17 =	vpop (erf)  }
0x467: {  	s8 =	sadd.s32 $0x100, s7;
	v18 =	vpop (erf)  }
0x468: {  	[tilespmem:s8+$0x0] =	vst v14;
	v14 =	vmul.f32 v18, v16  }
0x469: {  	s9 =	sadd.s32 $0x100, s8;
	v7 =	vmul.f32 v17, v7;
	v16 =	vld [tilespmem:s20+$0x10];
	v19 =	vpop (erf)  }
0x46a: {  	v10 =	vmul.f32 v19, v10;
	[tilespmem:s9+$0x0] =	vst v14  }
0x46b: {  	[tilespmem:s8+$0xFFFFFF80] =	vst v7;
	v7 =	vld [tilespmem:s23+$0x10]  }
0x46c: {  	v14 =	vld [tilespmem:s20+$0xFFFFFF90];
	[tilespmem:s9+$0xFFFFFF80] =	vst v10  }
0x46d: {  	v10 =	vld [tilespmem:s23+$0xFFFFFF90]  }
0x46e: {  	[tilespmem:s7+$0x10] =	vst v15;
	v15 =	vmul.f32 v8, v16  }
0x46f: {  	v11 =	vmul.f32 v5, v11;
	v16 =	vld [tilespmem:s19+$0x20]  }
0x470: {  	[tilespmem:s8+$0x10] =	vst v15;
	v7 =	vmul.f32 v18, v7  }
0x471: {  	[tilespmem:s24+$0xFFFFFF90] =	vst v11;
	v14 =	vmul.f32 v17, v14;
	v11 =	vld [tilespmem:s20+$0x20]  }
0x472: {  	v10 =	vmul.f32 v19, v10;
	[tilespmem:s9+$0x10] =	vst v7;
	v7 =	vld [tilespmem:s19+$0xFFFFFFA0]  }
0x473: {  	v12 =	vmul.f32 v12, v3;
	[tilespmem:s8+$0xFFFFFF90] =	vst v14;
	v14 =	vld [tilespmem:s23+$0x20]  }
0x474: {  	v15 =	vmul.f32 v16, v6;
	[tilespmem:s9+$0xFFFFFF90] =	vst v10;
	v10 =	vld [tilespmem:s20+$0xFFFFFFA0]  }
0x475: {  	v4 =	vmul.f32 v13, v4;
	[tilespmem:s22+$0xFFFFFFA0] =	vst v12;
	v12 =	vld [tilespmem:s23+$0xFFFFFFA0]  }
0x476: {  	[tilespmem:s24+$0x20] =	vst v15;
	v11 =	vmul.f32 v11, v8  }
0x477: {  	[tilespmem:s22+$0x30] =	vst v4;
	v4 =	vld [tilespmem:s19+$0x30];
	v7 =	vmul.f32 v7, v5  }
0x478: {  	v13 =	vld [tilespmem:s17+$0xFFFFFFB0];
	[tilespmem:s8+$0x20] =	vst v11;
	v11 =	vmul.f32 v14, v18  }
0x479: {  	v10 =	vmul.f32 v10, v17;
	[tilespmem:s24+$0xFFFFFFA0] =	vst v7;
	v7 =	vld [tilespmem:s20+$0x30]  }
0x47a: {  	v14 =	vld [tilespmem:s19+$0xFFFFFFB0];
	[tilespmem:s9+$0x20] =	vst v11;
	v11 =	vmul.f32 v12, v19  }
0x47b: {  	v2 =	vmul.f32 v9, v2;
	[tilespmem:s8+$0xFFFFFFA0] =	vst v10;
	v9 =	vld [tilespmem:s23+$0x30]  }
0x47c: {  	v4 =	vmul.f32 v4, v6;
	v6 =	vld [tilespmem:s20+$0xFFFFFFB0];
	[tilespmem:s9+$0xFFFFFFA0] =	vst v11  }
0x47d: {  	[tilespmem:s18+$0xFFFFFFB0] =	vst v2;
	v2 =	vmul.f32 v13, v3;
	v3 =	vld [tilespmem:s23+$0xFFFFFFB0]  }
0x47e: {  	[tilespmem:s24+$0x30] =	vst v4;
	v4 =	vmul.f32 v7, v8  }
0x47f: {  	[tilespmem:s22+$0xFFFFFFB0] =	vst v2;
	v2 =	vmul.f32 v14, v5  }
0x480: {  	[tilespmem:s8+$0x30] =	vst v4;
	v4 =	vmul.f32 v9, v18  }
0x481: {  	[tilespmem:s24+$0xFFFFFFB0] =	vst v2;
	v2 =	vmul.f32 v6, v17  }
0x482: {  	[tilespmem:s9+$0x30] =	vst v4;
	v3 =	vmul.f32 v3, v19  }
0x483: {  	[tilespmem:s8+$0xFFFFFFB0] =	vst v2  }
0x484: {  	[tilespmem:s9+$0xFFFFFFB0] =	vst v3  }
0x485: {  	[tilespmem:s14], [sflag:$0x2] =	stream.linear.gather [spmem:s12], $0x2000, $0x38;
	[tilespmem:$0x19100] =	vst v63  }
0x486: {  	s7 =	rddreg [dreg:$0xe]  }
0x487: {  	[hbm4b:s7+s3] =	stream.linear.scatter [tilespmem:s30], [sflag:$0x4], $0x2000, $0x38;
	[tilespmem:$0x19100] =	vst v63  }
0x488: {  	_ =	swait.ge [sflag:s26], $0x2000  }
0x489: {  	[sflag:s26] =	ssyncset.done $0x0  }
0x48a: {  	[sflag:s26] =	ssyncadd.s32 $0xFFFFE000  }
0x48b: {  	_ =	swait.ge [sflag:s0], $0x2000  }
0x48c: {  	[sflag:s0] =	ssyncset.done $0x0  }
0x48d: {  	s9 =	simm.s32 $0x14080;
	[sflag:s0] =	ssyncadd.s32 $0xFFFFE000  }
0x48e: {  	v2 =	vld [tilespmem:s9+$0x40];
	_ =	sdelay $0x4  }
0x48f: {  	v3 =	vld [tilespmem:s9+$0xFFFFFFC0];
	v2 =	vadd.f32 $9.999999970e-07, v2;
	_ =	sdelay $0x1  }
0x490: {  	v2 =	vbroadcast v2, $0x0  }
0x491: {  	s17 =	simm.s32 $0x14180  }
0x492: {  	(erf) = vrcp.f32 v2;
	v2 =	vld [tilespmem:s17+$0x40]  }
0x493: {  	v3 =	vadd.f32 $9.999999970e-07, v3;
	_ =	sdelay $0x1  }
0x494: {  	v3 =	vbroadcast v3, $0x0  }
0x495: {  	v4 =	vld [tilespmem:s17+$0xFFFFFFC0]  }
0x496: {  	v5 =	vld [tilespmem:s9+$0x0];
	(erf) = vrcp.f32 v3;
	v2 =	vadd.f32 $9.999999970e-07, v2;
	_ =	sdelay $0x1  }
0x497: {  	v2 =	vbroadcast v2, $0x0;
	_ =	sdelay $0x1  }
0x498: {  	s19 =	simm.s32 $0x14280;
	v4 =	vadd.f32 $9.999999970e-07, v4;
	v3 =	vld [tilespmem:s9+$0xFFFFFF80];
	v8 =	vpop (erf);
	(erf) = vrcp.f32 v2  }
0x499: {  	v2 =	vmul.f32 v8, v5;
	v5 =	vld [tilespmem:s19+$0x40]  }
0x49a: {  	v4 =	vbroadcast v4, $0x0;
	_ =	sdelay $0x1  }
0x49b: {  	s18 =	simm.s32 $0x10080;
	(erf) = vrcp.f32 v4;
	v4 =	vld [tilespmem:s19+$0xFFFFFFC0]  }
0x49c: {  	v7 =	vld [tilespmem:s17+$0x0];
	[tilespmem:s18+$0x0] =	vst v2;
	v2 =	vpop (erf)  }
0x49d: {  	v6 =	vld [tilespmem:s9+$0x10];
	v3 =	vmul.f32 v2, v3;
	v5 =	vadd.f32 $9.999999970e-07, v5;
	_ =	sdelay $0x1  }
0x49e: {  	[tilespmem:s18+$0xFFFFFF80] =	vst v3;
	v3 =	vbroadcast v5, $0x0  }
0x49f: {  	v10 =	vadd.f32 $9.999999970e-07, v4;
	v4 =	vpop (erf)  }
0x4a0: {  	v9 =	vld [tilespmem:s17+$0xFFFFFF80];
	(erf) = vrcp.f32 v3;
	v3 =	vmul.f32 v4, v7  }
0x4a1: {  	s20 =	simm.s32 $0x14380;
	v5 =	vmul.f32 v8, v6  }
0x4a2: {  	v11 =	vld [tilespmem:s20+$0x40]  }
0x4a3: {  	s22 =	simm.s32 $0x10180;
	v6 =	vld [tilespmem:s9+$0xFFFFFF90];
	[tilespmem:s18+$0x10] =	vst v5  }
0x4a4: {  	v5 =	vbroadcast v10, $0x0;
	v10 =	vld [tilespmem:s9+$0x20];
	[tilespmem:s22+$0x0] =	vst v3;
	v3 =	vpop (erf)  }
0x4a5: {  	v7 =	vmul.f32 v3, v9;
	v9 =	vld [tilespmem:s20+$0xFFFFFFC0]  }
0x4a6: {  	(erf) = vrcp.f32 v5;
	v5 =	vld [tilespmem:s17+$0x10]  }
0x4a7: {  	v12 =	vld [tilespmem:s19+$0xFFFFFF80]  }
0x4a8: {  	s23 =	simm.s32 $0x14480;
	v13 =	vld [tilespmem:s19+$0x0];
	v6 =	vmul.f32 v2, v6  }
0x4a9: {  	v17 =	vld [tilespmem:s23+$0x40];
	v11 =	vadd.f32 $9.999999970e-07, v11  }
0x4aa: {  	v18 =	vld [tilespmem:s23+$0xFFFFFFC0];
	[tilespmem:s18+$0xFFFFFF90] =	vst v6;
	v10 =	vmul.f32 v10, v8;
	v9 =	vadd.f32 $9.999999970e-07, v9  }
0x4ab: {  	v11 =	vbroadcast v11, $0x0;
	[tilespmem:s22+$0xFFFFFF80] =	vst v7;
	v15 =	vld [tilespmem:s9+$0xFFFFFFA0];
	v5 =	vmul.f32 v4, v5  }
0x4ac: {  	v14 =	vld [tilespmem:s17+$0xFFFFFF90];
	[tilespmem:s18+$0x20] =	vst v10;
	v6 =	vpop (erf);
	v9 =	vbroadcast v9, $0x0  }
0x4ad: {  	(erf) = vrcp.f32 v11;
	v16 =	vld [tilespmem:s9+$0x30];
	v10 =	vmul.f32 v6, v13;
	[tilespmem:s22+$0x10] =	vst v5  }
0x4ae: {  	s7 =	simm.s32 $0x10280;
	v13 =	vld [tilespmem:s17+$0x20];
	(erf) = vrcp.f32 v9  }
0x4af: {  	v7 =	vld [tilespmem:s20+$0xFFFFFF80];
	v5 =	vpop (erf);
	[tilespmem:s7+$0x0] =	vst v10  }
0x4b0: {  	v11 =	vmul.f32 v5, v12;
	v19 =	vld [tilespmem:s19+$0x10]  }
0x4b1: {  	v10 =	vld [tilespmem:s23+$0xFFFFFF80];
	v12 =	vmul.f32 v3, v14  }
0x4b2: {  	v15 =	vmul.f32 v15, v2;
	v14 =	vld [tilespmem:s20+$0x0];
	[tilespmem:s7+$0xFFFFFF80] =	vst v11;
	v8 =	vmul.f32 v16, v8  }
0x4b3: {  	v17 =	vadd.f32 $9.999999970e-07, v17;
	[tilespmem:s22+$0xFFFFFF90] =	vst v12;
	v11 =	vld [tilespmem:s19+$0xFFFFFF90];
	v13 =	vmul.f32 v13, v4  }
0x4b4: {  	v18 =	vadd.f32 $9.999999970e-07, v18;
	[tilespmem:s18+$0xFFFFFFA0] =	vst v15;
	v12 =	vld [tilespmem:s17+$0xFFFFFFA0]  }
0x4b5: {  	v16 =	vbroadcast v17, $0x0;
	v9 =	vld [tilespmem:s9+$0xFFFFFFB0];
	[tilespmem:s22+$0x20] =	vst v13;
	v15 =	vmul.f32 v6, v19  }
0x4b6: {  	s24 =	simm.s32 $0x10280;
	s8 =	simm.s32 $0x8;
	v17 =	vbroadcast v18, $0x0;
	s9 =	simm.s32 $0x14580;
	[tilespmem:s18+$0x30] =	vst v8;
	v8 =	vpop (erf);
	v13 =	vld [tilespmem:s17+$0x30]  }
.LBB2_19:
0x4b7: {  	v18 =	vld [tilespmem:s9+$0x40];
	(erf) = vrcp.f32 v16;
	v14 =	vmul.f32 v8, v14;
	v16 =	vpop (erf);
	[tilespmem:s7+$0x10] =	vst v15  }
0x4b8: {  	s8 =	sadd.s32 $0x2, s8;
	s7 =	sadd.s32 $0x100, s7;
	(erf) = vrcp.f32 v17;
	v15 =	vmul.f32 v16, v7;
	v17 =	vld [tilespmem:s19+$0x20];
	v7 =	vmov v10  }
0x4b9: {  	p0 =	slt.u32 s8, $0x3E;
	v11 =	vmul.f32 v5, v11;
	v19 =	vld [tilespmem:s9+$0xFFFFFFC0];
	[tilespmem:s7+$0x0] =	vst v14;
	v12 =	vmul.f32 v12, v3  }
0x4ba: {  	[tilespmem:s7+$0xFFFFFF80] =	vst v15;
	v15 =	vld [tilespmem:s20+$0x10];
	v9 =	vmul.f32 v9, v2;
	v2 =	vmovc v3;
	v3 =	vmov v5;
	v5 =	vmov v16  }
0x4bb: {  	v10 =	vld [tilespmem:s9+$0xFFFFFF80];
	[tilespmem:s24+$0xFFFFFF90] =	vst v11;
	v13 =	vmul.f32 v13, v4;
	v4 =	vmov v6;
	v6 =	vmov v8  }
.Ltmp10:
0x4bc: {  	v14 =	vld [tilespmem:s23+$0x0];
	[tilespmem:s22+$0xFFFFFFA0] =	vst v12;
	(pc) =	sbr.rel @p0 .LBB2_19-.Ltmp10, $4  }
0x4bd: {  	v18 =	vadd.f32 $9.999999970e-07, v18;
	v11 =	vld [tilespmem:s20+$0xFFFFFF90];
	v17 =	vmul.f32 v17, v4;
	[tilespmem:s22+$0x30] =	vst v13  }
0x4be: {  	v13 =	vadd.f32 $9.999999970e-07, v19;
	v12 =	vld [tilespmem:s19+$0xFFFFFFA0];
	[tilespmem:s18+$0xFFFFFFB0] =	vst v9;
	s18 =	smov.u32 s22;
	s22 =	smov.u32 s24;
	s24 =	smov.u32 s7  }
0x4bf: {  	v16 =	vbroadcast v18, $0x0;
	v15 =	vmul.f32 v6, v15;
	[tilespmem:s22+$0x20] =	vst v17;
	v9 =	vld [tilespmem:s17+$0xFFFFFFB0];
	s17 =	smov.u32 s19;
	s19 =	smov.u32 s20;
	s20 =	smov.u32 s23  }
0x4c0: {  	s23 =	smov.u32 s9;
	s9 =	sadd.s32 $0x100, s9;
	v17 =	vbroadcast v13, $0x0;
	v8 =	vpop (erf);
	v13 =	vld [tilespmem:s17+$0x30]  }
0x4c1: {  	(erf) = vrcp.f32 v16;
	_ =	sdelay $0x1  }
0x4c2: {  	(erf) = vrcp.f32 v17;
	_ =	sdelay $0x2  }
0x4c3: {  	v16 =	vld [tilespmem:s23+$0x0];
	_ =	sdelay $0x2  }
0x4c4: {  	v14 =	vmul.f32 v8, v14;
	v17 =	vpop (erf)  }
0x4c5: {  	s8 =	sadd.s32 $0x100, s7;
	v18 =	vpop (erf)  }
0x4c6: {  	[tilespmem:s8+$0x0] =	vst v14;
	v14 =	vmul.f32 v18, v16  }
0x4c7: {  	s9 =	sadd.s32 $0x100, s8;
	v7 =	vmul.f32 v17, v7;
	v16 =	vld [tilespmem:s20+$0x10];
	v19 =	vpop (erf)  }
0x4c8: {  	v10 =	vmul.f32 v19, v10;
	[tilespmem:s9+$0x0] =	vst v14  }
0x4c9: {  	[tilespmem:s8+$0xFFFFFF80] =	vst v7;
	v7 =	vld [tilespmem:s23+$0x10]  }
0x4ca: {  	v14 =	vld [tilespmem:s20+$0xFFFFFF90];
	[tilespmem:s9+$0xFFFFFF80] =	vst v10  }
0x4cb: {  	v10 =	vld [tilespmem:s23+$0xFFFFFF90]  }
0x4cc: {  	[tilespmem:s7+$0x10] =	vst v15;
	v15 =	vmul.f32 v8, v16  }
0x4cd: {  	v11 =	vmul.f32 v5, v11;
	v16 =	vld [tilespmem:s19+$0x20]  }
0x4ce: {  	[tilespmem:s8+$0x10] =	vst v15;
	v7 =	vmul.f32 v18, v7  }
0x4cf: {  	[tilespmem:s24+$0xFFFFFF90] =	vst v11;
	v14 =	vmul.f32 v17, v14;
	v11 =	vld [tilespmem:s20+$0x20]  }
0x4d0: {  	v10 =	vmul.f32 v19, v10;
	[tilespmem:s9+$0x10] =	vst v7;
	v7 =	vld [tilespmem:s19+$0xFFFFFFA0]  }
0x4d1: {  	v12 =	vmul.f32 v12, v3;
	[tilespmem:s8+$0xFFFFFF90] =	vst v14;
	v14 =	vld [tilespmem:s23+$0x20]  }
0x4d2: {  	v15 =	vmul.f32 v16, v6;
	[tilespmem:s9+$0xFFFFFF90] =	vst v10;
	v10 =	vld [tilespmem:s20+$0xFFFFFFA0]  }
0x4d3: {  	v4 =	vmul.f32 v13, v4;
	[tilespmem:s22+$0xFFFFFFA0] =	vst v12;
	v12 =	vld [tilespmem:s23+$0xFFFFFFA0]  }
0x4d4: {  	[tilespmem:s24+$0x20] =	vst v15;
	v11 =	vmul.f32 v11, v8  }
0x4d5: {  	[tilespmem:s22+$0x30] =	vst v4;
	v4 =	vld [tilespmem:s19+$0x30];
	v7 =	vmul.f32 v7, v5  }
0x4d6: {  	v13 =	vld [tilespmem:s17+$0xFFFFFFB0];
	[tilespmem:s8+$0x20] =	vst v11;
	v11 =	vmul.f32 v14, v18  }
0x4d7: {  	v10 =	vmul.f32 v10, v17;
	[tilespmem:s24+$0xFFFFFFA0] =	vst v7;
	v7 =	vld [tilespmem:s20+$0x30]  }
0x4d8: {  	v14 =	vld [tilespmem:s19+$0xFFFFFFB0];
	[tilespmem:s9+$0x20] =	vst v11;
	v11 =	vmul.f32 v12, v19  }
0x4d9: {  	v2 =	vmul.f32 v9, v2;
	[tilespmem:s8+$0xFFFFFFA0] =	vst v10;
	v9 =	vld [tilespmem:s23+$0x30]  }
0x4da: {  	v4 =	vmul.f32 v4, v6;
	v6 =	vld [tilespmem:s20+$0xFFFFFFB0];
	[tilespmem:s9+$0xFFFFFFA0] =	vst v11  }
0x4db: {  	[tilespmem:s18+$0xFFFFFFB0] =	vst v2;
	v2 =	vmul.f32 v13, v3;
	v3 =	vld [tilespmem:s23+$0xFFFFFFB0]  }
0x4dc: {  	[tilespmem:s24+$0x30] =	vst v4;
	v4 =	vmul.f32 v7, v8  }
0x4dd: {  	[tilespmem:s22+$0xFFFFFFB0] =	vst v2;
	v2 =	vmul.f32 v14, v5  }
0x4de: {  	[tilespmem:s8+$0x30] =	vst v4;
	v4 =	vmul.f32 v9, v18  }
0x4df: {  	[tilespmem:s24+$0xFFFFFFB0] =	vst v2;
	v2 =	vmul.f32 v6, v17  }
0x4e0: {  	[tilespmem:s9+$0x30] =	vst v4;
	v3 =	vmul.f32 v3, v19  }
0x4e1: {  	[tilespmem:s8+$0xFFFFFFB0] =	vst v2  }
0x4e2: {  	[tilespmem:s9+$0xFFFFFFB0] =	vst v3  }
0x4e3: {  	[tilespmem:s31], [sflag:$0x1] =	stream.linear.gather [spmem:s16], $0x2000, $0x38;
	[tilespmem:$0x19100] =	vst v63  }
0x4e4: {  	s7 =	rddreg [dreg:$0xf]  }
0x4e5: {  	[hbm4b:s7+s3] =	stream.linear.scatter [tilespmem:s29], [sflag:$0x3], $0x2000, $0x38;
	[tilespmem:$0x19100] =	vst v63  }
0x4e6: {  	_ =	swait.ge [sflag:s5], $0x2000  }
0x4e7: {  	[sflag:s5] =	ssyncset.done $0x0  }
0x4e8: {  	[sflag:s5] =	ssyncadd.s32 $0xFFFFE000  }
0x4e9: {  	_ =	swait.ge [sflag:s1], $0x2000  }
0x4ea: {  	[sflag:s1] =	ssyncset.done $0x0  }
0x4eb: {  	s9 =	simm.s32 $0x16080;
	[sflag:s1] =	ssyncadd.s32 $0xFFFFE000  }
0x4ec: {  	v2 =	vld [tilespmem:s9+$0x40];
	_ =	sdelay $0x4  }
0x4ed: {  	v3 =	vld [tilespmem:s9+$0xFFFFFFC0];
	v2 =	vadd.f32 $9.999999970e-07, v2;
	_ =	sdelay $0x1  }
0x4ee: {  	v2 =	vbroadcast v2, $0x0  }
0x4ef: {  	s17 =	simm.s32 $0x16180  }
0x4f0: {  	(erf) = vrcp.f32 v2;
	v2 =	vld [tilespmem:s17+$0x40]  }
0x4f1: {  	v3 =	vadd.f32 $9.999999970e-07, v3;
	_ =	sdelay $0x1  }
0x4f2: {  	v3 =	vbroadcast v3, $0x0  }
0x4f3: {  	v4 =	vld [tilespmem:s17+$0xFFFFFFC0]  }
0x4f4: {  	v5 =	vld [tilespmem:s9+$0x0];
	(erf) = vrcp.f32 v3;
	v2 =	vadd.f32 $9.999999970e-07, v2;
	_ =	sdelay $0x1  }
0x4f5: {  	v2 =	vbroadcast v2, $0x0;
	_ =	sdelay $0x1  }
0x4f6: {  	s19 =	simm.s32 $0x16280;
	v4 =	vadd.f32 $9.999999970e-07, v4;
	v3 =	vld [tilespmem:s9+$0xFFFFFF80];
	v8 =	vpop (erf);
	(erf) = vrcp.f32 v2  }
0x4f7: {  	v2 =	vmul.f32 v8, v5;
	v5 =	vld [tilespmem:s19+$0x40]  }
0x4f8: {  	v4 =	vbroadcast v4, $0x0;
	_ =	sdelay $0x1  }
0x4f9: {  	s18 =	simm.s32 $0x12080;
	(erf) = vrcp.f32 v4;
	v4 =	vld [tilespmem:s19+$0xFFFFFFC0]  }
0x4fa: {  	v7 =	vld [tilespmem:s17+$0x0];
	[tilespmem:s18+$0x0] =	vst v2;
	v2 =	vpop (erf)  }
0x4fb: {  	v6 =	vld [tilespmem:s9+$0x10];
	v3 =	vmul.f32 v2, v3;
	v5 =	vadd.f32 $9.999999970e-07, v5;
	_ =	sdelay $0x1  }
0x4fc: {  	[tilespmem:s18+$0xFFFFFF80] =	vst v3;
	v3 =	vbroadcast v5, $0x0  }
0x4fd: {  	v10 =	vadd.f32 $9.999999970e-07, v4;
	v4 =	vpop (erf)  }
0x4fe: {  	v9 =	vld [tilespmem:s17+$0xFFFFFF80];
	(erf) = vrcp.f32 v3;
	v3 =	vmul.f32 v4, v7  }
0x4ff: {  	s20 =	simm.s32 $0x16380;
	v5 =	vmul.f32 v8, v6  }
0x500: {  	v11 =	vld [tilespmem:s20+$0x40]  }
0x501: {  	s22 =	simm.s32 $0x12180;
	v6 =	vld [tilespmem:s9+$0xFFFFFF90];
	[tilespmem:s18+$0x10] =	vst v5  }
0x502: {  	v5 =	vbroadcast v10, $0x0;
	v10 =	vld [tilespmem:s9+$0x20];
	[tilespmem:s22+$0x0] =	vst v3;
	v3 =	vpop (erf)  }
0x503: {  	v7 =	vmul.f32 v3, v9;
	v9 =	vld [tilespmem:s20+$0xFFFFFFC0]  }
0x504: {  	(erf) = vrcp.f32 v5;
	v5 =	vld [tilespmem:s17+$0x10]  }
0x505: {  	v12 =	vld [tilespmem:s19+$0xFFFFFF80]  }
0x506: {  	s23 =	simm.s32 $0x16480;
	v13 =	vld [tilespmem:s19+$0x0];
	v6 =	vmul.f32 v2, v6  }
0x507: {  	v17 =	vld [tilespmem:s23+$0x40];
	v11 =	vadd.f32 $9.999999970e-07, v11  }
0x508: {  	v18 =	vld [tilespmem:s23+$0xFFFFFFC0];
	[tilespmem:s18+$0xFFFFFF90] =	vst v6;
	v10 =	vmul.f32 v10, v8;
	v9 =	vadd.f32 $9.999999970e-07, v9  }
0x509: {  	v11 =	vbroadcast v11, $0x0;
	[tilespmem:s22+$0xFFFFFF80] =	vst v7;
	v15 =	vld [tilespmem:s9+$0xFFFFFFA0];
	v5 =	vmul.f32 v4, v5  }
0x50a: {  	v14 =	vld [tilespmem:s17+$0xFFFFFF90];
	[tilespmem:s18+$0x20] =	vst v10;
	v6 =	vpop (erf);
	v9 =	vbroadcast v9, $0x0  }
0x50b: {  	(erf) = vrcp.f32 v11;
	v16 =	vld [tilespmem:s9+$0x30];
	v10 =	vmul.f32 v6, v13;
	[tilespmem:s22+$0x10] =	vst v5  }
0x50c: {  	s7 =	simm.s32 $0x12280;
	v13 =	vld [tilespmem:s17+$0x20];
	(erf) = vrcp.f32 v9  }
0x50d: {  	v7 =	vld [tilespmem:s20+$0xFFFFFF80];
	v5 =	vpop (erf);
	[tilespmem:s7+$0x0] =	vst v10  }
0x50e: {  	v11 =	vmul.f32 v5, v12;
	v19 =	vld [tilespmem:s19+$0x10]  }
0x50f: {  	v10 =	vld [tilespmem:s23+$0xFFFFFF80];
	v12 =	vmul.f32 v3, v14  }
0x510: {  	v15 =	vmul.f32 v15, v2;
	v14 =	vld [tilespmem:s20+$0x0];
	[tilespmem:s7+$0xFFFFFF80] =	vst v11;
	v8 =	vmul.f32 v16, v8  }
0x511: {  	v17 =	vadd.f32 $9.999999970e-07, v17;
	[tilespmem:s22+$0xFFFFFF90] =	vst v12;
	v11 =	vld [tilespmem:s19+$0xFFFFFF90];
	v13 =	vmul.f32 v13, v4  }
0x512: {  	v18 =	vadd.f32 $9.999999970e-07, v18;
	[tilespmem:s18+$0xFFFFFFA0] =	vst v15;
	v12 =	vld [tilespmem:s17+$0xFFFFFFA0]  }
0x513: {  	v16 =	vbroadcast v17, $0x0;
	v9 =	vld [tilespmem:s9+$0xFFFFFFB0];
	[tilespmem:s22+$0x20] =	vst v13;
	v15 =	vmul.f32 v6, v19  }
0x514: {  	s24 =	simm.s32 $0x12280;
	s8 =	simm.s32 $0x8;
	v17 =	vbroadcast v18, $0x0;
	s9 =	simm.s32 $0x16580;
	[tilespmem:s18+$0x30] =	vst v8;
	v8 =	vpop (erf);
	v13 =	vld [tilespmem:s17+$0x30]  }
.LBB2_21:
0x515: {  	v18 =	vld [tilespmem:s9+$0x40];
	(erf) = vrcp.f32 v16;
	v14 =	vmul.f32 v8, v14;
	v16 =	vpop (erf);
	[tilespmem:s7+$0x10] =	vst v15  }
0x516: {  	s8 =	sadd.s32 $0x2, s8;
	s7 =	sadd.s32 $0x100, s7;
	(erf) = vrcp.f32 v17;
	v15 =	vmul.f32 v16, v7;
	v17 =	vld [tilespmem:s19+$0x20];
	v7 =	vmov v10  }
0x517: {  	p0 =	slt.u32 s8, $0x3E;
	v11 =	vmul.f32 v5, v11;
	v19 =	vld [tilespmem:s9+$0xFFFFFFC0];
	[tilespmem:s7+$0x0] =	vst v14;
	v12 =	vmul.f32 v12, v3  }
0x518: {  	[tilespmem:s7+$0xFFFFFF80] =	vst v15;
	v15 =	vld [tilespmem:s20+$0x10];
	v9 =	vmul.f32 v9, v2;
	v2 =	vmovc v3;
	v3 =	vmov v5;
	v5 =	vmov v16  }
0x519: {  	v10 =	vld [tilespmem:s9+$0xFFFFFF80];
	[tilespmem:s24+$0xFFFFFF90] =	vst v11;
	v13 =	vmul.f32 v13, v4;
	v4 =	vmov v6;
	v6 =	vmov v8  }
.Ltmp11:
0x51a: {  	v14 =	vld [tilespmem:s23+$0x0];
	[tilespmem:s22+$0xFFFFFFA0] =	vst v12;
	(pc) =	sbr.rel @p0 .LBB2_21-.Ltmp11, $4  }
0x51b: {  	v18 =	vadd.f32 $9.999999970e-07, v18;
	v11 =	vld [tilespmem:s20+$0xFFFFFF90];
	v17 =	vmul.f32 v17, v4;
	[tilespmem:s22+$0x30] =	vst v13  }
0x51c: {  	v13 =	vadd.f32 $9.999999970e-07, v19;
	v12 =	vld [tilespmem:s19+$0xFFFFFFA0];
	[tilespmem:s18+$0xFFFFFFB0] =	vst v9;
	s18 =	smov.u32 s22;
	s22 =	smov.u32 s24;
	s24 =	smov.u32 s7  }
0x51d: {  	v16 =	vbroadcast v18, $0x0;
	v15 =	vmul.f32 v6, v15;
	[tilespmem:s22+$0x20] =	vst v17;
	v9 =	vld [tilespmem:s17+$0xFFFFFFB0];
	s17 =	smov.u32 s19;
	s19 =	smov.u32 s20;
	s20 =	smov.u32 s23  }
0x51e: {  	s23 =	smov.u32 s9;
	s9 =	sadd.s32 $0x100, s9;
	v17 =	vbroadcast v13, $0x0;
	v8 =	vpop (erf);
	v13 =	vld [tilespmem:s17+$0x30]  }
0x51f: {  	(erf) = vrcp.f32 v16;
	_ =	sdelay $0x1  }
0x520: {  	(erf) = vrcp.f32 v17;
	_ =	sdelay $0x2  }
0x521: {  	v16 =	vld [tilespmem:s23+$0x0];
	_ =	sdelay $0x2  }
0x522: {  	v14 =	vmul.f32 v8, v14;
	v17 =	vpop (erf)  }
0x523: {  	s8 =	sadd.s32 $0x100, s7;
	v18 =	vpop (erf)  }
0x524: {  	[tilespmem:s8+$0x0] =	vst v14;
	v14 =	vmul.f32 v18, v16  }
0x525: {  	s9 =	sadd.s32 $0x100, s8;
	v7 =	vmul.f32 v17, v7;
	v16 =	vld [tilespmem:s20+$0x10];
	v19 =	vpop (erf)  }
0x526: {  	v10 =	vmul.f32 v19, v10;
	[tilespmem:s9+$0x0] =	vst v14  }
0x527: {  	[tilespmem:s8+$0xFFFFFF80] =	vst v7;
	v7 =	vld [tilespmem:s23+$0x10]  }
0x528: {  	v14 =	vld [tilespmem:s20+$0xFFFFFF90];
	[tilespmem:s9+$0xFFFFFF80] =	vst v10  }
0x529: {  	v10 =	vld [tilespmem:s23+$0xFFFFFF90]  }
0x52a: {  	[tilespmem:s7+$0x10] =	vst v15;
	v15 =	vmul.f32 v8, v16  }
0x52b: {  	v11 =	vmul.f32 v5, v11;
	v16 =	vld [tilespmem:s19+$0x20]  }
0x52c: {  	[tilespmem:s8+$0x10] =	vst v15;
	v7 =	vmul.f32 v18, v7  }
0x52d: {  	[tilespmem:s24+$0xFFFFFF90] =	vst v11;
	v14 =	vmul.f32 v17, v14;
	v11 =	vld [tilespmem:s20+$0x20]  }
0x52e: {  	v10 =	vmul.f32 v19, v10;
	[tilespmem:s9+$0x10] =	vst v7;
	v7 =	vld [tilespmem:s19+$0xFFFFFFA0]  }
0x52f: {  	v12 =	vmul.f32 v12, v3;
	[tilespmem:s8+$0xFFFFFF90] =	vst v14;
	v14 =	vld [tilespmem:s23+$0x20]  }
0x530: {  	v15 =	vmul.f32 v16, v6;
	[tilespmem:s9+$0xFFFFFF90] =	vst v10;
	v10 =	vld [tilespmem:s20+$0xFFFFFFA0]  }
0x531: {  	v4 =	vmul.f32 v13, v4;
	[tilespmem:s22+$0xFFFFFFA0] =	vst v12;
	v12 =	vld [tilespmem:s23+$0xFFFFFFA0]  }
0x532: {  	[tilespmem:s24+$0x20] =	vst v15;
	v11 =	vmul.f32 v11, v8  }
0x533: {  	[tilespmem:s22+$0x30] =	vst v4;
	v4 =	vld [tilespmem:s19+$0x30];
	v7 =	vmul.f32 v7, v5  }
0x534: {  	v13 =	vld [tilespmem:s17+$0xFFFFFFB0];
	[tilespmem:s8+$0x20] =	vst v11;
	v11 =	vmul.f32 v14, v18  }
0x535: {  	v10 =	vmul.f32 v10, v17;
	[tilespmem:s24+$0xFFFFFFA0] =	vst v7;
	v7 =	vld [tilespmem:s20+$0x30]  }
0x536: {  	v14 =	vld [tilespmem:s19+$0xFFFFFFB0];
	[tilespmem:s9+$0x20] =	vst v11;
	v11 =	vmul.f32 v12, v19  }
0x537: {  	v2 =	vmul.f32 v9, v2;
	[tilespmem:s8+$0xFFFFFFA0] =	vst v10;
	v9 =	vld [tilespmem:s23+$0x30]  }
0x538: {  	v4 =	vmul.f32 v4, v6;
	v6 =	vld [tilespmem:s20+$0xFFFFFFB0];
	[tilespmem:s9+$0xFFFFFFA0] =	vst v11  }
0x539: {  	[tilespmem:s18+$0xFFFFFFB0] =	vst v2;
	v2 =	vmul.f32 v13, v3;
	v3 =	vld [tilespmem:s23+$0xFFFFFFB0]  }
0x53a: {  	[tilespmem:s24+$0x30] =	vst v4;
	v4 =	vmul.f32 v7, v8  }
0x53b: {  	[tilespmem:s22+$0xFFFFFFB0] =	vst v2;
	v2 =	vmul.f32 v14, v5  }
0x53c: {  	[tilespmem:s8+$0x30] =	vst v4;
	v4 =	vmul.f32 v9, v18  }
0x53d: {  	[tilespmem:s24+$0xFFFFFFB0] =	vst v2;
	v2 =	vmul.f32 v6, v17  }
0x53e: {  	[tilespmem:s9+$0x30] =	vst v4;
	v3 =	vmul.f32 v3, v19  }
0x53f: {  	[tilespmem:s8+$0xFFFFFFB0] =	vst v2  }
0x540: {  	[tilespmem:s9+$0xFFFFFFB0] =	vst v3  }
0x541: {  	[tilespmem:s14], [sflag:$0x2] =	stream.linear.gather [spmem:s25], $0x2000, $0x38;
	[tilespmem:$0x19100] =	vst v63  }
0x542: {  	s7 =	rddreg [dreg:$0x10]  }
0x543: {  	[hbm4b:s7+s3] =	stream.linear.scatter [tilespmem:s30], [sflag:$0x4], $0x2000, $0x38;
	[tilespmem:$0x19100] =	vst v63  }
0x544: {  	_ =	swait.ge [sflag:s26], $0x2000  }
0x545: {  	[sflag:s26] =	ssyncset.done $0x0  }
0x546: {  	[sflag:s26] =	ssyncadd.s32 $0xFFFFE000  }
0x547: {  	_ =	swait.ge [sflag:s0], $0x2000  }
0x548: {  	[sflag:s0] =	ssyncset.done $0x0  }
0x549: {  	s9 =	simm.s32 $0x14080;
	[sflag:s0] =	ssyncadd.s32 $0xFFFFE000  }
0x54a: {  	v2 =	vld [tilespmem:s9+$0x40];
	_ =	sdelay $0x4  }
0x54b: {  	v3 =	vld [tilespmem:s9+$0xFFFFFFC0];
	v2 =	vadd.f32 $9.999999970e-07, v2;
	_ =	sdelay $0x1  }
0x54c: {  	v2 =	vbroadcast v2, $0x0  }
0x54d: {  	s17 =	simm.s32 $0x14180  }
0x54e: {  	(erf) = vrcp.f32 v2;
	v2 =	vld [tilespmem:s17+$0x40]  }
0x54f: {  	v3 =	vadd.f32 $9.999999970e-07, v3;
	_ =	sdelay $0x1  }
0x550: {  	v3 =	vbroadcast v3, $0x0  }
0x551: {  	v4 =	vld [tilespmem:s17+$0xFFFFFFC0]  }
0x552: {  	v5 =	vld [tilespmem:s9+$0x0];
	(erf) = vrcp.f32 v3;
	v2 =	vadd.f32 $9.999999970e-07, v2;
	_ =	sdelay $0x1  }
0x553: {  	v2 =	vbroadcast v2, $0x0;
	_ =	sdelay $0x1  }
0x554: {  	s19 =	simm.s32 $0x14280;
	v4 =	vadd.f32 $9.999999970e-07, v4;
	v3 =	vld [tilespmem:s9+$0xFFFFFF80];
	v8 =	vpop (erf);
	(erf) = vrcp.f32 v2  }
0x555: {  	v2 =	vmul.f32 v8, v5;
	v5 =	vld [tilespmem:s19+$0x40]  }
0x556: {  	v4 =	vbroadcast v4, $0x0;
	_ =	sdelay $0x1  }
0x557: {  	s18 =	simm.s32 $0x10080;
	(erf) = vrcp.f32 v4;
	v4 =	vld [tilespmem:s19+$0xFFFFFFC0]  }
0x558: {  	v7 =	vld [tilespmem:s17+$0x0];
	[tilespmem:s18+$0x0] =	vst v2;
	v2 =	vpop (erf)  }
0x559: {  	v6 =	vld [tilespmem:s9+$0x10];
	v3 =	vmul.f32 v2, v3;
	v5 =	vadd.f32 $9.999999970e-07, v5;
	_ =	sdelay $0x1  }
0x55a: {  	[tilespmem:s18+$0xFFFFFF80] =	vst v3;
	v3 =	vbroadcast v5, $0x0  }
0x55b: {  	v10 =	vadd.f32 $9.999999970e-07, v4;
	v4 =	vpop (erf)  }
0x55c: {  	v9 =	vld [tilespmem:s17+$0xFFFFFF80];
	(erf) = vrcp.f32 v3;
	v3 =	vmul.f32 v4, v7  }
0x55d: {  	s20 =	simm.s32 $0x14380;
	v5 =	vmul.f32 v8, v6  }
0x55e: {  	v11 =	vld [tilespmem:s20+$0x40]  }
0x55f: {  	s22 =	simm.s32 $0x10180;
	v6 =	vld [tilespmem:s9+$0xFFFFFF90];
	[tilespmem:s18+$0x10] =	vst v5  }
0x560: {  	v5 =	vbroadcast v10, $0x0;
	v10 =	vld [tilespmem:s9+$0x20];
	[tilespmem:s22+$0x0] =	vst v3;
	v3 =	vpop (erf)  }
0x561: {  	v7 =	vmul.f32 v3, v9;
	v9 =	vld [tilespmem:s20+$0xFFFFFFC0]  }
0x562: {  	(erf) = vrcp.f32 v5;
	v5 =	vld [tilespmem:s17+$0x10]  }
0x563: {  	v12 =	vld [tilespmem:s19+$0xFFFFFF80]  }
0x564: {  	s23 =	simm.s32 $0x14480;
	v13 =	vld [tilespmem:s19+$0x0];
	v6 =	vmul.f32 v2, v6  }
0x565: {  	v17 =	vld [tilespmem:s23+$0x40];
	v11 =	vadd.f32 $9.999999970e-07, v11  }
0x566: {  	v18 =	vld [tilespmem:s23+$0xFFFFFFC0];
	[tilespmem:s18+$0xFFFFFF90] =	vst v6;
	v10 =	vmul.f32 v10, v8;
	v9 =	vadd.f32 $9.999999970e-07, v9  }
0x567: {  	v11 =	vbroadcast v11, $0x0;
	[tilespmem:s22+$0xFFFFFF80] =	vst v7;
	v15 =	vld [tilespmem:s9+$0xFFFFFFA0];
	v5 =	vmul.f32 v4, v5  }
0x568: {  	v14 =	vld [tilespmem:s17+$0xFFFFFF90];
	[tilespmem:s18+$0x20] =	vst v10;
	v6 =	vpop (erf);
	v9 =	vbroadcast v9, $0x0  }
0x569: {  	(erf) = vrcp.f32 v11;
	v16 =	vld [tilespmem:s9+$0x30];
	v10 =	vmul.f32 v6, v13;
	[tilespmem:s22+$0x10] =	vst v5  }
0x56a: {  	s7 =	simm.s32 $0x10280;
	v13 =	vld [tilespmem:s17+$0x20];
	(erf) = vrcp.f32 v9  }
0x56b: {  	v7 =	vld [tilespmem:s20+$0xFFFFFF80];
	v5 =	vpop (erf);
	[tilespmem:s7+$0x0] =	vst v10  }
0x56c: {  	v11 =	vmul.f32 v5, v12;
	v19 =	vld [tilespmem:s19+$0x10]  }
0x56d: {  	v10 =	vld [tilespmem:s23+$0xFFFFFF80];
	v12 =	vmul.f32 v3, v14  }
0x56e: {  	v15 =	vmul.f32 v15, v2;
	v14 =	vld [tilespmem:s20+$0x0];
	[tilespmem:s7+$0xFFFFFF80] =	vst v11;
	v8 =	vmul.f32 v16, v8  }
0x56f: {  	v17 =	vadd.f32 $9.999999970e-07, v17;
	[tilespmem:s22+$0xFFFFFF90] =	vst v12;
	v11 =	vld [tilespmem:s19+$0xFFFFFF90];
	v13 =	vmul.f32 v13, v4  }
0x570: {  	v18 =	vadd.f32 $9.999999970e-07, v18;
	[tilespmem:s18+$0xFFFFFFA0] =	vst v15;
	v12 =	vld [tilespmem:s17+$0xFFFFFFA0]  }
0x571: {  	v16 =	vbroadcast v17, $0x0;
	v9 =	vld [tilespmem:s9+$0xFFFFFFB0];
	[tilespmem:s22+$0x20] =	vst v13;
	v15 =	vmul.f32 v6, v19  }
0x572: {  	s24 =	simm.s32 $0x10280;
	s8 =	simm.s32 $0x8;
	v17 =	vbroadcast v18, $0x0;
	s9 =	simm.s32 $0x14580;
	[tilespmem:s18+$0x30] =	vst v8;
	v8 =	vpop (erf);
	v13 =	vld [tilespmem:s17+$0x30]  }
.LBB2_23:
0x573: {  	v18 =	vld [tilespmem:s9+$0x40];
	(erf) = vrcp.f32 v16;
	v14 =	vmul.f32 v8, v14;
	v16 =	vpop (erf);
	[tilespmem:s7+$0x10] =	vst v15  }
0x574: {  	s8 =	sadd.s32 $0x2, s8;
	s7 =	sadd.s32 $0x100, s7;
	(erf) = vrcp.f32 v17;
	v15 =	vmul.f32 v16, v7;
	v17 =	vld [tilespmem:s19+$0x20];
	v7 =	vmov v10  }
0x575: {  	p0 =	slt.u32 s8, $0x3E;
	v11 =	vmul.f32 v5, v11;
	v19 =	vld [tilespmem:s9+$0xFFFFFFC0];
	[tilespmem:s7+$0x0] =	vst v14;
	v12 =	vmul.f32 v12, v3  }
0x576: {  	[tilespmem:s7+$0xFFFFFF80] =	vst v15;
	v15 =	vld [tilespmem:s20+$0x10];
	v9 =	vmul.f32 v9, v2;
	v2 =	vmovc v3;
	v3 =	vmov v5;
	v5 =	vmov v16  }
0x577: {  	v10 =	vld [tilespmem:s9+$0xFFFFFF80];
	[tilespmem:s24+$0xFFFFFF90] =	vst v11;
	v13 =	vmul.f32 v13, v4;
	v4 =	vmov v6;
	v6 =	vmov v8  }
.Ltmp12:
0x578: {  	v14 =	vld [tilespmem:s23+$0x0];
	[tilespmem:s22+$0xFFFFFFA0] =	vst v12;
	(pc) =	sbr.rel @p0 .LBB2_23-.Ltmp12, $4  }
0x579: {  	v18 =	vadd.f32 $9.999999970e-07, v18;
	v11 =	vld [tilespmem:s20+$0xFFFFFF90];
	v17 =	vmul.f32 v17, v4;
	[tilespmem:s22+$0x30] =	vst v13  }
0x57a: {  	v13 =	vadd.f32 $9.999999970e-07, v19;
	v12 =	vld [tilespmem:s19+$0xFFFFFFA0];
	[tilespmem:s18+$0xFFFFFFB0] =	vst v9;
	s18 =	smov.u32 s22;
	s22 =	smov.u32 s24;
	s24 =	smov.u32 s7  }
0x57b: {  	v16 =	vbroadcast v18, $0x0;
	v15 =	vmul.f32 v6, v15;
	[tilespmem:s22+$0x20] =	vst v17;
	v9 =	vld [tilespmem:s17+$0xFFFFFFB0];
	s17 =	smov.u32 s19;
	s19 =	smov.u32 s20;
	s20 =	smov.u32 s23  }
0x57c: {  	s23 =	smov.u32 s9;
	s9 =	sadd.s32 $0x100, s9;
	v17 =	vbroadcast v13, $0x0;
	v8 =	vpop (erf);
	v13 =	vld [tilespmem:s17+$0x30]  }
0x57d: {  	(erf) = vrcp.f32 v16;
	_ =	sdelay $0x1  }
0x57e: {  	(erf) = vrcp.f32 v17;
	_ =	sdelay $0x2  }
0x57f: {  	v16 =	vld [tilespmem:s23+$0x0];
	_ =	sdelay $0x2  }
0x580: {  	v14 =	vmul.f32 v8, v14;
	v17 =	vpop (erf)  }
0x581: {  	s8 =	sadd.s32 $0x100, s7;
	v18 =	vpop (erf)  }
0x582: {  	[tilespmem:s8+$0x0] =	vst v14;
	v14 =	vmul.f32 v18, v16  }
0x583: {  	s9 =	sadd.s32 $0x100, s8;
	v7 =	vmul.f32 v17, v7;
	v16 =	vld [tilespmem:s20+$0x10];
	v19 =	vpop (erf)  }
0x584: {  	v10 =	vmul.f32 v19, v10;
	[tilespmem:s9+$0x0] =	vst v14  }
0x585: {  	[tilespmem:s8+$0xFFFFFF80] =	vst v7;
	v7 =	vld [tilespmem:s23+$0x10]  }
0x586: {  	v14 =	vld [tilespmem:s20+$0xFFFFFF90];
	[tilespmem:s9+$0xFFFFFF80] =	vst v10  }
0x587: {  	v10 =	vld [tilespmem:s23+$0xFFFFFF90]  }
0x588: {  	[tilespmem:s7+$0x10] =	vst v15;
	v15 =	vmul.f32 v8, v16  }
0x589: {  	v11 =	vmul.f32 v5, v11;
	v16 =	vld [tilespmem:s19+$0x20]  }
0x58a: {  	[tilespmem:s8+$0x10] =	vst v15;
	v7 =	vmul.f32 v18, v7  }
0x58b: {  	[tilespmem:s24+$0xFFFFFF90] =	vst v11;
	v14 =	vmul.f32 v17, v14;
	v11 =	vld [tilespmem:s20+$0x20]  }
0x58c: {  	v10 =	vmul.f32 v19, v10;
	[tilespmem:s9+$0x10] =	vst v7;
	v7 =	vld [tilespmem:s19+$0xFFFFFFA0]  }
0x58d: {  	v12 =	vmul.f32 v12, v3;
	[tilespmem:s8+$0xFFFFFF90] =	vst v14;
	v14 =	vld [tilespmem:s23+$0x20]  }
0x58e: {  	v15 =	vmul.f32 v16, v6;
	[tilespmem:s9+$0xFFFFFF90] =	vst v10;
	v10 =	vld [tilespmem:s20+$0xFFFFFFA0]  }
0x58f: {  	v4 =	vmul.f32 v13, v4;
	[tilespmem:s22+$0xFFFFFFA0] =	vst v12;
	v12 =	vld [tilespmem:s23+$0xFFFFFFA0]  }
0x590: {  	[tilespmem:s24+$0x20] =	vst v15;
	v11 =	vmul.f32 v11, v8  }
0x591: {  	[tilespmem:s22+$0x30] =	vst v4;
	v4 =	vld [tilespmem:s19+$0x30];
	v7 =	vmul.f32 v7, v5  }
0x592: {  	v13 =	vld [tilespmem:s17+$0xFFFFFFB0];
	[tilespmem:s8+$0x20] =	vst v11;
	v11 =	vmul.f32 v14, v18  }
0x593: {  	v10 =	vmul.f32 v10, v17;
	[tilespmem:s24+$0xFFFFFFA0] =	vst v7;
	v7 =	vld [tilespmem:s20+$0x30]  }
0x594: {  	v14 =	vld [tilespmem:s19+$0xFFFFFFB0];
	[tilespmem:s9+$0x20] =	vst v11;
	v11 =	vmul.f32 v12, v19  }
0x595: {  	v2 =	vmul.f32 v9, v2;
	[tilespmem:s8+$0xFFFFFFA0] =	vst v10;
	v9 =	vld [tilespmem:s23+$0x30]  }
0x596: {  	v4 =	vmul.f32 v4, v6;
	v6 =	vld [tilespmem:s20+$0xFFFFFFB0];
	[tilespmem:s9+$0xFFFFFFA0] =	vst v11  }
0x597: {  	[tilespmem:s18+$0xFFFFFFB0] =	vst v2;
	v2 =	vmul.f32 v13, v3;
	v3 =	vld [tilespmem:s23+$0xFFFFFFB0]  }
0x598: {  	[tilespmem:s24+$0x30] =	vst v4;
	v4 =	vmul.f32 v7, v8  }
0x599: {  	[tilespmem:s22+$0xFFFFFFB0] =	vst v2;
	v2 =	vmul.f32 v14, v5  }
0x59a: {  	[tilespmem:s8+$0x30] =	vst v4;
	v4 =	vmul.f32 v9, v18  }
0x59b: {  	[tilespmem:s24+$0xFFFFFFB0] =	vst v2;
	v2 =	vmul.f32 v6, v17  }
0x59c: {  	[tilespmem:s9+$0x30] =	vst v4;
	v3 =	vmul.f32 v3, v19  }
0x59d: {  	[tilespmem:s8+$0xFFFFFFB0] =	vst v2  }
0x59e: {  	[tilespmem:s9+$0xFFFFFFB0] =	vst v3  }
0x59f: {  	s7 =	rddreg [dreg:$0x11]  }
0x5a0: {  	[hbm4b:s7+s3] =	stream.linear.scatter [tilespmem:s29], [sflag:$0x3], $0x2000, $0x38;
	[tilespmem:$0x19100] =	vst v63  }
0x5a1: {  	_ =	swait.ge [sflag:s5], $0x2000  }
0x5a2: {  	[sflag:s5] =	ssyncset.done $0x0  }
0x5a3: {  	[sflag:s5] =	ssyncadd.s32 $0xFFFFE000  }
0x5a4: {  	_ =	swait.ge [sflag:s1], $0x2000  }
0x5a5: {  	[sflag:s1] =	ssyncset.done $0x0  }
0x5a6: {  	s9 =	simm.s32 $0x16080;
	[sflag:s1] =	ssyncadd.s32 $0xFFFFE000  }
0x5a7: {  	v2 =	vld [tilespmem:s9+$0x40];
	_ =	sdelay $0x4  }
0x5a8: {  	v3 =	vld [tilespmem:s9+$0xFFFFFFC0];
	v2 =	vadd.f32 $9.999999970e-07, v2;
	_ =	sdelay $0x1  }
0x5a9: {  	v2 =	vbroadcast v2, $0x0  }
0x5aa: {  	s17 =	simm.s32 $0x16180  }
0x5ab: {  	(erf) = vrcp.f32 v2;
	v2 =	vld [tilespmem:s17+$0x40]  }
0x5ac: {  	v3 =	vadd.f32 $9.999999970e-07, v3;
	_ =	sdelay $0x1  }
0x5ad: {  	v3 =	vbroadcast v3, $0x0  }
0x5ae: {  	v4 =	vld [tilespmem:s17+$0xFFFFFFC0]  }
0x5af: {  	v5 =	vld [tilespmem:s9+$0x0];
	(erf) = vrcp.f32 v3;
	v2 =	vadd.f32 $9.999999970e-07, v2;
	_ =	sdelay $0x1  }
0x5b0: {  	v2 =	vbroadcast v2, $0x0;
	_ =	sdelay $0x1  }
0x5b1: {  	s19 =	simm.s32 $0x16280;
	v4 =	vadd.f32 $9.999999970e-07, v4;
	v3 =	vld [tilespmem:s9+$0xFFFFFF80];
	v8 =	vpop (erf);
	(erf) = vrcp.f32 v2  }
0x5b2: {  	v2 =	vmul.f32 v8, v5;
	v5 =	vld [tilespmem:s19+$0x40]  }
0x5b3: {  	v4 =	vbroadcast v4, $0x0;
	_ =	sdelay $0x1  }
0x5b4: {  	s18 =	simm.s32 $0x12080;
	(erf) = vrcp.f32 v4;
	v4 =	vld [tilespmem:s19+$0xFFFFFFC0]  }
0x5b5: {  	v7 =	vld [tilespmem:s17+$0x0];
	[tilespmem:s18+$0x0] =	vst v2;
	v2 =	vpop (erf)  }
0x5b6: {  	v6 =	vld [tilespmem:s9+$0x10];
	v3 =	vmul.f32 v2, v3;
	v5 =	vadd.f32 $9.999999970e-07, v5;
	_ =	sdelay $0x1  }
0x5b7: {  	[tilespmem:s18+$0xFFFFFF80] =	vst v3;
	v3 =	vbroadcast v5, $0x0  }
0x5b8: {  	v10 =	vadd.f32 $9.999999970e-07, v4;
	v4 =	vpop (erf)  }
0x5b9: {  	v9 =	vld [tilespmem:s17+$0xFFFFFF80];
	(erf) = vrcp.f32 v3;
	v3 =	vmul.f32 v4, v7  }
0x5ba: {  	s20 =	simm.s32 $0x16380;
	v5 =	vmul.f32 v8, v6  }
0x5bb: {  	v11 =	vld [tilespmem:s20+$0x40]  }
0x5bc: {  	s22 =	simm.s32 $0x12180;
	v6 =	vld [tilespmem:s9+$0xFFFFFF90];
	[tilespmem:s18+$0x10] =	vst v5  }
0x5bd: {  	v5 =	vbroadcast v10, $0x0;
	v10 =	vld [tilespmem:s9+$0x20];
	[tilespmem:s22+$0x0] =	vst v3;
	v3 =	vpop (erf)  }
0x5be: {  	v7 =	vmul.f32 v3, v9;
	v9 =	vld [tilespmem:s20+$0xFFFFFFC0]  }
0x5bf: {  	(erf) = vrcp.f32 v5;
	v5 =	vld [tilespmem:s17+$0x10]  }
0x5c0: {  	v12 =	vld [tilespmem:s19+$0xFFFFFF80]  }
0x5c1: {  	s23 =	simm.s32 $0x16480;
	v13 =	vld [tilespmem:s19+$0x0];
	v6 =	vmul.f32 v2, v6  }
0x5c2: {  	v17 =	vld [tilespmem:s23+$0x40];
	v11 =	vadd.f32 $9.999999970e-07, v11  }
0x5c3: {  	v18 =	vld [tilespmem:s23+$0xFFFFFFC0];
	[tilespmem:s18+$0xFFFFFF90] =	vst v6;
	v10 =	vmul.f32 v10, v8;
	v9 =	vadd.f32 $9.999999970e-07, v9  }
0x5c4: {  	v11 =	vbroadcast v11, $0x0;
	[tilespmem:s22+$0xFFFFFF80] =	vst v7;
	v15 =	vld [tilespmem:s9+$0xFFFFFFA0];
	v5 =	vmul.f32 v4, v5  }
0x5c5: {  	v14 =	vld [tilespmem:s17+$0xFFFFFF90];
	[tilespmem:s18+$0x20] =	vst v10;
	v6 =	vpop (erf);
	v9 =	vbroadcast v9, $0x0  }
0x5c6: {  	(erf) = vrcp.f32 v11;
	v16 =	vld [tilespmem:s9+$0x30];
	v10 =	vmul.f32 v6, v13;
	[tilespmem:s22+$0x10] =	vst v5  }
0x5c7: {  	s7 =	simm.s32 $0x12280;
	v13 =	vld [tilespmem:s17+$0x20];
	(erf) = vrcp.f32 v9  }
0x5c8: {  	v7 =	vld [tilespmem:s20+$0xFFFFFF80];
	v5 =	vpop (erf);
	[tilespmem:s7+$0x0] =	vst v10  }
0x5c9: {  	v11 =	vmul.f32 v5, v12;
	v19 =	vld [tilespmem:s19+$0x10]  }
0x5ca: {  	v10 =	vld [tilespmem:s23+$0xFFFFFF80];
	v12 =	vmul.f32 v3, v14  }
0x5cb: {  	v15 =	vmul.f32 v15, v2;
	v14 =	vld [tilespmem:s20+$0x0];
	[tilespmem:s7+$0xFFFFFF80] =	vst v11;
	v8 =	vmul.f32 v16, v8  }
0x5cc: {  	v17 =	vadd.f32 $9.999999970e-07, v17;
	[tilespmem:s22+$0xFFFFFF90] =	vst v12;
	v11 =	vld [tilespmem:s19+$0xFFFFFF90];
	v13 =	vmul.f32 v13, v4  }
0x5cd: {  	v18 =	vadd.f32 $9.999999970e-07, v18;
	[tilespmem:s18+$0xFFFFFFA0] =	vst v15;
	v12 =	vld [tilespmem:s17+$0xFFFFFFA0]  }
0x5ce: {  	v16 =	vbroadcast v17, $0x0;
	v9 =	vld [tilespmem:s9+$0xFFFFFFB0];
	[tilespmem:s22+$0x20] =	vst v13;
	v15 =	vmul.f32 v6, v19  }
0x5cf: {  	s24 =	simm.s32 $0x12280;
	s8 =	simm.s32 $0x8;
	v17 =	vbroadcast v18, $0x0;
	s9 =	simm.s32 $0x16580;
	[tilespmem:s18+$0x30] =	vst v8;
	v8 =	vpop (erf);
	v13 =	vld [tilespmem:s17+$0x30]  }
.LBB2_25:
0x5d0: {  	v18 =	vld [tilespmem:s9+$0x40];
	(erf) = vrcp.f32 v16;
	v14 =	vmul.f32 v8, v14;
	v16 =	vpop (erf);
	[tilespmem:s7+$0x10] =	vst v15  }
0x5d1: {  	s8 =	sadd.s32 $0x2, s8;
	s7 =	sadd.s32 $0x100, s7;
	(erf) = vrcp.f32 v17;
	v15 =	vmul.f32 v16, v7;
	v17 =	vld [tilespmem:s19+$0x20];
	v7 =	vmov v10  }
0x5d2: {  	p0 =	slt.u32 s8, $0x3E;
	v11 =	vmul.f32 v5, v11;
	v19 =	vld [tilespmem:s9+$0xFFFFFFC0];
	[tilespmem:s7+$0x0] =	vst v14;
	v12 =	vmul.f32 v12, v3  }
0x5d3: {  	[tilespmem:s7+$0xFFFFFF80] =	vst v15;
	v15 =	vld [tilespmem:s20+$0x10];
	v9 =	vmul.f32 v9, v2;
	v2 =	vmovc v3;
	v3 =	vmov v5;
	v5 =	vmov v16  }
0x5d4: {  	v10 =	vld [tilespmem:s9+$0xFFFFFF80];
	[tilespmem:s24+$0xFFFFFF90] =	vst v11;
	v13 =	vmul.f32 v13, v4;
	v4 =	vmov v6;
	v6 =	vmov v8  }
.Ltmp13:
0x5d5: {  	v14 =	vld [tilespmem:s23+$0x0];
	[tilespmem:s22+$0xFFFFFFA0] =	vst v12;
	(pc) =	sbr.rel @p0 .LBB2_25-.Ltmp13, $4  }
0x5d6: {  	v18 =	vadd.f32 $9.999999970e-07, v18;
	v11 =	vld [tilespmem:s20+$0xFFFFFF90];
	v17 =	vmul.f32 v17, v4;
	[tilespmem:s22+$0x30] =	vst v13  }
0x5d7: {  	v13 =	vadd.f32 $9.999999970e-07, v19;
	v12 =	vld [tilespmem:s19+$0xFFFFFFA0];
	[tilespmem:s18+$0xFFFFFFB0] =	vst v9;
	s18 =	smov.u32 s22;
	s22 =	smov.u32 s24;
	s24 =	smov.u32 s7  }
0x5d8: {  	v16 =	vbroadcast v18, $0x0;
	v15 =	vmul.f32 v6, v15;
	[tilespmem:s22+$0x20] =	vst v17;
	v9 =	vld [tilespmem:s17+$0xFFFFFFB0];
	s17 =	smov.u32 s19;
	s19 =	smov.u32 s20;
	s20 =	smov.u32 s23  }
0x5d9: {  	s23 =	smov.u32 s9;
	s9 =	sadd.s32 $0x100, s9;
	v17 =	vbroadcast v13, $0x0;
	v8 =	vpop (erf);
	v13 =	vld [tilespmem:s17+$0x30]  }
0x5da: {  	(erf) = vrcp.f32 v16  }
0x5db: {  	(erf) = vrcp.f32 v17;
	_ =	sdelay $0x3  }
0x5dc: {  	v40 =	vld [tilespmem:s23+$0x0];
	_ =	sdelay $0x2  }
0x5dd: {  	v41 =	vpop (erf);
	v14 =	vmul.f32 v8, v14  }
0x5de: {  	s8 =	sadd.s32 $0x100, s7;
	v7 =	vmul.f32 v41, v7;
	v18 =	vpop (erf)  }
0x5df: {  	[tilespmem:s8+$0x0] =	vst v14;
	v42 =	vmul.f32 v18, v40;
	v19 =	vpop (erf)  }
0x5e0: {  	s9 =	sadd.s32 $0x100, s8;
	v43 =	vld [tilespmem:s20+$0x10];
	[tilespmem:s8+$0xFFFFFF80] =	vst v7;
	v10 =	vmul.f32 v19, v10  }
0x5e1: {  	v45 =	vld [tilespmem:s20+$0xFFFFFF90];
	[tilespmem:s9+$0x0] =	vst v42  }
0x5e2: {  	v44 =	vld [tilespmem:s23+$0x10];
	[tilespmem:s9+$0xFFFFFF80] =	vst v10  }
0x5e3: {  	v10 =	vld [tilespmem:s23+$0xFFFFFF90]  }
0x5e4: {  	v11 =	vmul.f32 v5, v11  }
0x5e5: {  	[tilespmem:s7+$0x10] =	vst v15;
	v46 =	vmul.f32 v8, v43  }
0x5e6: {  	v47 =	vld [tilespmem:s19+$0x20];
	[tilespmem:s24+$0xFFFFFF90] =	vst v11;
	v14 =	vmul.f32 v41, v45  }
0x5e7: {  	v49 =	vld [tilespmem:s19+$0xFFFFFFA0];
	[tilespmem:s8+$0x10] =	vst v46;
	v7 =	vmul.f32 v18, v44  }
0x5e8: {  	v48 =	vld [tilespmem:s20+$0x20];
	[tilespmem:s8+$0xFFFFFF90] =	vst v14;
	v10 =	vmul.f32 v19, v10  }
0x5e9: {  	v12 =	vmul.f32 v12, v3;
	v52 =	vld [tilespmem:s20+$0xFFFFFFA0];
	[tilespmem:s9+$0x10] =	vst v7  }
0x5ea: {  	v2 =	vmul.f32 v9, v2;
	v50 =	vld [tilespmem:s23+$0x20];
	[tilespmem:s9+$0xFFFFFF90] =	vst v10  }
0x5eb: {  	[tilespmem:s22+$0xFFFFFFA0] =	vst v12;
	v51 =	vmul.f32 v47, v6;
	v53 =	vld [tilespmem:s23+$0xFFFFFFA0]  }
0x5ec: {  	[tilespmem:s18+$0xFFFFFFB0] =	vst v2;
	v7 =	vmul.f32 v49, v5  }
0x5ed: {  	v55 =	vld [tilespmem:s17+$0xFFFFFFB0];
	[tilespmem:s24+$0x20] =	vst v51;
	v11 =	vmul.f32 v48, v8  }
0x5ee: {  	v54 =	vld [tilespmem:s19+$0x30];
	v10 =	vmul.f32 v52, v41;
	[tilespmem:s24+$0xFFFFFFA0] =	vst v7  }
0x5ef: {  	[tilespmem:s8+$0x20] =	vst v11;
	v58 =	vld [tilespmem:s19+$0xFFFFFFB0];
	v56 =	vmul.f32 v50, v18  }
0x5f0: {  	v57 =	vld [tilespmem:s20+$0x30];
	[tilespmem:s8+$0xFFFFFFA0] =	vst v10;
	v59 =	vmul.f32 v53, v19  }
0x5f1: {  	v4 =	vmul.f32 v13, v4;
	v61 =	vld [tilespmem:s20+$0xFFFFFFB0];
	[tilespmem:s9+$0x20] =	vst v56  }
0x5f2: {  	v2 =	vmul.f32 v55, v3;
	v60 =	vld [tilespmem:s23+$0x30];
	[tilespmem:s9+$0xFFFFFFA0] =	vst v59  }
0x5f3: {  	[tilespmem:s22+$0x30] =	vst v4;
	v4 =	vmul.f32 v54, v6;
	v3 =	vld [tilespmem:s23+$0xFFFFFFB0]  }
0x5f4: {  	[tilespmem:s22+$0xFFFFFFB0] =	vst v2;
	v2 =	vmul.f32 v58, v5  }
0x5f5: {  	[tilespmem:s24+$0x30] =	vst v4;
	v62 =	vmul.f32 v57, v8  }
0x5f6: {  	[tilespmem:s24+$0xFFFFFFB0] =	vst v2;
	v2 =	vmul.f32 v61, v41  }
0x5f7: {  	[tilespmem:s8+$0x30] =	vst v62;
	v63 =	vmul.f32 v60, v18  }
0x5f8: {  	[tilespmem:s8+$0xFFFFFFB0] =	vst v2;
	v3 =	vmul.f32 v3, v19  }
0x5f9: {  	[tilespmem:s9+$0x30] =	vst v63  }
0x5fa: {  	[tilespmem:s9+$0xFFFFFFB0] =	vst v3  }
0x5fb: {  	s7 =	rddreg [dreg:$0x12]  }
0x5fc: {  	[hbm4b:s7+s3] =	stream.linear.scatter [tilespmem:s30], [sflag:$0x4], $0x2000, $0x38;
	[tilespmem:$0x19100] =	vst v63  }
0x5fd: {  	_ =	swait.ge [sflag:s0], $0x2000  }
0x5fe: {  	[sflag:s0] =	ssyncset.done $0x0  }
0x5ff: {  	[sflag:s0] =	ssyncadd.s32 $0xFFFFE000  }
0x600: {  	_ =	swait.ge [sflag:s1], $0x2000  }
0x601: {  	s15 =	sadd.s32 $0x1, s15;
	s24 =	rddreg [dreg:$0x13]  }
0x602: {  	p0 =	sne.s32 s15, s24  }
.Ltmp14:
0x603: {  	_ = 	snop;
	(pc) =	sbr.rel @p0 .LBB2_1-.Ltmp14, $3  }
0x604: {  	_ =	sdelay $0x1  }
0x605: {  	[sflag:s1] =	ssyncset.done $0x0  }
0x606: {  	s20 =	smov.u32 s10;
	[sflag:s1] =	ssyncadd.s32 $0xFFFFE000  }
0x607: {  	_ =	sfence.sel $0x180000  }
0x608: {  	[bflag:$0x0] =	sbarrier.arrive $0xFFFF  }
0x609: {  	_ =	strace $0x90000047  }
0x60a: {  	s0 =	stileid.u32;
	[bflag:$0x2] =	sbarrier.arrive $0xFFFF  }
0x60b: {  	p0 =	sne.s32 s0, $0x0;
	s0 =	rddreg [dreg:$0x4]  }
0x60c: {  	s0 =	sadd.s32 @!p0 $0x100000, s0  }
0x60d: {  	[sflag:s0] =	ssyncadd.tile.s32 @!p0 $0x1;
	_ =	shalt  }
.Lfunc_end2:
_tile_overlayer_lowered:
.L_overlay_start_2:
0x60e: {  	(tag) =	ssettag $0x2  }
0x60f: {  	s0 =	rddreg [dreg:$0x0];
	s2 =	stileid.u32  }
0x610: {  	s1 =	rddreg [dreg:$0x1];
	p0 =	sne.s32 s2, $0x0  }
0x611: {  	s3 =	rddreg [dreg:$0x2];
	[bflag:$0x3] =	sbarrier.arrive $0xFFFF;
	s2 =	simm.s32 @!p0 $0x1C05  }
0x612: {  	[timem:s3], [sflag:s2] =	dma.local @!p0 [hbm:s0], s1  }
0x613: {  	s0 =	simm.s32 @!p0 $0x5  }
0x614: {  	_ =	swait.ge @!p0 [sflag:s0], s1  }
0x615: {  	s1 =	ssub.s32 @!p0 $0x0, s1;
	[sflag:s0] =	ssyncset.done @!p0 $0x0  }
0x616: {  	[sflag:s0] =	ssyncadd.s32 @!p0 s1  }
0x617: {  	[bflag:$0x3] =	sbarrier.arrive $0xFFFF  }
0x618: {  	_ =	shalt  }

</sc_bundles>
